<compile_context>
chip_gen: v7x
topology: tpu7x:2x2x1
jax: 0.10.2.dev20260603
libtpu: 0.0.44.dev20260713+nightly
codegen_flags: <defaults>
</compile_context>

<pallas_src>
import functools

import jax
import jax.numpy as jnp
from jax import lax
from jax.experimental import pallas as pl
from jax.experimental.pallas import tpu as pltpu
from jax.experimental.pallas import tpu_sc as plsc

N = 10000
NPAD = 10240
E = 320000
H = 20
HH = 10
HD = 16
NC = 2
NS = 16
NW = NC * NS
EPW = E // NW
EPT = E // NS
EB = 1000
NBLK2 = EPT // EB
RPS = NPAD // NS
PR = NPAD // 8
PRN = N // 8
DR = NPAD // 128

_sc_mesh = plsc.VectorSubcoreMesh(core_axis_name="c", subcore_axis_name="s")



NHB = NBLK2 // 2


@functools.partial(
    pl.kernel,
    out_type=jax.ShapeDtypeStruct((NC, 2, NPAD), jnp.float32),
    mesh=_sc_mesh,
    scratch_types=[
        pltpu.VMEM_SHARED((NPAD,), jnp.float32),
        pltpu.VMEM_SHARED((NPAD,), jnp.float32),
        pltpu.VMEM((NHB, EB), jnp.int32),
        pltpu.VMEM((NHB, EB), jnp.int32),
        pltpu.VMEM((EB,), jnp.float32),
    ],
    compiler_params=pltpu.CompilerParams(use_tc_tiling_on_sc=False),
)
def _degrees_sc(ei4_hbm, ones_hbm, zeros_hbm, out_hbm,
                acc_o, acc_i, idx_s, idx_d, ones_v):
    cid = lax.axis_index("c")
    sid = lax.axis_index("s")

    row0 = sid * RPS
    pltpu.sync_copy(zeros_hbm.at[0, pl.ds(row0, RPS)], acc_o.at[pl.ds(row0, RPS)])
    pltpu.sync_copy(zeros_hbm.at[1, pl.ds(row0, RPS)], acc_i.at[pl.ds(row0, RPS)])
    pltpu.sync_copy(ei4_hbm.at[0, sid, pl.ds(cid * NHB, NHB)], idx_s)
    pltpu.sync_copy(ei4_hbm.at[1, sid, pl.ds(cid * NHB, NHB)], idx_d)
    pltpu.sync_copy(ones_hbm, ones_v)
    plsc.subcore_barrier()

    def body(r, carry):
        pltpu.sync_copy(ones_v, acc_o.at[idx_s.at[r]], add=True)
        pltpu.sync_copy(ones_v, acc_i.at[idx_d.at[r]], add=True)
        return carry
    lax.fori_loop(0, NHB, body, 0)

    plsc.subcore_barrier()
    pltpu.sync_copy(acc_o.at[pl.ds(row0, RPS)], out_hbm.at[cid, 0, pl.ds(row0, RPS)])
    pltpu.sync_copy(acc_i.at[pl.ds(row0, RPS)], out_hbm.at[cid, 1, pl.ds(row0, RPS)])


@functools.partial(
    pl.kernel,
    out_type=(
        jax.ShapeDtypeStruct((NC, NPAD, HD), jnp.float32),
        jax.ShapeDtypeStruct((NC, NPAD, HD), jnp.float32),
    ),
    mesh=_sc_mesh,
    scratch_types=[
        pltpu.VMEM_SHARED((NPAD, HD), jnp.float32),
        pltpu.VMEM_SHARED((NPAD, HD), jnp.float32),
        pltpu.VMEM_SHARED((NPAD, HD), jnp.float32),
        pltpu.VMEM((NBLK2, EB), jnp.int32),
        pltpu.VMEM((NBLK2, EB), jnp.int32),
        pltpu.VMEM((EB, HD), jnp.float32),
        pltpu.VMEM((EB, HD), jnp.float32),
        pltpu.VMEM((RPS, HD), jnp.float32),
        pltpu.VMEM((RPS, HD), jnp.float32),
        pltpu.SemaphoreType.DMA,
        pltpu.SemaphoreType.DMA,
    ],
    compiler_params=pltpu.CompilerParams(use_tc_tiling_on_sc=False),
)
def _round_sc(feat0_hbm, feat1_hbm, ei4_hbm, cbrd_hbm, zeros16_hbm,
              s1_out, s2_out,
              accA, accB, featB, srcv, dstv, rows0, rows1, bufA, bufC,
              sem0, sem1):
    cid = lax.axis_index("c")
    sid = lax.axis_index("s")
    row0 = sid * RPS

    pltpu.sync_copy(zeros16_hbm.at[pl.ds(row0, RPS)], accA.at[pl.ds(row0, RPS)])
    pltpu.sync_copy(zeros16_hbm.at[pl.ds(row0, RPS)], accB.at[pl.ds(row0, RPS)])
    pltpu.sync_copy(ei4_hbm.at[0, sid], srcv)
    pltpu.sync_copy(ei4_hbm.at[1, sid], dstv)
    plsc.subcore_barrier()

    def _edge_pass(gsrc, acc):
        pltpu.async_copy(gsrc.at[srcv.at[0]], rows0, sem0)

        def body(i, carry):
            b0 = 2 * i
            pltpu.async_copy(gsrc.at[srcv.at[b0 + 1]], rows1, sem1)
            pltpu.make_async_copy(gsrc.at[srcv.at[b0]], rows0, sem0).wait()

            @pl.when(i < NBLK2 // 2 - 1)
            def _():
                pltpu.async_copy(gsrc.at[srcv.at[b0 + 2]], rows0, sem0)

            pltpu.make_async_copy(gsrc.at[srcv.at[b0 + 1]], rows1, sem1).wait()
            return carry
        lax.fori_loop(0, NBLK2 // 2, body, 0)

    @pl.when(cid == 0)
    def _():
        _edge_pass(feat0_hbm, accA)

    @pl.when(cid == 1)
    def _():
        _edge_pass(feat1_hbm, accA)

    plsc.subcore_barrier()
    pltpu.sync_copy(accA.at[pl.ds(row0, RPS)], s1_out.at[cid, pl.ds(row0, RPS)])

    pltpu.sync_copy(accA.at[pl.ds(row0, RPS)], bufA)
    pltpu.sync_copy(cbrd_hbm.at[pl.ds(row0, RPS)], bufC)

    def scale(j, carry):
        bufA[j, :] = bufA[j, :] * bufC[j, :]
        return carry
    lax.fori_loop(0, RPS, scale, 0)
    pltpu.sync_copy(bufA, featB.at[pl.ds(row0, RPS)])
    plsc.subcore_barrier()

    _edge_pass(featB, accB)

    plsc.subcore_barrier()
    pltpu.sync_copy(accB.at[pl.ds(row0, RPS)], s2_out.at[cid, pl.ds(row0, RPS)])



def _mm(a, b):
    return jnp.dot(a, b, preferred_element_type=jnp.float32)


def _prep_body(x8_ref, wa_ref, wb_ref, bba_ref, bbb_ref, degp_ref, p16_ref,
               h0a_ref, h0b_ref, g1a_ref, g1b_ref, ap_ref, bp_ref, cpp_ref):
    x8 = x8_ref[...]
    zr = jnp.zeros((PR - PRN, 128), jnp.float32)
    h0a = jnp.concatenate(
        [jnp.maximum(_mm(x8, wa_ref[...]) + bba_ref[...], 0.0), zr], 0)
    h0b = jnp.concatenate(
        [jnp.maximum(_mm(x8, wb_ref[...]) + bbb_ref[...], 0.0), zr], 0)
    deg = degp_ref[0] + degp_ref[1]
    av = jnp.where(deg[0] > 0.5, lax.rsqrt(jnp.maximum(deg[0], 1.0)), 0.0)
    bv = jnp.where(deg[1] > 0.5, lax.rsqrt(jnp.maximum(deg[1], 1.0)), 0.0)
    ap = jnp.reshape(
        jnp.stack([_mm(av, p16_ref[rr]) for rr in range(16)], axis=1),
        (PR, 128))
    bp = jnp.reshape(
        jnp.stack([_mm(bv, p16_ref[rr]) for rr in range(16)], axis=1),
        (PR, 128))
    h0a_ref[...] = h0a
    h0b_ref[...] = h0b
    g1a_ref[...] = h0a * ap
    g1b_ref[...] = h0b * ap
    ap_ref[...] = ap
    bp_ref[...] = bp
    cpp_ref[...] = ap * bp


_prep_tc = pl.pallas_call(
    _prep_body,
    out_shape=tuple(jax.ShapeDtypeStruct((PR, 128), jnp.float32)
                    for _ in range(7)),
)


def _round_body(s1_ref, s2_ref, ap_ref, bp_ref, nfa_ref, nfb_ref,
                hia_ref, hib_ref, bdt_ref, bdg1_ref, bdg2_ref,
                bta_ref, btb_ref, b1a_ref, b1b_ref, b2a_ref, b2b_ref,
                nfa2_ref, nfb2_ref, hia2_ref, hib2_ref, g1a_ref, g1b_ref):
    ap = ap_ref[...]
    bp = bp_ref[...]
    f1a = s1_ref[0] * bp
    f1b = s1_ref[1] * bp
    f2a = s2_ref[0] * bp
    f2b = s2_ref[1] * bp
    pieces_t = (nfa_ref[...], nfb_ref[...], f1a, f1b, f2a, f2b)
    ta = jnp.maximum(
        sum(_mm(p, bdt_ref[i, 0]) for i, p in enumerate(pieces_t))
        + bta_ref[...], 0.0)
    tb = jnp.maximum(
        sum(_mm(p, bdt_ref[i, 1]) for i, p in enumerate(pieces_t))
        + btb_ref[...], 0.0)
    pieces_g = (ta, tb, hia_ref[...], hib_ref[...])
    nfa2 = sum(_mm(p, bdg1_ref[i, 0]) for i, p in enumerate(pieces_g)) \
        + b1a_ref[...]
    nfb2 = sum(_mm(p, bdg1_ref[i, 1]) for i, p in enumerate(pieces_g)) \
        + b1b_ref[...]
    hia2 = sum(_mm(p, bdg2_ref[i, 0]) for i, p in enumerate(pieces_g)) \
        + b2a_ref[...]
    hib2 = sum(_mm(p, bdg2_ref[i, 1]) for i, p in enumerate(pieces_g)) \
        + b2b_ref[...]
    nfa2_ref[...] = nfa2
    nfb2_ref[...] = nfb2
    hia2_ref[...] = hia2
    hib2_ref[...] = hib2
    g1a_ref[...] = nfa2 * ap
    g1b_ref[...] = nfb2 * ap


_round_tc = pl.pallas_call(
    _round_body,
    out_shape=tuple(jax.ShapeDtypeStruct((PR, 128), jnp.float32)
                    for _ in range(6)),
)


def _s2s_body(s1_ref, s2_ref, bp_ref, nfa_ref, nfb_ref, hia_ref, hib_ref,
              bdt_ref, bdg1_ref, bta_ref, btb_ref, b1a_ref, b1b_ref,
              h0a_ref, h0b_ref, wih_ref, whh_ref,
              bih_ref, bhh_ref, ws_ref, bs_ref, pa_ref,
              s_ref, st_ref, f_ref, out_ref):
    bp = bp_ref[...]
    f1a = s1_ref[0] * bp
    f1b = s1_ref[1] * bp
    f2a = s2_ref[0] * bp
    f2b = s2_ref[1] * bp
    pieces_t = (nfa_ref[...], nfb_ref[...], f1a, f1b, f2a, f2b)
    ta = jnp.maximum(
        sum(_mm(p, bdt_ref[i, 0]) for i, p in enumerate(pieces_t))
        + bta_ref[...], 0.0)
    tb = jnp.maximum(
        sum(_mm(p, bdt_ref[i, 1]) for i, p in enumerate(pieces_t))
        + btb_ref[...], 0.0)
    pieces_g = (ta, tb, hia_ref[...], hib_ref[...])
    nfa = sum(_mm(p, bdg1_ref[i, 0]) for i, p in enumerate(pieces_g)) \
        + b1a_ref[...]
    nfb = sum(_mm(p, bdg1_ref[i, 1]) for i, p in enumerate(pieces_g)) \
        + b1b_ref[...]
    h0a = h0a_ref[...]
    h0b = h0b_ref[...]
    S = s_ref[...]
    ST = st_ref[...]
    F = f_ref[...]
    wih = wih_ref[...]
    whh = whh_ref[...]
    bih = bih_ref[...][None, :]
    bhh = bhh_ref[...][None, :]
    mask = lax.broadcasted_iota(jnp.int32, (PR, 8), 0) < PRN
    z6 = jnp.zeros((1, HD - HH), jnp.float32)

    def brd(qpiece):
        return jnp.tile(jnp.concatenate([qpiece, z6], 1), (1, 8))

    h = jnp.zeros((1, 2 * H), jnp.float32)
    c = jnp.zeros((1, 2 * H), jnp.float32)
    q_star = jnp.zeros((1, 4 * H), jnp.float32)
    for _ in range(3):
        gates = (lax.dot_general(q_star, wih, (((1,), (1,)), ((), ())),
                                 preferred_element_type=jnp.float32) + bih
                 + lax.dot_general(h, whh, (((1,), (1,)), ((), ())),
                                   preferred_element_type=jnp.float32) + bhh)
        i_g = jax.nn.sigmoid(gates[:, 0:2 * H])
        f_g = jax.nn.sigmoid(gates[:, 2 * H:4 * H])
        g_g = jnp.tanh(gates[:, 4 * H:6 * H])
        o_g = jax.nn.sigmoid(gates[:, 6 * H:8 * H])
        c = f_g * c + i_g * g_g
        h = o_g * jnp.tanh(c)
        eblk = (h0a * brd(h[:, 0:HH]) + h0b * brd(h[:, HH:2 * HH])
                + nfa * brd(h[:, 2 * HH:3 * HH]) + nfb * brd(h[:, 3 * HH:]))
        e8 = jnp.where(mask, _mm(eblk, S), -1e30)
        m = jnp.max(e8)
        p = jnp.where(mask, jnp.exp(e8 - m), 0.0)
        alpha = p / jnp.sum(p)
        w128 = _mm(alpha, ST)
        va = _mm(jnp.sum(w128 * h0a, axis=0, keepdims=True), F)
        vb = _mm(jnp.sum(w128 * h0b, axis=0, keepdims=True), F)
        vna = _mm(jnp.sum(w128 * nfa, axis=0, keepdims=True), F)
        vnb = _mm(jnp.sum(w128 * nfb, axis=0, keepdims=True), F)
        readout = jnp.concatenate(
            [va[:, :HH], vb[:, :HH], vna[:, :HH], vnb[:, :HH]], 1)
        q_star = jnp.concatenate([h, readout], axis=-1)
    y = _mm(q_star, ws_ref[...]) + bs_ref[...][None, :]
    pa = pa_ref[0, 0]
    out_ref[...] = jnp.where(y >= 0, y, pa * y)


_s2s_tc = pl.pallas_call(
    _s2s_body,
    out_shape=jax.ShapeDtypeStruct((1, H), jnp.float32),
)



def kernel(x, edge_attr, edge_index, W_proj, b_proj, W_tag, b_tag,
           W_g1, b_g1, W_g2, b_g2, W_ih, W_hh, b_ih, b_hh, W_s, b_s, prelu_a):
    f32 = jnp.float32
    ei4 = jnp.reshape(edge_index, (2, NS, NBLK2, EB))
    ones1 = jnp.ones((EB,), f32)
    zeros2 = jnp.zeros((2, NPAD), f32)
    zeros16 = jnp.zeros((NPAD, HD), f32)

    ey8 = jnp.eye(8, dtype=f32)
    z6c = jnp.zeros((6,), f32)

    def halfpad(w):
        return jnp.concatenate([w, jnp.zeros((w.shape[0], HD - HH), f32)], 1)

    def bd_batch(ws):
        k = ws.shape[0]
        wp = jnp.pad(ws, ((0, 0), (0, HD - HH), (0, HD - HH)))
        out = (ey8[None, :, None, :, None]
               * wp[:, None, :, None, :]).reshape(k, 128, 128)
        return out

    def bbrd(b):
        return jnp.tile(jnp.concatenate([b, z6c]), 8)[None, :]

    WA = jnp.kron(ey8, halfpad(W_proj[:, :HH]))
    WB = jnp.kron(ey8, halfpad(W_proj[:, HH:]))
    bba = bbrd(b_proj[:HH])
    bbb = bbrd(b_proj[HH:])

    def blocks(w, npc):
        return jnp.reshape(w, (npc, HH, 2, HH)).transpose(0, 2, 1, 3)

    BDT = jnp.reshape(bd_batch(jnp.reshape(blocks(W_tag, 6), (12, HH, HH))),
                      (6, 2, 128, 128))
    BDG1 = jnp.reshape(bd_batch(jnp.reshape(blocks(W_g1, 4), (8, HH, HH))),
                       (4, 2, 128, 128))
    BDG2 = jnp.reshape(bd_batch(jnp.reshape(blocks(W_g2, 4), (8, HH, HH))),
                       (4, 2, 128, 128))
    bta, btb = bbrd(b_tag[:HH]), bbrd(b_tag[HH:])
    b1a, b1b = bbrd(b_g1[:HH]), bbrd(b_g1[HH:])
    b2a, b2b = bbrd(b_g2[:HH]), bbrd(b_g2[HH:])

    ar128 = jnp.arange(128)
    P16 = (ar128[None, :, None]
           == 8 * jnp.arange(16)[:, None, None]
           + (ar128 // HD)[None, None, :]).astype(f32)
    S = (ar128[:, None] // HD == jnp.arange(8)[None, :]).astype(f32)
    ST = S.T
    F = (ar128[:, None] % HD == jnp.arange(HD)[None, :]).astype(f32)

    degp = _degrees_sc(ei4, ones1, zeros2)
    degp4 = jnp.reshape(degp, (NC, 2, DR, 128))
    x8 = jnp.reshape(x, (PRN, 1024))
    h0a, h0b, g1a, g1b, ap, bp, cpp = _prep_tc(
        x8, WA, WB, bba, bbb, degp4, P16)

    def rs16(t):
        return jnp.reshape(t, (NPAD, HD))

    nfa, nfb, hia, hib = h0a, h0b, h0a, h0b
    for _ in range(2):
        s1, s2 = _round_sc(rs16(g1a), rs16(g1b), ei4, rs16(cpp), zeros16)
        s1r = jnp.reshape(s1, (NC, PR, 128))
        s2r = jnp.reshape(s2, (NC, PR, 128))
        nfa, nfb, hia, hib, g1a, g1b = _round_tc(
            s1r, s2r, ap, bp, nfa, nfb, hia, hib, BDT, BDG1, BDG2,
            bta, btb, b1a, b1b, b2a, b2b)

    s1, s2 = _round_sc(rs16(g1a), rs16(g1b), ei4, rs16(cpp), zeros16)
    s1r = jnp.reshape(s1, (NC, PR, 128))
    s2r = jnp.reshape(s2, (NC, PR, 128))
    return _s2s_tc(s1r, s2r, bp, nfa, nfb, hia, hib, BDT, BDG1,
                   bta, btb, b1a, b1b, h0a, h0b,
                   W_ih, W_hh, b_ih, b_hh, W_s, b_s,
                   jnp.reshape(prelu_a, (1, 1)), S, ST, F)

# --- scband reference (transcript-rebuilt; emitter-appended) ---
"""Pipeline reference for scband-mpnn-58394375356591 (READ-ONLY COPY).

The authoritative reference and input builder live on the scoring server;
editing this copy changes nothing except your own understanding.
"""

import jax, jax.numpy as jnp
import numpy as np

N_NODES = 10000
N_EDGES = 320000
D_NODE = 128
D_EDGE = 16
H = 20  # hidden_feats


def _lin(key, fan_in, fan_out):
    return jax.random.normal(key, (fan_in, fan_out), dtype=jnp.float32) / np.sqrt(fan_in)


def setup_inputs(seed: int = 0) -> dict:
    key = jax.random.key(seed)
    ks = jax.random.split(key, 16)
    x = jax.random.normal(ks[0], (N_NODES, D_NODE), dtype=jnp.float32)
    edge_index = jax.random.randint(ks[1], (2, N_EDGES), 0, N_NODES, dtype=jnp.int32)
    edge_attr = jax.random.normal(ks[2], (N_EDGES, D_EDGE), dtype=jnp.float32)
    # learned parameters
    W_proj = _lin(ks[3], D_NODE, H)
    b_proj = jnp.zeros((H,), dtype=jnp.float32)
    W_tag = _lin(ks[4], 3 * H, H)           # TAGConv k=2 -> Linear(3*H, H)
    b_tag = jnp.zeros((H,), dtype=jnp.float32)
    W_g1 = _lin(ks[5], 2 * H, H)
    b_g1 = jnp.zeros((H,), dtype=jnp.float32)
    W_g2 = _lin(ks[6], 2 * H, H)
    b_g2 = jnp.zeros((H,), dtype=jnp.float32)
    # Set2Set: input_dim = 2*H, LSTM(input=4*H, hidden=2*H, layers=1)
    W_ih = jax.random.normal(ks[7], (8 * H, 4 * H), dtype=jnp.float32) / np.sqrt(4 * H)
    W_hh = jax.random.normal(ks[8], (8 * H, 2 * H), dtype=jnp.float32) / np.sqrt(2 * H)
    b_ih = jnp.zeros((8 * H,), dtype=jnp.float32)
    b_hh = jnp.zeros((8 * H,), dtype=jnp.float32)
    W_s = _lin(ks[9], 4 * H, 20)            # sparsify Linear(4*H, readout_feats=20)
    b_s = jnp.zeros((20,), dtype=jnp.float32)
    prelu_a = jnp.array(0.25, dtype=jnp.float32)
    return {
        'x': x, 'edge_attr': edge_attr, 'edge_index': edge_index,
        'W_proj': W_proj, 'b_proj': b_proj, 'W_tag': W_tag, 'b_tag': b_tag,
        'W_g1': W_g1, 'b_g1': b_g1, 'W_g2': W_g2, 'b_g2': b_g2,
        'W_ih': W_ih, 'W_hh': W_hh, 'b_ih': b_ih, 'b_hh': b_hh,
        'W_s': W_s, 'b_s': b_s, 'prelu_a': prelu_a,
    }


def reference(x, edge_attr, edge_index, W_proj, b_proj, W_tag, b_tag,
              W_g1, b_g1, W_g2, b_g2, W_ih, W_hh, b_ih, b_hh, W_s, b_s, prelu_a):
    src = edge_index[0]
    dst = edge_index[1]
    N = x.shape[0]
    E = edge_attr.shape[0]

    # self.weight = sigmoid(ones(E)) -- constant per-edge weight (edge_attr only supplies E)
    w = jax.nn.sigmoid(jnp.ones((E,), dtype=jnp.float32))

    # DGL EdgeWeightNorm('both'): w_ij / sqrt(deg_out(src) * deg_in(dst)) with weighted degrees
    deg_out = jax.ops.segment_sum(w, src, num_segments=N)
    deg_in = jax.ops.segment_sum(w, dst, num_segments=N)
    w_norm = w / jnp.sqrt(jnp.maximum(deg_out[src] * deg_in[dst], 1e-12))

    h0 = jax.nn.relu(x @ W_proj + b_proj)
    hidden = h0
    nf = h0

    def tagconv(feat):
        # DGL TAGConv, k=2, with normalized edge weights: fstack = [X, A_hat X, A_hat^2 X]
        fstack = [feat]
        for _ in range(2):
            m = fstack[-1][src] * w_norm[:, None]          # gather + edge-weight multiply
            fstack.append(jax.ops.segment_sum(m, dst, num_segments=N))  # scatter-add
        return jnp.concatenate(fstack, axis=-1) @ W_tag + b_tag

    for _ in range(3):  # num_step_message_passing
        t = jax.nn.relu(tagconv(nf))
        cat = jnp.concatenate([t, hidden], axis=-1)
        nf = cat @ W_g1 + b_g1
        hidden = cat @ W_g2 + b_g2

    feat = jnp.concatenate([h0, nf], axis=1)  # node_aggr: [N, 2*H]

    # Set2Set readout (single graph -> batch_size = 1), 3 iters, 1-layer LSTM
    h = jnp.zeros((1, 2 * H), dtype=jnp.float32)
    c = jnp.zeros((1, 2 * H), dtype=jnp.float32)
    q_star = jnp.zeros((1, 4 * H), dtype=jnp.float32)
    for _ in range(3):
        gates = q_star @ W_ih.T + b_ih + h @ W_hh.T + b_hh
        i_g, f_g, g_g, o_g = jnp.split(gates, 4, axis=-1)  # torch LSTM gate order i,f,g,o
        i_g = jax.nn.sigmoid(i_g)
        f_g = jax.nn.sigmoid(f_g)
        g_g = jnp.tanh(g_g)
        o_g = jax.nn.sigmoid(o_g)
        c = f_g * c + i_g * g_g
        h = o_g * jnp.tanh(c)
        q = h
        e = jnp.sum(feat * q, axis=-1, keepdims=True)
        alpha = jax.nn.softmax(e, axis=0)  # softmax over all nodes of the (single) graph
        readout = jnp.sum(feat * alpha, axis=0, keepdims=True)
        q_star = jnp.concatenate([q, readout], axis=-1)

    y = q_star @ W_s + b_s
    out = jnp.where(y >= 0, y, prelu_a * y)  # PReLU
    return out

if __name__ == "__main__":
    import jax
    _d = setup_inputs()
    print(jax.jit(kernel)(*tuple(_d.values())))

</pallas_src>

<mosaic_0001>
#map = affine_map<(d0, d1) -> (0, 0)>
#map1 = affine_map<(d0, d1) -> (0, 0, 0, 0)>
#map2 = affine_map<(d0, d1) -> (0, 0, 0)>
module attributes {stable_mosaic.version = 14 : i64} {
  func.func @_round_sc(%arg0: i32, %arg1: i32, %arg2: memref<10240x16xf32, #tpu.memory_space<hbm>>, %arg3: memref<10240x16xf32, #tpu.memory_space<hbm>>, %arg4: memref<2x16x20x1000xi32, #tpu.memory_space<hbm>>, %arg5: memref<10240x16xf32, #tpu.memory_space<hbm>>, %arg6: memref<10240x16xf32, #tpu.memory_space<hbm>>, %arg7: memref<2x10240x16xf32, #tpu.memory_space<hbm>>, %arg8: memref<2x10240x16xf32, #tpu.memory_space<hbm>>, %arg9: memref<10240x16xf32, #tpu.memory_space<vmem_shared>>, %arg10: memref<10240x16xf32, #tpu.memory_space<vmem_shared>>, %arg11: memref<10240x16xf32, #tpu.memory_space<vmem_shared>>, %arg12: memref<20x1000xi32, #tpu.memory_space<vmem>>, %arg13: memref<20x1000xi32, #tpu.memory_space<vmem>>, %arg14: memref<1000x16xf32, #tpu.memory_space<vmem>>, %arg15: memref<1000x16xf32, #tpu.memory_space<vmem>>, %arg16: memref<640x16xf32, #tpu.memory_space<vmem>>, %arg17: memref<640x16xf32, #tpu.memory_space<vmem>>, %arg18: memref<!tpu.dma_semaphore, #tpu.memory_space<semaphore_mem>>, %arg19: memref<!tpu.dma_semaphore, #tpu.memory_space<semaphore_mem>>) attributes {dimension_semantics = [#tpu.dimension_semantics<core_parallel>, #tpu.dimension_semantics<subcore_parallel>], iteration_bounds = array<i64: 2, 16>, scalar_prefetch = 0 : i64, scratch_operands = 11 : i64, tpu.core_type = #tpu.core_type<sc_vector_subcore>, window_params = [{transform_indices = #map}, {transform_indices = #map}, {transform_indices = #map1}, {transform_indices = #map}, {transform_indices = #map}, {transform_indices = #map2}, {transform_indices = #map2}]} {
    %mul3A = arith.constant 640 : i32
    %mul3A_0 = arith.muli %arg1, %mul3A : i32
    "tpu.region"() ({
      %run_scoped3A_29 = tpu.sem_alloc : memref<!tpu.dma_semaphore, #tpu.memory_space<semaphore_mem>>
      %dma_start3A_30 = arith.constant 0 : i32
      %dma_start3A_31 = tpu.memref_slice %arg9[%mul3A_0, %dma_start3A_30] : memref<10240x16xf32, #tpu.memory_space<vmem_shared>> -> memref<640x16xf32, #tpu.memory_space<vmem_shared>>
      %dma_start3A_32 = arith.constant 0 : i32
      %dma_start3A_33 = tpu.memref_slice %arg6[%mul3A_0, %dma_start3A_32] : memref<10240x16xf32, #tpu.memory_space<hbm>> -> memref<640x16xf32, #tpu.memory_space<hbm>>
      tpu.enqueue_dma source(%dma_start3A_33 : memref<640x16xf32, #tpu.memory_space<hbm>>) target(%dma_start3A_31 : memref<640x16xf32, #tpu.memory_space<vmem_shared>>) target_semaphore(%run_scoped3A_29 : memref<!tpu.dma_semaphore, #tpu.memory_space<semaphore_mem>>)
      %dma_wait3A = arith.constant 0 : i32
      %dma_wait3A_34 = tpu.memref_slice %arg9[%mul3A_0, %dma_wait3A] : memref<10240x16xf32, #tpu.memory_space<vmem_shared>> -> memref<640x16xf32, #tpu.memory_space<vmem_shared>>
      %dma_wait3A_35 = arith.constant 0 : i32
      %dma_wait3A_36 = tpu.memref_slice %arg6[%mul3A_0, %dma_wait3A_35] : memref<10240x16xf32, #tpu.memory_space<hbm>> -> memref<640x16xf32, #tpu.memory_space<hbm>>
      tpu.wait_dma2 semaphore(%run_scoped3A_29 : memref<!tpu.dma_semaphore, #tpu.memory_space<semaphore_mem>>) src(%dma_wait3A_36 : memref<640x16xf32, #tpu.memory_space<hbm>>) dst(%dma_wait3A_34 : memref<640x16xf32, #tpu.memory_space<vmem_shared>>)
      tpu.yield
    }) : () -> ()
    "tpu.region"() ({
      %run_scoped3A_29 = tpu.sem_alloc : memref<!tpu.dma_semaphore, #tpu.memory_space<semaphore_mem>>
      %dma_start3A_30 = arith.constant 0 : i32
      %dma_start3A_31 = tpu.memref_slice %arg10[%mul3A_0, %dma_start3A_30] : memref<10240x16xf32, #tpu.memory_space<vmem_shared>> -> memref<640x16xf32, #tpu.memory_space<vmem_shared>>
      %dma_start3A_32 = arith.constant 0 : i32
      %dma_start3A_33 = tpu.memref_slice %arg6[%mul3A_0, %dma_start3A_32] : memref<10240x16xf32, #tpu.memory_space<hbm>> -> memref<640x16xf32, #tpu.memory_space<hbm>>
      tpu.enqueue_dma source(%dma_start3A_33 : memref<640x16xf32, #tpu.memory_space<hbm>>) target(%dma_start3A_31 : memref<640x16xf32, #tpu.memory_space<vmem_shared>>) target_semaphore(%run_scoped3A_29 : memref<!tpu.dma_semaphore, #tpu.memory_space<semaphore_mem>>)
      %dma_wait3A = arith.constant 0 : i32
      %dma_wait3A_34 = tpu.memref_slice %arg10[%mul3A_0, %dma_wait3A] : memref<10240x16xf32, #tpu.memory_space<vmem_shared>> -> memref<640x16xf32, #tpu.memory_space<vmem_shared>>
      %dma_wait3A_35 = arith.constant 0 : i32
      %dma_wait3A_36 = tpu.memref_slice %arg6[%mul3A_0, %dma_wait3A_35] : memref<10240x16xf32, #tpu.memory_space<hbm>> -> memref<640x16xf32, #tpu.memory_space<hbm>>
      tpu.wait_dma2 semaphore(%run_scoped3A_29 : memref<!tpu.dma_semaphore, #tpu.memory_space<semaphore_mem>>) src(%dma_wait3A_36 : memref<640x16xf32, #tpu.memory_space<hbm>>) dst(%dma_wait3A_34 : memref<640x16xf32, #tpu.memory_space<vmem_shared>>)
      tpu.yield
    }) : () -> ()
    %run_scoped3A = arith.constant 0 : i32
    "tpu.region"() ({
      %run_scoped3A_29 = tpu.sem_alloc : memref<!tpu.dma_semaphore, #tpu.memory_space<semaphore_mem>>
      %dma_start3A_30 = arith.constant 0 : i32
      %dma_start3A_31 = arith.constant 0 : i32
      %dma_start3A_32 = tpu.memref_slice %arg4[%run_scoped3A, %arg1, %dma_start3A_30, %dma_start3A_31] : memref<2x16x20x1000xi32, #tpu.memory_space<hbm>> -> memref<1x1x20x1000xi32, #tpu.memory_space<hbm>>
      %dma_start3A_33 = tpu.memref_squeeze %dma_start3A_32 : memref<1x1x20x1000xi32, #tpu.memory_space<hbm>> -> memref<20x1000xi32, #tpu.memory_space<hbm>>
      %dma_start3A_34 = arith.constant 0 : i32
      %dma_start3A_35 = arith.constant 0 : i32
      %dma_start3A_36 = tpu.memref_slice %arg4[%run_scoped3A, %arg1, %dma_start3A_34, %dma_start3A_35] : memref<2x16x20x1000xi32, #tpu.memory_space<hbm>> -> memref<1x1x20x1000xi32, #tpu.memory_space<hbm>>
      %dma_start3A_37 = tpu.memref_squeeze %dma_start3A_36 : memref<1x1x20x1000xi32, #tpu.memory_space<hbm>> -> memref<20x1000xi32, #tpu.memory_space<hbm>>
      tpu.enqueue_dma source(%dma_start3A_37 : memref<20x1000xi32, #tpu.memory_space<hbm>>) target(%arg12 : memref<20x1000xi32, #tpu.memory_space<vmem>>) target_semaphore(%run_scoped3A_29 : memref<!tpu.dma_semaphore, #tpu.memory_space<semaphore_mem>>)
      %dma_wait3A = arith.constant 0 : i32
      %dma_wait3A_38 = arith.constant 0 : i32
      %dma_wait3A_39 = tpu.memref_slice %arg4[%run_scoped3A, %arg1, %dma_wait3A, %dma_wait3A_38] : memref<2x16x20x1000xi32, #tpu.memory_space<hbm>> -> memref<1x1x20x1000xi32, #tpu.memory_space<hbm>>
      %dma_wait3A_40 = tpu.memref_squeeze %dma_wait3A_39 : memref<1x1x20x1000xi32, #tpu.memory_space<hbm>> -> memref<20x1000xi32, #tpu.memory_space<hbm>>
      %dma_wait3A_41 = arith.constant 0 : i32
      %dma_wait3A_42 = arith.constant 0 : i32
      %dma_wait3A_43 = tpu.memref_slice %arg4[%run_scoped3A, %arg1, %dma_wait3A_41, %dma_wait3A_42] : memref<2x16x20x1000xi32, #tpu.memory_space<hbm>> -> memref<1x1x20x1000xi32, #tpu.memory_space<hbm>>
      %dma_wait3A_44 = tpu.memref_squeeze %dma_wait3A_43 : memref<1x1x20x1000xi32, #tpu.memory_space<hbm>> -> memref<20x1000xi32, #tpu.memory_space<hbm>>
      tpu.wait_dma2 semaphore(%run_scoped3A_29 : memref<!tpu.dma_semaphore, #tpu.memory_space<semaphore_mem>>) src(%dma_wait3A_44 : memref<20x1000xi32, #tpu.memory_space<hbm>>) dst(%arg12 : memref<20x1000xi32, #tpu.memory_space<vmem>>)
      tpu.yield
    }) : () -> ()
    %run_scoped3A_1 = arith.constant 1 : i32
    "tpu.region"() ({
      %run_scoped3A_29 = tpu.sem_alloc : memref<!tpu.dma_semaphore, #tpu.memory_space<semaphore_mem>>
      %dma_start3A_30 = arith.constant 0 : i32
      %dma_start3A_31 = arith.constant 0 : i32
      %dma_start3A_32 = tpu.memref_slice %arg4[%run_scoped3A_1, %arg1, %dma_start3A_30, %dma_start3A_31] : memref<2x16x20x1000xi32, #tpu.memory_space<hbm>> -> memref<1x1x20x1000xi32, #tpu.memory_space<hbm>>
      %dma_start3A_33 = tpu.memref_squeeze %dma_start3A_32 : memref<1x1x20x1000xi32, #tpu.memory_space<hbm>> -> memref<20x1000xi32, #tpu.memory_space<hbm>>
      %dma_start3A_34 = arith.constant 0 : i32
      %dma_start3A_35 = arith.constant 0 : i32
      %dma_start3A_36 = tpu.memref_slice %arg4[%run_scoped3A_1, %arg1, %dma_start3A_34, %dma_start3A_35] : memref<2x16x20x1000xi32, #tpu.memory_space<hbm>> -> memref<1x1x20x1000xi32, #tpu.memory_space<hbm>>
      %dma_start3A_37 = tpu.memref_squeeze %dma_start3A_36 : memref<1x1x20x1000xi32, #tpu.memory_space<hbm>> -> memref<20x1000xi32, #tpu.memory_space<hbm>>
      tpu.enqueue_dma source(%dma_start3A_37 : memref<20x1000xi32, #tpu.memory_space<hbm>>) target(%arg13 : memref<20x1000xi32, #tpu.memory_space<vmem>>) target_semaphore(%run_scoped3A_29 : memref<!tpu.dma_semaphore, #tpu.memory_space<semaphore_mem>>)
      %dma_wait3A = arith.constant 0 : i32
      %dma_wait3A_38 = arith.constant 0 : i32
      %dma_wait3A_39 = tpu.memref_slice %arg4[%run_scoped3A_1, %arg1, %dma_wait3A, %dma_wait3A_38] : memref<2x16x20x1000xi32, #tpu.memory_space<hbm>> -> memref<1x1x20x1000xi32, #tpu.memory_space<hbm>>
      %dma_wait3A_40 = tpu.memref_squeeze %dma_wait3A_39 : memref<1x1x20x1000xi32, #tpu.memory_space<hbm>> -> memref<20x1000xi32, #tpu.memory_space<hbm>>
      %dma_wait3A_41 = arith.constant 0 : i32
      %dma_wait3A_42 = arith.constant 0 : i32
      %dma_wait3A_43 = tpu.memref_slice %arg4[%run_scoped3A_1, %arg1, %dma_wait3A_41, %dma_wait3A_42] : memref<2x16x20x1000xi32, #tpu.memory_space<hbm>> -> memref<1x1x20x1000xi32, #tpu.memory_space<hbm>>
      %dma_wait3A_44 = tpu.memref_squeeze %dma_wait3A_43 : memref<1x1x20x1000xi32, #tpu.memory_space<hbm>> -> memref<20x1000xi32, #tpu.memory_space<hbm>>
      tpu.wait_dma2 semaphore(%run_scoped3A_29 : memref<!tpu.dma_semaphore, #tpu.memory_space<semaphore_mem>>) src(%dma_wait3A_44 : memref<20x1000xi32, #tpu.memory_space<hbm>>) dst(%arg13 : memref<20x1000xi32, #tpu.memory_space<vmem>>)
      tpu.yield
    }) : () -> ()
    %barrier3A = arith.constant 0 : index
    tpu.barrier barrier_id(%barrier3A)
    %eq3A = arith.constant 0 : i32
    %eq3A_2 = arith.cmpi eq, %arg0, %eq3A : i32
    %convert_element_type3A = arith.extui %eq3A_2 : i1 to i32
    %cond3A = arith.constant 0 : i32
    %cond3A_3 = arith.cmpi ne, %convert_element_type3A, %cond3A : i32
    scf.if %cond3A_3 {
      %dma_start3A_29 = arith.constant 0 : i32
      %dma_start3A_30 = arith.constant 0 : i32
      %dma_start3A_31 = tpu.memref_slice %arg12[%dma_start3A_29, %dma_start3A_30] : memref<20x1000xi32, #tpu.memory_space<vmem>> -> memref<1x1000xi32, #tpu.memory_space<vmem>>
      %dma_start3A_32 = tpu.memref_squeeze %dma_start3A_31 : memref<1x1000xi32, #tpu.memory_space<vmem>> -> memref<1000xi32, #tpu.memory_space<vmem>>
      %dma_start3A_33 = arith.constant 0 : i32
      %dma_start3A_34 = arith.constant 0 : i32
      %dma_start3A_35 = tpu.memref_slice %arg2[%dma_start3A_33, %dma_start3A_34] : memref<10240x16xf32, #tpu.memory_space<hbm>> -> memref<10240x16xf32, #tpu.memory_space<hbm>>
      tpu.enqueue_indirect_dma source(%dma_start3A_35 : memref<10240x16xf32, #tpu.memory_space<hbm>>) target(%arg14 : memref<1000x16xf32, #tpu.memory_space<vmem>>) offsets(%dma_start3A_32 : memref<1000xi32, #tpu.memory_space<vmem>>) semaphore(%arg18 : memref<!tpu.dma_semaphore, #tpu.memory_space<semaphore_mem>>)
      %scan3A_36 = arith.constant 0 : i32
      %scan3A_37 = arith.constant 0 : i32
      %scan3A_38 = arith.constant 10 : i32
      %scan3A_39 = arith.addi %scan3A_37, %scan3A_38 : i32
      %scan3A_40 = arith.constant 1 : i32
      scf.for %scan3A_42 = %scan3A_37 to %scan3A_39 step %scan3A_40  : i32 {
        %mul3A_43 = arith.constant 2 : i32
        %mul3A_44 = arith.muli %mul3A_43, %scan3A_42 : i32
        %add3A = arith.constant 1 : i32
        %add3A_45 = arith.addi %mul3A_44, %add3A : i32
        %dma_start3A_46 = arith.constant 0 : i32
        %dma_start3A_47 = tpu.memref_slice %arg12[%add3A_45, %dma_start3A_46] : memref<20x1000xi32, #tpu.memory_space<vmem>> -> memref<1x1000xi32, #tpu.memory_space<vmem>>
        %dma_start3A_48 = tpu.memref_squeeze %dma_start3A_47 : memref<1x1000xi32, #tpu.memory_space<vmem>> -> memref<1000xi32, #tpu.memory_space<vmem>>
        %dma_start3A_49 = arith.constant 0 : i32
        %dma_start3A_50 = arith.constant 0 : i32
        %dma_start3A_51 = tpu.memref_slice %arg2[%dma_start3A_49, %dma_start3A_50] : memref<10240x16xf32, #tpu.memory_space<hbm>> -> memref<10240x16xf32, #tpu.memory_space<hbm>>
        tpu.enqueue_indirect_dma source(%dma_start3A_51 : memref<10240x16xf32, #tpu.memory_space<hbm>>) target(%arg15 : memref<1000x16xf32, #tpu.memory_space<vmem>>) offsets(%dma_start3A_48 : memref<1000xi32, #tpu.memory_space<vmem>>) semaphore(%arg19 : memref<!tpu.dma_semaphore, #tpu.memory_space<semaphore_mem>>)
        %dma_wait3A = arith.constant 0 : i32
        %dma_wait3A_52 = tpu.memref_slice %arg12[%mul3A_44, %dma_wait3A] : memref<20x1000xi32, #tpu.memory_space<vmem>> -> memref<1x1000xi32, #tpu.memory_space<vmem>>
        %dma_wait3A_53 = tpu.memref_squeeze %dma_wait3A_52 : memref<1x1000xi32, #tpu.memory_space<vmem>> -> memref<1000xi32, #tpu.memory_space<vmem>>
        %dma_wait3A_54 = arith.constant 0 : i32
        %dma_wait3A_55 = arith.constant 0 : i32
        %dma_wait3A_56 = tpu.memref_slice %arg2[%dma_wait3A_54, %dma_wait3A_55] : memref<10240x16xf32, #tpu.memory_space<hbm>> -> memref<10240x16xf32, #tpu.memory_space<hbm>>
        tpu.wait_indirect_dma semaphore(%arg18 : memref<!tpu.dma_semaphore, #tpu.memory_space<semaphore_mem>>) src(%dma_wait3A_56 : memref<10240x16xf32, #tpu.memory_space<hbm>>) dst(%arg14 : memref<1000x16xf32, #tpu.memory_space<vmem>>)
        %lt3A = arith.constant 9 : i32
        %lt3A_57 = arith.cmpi slt, %scan3A_42, %lt3A : i32
        %convert_element_type3A_58 = arith.extui %lt3A_57 : i1 to i32
        %cond3A_59 = arith.constant 0 : i32
        %cond3A_60 = arith.cmpi ne, %convert_element_type3A_58, %cond3A_59 : i32
        scf.if %cond3A_60 {
          %add3A_69 = arith.constant 2 : i32
          %add3A_70 = arith.addi %mul3A_44, %add3A_69 : i32
          %dma_start3A_71 = arith.constant 0 : i32
          %dma_start3A_72 = tpu.memref_slice %arg12[%add3A_70, %dma_start3A_71] : memref<20x1000xi32, #tpu.memory_space<vmem>> -> memref<1x1000xi32, #tpu.memory_space<vmem>>
          %dma_start3A_73 = tpu.memref_squeeze %dma_start3A_72 : memref<1x1000xi32, #tpu.memory_space<vmem>> -> memref<1000xi32, #tpu.memory_space<vmem>>
          %dma_start3A_74 = arith.constant 0 : i32
          %dma_start3A_75 = arith.constant 0 : i32
          %dma_start3A_76 = tpu.memref_slice %arg2[%dma_start3A_74, %dma_start3A_75] : memref<10240x16xf32, #tpu.memory_space<hbm>> -> memref<10240x16xf32, #tpu.memory_space<hbm>>
          tpu.enqueue_indirect_dma source(%dma_start3A_76 : memref<10240x16xf32, #tpu.memory_space<hbm>>) target(%arg14 : memref<1000x16xf32, #tpu.memory_space<vmem>>) offsets(%dma_start3A_73 : memref<1000xi32, #tpu.memory_space<vmem>>) semaphore(%arg18 : memref<!tpu.dma_semaphore, #tpu.memory_space<semaphore_mem>>)
        } else {
        }
        %add3A_61 = arith.constant 1 : i32
        %add3A_62 = arith.addi %mul3A_44, %add3A_61 : i32
        %dma_wait3A_63 = arith.constant 0 : i32
        %dma_wait3A_64 = tpu.memref_slice %arg12[%add3A_62, %dma_wait3A_63] : memref<20x1000xi32, #tpu.memory_space<vmem>> -> memref<1x1000xi32, #tpu.memory_space<vmem>>
        %dma_wait3A_65 = tpu.memref_squeeze %dma_wait3A_64 : memref<1x1000xi32, #tpu.memory_space<vmem>> -> memref<1000xi32, #tpu.memory_space<vmem>>
        %dma_wait3A_66 = arith.constant 0 : i32
        %dma_wait3A_67 = arith.constant 0 : i32
        %dma_wait3A_68 = tpu.memref_slice %arg2[%dma_wait3A_66, %dma_wait3A_67] : memref<10240x16xf32, #tpu.memory_space<hbm>> -> memref<10240x16xf32, #tpu.memory_space<hbm>>
        tpu.wait_indirect_dma semaphore(%arg19 : memref<!tpu.dma_semaphore, #tpu.memory_space<semaphore_mem>>) src(%dma_wait3A_68 : memref<10240x16xf32, #tpu.memory_space<hbm>>) dst(%arg15 : memref<1000x16xf32, #tpu.memory_space<vmem>>)
      }
      %scan3A_41 = arith.constant 10 : i32
    } else {
    }
    %eq3A_4 = arith.constant 1 : i32
    %eq3A_5 = arith.cmpi eq, %arg0, %eq3A_4 : i32
    %convert_element_type3A_6 = arith.extui %eq3A_5 : i1 to i32
    %cond3A_7 = arith.constant 0 : i32
    %cond3A_8 = arith.cmpi ne, %convert_element_type3A_6, %cond3A_7 : i32
    scf.if %cond3A_8 {
      %dma_start3A_29 = arith.constant 0 : i32
      %dma_start3A_30 = arith.constant 0 : i32
      %dma_start3A_31 = tpu.memref_slice %arg12[%dma_start3A_29, %dma_start3A_30] : memref<20x1000xi32, #tpu.memory_space<vmem>> -> memref<1x1000xi32, #tpu.memory_space<vmem>>
      %dma_start3A_32 = tpu.memref_squeeze %dma_start3A_31 : memref<1x1000xi32, #tpu.memory_space<vmem>> -> memref<1000xi32, #tpu.memory_space<vmem>>
      %dma_start3A_33 = arith.constant 0 : i32
      %dma_start3A_34 = arith.constant 0 : i32
      %dma_start3A_35 = tpu.memref_slice %arg3[%dma_start3A_33, %dma_start3A_34] : memref<10240x16xf32, #tpu.memory_space<hbm>> -> memref<10240x16xf32, #tpu.memory_space<hbm>>
      tpu.enqueue_indirect_dma source(%dma_start3A_35 : memref<10240x16xf32, #tpu.memory_space<hbm>>) target(%arg14 : memref<1000x16xf32, #tpu.memory_space<vmem>>) offsets(%dma_start3A_32 : memref<1000xi32, #tpu.memory_space<vmem>>) semaphore(%arg18 : memref<!tpu.dma_semaphore, #tpu.memory_space<semaphore_mem>>)
      %scan3A_36 = arith.constant 0 : i32
      %scan3A_37 = arith.constant 0 : i32
      %scan3A_38 = arith.constant 10 : i32
      %scan3A_39 = arith.addi %scan3A_37, %scan3A_38 : i32
      %scan3A_40 = arith.constant 1 : i32
      scf.for %scan3A_42 = %scan3A_37 to %scan3A_39 step %scan3A_40  : i32 {
        %mul3A_43 = arith.constant 2 : i32
        %mul3A_44 = arith.muli %mul3A_43, %scan3A_42 : i32
        %add3A = arith.constant 1 : i32
        %add3A_45 = arith.addi %mul3A_44, %add3A : i32
        %dma_start3A_46 = arith.constant 0 : i32
        %dma_start3A_47 = tpu.memref_slice %arg12[%add3A_45, %dma_start3A_46] : memref<20x1000xi32, #tpu.memory_space<vmem>> -> memref<1x1000xi32, #tpu.memory_space<vmem>>
        %dma_start3A_48 = tpu.memref_squeeze %dma_start3A_47 : memref<1x1000xi32, #tpu.memory_space<vmem>> -> memref<1000xi32, #tpu.memory_space<vmem>>
        %dma_start3A_49 = arith.constant 0 : i32
        %dma_start3A_50 = arith.constant 0 : i32
        %dma_start3A_51 = tpu.memref_slice %arg3[%dma_start3A_49, %dma_start3A_50] : memref<10240x16xf32, #tpu.memory_space<hbm>> -> memref<10240x16xf32, #tpu.memory_space<hbm>>
        tpu.enqueue_indirect_dma source(%dma_start3A_51 : memref<10240x16xf32, #tpu.memory_space<hbm>>) target(%arg15 : memref<1000x16xf32, #tpu.memory_space<vmem>>) offsets(%dma_start3A_48 : memref<1000xi32, #tpu.memory_space<vmem>>) semaphore(%arg19 : memref<!tpu.dma_semaphore, #tpu.memory_space<semaphore_mem>>)
        %dma_wait3A = arith.constant 0 : i32
        %dma_wait3A_52 = tpu.memref_slice %arg12[%mul3A_44, %dma_wait3A] : memref<20x1000xi32, #tpu.memory_space<vmem>> -> memref<1x1000xi32, #tpu.memory_space<vmem>>
        %dma_wait3A_53 = tpu.memref_squeeze %dma_wait3A_52 : memref<1x1000xi32, #tpu.memory_space<vmem>> -> memref<1000xi32, #tpu.memory_space<vmem>>
        %dma_wait3A_54 = arith.constant 0 : i32
        %dma_wait3A_55 = arith.constant 0 : i32
        %dma_wait3A_56 = tpu.memref_slice %arg3[%dma_wait3A_54, %dma_wait3A_55] : memref<10240x16xf32, #tpu.memory_space<hbm>> -> memref<10240x16xf32, #tpu.memory_space<hbm>>
        tpu.wait_indirect_dma semaphore(%arg18 : memref<!tpu.dma_semaphore, #tpu.memory_space<semaphore_mem>>) src(%dma_wait3A_56 : memref<10240x16xf32, #tpu.memory_space<hbm>>) dst(%arg14 : memref<1000x16xf32, #tpu.memory_space<vmem>>)
        %lt3A = arith.constant 9 : i32
        %lt3A_57 = arith.cmpi slt, %scan3A_42, %lt3A : i32
        %convert_element_type3A_58 = arith.extui %lt3A_57 : i1 to i32
        %cond3A_59 = arith.constant 0 : i32
        %cond3A_60 = arith.cmpi ne, %convert_element_type3A_58, %cond3A_59 : i32
        scf.if %cond3A_60 {
          %add3A_69 = arith.constant 2 : i32
          %add3A_70 = arith.addi %mul3A_44, %add3A_69 : i32
          %dma_start3A_71 = arith.constant 0 : i32
          %dma_start3A_72 = tpu.memref_slice %arg12[%add3A_70, %dma_start3A_71] : memref<20x1000xi32, #tpu.memory_space<vmem>> -> memref<1x1000xi32, #tpu.memory_space<vmem>>
          %dma_start3A_73 = tpu.memref_squeeze %dma_start3A_72 : memref<1x1000xi32, #tpu.memory_space<vmem>> -> memref<1000xi32, #tpu.memory_space<vmem>>
          %dma_start3A_74 = arith.constant 0 : i32
          %dma_start3A_75 = arith.constant 0 : i32
          %dma_start3A_76 = tpu.memref_slice %arg3[%dma_start3A_74, %dma_start3A_75] : memref<10240x16xf32, #tpu.memory_space<hbm>> -> memref<10240x16xf32, #tpu.memory_space<hbm>>
          tpu.enqueue_indirect_dma source(%dma_start3A_76 : memref<10240x16xf32, #tpu.memory_space<hbm>>) target(%arg14 : memref<1000x16xf32, #tpu.memory_space<vmem>>) offsets(%dma_start3A_73 : memref<1000xi32, #tpu.memory_space<vmem>>) semaphore(%arg18 : memref<!tpu.dma_semaphore, #tpu.memory_space<semaphore_mem>>)
        } else {
        }
        %add3A_61 = arith.constant 1 : i32
        %add3A_62 = arith.addi %mul3A_44, %add3A_61 : i32
        %dma_wait3A_63 = arith.constant 0 : i32
        %dma_wait3A_64 = tpu.memref_slice %arg12[%add3A_62, %dma_wait3A_63] : memref<20x1000xi32, #tpu.memory_space<vmem>> -> memref<1x1000xi32, #tpu.memory_space<vmem>>
        %dma_wait3A_65 = tpu.memref_squeeze %dma_wait3A_64 : memref<1x1000xi32, #tpu.memory_space<vmem>> -> memref<1000xi32, #tpu.memory_space<vmem>>
        %dma_wait3A_66 = arith.constant 0 : i32
        %dma_wait3A_67 = arith.constant 0 : i32
        %dma_wait3A_68 = tpu.memref_slice %arg3[%dma_wait3A_66, %dma_wait3A_67] : memref<10240x16xf32, #tpu.memory_space<hbm>> -> memref<10240x16xf32, #tpu.memory_space<hbm>>
        tpu.wait_indirect_dma semaphore(%arg19 : memref<!tpu.dma_semaphore, #tpu.memory_space<semaphore_mem>>) src(%dma_wait3A_68 : memref<10240x16xf32, #tpu.memory_space<hbm>>) dst(%arg15 : memref<1000x16xf32, #tpu.memory_space<vmem>>)
      }
      %scan3A_41 = arith.constant 10 : i32
    } else {
    }
    %barrier3A_9 = arith.constant 0 : index
    tpu.barrier barrier_id(%barrier3A_9)
    "tpu.region"() ({
      %run_scoped3A_29 = tpu.sem_alloc : memref<!tpu.dma_semaphore, #tpu.memory_space<semaphore_mem>>
      %dma_start3A_30 = arith.constant 0 : i32
      %dma_start3A_31 = tpu.memref_slice %arg7[%arg0, %mul3A_0, %dma_start3A_30] : memref<2x10240x16xf32, #tpu.memory_space<hbm>> -> memref<1x640x16xf32, #tpu.memory_space<hbm>>
      %dma_start3A_32 = tpu.memref_squeeze %dma_start3A_31 : memref<1x640x16xf32, #tpu.memory_space<hbm>> -> memref<640x16xf32, #tpu.memory_space<hbm>>
      %dma_start3A_33 = arith.constant 0 : i32
      %dma_start3A_34 = tpu.memref_slice %arg9[%mul3A_0, %dma_start3A_33] : memref<10240x16xf32, #tpu.memory_space<vmem_shared>> -> memref<640x16xf32, #tpu.memory_space<vmem_shared>>
      tpu.enqueue_dma source(%dma_start3A_34 : memref<640x16xf32, #tpu.memory_space<vmem_shared>>) target(%dma_start3A_32 : memref<640x16xf32, #tpu.memory_space<hbm>>) target_semaphore(%run_scoped3A_29 : memref<!tpu.dma_semaphore, #tpu.memory_space<semaphore_mem>>)
      %dma_wait3A = arith.constant 0 : i32
      %dma_wait3A_35 = tpu.memref_slice %arg7[%arg0, %mul3A_0, %dma_wait3A] : memref<2x10240x16xf32, #tpu.memory_space<hbm>> -> memref<1x640x16xf32, #tpu.memory_space<hbm>>
      %dma_wait3A_36 = tpu.memref_squeeze %dma_wait3A_35 : memref<1x640x16xf32, #tpu.memory_space<hbm>> -> memref<640x16xf32, #tpu.memory_space<hbm>>
      %dma_wait3A_37 = arith.constant 0 : i32
      %dma_wait3A_38 = tpu.memref_slice %arg9[%mul3A_0, %dma_wait3A_37] : memref<10240x16xf32, #tpu.memory_space<vmem_shared>> -> memref<640x16xf32, #tpu.memory_space<vmem_shared>>
      tpu.wait_dma2 semaphore(%run_scoped3A_29 : memref<!tpu.dma_semaphore, #tpu.memory_space<semaphore_mem>>) src(%dma_wait3A_38 : memref<640x16xf32, #tpu.memory_space<vmem_shared>>) dst(%dma_wait3A_36 : memref<640x16xf32, #tpu.memory_space<hbm>>)
      tpu.yield
    }) : () -> ()
    "tpu.region"() ({
      %run_scoped3A_29 = tpu.sem_alloc : memref<!tpu.dma_semaphore, #tpu.memory_space<semaphore_mem>>
      %dma_start3A_30 = arith.constant 0 : i32
      %dma_start3A_31 = tpu.memref_slice %arg9[%mul3A_0, %dma_start3A_30] : memref<10240x16xf32, #tpu.memory_space<vmem_shared>> -> memref<640x16xf32, #tpu.memory_space<vmem_shared>>
      %dma_start3A_32 = arith.constant 0 : i32
      %dma_start3A_33 = tpu.memref_slice %arg9[%mul3A_0, %dma_start3A_32] : memref<10240x16xf32, #tpu.memory_space<vmem_shared>> -> memref<640x16xf32, #tpu.memory_space<vmem_shared>>
      tpu.enqueue_dma source(%dma_start3A_33 : memref<640x16xf32, #tpu.memory_space<vmem_shared>>) target(%arg16 : memref<640x16xf32, #tpu.memory_space<vmem>>) target_semaphore(%run_scoped3A_29 : memref<!tpu.dma_semaphore, #tpu.memory_space<semaphore_mem>>)
      %dma_wait3A = arith.constant 0 : i32
      %dma_wait3A_34 = tpu.memref_slice %arg9[%mul3A_0, %dma_wait3A] : memref<10240x16xf32, #tpu.memory_space<vmem_shared>> -> memref<640x16xf32, #tpu.memory_space<vmem_shared>>
      %dma_wait3A_35 = arith.constant 0 : i32
      %dma_wait3A_36 = tpu.memref_slice %arg9[%mul3A_0, %dma_wait3A_35] : memref<10240x16xf32, #tpu.memory_space<vmem_shared>> -> memref<640x16xf32, #tpu.memory_space<vmem_shared>>
      tpu.wait_dma2 semaphore(%run_scoped3A_29 : memref<!tpu.dma_semaphore, #tpu.memory_space<semaphore_mem>>) src(%dma_wait3A_36 : memref<640x16xf32, #tpu.memory_space<vmem_shared>>) dst(%arg16 : memref<640x16xf32, #tpu.memory_space<vmem>>)
      tpu.yield
    }) : () -> ()
    "tpu.region"() ({
      %run_scoped3A_29 = tpu.sem_alloc : memref<!tpu.dma_semaphore, #tpu.memory_space<semaphore_mem>>
      %dma_start3A_30 = arith.constant 0 : i32
      %dma_start3A_31 = tpu.memref_slice %arg5[%mul3A_0, %dma_start3A_30] : memref<10240x16xf32, #tpu.memory_space<hbm>> -> memref<640x16xf32, #tpu.memory_space<hbm>>
      %dma_start3A_32 = arith.constant 0 : i32
      %dma_start3A_33 = tpu.memref_slice %arg5[%mul3A_0, %dma_start3A_32] : memref<10240x16xf32, #tpu.memory_space<hbm>> -> memref<640x16xf32, #tpu.memory_space<hbm>>
      tpu.enqueue_dma source(%dma_start3A_33 : memref<640x16xf32, #tpu.memory_space<hbm>>) target(%arg17 : memref<640x16xf32, #tpu.memory_space<vmem>>) target_semaphore(%run_scoped3A_29 : memref<!tpu.dma_semaphore, #tpu.memory_space<semaphore_mem>>)
      %dma_wait3A = arith.constant 0 : i32
      %dma_wait3A_34 = tpu.memref_slice %arg5[%mul3A_0, %dma_wait3A] : memref<10240x16xf32, #tpu.memory_space<hbm>> -> memref<640x16xf32, #tpu.memory_space<hbm>>
      %dma_wait3A_35 = arith.constant 0 : i32
      %dma_wait3A_36 = tpu.memref_slice %arg5[%mul3A_0, %dma_wait3A_35] : memref<10240x16xf32, #tpu.memory_space<hbm>> -> memref<640x16xf32, #tpu.memory_space<hbm>>
      tpu.wait_dma2 semaphore(%run_scoped3A_29 : memref<!tpu.dma_semaphore, #tpu.memory_space<semaphore_mem>>) src(%dma_wait3A_36 : memref<640x16xf32, #tpu.memory_space<hbm>>) dst(%arg17 : memref<640x16xf32, #tpu.memory_space<vmem>>)
      tpu.yield
    }) : () -> ()
    %scan3A = arith.constant 0 : i32
    %scan3A_10 = arith.constant 0 : i32
    %scan3A_11 = arith.constant 640 : i32
    %scan3A_12 = arith.addi %scan3A_10, %scan3A_11 : i32
    %scan3A_13 = arith.constant 1 : i32
    scf.for %scan3A_29 = %scan3A_10 to %scan3A_12 step %scan3A_13  : i32 {
      %get3A = arith.index_cast %scan3A_29 : i32 to index
      %get3A_30 = arith.constant 0 : index
      %get3A_31 = tpu.vector_load %arg16[%get3A, %get3A_30] {strides = array<i32>} : memref<640x16xf32, #tpu.memory_space<vmem>>, vector<1x16xf32>,
      %get3A_32 = vector.shape_cast %get3A_31 : vector<1x16xf32> to vector<16xf32>
      %get3A_33 = arith.index_cast %scan3A_29 : i32 to index
      %get3A_34 = arith.constant 0 : index
      %get3A_35 = tpu.vector_load %arg17[%get3A_33, %get3A_34] {strides = array<i32>} : memref<640x16xf32, #tpu.memory_space<vmem>>, vector<1x16xf32>,
      %get3A_36 = vector.shape_cast %get3A_35 : vector<1x16xf32> to vector<16xf32>
      %mul3A_37 = arith.mulf %get3A_32, %get3A_36 : vector<16xf32>
      %swap3A = arith.index_cast %scan3A_29 : i32 to index
      %swap3A_38 = arith.constant 0 : index
      %swap3A_39 = tpu.vector_load %arg16[%swap3A, %swap3A_38] {strides = array<i32>} : memref<640x16xf32, #tpu.memory_space<vmem>>, vector<1x16xf32>,
      %swap3A_40 = vector.shape_cast %swap3A_39 : vector<1x16xf32> to vector<16xf32>
      %swap3A_41 = vector.shape_cast %mul3A_37 : vector<16xf32> to vector<1x16xf32>
      tpu.vector_store %arg16[%swap3A, %swap3A_38], %swap3A_41 {strides = array<i32>} : memref<640x16xf32, #tpu.memory_space<vmem>>, vector<1x16xf32>,
    }
    %scan3A_14 = arith.constant 640 : i32
    "tpu.region"() ({
      %run_scoped3A_29 = tpu.sem_alloc : memref<!tpu.dma_semaphore, #tpu.memory_space<semaphore_mem>>
      %dma_start3A_30 = arith.constant 0 : i32
      %dma_start3A_31 = tpu.memref_slice %arg11[%mul3A_0, %dma_start3A_30] : memref<10240x16xf32, #tpu.memory_space<vmem_shared>> -> memref<640x16xf32, #tpu.memory_space<vmem_shared>>
      %dma_start3A_32 = arith.constant 0 : i32
      %dma_start3A_33 = tpu.memref_slice %arg11[%mul3A_0, %dma_start3A_32] : memref<10240x16xf32, #tpu.memory_space<vmem_shared>> -> memref<640x16xf32, #tpu.memory_space<vmem_shared>>
      tpu.enqueue_dma source(%arg16 : memref<640x16xf32, #tpu.memory_space<vmem>>) target(%dma_start3A_33 : memref<640x16xf32, #tpu.memory_space<vmem_shared>>) target_semaphore(%run_scoped3A_29 : memref<!tpu.dma_semaphore, #tpu.memory_space<semaphore_mem>>)
      %dma_wait3A = arith.constant 0 : i32
      %dma_wait3A_34 = tpu.memref_slice %arg11[%mul3A_0, %dma_wait3A] : memref<10240x16xf32, #tpu.memory_space<vmem_shared>> -> memref<640x16xf32, #tpu.memory_space<vmem_shared>>
      %dma_wait3A_35 = arith.constant 0 : i32
      %dma_wait3A_36 = tpu.memref_slice %arg11[%mul3A_0, %dma_wait3A_35] : memref<10240x16xf32, #tpu.memory_space<vmem_shared>> -> memref<640x16xf32, #tpu.memory_space<vmem_shared>>
      tpu.wait_dma2 semaphore(%run_scoped3A_29 : memref<!tpu.dma_semaphore, #tpu.memory_space<semaphore_mem>>) src(%arg16 : memref<640x16xf32, #tpu.memory_space<vmem>>) dst(%dma_wait3A_36 : memref<640x16xf32, #tpu.memory_space<vmem_shared>>)
      tpu.yield
    }) : () -> ()
    %barrier3A_15 = arith.constant 0 : index
    tpu.barrier barrier_id(%barrier3A_15)
    %dma_start3A = arith.constant 0 : i32
    %dma_start3A_16 = arith.constant 0 : i32
    %dma_start3A_17 = tpu.memref_slice %arg12[%dma_start3A, %dma_start3A_16] : memref<20x1000xi32, #tpu.memory_space<vmem>> -> memref<1x1000xi32, #tpu.memory_space<vmem>>
    %dma_start3A_18 = tpu.memref_squeeze %dma_start3A_17 : memref<1x1000xi32, #tpu.memory_space<vmem>> -> memref<1000xi32, #tpu.memory_space<vmem>>
    %dma_start3A_19 = arith.constant 0 : i32
    %dma_start3A_20 = arith.constant 0 : i32
    %dma_start3A_21 = tpu.memref_slice %arg11[%dma_start3A_19, %dma_start3A_20] : memref<10240x16xf32, #tpu.memory_space<vmem_shared>> -> memref<10240x16xf32, #tpu.memory_space<vmem_shared>>
    tpu.enqueue_indirect_dma source(%dma_start3A_21 : memref<10240x16xf32, #tpu.memory_space<vmem_shared>>) target(%arg14 : memref<1000x16xf32, #tpu.memory_space<vmem>>) offsets(%dma_start3A_18 : memref<1000xi32, #tpu.memory_space<vmem>>) semaphore(%arg18 : memref<!tpu.dma_semaphore, #tpu.memory_space<semaphore_mem>>)
    %scan3A_22 = arith.constant 0 : i32
    %scan3A_23 = arith.constant 0 : i32
    %scan3A_24 = arith.constant 10 : i32
    %scan3A_25 = arith.addi %scan3A_23, %scan3A_24 : i32
    %scan3A_26 = arith.constant 1 : i32
    scf.for %scan3A_29 = %scan3A_23 to %scan3A_25 step %scan3A_26  : i32 {
      %mul3A_30 = arith.constant 2 : i32
      %mul3A_31 = arith.muli %mul3A_30, %scan3A_29 : i32
      %add3A = arith.constant 1 : i32
      %add3A_32 = arith.addi %mul3A_31, %add3A : i32
      %dma_start3A_33 = arith.constant 0 : i32
      %dma_start3A_34 = tpu.memref_slice %arg12[%add3A_32, %dma_start3A_33] : memref<20x1000xi32, #tpu.memory_space<vmem>> -> memref<1x1000xi32, #tpu.memory_space<vmem>>
      %dma_start3A_35 = tpu.memref_squeeze %dma_start3A_34 : memref<1x1000xi32, #tpu.memory_space<vmem>> -> memref<1000xi32, #tpu.memory_space<vmem>>
      %dma_start3A_36 = arith.constant 0 : i32
      %dma_start3A_37 = arith.constant 0 : i32
      %dma_start3A_38 = tpu.memref_slice %arg11[%dma_start3A_36, %dma_start3A_37] : memref<10240x16xf32, #tpu.memory_space<vmem_shared>> -> memref<10240x16xf32, #tpu.memory_space<vmem_shared>>
      tpu.enqueue_indirect_dma source(%dma_start3A_38 : memref<10240x16xf32, #tpu.memory_space<vmem_shared>>) target(%arg15 : memref<1000x16xf32, #tpu.memory_space<vmem>>) offsets(%dma_start3A_35 : memref<1000xi32, #tpu.memory_space<vmem>>) semaphore(%arg19 : memref<!tpu.dma_semaphore, #tpu.memory_space<semaphore_mem>>)
      %dma_wait3A = arith.constant 0 : i32
      %dma_wait3A_39 = tpu.memref_slice %arg12[%mul3A_31, %dma_wait3A] : memref<20x1000xi32, #tpu.memory_space<vmem>> -> memref<1x1000xi32, #tpu.memory_space<vmem>>
      %dma_wait3A_40 = tpu.memref_squeeze %dma_wait3A_39 : memref<1x1000xi32, #tpu.memory_space<vmem>> -> memref<1000xi32, #tpu.memory_space<vmem>>
      %dma_wait3A_41 = arith.constant 0 : i32
      %dma_wait3A_42 = arith.constant 0 : i32
      %dma_wait3A_43 = tpu.memref_slice %arg11[%dma_wait3A_41, %dma_wait3A_42] : memref<10240x16xf32, #tpu.memory_space<vmem_shared>> -> memref<10240x16xf32, #tpu.memory_space<vmem_shared>>
      tpu.wait_indirect_dma semaphore(%arg18 : memref<!tpu.dma_semaphore, #tpu.memory_space<semaphore_mem>>) src(%dma_wait3A_43 : memref<10240x16xf32, #tpu.memory_space<vmem_shared>>) dst(%arg14 : memref<1000x16xf32, #tpu.memory_space<vmem>>)
      %lt3A = arith.constant 9 : i32
      %lt3A_44 = arith.cmpi slt, %scan3A_29, %lt3A : i32
      %convert_element_type3A_45 = arith.extui %lt3A_44 : i1 to i32
      %cond3A_46 = arith.constant 0 : i32
      %cond3A_47 = arith.cmpi ne, %convert_element_type3A_45, %cond3A_46 : i32
      scf.if %cond3A_47 {
        %add3A_56 = arith.constant 2 : i32
        %add3A_57 = arith.addi %mul3A_31, %add3A_56 : i32
        %dma_start3A_58 = arith.constant 0 : i32
        %dma_start3A_59 = tpu.memref_slice %arg12[%add3A_57, %dma_start3A_58] : memref<20x1000xi32, #tpu.memory_space<vmem>> -> memref<1x1000xi32, #tpu.memory_space<vmem>>
        %dma_start3A_60 = tpu.memref_squeeze %dma_start3A_59 : memref<1x1000xi32, #tpu.memory_space<vmem>> -> memref<1000xi32, #tpu.memory_space<vmem>>
        %dma_start3A_61 = arith.constant 0 : i32
        %dma_start3A_62 = arith.constant 0 : i32
        %dma_start3A_63 = tpu.memref_slice %arg11[%dma_start3A_61, %dma_start3A_62] : memref<10240x16xf32, #tpu.memory_space<vmem_shared>> -> memref<10240x16xf32, #tpu.memory_space<vmem_shared>>
        tpu.enqueue_indirect_dma source(%dma_start3A_63 : memref<10240x16xf32, #tpu.memory_space<vmem_shared>>) target(%arg14 : memref<1000x16xf32, #tpu.memory_space<vmem>>) offsets(%dma_start3A_60 : memref<1000xi32, #tpu.memory_space<vmem>>) semaphore(%arg18 : memref<!tpu.dma_semaphore, #tpu.memory_space<semaphore_mem>>)
      } else {
      }
      %add3A_48 = arith.constant 1 : i32
      %add3A_49 = arith.addi %mul3A_31, %add3A_48 : i32
      %dma_wait3A_50 = arith.constant 0 : i32
      %dma_wait3A_51 = tpu.memref_slice %arg12[%add3A_49, %dma_wait3A_50] : memref<20x1000xi32, #tpu.memory_space<vmem>> -> memref<1x1000xi32, #tpu.memory_space<vmem>>
      %dma_wait3A_52 = tpu.memref_squeeze %dma_wait3A_51 : memref<1x1000xi32, #tpu.memory_space<vmem>> -> memref<1000xi32, #tpu.memory_space<vmem>>
      %dma_wait3A_53 = arith.constant 0 : i32
      %dma_wait3A_54 = arith.constant 0 : i32
      %dma_wait3A_55 = tpu.memref_slice %arg11[%dma_wait3A_53, %dma_wait3A_54] : memref<10240x16xf32, #tpu.memory_space<vmem_shared>> -> memref<10240x16xf32, #tpu.memory_space<vmem_shared>>
      tpu.wait_indirect_dma semaphore(%arg19 : memref<!tpu.dma_semaphore, #tpu.memory_space<semaphore_mem>>) src(%dma_wait3A_55 : memref<10240x16xf32, #tpu.memory_space<vmem_shared>>) dst(%arg15 : memref<1000x16xf32, #tpu.memory_space<vmem>>)
    }
    %scan3A_27 = arith.constant 10 : i32
    %barrier3A_28 = arith.constant 0 : index
    tpu.barrier barrier_id(%barrier3A_28)
    "tpu.region"() ({
      %run_scoped3A_29 = tpu.sem_alloc : memref<!tpu.dma_semaphore, #tpu.memory_space<semaphore_mem>>
      %dma_start3A_30 = arith.constant 0 : i32
      %dma_start3A_31 = tpu.memref_slice %arg8[%arg0, %mul3A_0, %dma_start3A_30] : memref<2x10240x16xf32, #tpu.memory_space<hbm>> -> memref<1x640x16xf32, #tpu.memory_space<hbm>>
      %dma_start3A_32 = tpu.memref_squeeze %dma_start3A_31 : memref<1x640x16xf32, #tpu.memory_space<hbm>> -> memref<640x16xf32, #tpu.memory_space<hbm>>
      %dma_start3A_33 = arith.constant 0 : i32
      %dma_start3A_34 = tpu.memref_slice %arg10[%mul3A_0, %dma_start3A_33] : memref<10240x16xf32, #tpu.memory_space<vmem_shared>> -> memref<640x16xf32, #tpu.memory_space<vmem_shared>>
      tpu.enqueue_dma source(%dma_start3A_34 : memref<640x16xf32, #tpu.memory_space<vmem_shared>>) target(%dma_start3A_32 : memref<640x16xf32, #tpu.memory_space<hbm>>) target_semaphore(%run_scoped3A_29 : memref<!tpu.dma_semaphore, #tpu.memory_space<semaphore_mem>>)
      %dma_wait3A = arith.constant 0 : i32
      %dma_wait3A_35 = tpu.memref_slice %arg8[%arg0, %mul3A_0, %dma_wait3A] : memref<2x10240x16xf32, #tpu.memory_space<hbm>> -> memref<1x640x16xf32, #tpu.memory_space<hbm>>
      %dma_wait3A_36 = tpu.memref_squeeze %dma_wait3A_35 : memref<1x640x16xf32, #tpu.memory_space<hbm>> -> memref<640x16xf32, #tpu.memory_space<hbm>>
      %dma_wait3A_37 = arith.constant 0 : i32
      %dma_wait3A_38 = tpu.memref_slice %arg10[%mul3A_0, %dma_wait3A_37] : memref<10240x16xf32, #tpu.memory_space<vmem_shared>> -> memref<640x16xf32, #tpu.memory_space<vmem_shared>>
      tpu.wait_dma2 semaphore(%run_scoped3A_29 : memref<!tpu.dma_semaphore, #tpu.memory_space<semaphore_mem>>) src(%dma_wait3A_38 : memref<640x16xf32, #tpu.memory_space<vmem_shared>>) dst(%dma_wait3A_36 : memref<640x16xf32, #tpu.memory_space<hbm>>)
      tpu.yield
    }) : () -> ()
    return
  }
}

#map = affine_map<(d0, d1) -> (0, 0, 0, 0)>
#map1 = affine_map<(d0, d1) -> (0)>
#map2 = affine_map<(d0, d1) -> (0, 0)>
#map3 = affine_map<(d0, d1) -> (0, 0, 0)>
module attributes {stable_mosaic.version = 14 : i64} {
  func.func @_degrees_sc(%arg0: i32, %arg1: i32, %arg2: memref<2x16x20x1000xi32, #tpu.memory_space<hbm>>, %arg3: memref<1000xf32, #tpu.memory_space<hbm>>, %arg4: memref<2x10240xf32, #tpu.memory_space<hbm>>, %arg5: memref<2x2x10240xf32, #tpu.memory_space<hbm>>, %arg6: memref<10240xf32, #tpu.memory_space<vmem_shared>>, %arg7: memref<10240xf32, #tpu.memory_space<vmem_shared>>, %arg8: memref<10x1000xi32, #tpu.memory_space<vmem>>, %arg9: memref<10x1000xi32, #tpu.memory_space<vmem>>, %arg10: memref<1000xf32, #tpu.memory_space<vmem>>) attributes {dimension_semantics = [#tpu.dimension_semantics<core_parallel>, #tpu.dimension_semantics<subcore_parallel>], iteration_bounds = array<i64: 2, 16>, scalar_prefetch = 0 : i64, scratch_operands = 5 : i64, tpu.core_type = #tpu.core_type<sc_vector_subcore>, window_params = [{transform_indices = #map}, {transform_indices = #map1}, {transform_indices = #map2}, {transform_indices = #map3}]} {
    %mul3A = arith.constant 640 : i32
    %mul3A_0 = arith.muli %arg1, %mul3A : i32
    %run_scoped3A = arith.constant 0 : i32
    "tpu.region"() ({
      %run_scoped3A_16 = tpu.sem_alloc : memref<!tpu.dma_semaphore, #tpu.memory_space<semaphore_mem>>
      %dma_start3A = tpu.memref_slice %arg6[%mul3A_0] : memref<10240xf32, #tpu.memory_space<vmem_shared>> -> memref<640xf32, #tpu.memory_space<vmem_shared>>
      %dma_start3A_17 = tpu.memref_slice %arg4[%run_scoped3A, %mul3A_0] : memref<2x10240xf32, #tpu.memory_space<hbm>> -> memref<1x640xf32, #tpu.memory_space<hbm>>
      %dma_start3A_18 = tpu.memref_squeeze %dma_start3A_17 : memref<1x640xf32, #tpu.memory_space<hbm>> -> memref<640xf32, #tpu.memory_space<hbm>>
      tpu.enqueue_dma source(%dma_start3A_18 : memref<640xf32, #tpu.memory_space<hbm>>) target(%dma_start3A : memref<640xf32, #tpu.memory_space<vmem_shared>>) target_semaphore(%run_scoped3A_16 : memref<!tpu.dma_semaphore, #tpu.memory_space<semaphore_mem>>)
      %dma_wait3A = tpu.memref_slice %arg6[%mul3A_0] : memref<10240xf32, #tpu.memory_space<vmem_shared>> -> memref<640xf32, #tpu.memory_space<vmem_shared>>
      %dma_wait3A_19 = tpu.memref_slice %arg4[%run_scoped3A, %mul3A_0] : memref<2x10240xf32, #tpu.memory_space<hbm>> -> memref<1x640xf32, #tpu.memory_space<hbm>>
      %dma_wait3A_20 = tpu.memref_squeeze %dma_wait3A_19 : memref<1x640xf32, #tpu.memory_space<hbm>> -> memref<640xf32, #tpu.memory_space<hbm>>
      tpu.wait_dma2 semaphore(%run_scoped3A_16 : memref<!tpu.dma_semaphore, #tpu.memory_space<semaphore_mem>>) src(%dma_wait3A_20 : memref<640xf32, #tpu.memory_space<hbm>>) dst(%dma_wait3A : memref<640xf32, #tpu.memory_space<vmem_shared>>)
      tpu.yield
    }) : () -> ()
    %run_scoped3A_1 = arith.constant 1 : i32
    "tpu.region"() ({
      %run_scoped3A_16 = tpu.sem_alloc : memref<!tpu.dma_semaphore, #tpu.memory_space<semaphore_mem>>
      %dma_start3A = tpu.memref_slice %arg7[%mul3A_0] : memref<10240xf32, #tpu.memory_space<vmem_shared>> -> memref<640xf32, #tpu.memory_space<vmem_shared>>
      %dma_start3A_17 = tpu.memref_slice %arg4[%run_scoped3A_1, %mul3A_0] : memref<2x10240xf32, #tpu.memory_space<hbm>> -> memref<1x640xf32, #tpu.memory_space<hbm>>
      %dma_start3A_18 = tpu.memref_squeeze %dma_start3A_17 : memref<1x640xf32, #tpu.memory_space<hbm>> -> memref<640xf32, #tpu.memory_space<hbm>>
      tpu.enqueue_dma source(%dma_start3A_18 : memref<640xf32, #tpu.memory_space<hbm>>) target(%dma_start3A : memref<640xf32, #tpu.memory_space<vmem_shared>>) target_semaphore(%run_scoped3A_16 : memref<!tpu.dma_semaphore, #tpu.memory_space<semaphore_mem>>)
      %dma_wait3A = tpu.memref_slice %arg7[%mul3A_0] : memref<10240xf32, #tpu.memory_space<vmem_shared>> -> memref<640xf32, #tpu.memory_space<vmem_shared>>
      %dma_wait3A_19 = tpu.memref_slice %arg4[%run_scoped3A_1, %mul3A_0] : memref<2x10240xf32, #tpu.memory_space<hbm>> -> memref<1x640xf32, #tpu.memory_space<hbm>>
      %dma_wait3A_20 = tpu.memref_squeeze %dma_wait3A_19 : memref<1x640xf32, #tpu.memory_space<hbm>> -> memref<640xf32, #tpu.memory_space<hbm>>
      tpu.wait_dma2 semaphore(%run_scoped3A_16 : memref<!tpu.dma_semaphore, #tpu.memory_space<semaphore_mem>>) src(%dma_wait3A_20 : memref<640xf32, #tpu.memory_space<hbm>>) dst(%dma_wait3A : memref<640xf32, #tpu.memory_space<vmem_shared>>)
      tpu.yield
    }) : () -> ()
    %mul3A_2 = arith.constant 10 : i32
    %mul3A_3 = arith.muli %arg0, %mul3A_2 : i32
    %run_scoped3A_4 = arith.constant 0 : i32
    "tpu.region"() ({
      %run_scoped3A_16 = tpu.sem_alloc : memref<!tpu.dma_semaphore, #tpu.memory_space<semaphore_mem>>
      %dma_start3A = arith.constant 0 : i32
      %dma_start3A_17 = tpu.memref_slice %arg2[%run_scoped3A_4, %arg1, %mul3A_3, %dma_start3A] : memref<2x16x20x1000xi32, #tpu.memory_space<hbm>> -> memref<1x1x10x1000xi32, #tpu.memory_space<hbm>>
      %dma_start3A_18 = tpu.memref_squeeze %dma_start3A_17 : memref<1x1x10x1000xi32, #tpu.memory_space<hbm>> -> memref<10x1000xi32, #tpu.memory_space<hbm>>
      %dma_start3A_19 = arith.constant 0 : i32
      %dma_start3A_20 = tpu.memref_slice %arg2[%run_scoped3A_4, %arg1, %mul3A_3, %dma_start3A_19] : memref<2x16x20x1000xi32, #tpu.memory_space<hbm>> -> memref<1x1x10x1000xi32, #tpu.memory_space<hbm>>
      %dma_start3A_21 = tpu.memref_squeeze %dma_start3A_20 : memref<1x1x10x1000xi32, #tpu.memory_space<hbm>> -> memref<10x1000xi32, #tpu.memory_space<hbm>>
      tpu.enqueue_dma source(%dma_start3A_21 : memref<10x1000xi32, #tpu.memory_space<hbm>>) target(%arg8 : memref<10x1000xi32, #tpu.memory_space<vmem>>) target_semaphore(%run_scoped3A_16 : memref<!tpu.dma_semaphore, #tpu.memory_space<semaphore_mem>>)
      %dma_wait3A = arith.constant 0 : i32
      %dma_wait3A_22 = tpu.memref_slice %arg2[%run_scoped3A_4, %arg1, %mul3A_3, %dma_wait3A] : memref<2x16x20x1000xi32, #tpu.memory_space<hbm>> -> memref<1x1x10x1000xi32, #tpu.memory_space<hbm>>
      %dma_wait3A_23 = tpu.memref_squeeze %dma_wait3A_22 : memref<1x1x10x1000xi32, #tpu.memory_space<hbm>> -> memref<10x1000xi32, #tpu.memory_space<hbm>>
      %dma_wait3A_24 = arith.constant 0 : i32
      %dma_wait3A_25 = tpu.memref_slice %arg2[%run_scoped3A_4, %arg1, %mul3A_3, %dma_wait3A_24] : memref<2x16x20x1000xi32, #tpu.memory_space<hbm>> -> memref<1x1x10x1000xi32, #tpu.memory_space<hbm>>
      %dma_wait3A_26 = tpu.memref_squeeze %dma_wait3A_25 : memref<1x1x10x1000xi32, #tpu.memory_space<hbm>> -> memref<10x1000xi32, #tpu.memory_space<hbm>>
      tpu.wait_dma2 semaphore(%run_scoped3A_16 : memref<!tpu.dma_semaphore, #tpu.memory_space<semaphore_mem>>) src(%dma_wait3A_26 : memref<10x1000xi32, #tpu.memory_space<hbm>>) dst(%arg8 : memref<10x1000xi32, #tpu.memory_space<vmem>>)
      tpu.yield
    }) : () -> ()
    %mul3A_5 = arith.constant 10 : i32
    %mul3A_6 = arith.muli %arg0, %mul3A_5 : i32
    %run_scoped3A_7 = arith.constant 1 : i32
    "tpu.region"() ({
      %run_scoped3A_16 = tpu.sem_alloc : memref<!tpu.dma_semaphore, #tpu.memory_space<semaphore_mem>>
      %dma_start3A = arith.constant 0 : i32
      %dma_start3A_17 = tpu.memref_slice %arg2[%run_scoped3A_7, %arg1, %mul3A_6, %dma_start3A] : memref<2x16x20x1000xi32, #tpu.memory_space<hbm>> -> memref<1x1x10x1000xi32, #tpu.memory_space<hbm>>
      %dma_start3A_18 = tpu.memref_squeeze %dma_start3A_17 : memref<1x1x10x1000xi32, #tpu.memory_space<hbm>> -> memref<10x1000xi32, #tpu.memory_space<hbm>>
      %dma_start3A_19 = arith.constant 0 : i32
      %dma_start3A_20 = tpu.memref_slice %arg2[%run_scoped3A_7, %arg1, %mul3A_6, %dma_start3A_19] : memref<2x16x20x1000xi32, #tpu.memory_space<hbm>> -> memref<1x1x10x1000xi32, #tpu.memory_space<hbm>>
      %dma_start3A_21 = tpu.memref_squeeze %dma_start3A_20 : memref<1x1x10x1000xi32, #tpu.memory_space<hbm>> -> memref<10x1000xi32, #tpu.memory_space<hbm>>
      tpu.enqueue_dma source(%dma_start3A_21 : memref<10x1000xi32, #tpu.memory_space<hbm>>) target(%arg9 : memref<10x1000xi32, #tpu.memory_space<vmem>>) target_semaphore(%run_scoped3A_16 : memref<!tpu.dma_semaphore, #tpu.memory_space<semaphore_mem>>)
      %dma_wait3A = arith.constant 0 : i32
      %dma_wait3A_22 = tpu.memref_slice %arg2[%run_scoped3A_7, %arg1, %mul3A_6, %dma_wait3A] : memref<2x16x20x1000xi32, #tpu.memory_space<hbm>> -> memref<1x1x10x1000xi32, #tpu.memory_space<hbm>>
      %dma_wait3A_23 = tpu.memref_squeeze %dma_wait3A_22 : memref<1x1x10x1000xi32, #tpu.memory_space<hbm>> -> memref<10x1000xi32, #tpu.memory_space<hbm>>
      %dma_wait3A_24 = arith.constant 0 : i32
      %dma_wait3A_25 = tpu.memref_slice %arg2[%run_scoped3A_7, %arg1, %mul3A_6, %dma_wait3A_24] : memref<2x16x20x1000xi32, #tpu.memory_space<hbm>> -> memref<1x1x10x1000xi32, #tpu.memory_space<hbm>>
      %dma_wait3A_26 = tpu.memref_squeeze %dma_wait3A_25 : memref<1x1x10x1000xi32, #tpu.memory_space<hbm>> -> memref<10x1000xi32, #tpu.memory_space<hbm>>
      tpu.wait_dma2 semaphore(%run_scoped3A_16 : memref<!tpu.dma_semaphore, #tpu.memory_space<semaphore_mem>>) src(%dma_wait3A_26 : memref<10x1000xi32, #tpu.memory_space<hbm>>) dst(%arg9 : memref<10x1000xi32, #tpu.memory_space<vmem>>)
      tpu.yield
    }) : () -> ()
    "tpu.region"() ({
      %run_scoped3A_16 = tpu.sem_alloc : memref<!tpu.dma_semaphore, #tpu.memory_space<semaphore_mem>>
      tpu.enqueue_dma source(%arg3 : memref<1000xf32, #tpu.memory_space<hbm>>) target(%arg10 : memref<1000xf32, #tpu.memory_space<vmem>>) target_semaphore(%run_scoped3A_16 : memref<!tpu.dma_semaphore, #tpu.memory_space<semaphore_mem>>)
      tpu.wait_dma2 semaphore(%run_scoped3A_16 : memref<!tpu.dma_semaphore, #tpu.memory_space<semaphore_mem>>) src(%arg3 : memref<1000xf32, #tpu.memory_space<hbm>>) dst(%arg10 : memref<1000xf32, #tpu.memory_space<vmem>>)
      tpu.yield
    }) : () -> ()
    %barrier3A = arith.constant 0 : index
    tpu.barrier barrier_id(%barrier3A)
    %scan3A = arith.constant 0 : i32
    %scan3A_8 = arith.constant 0 : i32
    %scan3A_9 = arith.constant 10 : i32
    %scan3A_10 = arith.addi %scan3A_8, %scan3A_9 : i32
    %scan3A_11 = arith.constant 1 : i32
    scf.for %scan3A_16 = %scan3A_8 to %scan3A_10 step %scan3A_11  : i32 {
      "tpu.region"() ({
        %run_scoped3A_17 = tpu.sem_alloc : memref<!tpu.dma_semaphore, #tpu.memory_space<semaphore_mem>>
        %dma_start3A = arith.constant 0 : i32
        %dma_start3A_18 = tpu.memref_slice %arg8[%scan3A_16, %dma_start3A] : memref<10x1000xi32, #tpu.memory_space<vmem>> -> memref<1x1000xi32, #tpu.memory_space<vmem>>
        %dma_start3A_19 = tpu.memref_squeeze %dma_start3A_18 : memref<1x1000xi32, #tpu.memory_space<vmem>> -> memref<1000xi32, #tpu.memory_space<vmem>>
        %dma_start3A_20 = arith.constant 0 : i32
        %dma_start3A_21 = tpu.memref_slice %arg6[%dma_start3A_20] : memref<10240xf32, #tpu.memory_space<vmem_shared>> -> memref<10240xf32, #tpu.memory_space<vmem_shared>>
        tpu.enqueue_indirect_dma source(%arg10 : memref<1000xf32, #tpu.memory_space<vmem>>) target(%dma_start3A_21 : memref<10240xf32, #tpu.memory_space<vmem_shared>>) offsets(%dma_start3A_19 : memref<1000xi32, #tpu.memory_space<vmem>>) semaphore(%run_scoped3A_17 : memref<!tpu.dma_semaphore, #tpu.memory_space<semaphore_mem>>) {add = true}
        %dma_wait3A = arith.constant 0 : i32
        %dma_wait3A_22 = tpu.memref_slice %arg8[%scan3A_16, %dma_wait3A] : memref<10x1000xi32, #tpu.memory_space<vmem>> -> memref<1x1000xi32, #tpu.memory_space<vmem>>
        %dma_wait3A_23 = tpu.memref_squeeze %dma_wait3A_22 : memref<1x1000xi32, #tpu.memory_space<vmem>> -> memref<1000xi32, #tpu.memory_space<vmem>>
        %dma_wait3A_24 = arith.constant 0 : i32
        %dma_wait3A_25 = tpu.memref_slice %arg6[%dma_wait3A_24] : memref<10240xf32, #tpu.memory_space<vmem_shared>> -> memref<10240xf32, #tpu.memory_space<vmem_shared>>
        tpu.wait_indirect_dma semaphore(%run_scoped3A_17 : memref<!tpu.dma_semaphore, #tpu.memory_space<semaphore_mem>>) src(%arg10 : memref<1000xf32, #tpu.memory_space<vmem>>) dst(%dma_wait3A_25 : memref<10240xf32, #tpu.memory_space<vmem_shared>>)
        tpu.yield
      }) : () -> ()
      "tpu.region"() ({
        %run_scoped3A_17 = tpu.sem_alloc : memref<!tpu.dma_semaphore, #tpu.memory_space<semaphore_mem>>
        %dma_start3A = arith.constant 0 : i32
        %dma_start3A_18 = tpu.memref_slice %arg9[%scan3A_16, %dma_start3A] : memref<10x1000xi32, #tpu.memory_space<vmem>> -> memref<1x1000xi32, #tpu.memory_space<vmem>>
        %dma_start3A_19 = tpu.memref_squeeze %dma_start3A_18 : memref<1x1000xi32, #tpu.memory_space<vmem>> -> memref<1000xi32, #tpu.memory_space<vmem>>
        %dma_start3A_20 = arith.constant 0 : i32
        %dma_start3A_21 = tpu.memref_slice %arg7[%dma_start3A_20] : memref<10240xf32, #tpu.memory_space<vmem_shared>> -> memref<10240xf32, #tpu.memory_space<vmem_shared>>
        tpu.enqueue_indirect_dma source(%arg10 : memref<1000xf32, #tpu.memory_space<vmem>>) target(%dma_start3A_21 : memref<10240xf32, #tpu.memory_space<vmem_shared>>) offsets(%dma_start3A_19 : memref<1000xi32, #tpu.memory_space<vmem>>) semaphore(%run_scoped3A_17 : memref<!tpu.dma_semaphore, #tpu.memory_space<semaphore_mem>>) {add = true}
        %dma_wait3A = arith.constant 0 : i32
        %dma_wait3A_22 = tpu.memref_slice %arg9[%scan3A_16, %dma_wait3A] : memref<10x1000xi32, #tpu.memory_space<vmem>> -> memref<1x1000xi32, #tpu.memory_space<vmem>>
        %dma_wait3A_23 = tpu.memref_squeeze %dma_wait3A_22 : memref<1x1000xi32, #tpu.memory_space<vmem>> -> memref<1000xi32, #tpu.memory_space<vmem>>
        %dma_wait3A_24 = arith.constant 0 : i32
        %dma_wait3A_25 = tpu.memref_slice %arg7[%dma_wait3A_24] : memref<10240xf32, #tpu.memory_space<vmem_shared>> -> memref<10240xf32, #tpu.memory_space<vmem_shared>>
        tpu.wait_indirect_dma semaphore(%run_scoped3A_17 : memref<!tpu.dma_semaphore, #tpu.memory_space<semaphore_mem>>) src(%arg10 : memref<1000xf32, #tpu.memory_space<vmem>>) dst(%dma_wait3A_25 : memref<10240xf32, #tpu.memory_space<vmem_shared>>)
        tpu.yield
      }) : () -> ()
    }
    %scan3A_12 = arith.constant 10 : i32
    %barrier3A_13 = arith.constant 0 : index
    tpu.barrier barrier_id(%barrier3A_13)
    %run_scoped3A_14 = arith.constant 0 : i32
    "tpu.region"() ({
      %run_scoped3A_16 = tpu.sem_alloc : memref<!tpu.dma_semaphore, #tpu.memory_space<semaphore_mem>>
      %dma_start3A = tpu.memref_slice %arg5[%arg0, %run_scoped3A_14, %mul3A_0] : memref<2x2x10240xf32, #tpu.memory_space<hbm>> -> memref<1x1x640xf32, #tpu.memory_space<hbm>>
      %dma_start3A_17 = tpu.memref_squeeze %dma_start3A : memref<1x1x640xf32, #tpu.memory_space<hbm>> -> memref<640xf32, #tpu.memory_space<hbm>>
      %dma_start3A_18 = tpu.memref_slice %arg6[%mul3A_0] : memref<10240xf32, #tpu.memory_space<vmem_shared>> -> memref<640xf32, #tpu.memory_space<vmem_shared>>
      tpu.enqueue_dma source(%dma_start3A_18 : memref<640xf32, #tpu.memory_space<vmem_shared>>) target(%dma_start3A_17 : memref<640xf32, #tpu.memory_space<hbm>>) target_semaphore(%run_scoped3A_16 : memref<!tpu.dma_semaphore, #tpu.memory_space<semaphore_mem>>)
      %dma_wait3A = tpu.memref_slice %arg5[%arg0, %run_scoped3A_14, %mul3A_0] : memref<2x2x10240xf32, #tpu.memory_space<hbm>> -> memref<1x1x640xf32, #tpu.memory_space<hbm>>
      %dma_wait3A_19 = tpu.memref_squeeze %dma_wait3A : memref<1x1x640xf32, #tpu.memory_space<hbm>> -> memref<640xf32, #tpu.memory_space<hbm>>
      %dma_wait3A_20 = tpu.memref_slice %arg6[%mul3A_0] : memref<10240xf32, #tpu.memory_space<vmem_shared>> -> memref<640xf32, #tpu.memory_space<vmem_shared>>
      tpu.wait_dma2 semaphore(%run_scoped3A_16 : memref<!tpu.dma_semaphore, #tpu.memory_space<semaphore_mem>>) src(%dma_wait3A_20 : memref<640xf32, #tpu.memory_space<vmem_shared>>) dst(%dma_wait3A_19 : memref<640xf32, #tpu.memory_space<hbm>>)
      tpu.yield
    }) : () -> ()
    %run_scoped3A_15 = arith.constant 1 : i32
    "tpu.region"() ({
      %run_scoped3A_16 = tpu.sem_alloc : memref<!tpu.dma_semaphore, #tpu.memory_space<semaphore_mem>>
      %dma_start3A = tpu.memref_slice %arg5[%arg0, %run_scoped3A_15, %mul3A_0] : memref<2x2x10240xf32, #tpu.memory_space<hbm>> -> memref<1x1x640xf32, #tpu.memory_space<hbm>>
      %dma_start3A_17 = tpu.memref_squeeze %dma_start3A : memref<1x1x640xf32, #tpu.memory_space<hbm>> -> memref<640xf32, #tpu.memory_space<hbm>>
      %dma_start3A_18 = tpu.memref_slice %arg7[%mul3A_0] : memref<10240xf32, #tpu.memory_space<vmem_shared>> -> memref<640xf32, #tpu.memory_space<vmem_shared>>
      tpu.enqueue_dma source(%dma_start3A_18 : memref<640xf32, #tpu.memory_space<vmem_shared>>) target(%dma_start3A_17 : memref<640xf32, #tpu.memory_space<hbm>>) target_semaphore(%run_scoped3A_16 : memref<!tpu.dma_semaphore, #tpu.memory_space<semaphore_mem>>)
      %dma_wait3A = tpu.memref_slice %arg5[%arg0, %run_scoped3A_15, %mul3A_0] : memref<2x2x10240xf32, #tpu.memory_space<hbm>> -> memref<1x1x640xf32, #tpu.memory_space<hbm>>
      %dma_wait3A_19 = tpu.memref_squeeze %dma_wait3A : memref<1x1x640xf32, #tpu.memory_space<hbm>> -> memref<640xf32, #tpu.memory_space<hbm>>
      %dma_wait3A_20 = tpu.memref_slice %arg7[%mul3A_0] : memref<10240xf32, #tpu.memory_space<vmem_shared>> -> memref<640xf32, #tpu.memory_space<vmem_shared>>
      tpu.wait_dma2 semaphore(%run_scoped3A_16 : memref<!tpu.dma_semaphore, #tpu.memory_space<semaphore_mem>>) src(%dma_wait3A_20 : memref<640xf32, #tpu.memory_space<vmem_shared>>) dst(%dma_wait3A_19 : memref<640xf32, #tpu.memory_space<hbm>>)
      tpu.yield
    }) : () -> ()
    return
  }
}

#map = affine_map<(d0, d1) -> (0, 0)>
#map1 = affine_map<(d0, d1) -> (0, 0, 0, 0)>
#map2 = affine_map<(d0, d1) -> (0, 0, 0)>
module attributes {stable_mosaic.version = 14 : i64} {
  func.func @_round_sc(%arg0: i32, %arg1: i32, %arg2: memref<10240x16xf32, #tpu.memory_space<hbm>>, %arg3: memref<10240x16xf32, #tpu.memory_space<hbm>>, %arg4: memref<2x16x20x1000xi32, #tpu.memory_space<hbm>>, %arg5: memref<10240x16xf32, #tpu.memory_space<hbm>>, %arg6: memref<10240x16xf32, #tpu.memory_space<hbm>>, %arg7: memref<2x10240x16xf32, #tpu.memory_space<hbm>>, %arg8: memref<2x10240x16xf32, #tpu.memory_space<hbm>>, %arg9: memref<10240x16xf32, #tpu.memory_space<vmem_shared>>, %arg10: memref<10240x16xf32, #tpu.memory_space<vmem_shared>>, %arg11: memref<10240x16xf32, #tpu.memory_space<vmem_shared>>, %arg12: memref<20x1000xi32, #tpu.memory_space<vmem>>, %arg13: memref<20x1000xi32, #tpu.memory_space<vmem>>, %arg14: memref<1000x16xf32, #tpu.memory_space<vmem>>, %arg15: memref<1000x16xf32, #tpu.memory_space<vmem>>, %arg16: memref<640x16xf32, #tpu.memory_space<vmem>>, %arg17: memref<640x16xf32, #tpu.memory_space<vmem>>, %arg18: memref<!tpu.dma_semaphore, #tpu.memory_space<semaphore_mem>>, %arg19: memref<!tpu.dma_semaphore, #tpu.memory_space<semaphore_mem>>) attributes {dimension_semantics = [#tpu.dimension_semantics<core_parallel>, #tpu.dimension_semantics<subcore_parallel>], iteration_bounds = array<i64: 2, 16>, scalar_prefetch = 0 : i64, scratch_operands = 11 : i64, tpu.core_type = #tpu.core_type<sc_vector_subcore>, window_params = [{transform_indices = #map}, {transform_indices = #map}, {transform_indices = #map1}, {transform_indices = #map}, {transform_indices = #map}, {transform_indices = #map2}, {transform_indices = #map2}]} {
    %mul3A = arith.constant 640 : i32
    %mul3A_0 = arith.muli %arg1, %mul3A : i32
    "tpu.region"() ({
      %run_scoped3A_29 = tpu.sem_alloc : memref<!tpu.dma_semaphore, #tpu.memory_space<semaphore_mem>>
      %dma_start3A_30 = arith.constant 0 : i32
      %dma_start3A_31 = tpu.memref_slice %arg9[%mul3A_0, %dma_start3A_30] : memref<10240x16xf32, #tpu.memory_space<vmem_shared>> -> memref<640x16xf32, #tpu.memory_space<vmem_shared>>
      %dma_start3A_32 = arith.constant 0 : i32
      %dma_start3A_33 = tpu.memref_slice %arg6[%mul3A_0, %dma_start3A_32] : memref<10240x16xf32, #tpu.memory_space<hbm>> -> memref<640x16xf32, #tpu.memory_space<hbm>>
      tpu.enqueue_dma source(%dma_start3A_33 : memref<640x16xf32, #tpu.memory_space<hbm>>) target(%dma_start3A_31 : memref<640x16xf32, #tpu.memory_space<vmem_shared>>) target_semaphore(%run_scoped3A_29 : memref<!tpu.dma_semaphore, #tpu.memory_space<semaphore_mem>>)
      %dma_wait3A = arith.constant 0 : i32
      %dma_wait3A_34 = tpu.memref_slice %arg9[%mul3A_0, %dma_wait3A] : memref<10240x16xf32, #tpu.memory_space<vmem_shared>> -> memref<640x16xf32, #tpu.memory_space<vmem_shared>>
      %dma_wait3A_35 = arith.constant 0 : i32
      %dma_wait3A_36 = tpu.memref_slice %arg6[%mul3A_0, %dma_wait3A_35] : memref<10240x16xf32, #tpu.memory_space<hbm>> -> memref<640x16xf32, #tpu.memory_space<hbm>>
      tpu.wait_dma2 semaphore(%run_scoped3A_29 : memref<!tpu.dma_semaphore, #tpu.memory_space<semaphore_mem>>) src(%dma_wait3A_36 : memref<640x16xf32, #tpu.memory_space<hbm>>) dst(%dma_wait3A_34 : memref<640x16xf32, #tpu.memory_space<vmem_shared>>)
      tpu.yield
    }) : () -> ()
    "tpu.region"() ({
      %run_scoped3A_29 = tpu.sem_alloc : memref<!tpu.dma_semaphore, #tpu.memory_space<semaphore_mem>>
      %dma_start3A_30 = arith.constant 0 : i32
      %dma_start3A_31 = tpu.memref_slice %arg10[%mul3A_0, %dma_start3A_30] : memref<10240x16xf32, #tpu.memory_space<vmem_shared>> -> memref<640x16xf32, #tpu.memory_space<vmem_shared>>
      %dma_start3A_32 = arith.constant 0 : i32
      %dma_start3A_33 = tpu.memref_slice %arg6[%mul3A_0, %dma_start3A_32] : memref<10240x16xf32, #tpu.memory_space<hbm>> -> memref<640x16xf32, #tpu.memory_space<hbm>>
      tpu.enqueue_dma source(%dma_start3A_33 : memref<640x16xf32, #tpu.memory_space<hbm>>) target(%dma_start3A_31 : memref<640x16xf32, #tpu.memory_space<vmem_shared>>) target_semaphore(%run_scoped3A_29 : memref<!tpu.dma_semaphore, #tpu.memory_space<semaphore_mem>>)
      %dma_wait3A = arith.constant 0 : i32
      %dma_wait3A_34 = tpu.memref_slice %arg10[%mul3A_0, %dma_wait3A] : memref<10240x16xf32, #tpu.memory_space<vmem_shared>> -> memref<640x16xf32, #tpu.memory_space<vmem_shared>>
      %dma_wait3A_35 = arith.constant 0 : i32
      %dma_wait3A_36 = tpu.memref_slice %arg6[%mul3A_0, %dma_wait3A_35] : memref<10240x16xf32, #tpu.memory_space<hbm>> -> memref<640x16xf32, #tpu.memory_space<hbm>>
      tpu.wait_dma2 semaphore(%run_scoped3A_29 : memref<!tpu.dma_semaphore, #tpu.memory_space<semaphore_mem>>) src(%dma_wait3A_36 : memref<640x16xf32, #tpu.memory_space<hbm>>) dst(%dma_wait3A_34 : memref<640x16xf32, #tpu.memory_space<vmem_shared>>)
      tpu.yield
    }) : () -> ()
    %run_scoped3A = arith.constant 0 : i32
    "tpu.region"() ({
      %run_scoped3A_29 = tpu.sem_alloc : memref<!tpu.dma_semaphore, #tpu.memory_space<semaphore_mem>>
      %dma_start3A_30 = arith.constant 0 : i32
      %dma_start3A_31 = arith.constant 0 : i32
      %dma_start3A_32 = tpu.memref_slice %arg4[%run_scoped3A, %arg1, %dma_start3A_30, %dma_start3A_31] : memref<2x16x20x1000xi32, #tpu.memory_space<hbm>> -> memref<1x1x20x1000xi32, #tpu.memory_space<hbm>>
      %dma_start3A_33 = tpu.memref_squeeze %dma_start3A_32 : memref<1x1x20x1000xi32, #tpu.memory_space<hbm>> -> memref<20x1000xi32, #tpu.memory_space<hbm>>
      %dma_start3A_34 = arith.constant 0 : i32
      %dma_start3A_35 = arith.constant 0 : i32
      %dma_start3A_36 = tpu.memref_slice %arg4[%run_scoped3A, %arg1, %dma_start3A_34, %dma_start3A_35] : memref<2x16x20x1000xi32, #tpu.memory_space<hbm>> -> memref<1x1x20x1000xi32, #tpu.memory_space<hbm>>
      %dma_start3A_37 = tpu.memref_squeeze %dma_start3A_36 : memref<1x1x20x1000xi32, #tpu.memory_space<hbm>> -> memref<20x1000xi32, #tpu.memory_space<hbm>>
      tpu.enqueue_dma source(%dma_start3A_37 : memref<20x1000xi32, #tpu.memory_space<hbm>>) target(%arg12 : memref<20x1000xi32, #tpu.memory_space<vmem>>) target_semaphore(%run_scoped3A_29 : memref<!tpu.dma_semaphore, #tpu.memory_space<semaphore_mem>>)
      %dma_wait3A = arith.constant 0 : i32
      %dma_wait3A_38 = arith.constant 0 : i32
      %dma_wait3A_39 = tpu.memref_slice %arg4[%run_scoped3A, %arg1, %dma_wait3A, %dma_wait3A_38] : memref<2x16x20x1000xi32, #tpu.memory_space<hbm>> -> memref<1x1x20x1000xi32, #tpu.memory_space<hbm>>
      %dma_wait3A_40 = tpu.memref_squeeze %dma_wait3A_39 : memref<1x1x20x1000xi32, #tpu.memory_space<hbm>> -> memref<20x1000xi32, #tpu.memory_space<hbm>>
      %dma_wait3A_41 = arith.constant 0 : i32
      %dma_wait3A_42 = arith.constant 0 : i32
      %dma_wait3A_43 = tpu.memref_slice %arg4[%run_scoped3A, %arg1, %dma_wait3A_41, %dma_wait3A_42] : memref<2x16x20x1000xi32, #tpu.memory_space<hbm>> -> memref<1x1x20x1000xi32, #tpu.memory_space<hbm>>
      %dma_wait3A_44 = tpu.memref_squeeze %dma_wait3A_43 : memref<1x1x20x1000xi32, #tpu.memory_space<hbm>> -> memref<20x1000xi32, #tpu.memory_space<hbm>>
      tpu.wait_dma2 semaphore(%run_scoped3A_29 : memref<!tpu.dma_semaphore, #tpu.memory_space<semaphore_mem>>) src(%dma_wait3A_44 : memref<20x1000xi32, #tpu.memory_space<hbm>>) dst(%arg12 : memref<20x1000xi32, #tpu.memory_space<vmem>>)
      tpu.yield
    }) : () -> ()
    %run_scoped3A_1 = arith.constant 1 : i32
    "tpu.region"() ({
      %run_scoped3A_29 = tpu.sem_alloc : memref<!tpu.dma_semaphore, #tpu.memory_space<semaphore_mem>>
      %dma_start3A_30 = arith.constant 0 : i32
      %dma_start3A_31 = arith.constant 0 : i32
      %dma_start3A_32 = tpu.memref_slice %arg4[%run_scoped3A_1, %arg1, %dma_start3A_30, %dma_start3A_31] : memref<2x16x20x1000xi32, #tpu.memory_space<hbm>> -> memref<1x1x20x1000xi32, #tpu.memory_space<hbm>>
      %dma_start3A_33 = tpu.memref_squeeze %dma_start3A_32 : memref<1x1x20x1000xi32, #tpu.memory_space<hbm>> -> memref<20x1000xi32, #tpu.memory_space<hbm>>
      %dma_start3A_34 = arith.constant 0 : i32
      %dma_start3A_35 = arith.constant 0 : i32
      %dma_start3A_36 = tpu.memref_slice %arg4[%run_scoped3A_1, %arg1, %dma_start3A_34, %dma_start3A_35] : memref<2x16x20x1000xi32, #tpu.memory_space<hbm>> -> memref<1x1x20x1000xi32, #tpu.memory_space<hbm>>
      %dma_start3A_37 = tpu.memref_squeeze %dma_start3A_36 : memref<1x1x20x1000xi32, #tpu.memory_space<hbm>> -> memref<20x1000xi32, #tpu.memory_space<hbm>>
      tpu.enqueue_dma source(%dma_start3A_37 : memref<20x1000xi32, #tpu.memory_space<hbm>>) target(%arg13 : memref<20x1000xi32, #tpu.memory_space<vmem>>) target_semaphore(%run_scoped3A_29 : memref<!tpu.dma_semaphore, #tpu.memory_space<semaphore_mem>>)
      %dma_wait3A = arith.constant 0 : i32
      %dma_wait3A_38 = arith.constant 0 : i32
      %dma_wait3A_39 = tpu.memref_slice %arg4[%run_scoped3A_1, %arg1, %dma_wait3A, %dma_wait3A_38] : memref<2x16x20x1000xi32, #tpu.memory_space<hbm>> -> memref<1x1x20x1000xi32, #tpu.memory_space<hbm>>
      %dma_wait3A_40 = tpu.memref_squeeze %dma_wait3A_39 : memref<1x1x20x1000xi32, #tpu.memory_space<hbm>> -> memref<20x1000xi32, #tpu.memory_space<hbm>>
      %dma_wait3A_41 = arith.constant 0 : i32
      %dma_wait3A_42 = arith.constant 0 : i32
      %dma_wait3A_43 = tpu.memref_slice %arg4[%run_scoped3A_1, %arg1, %dma_wait3A_41, %dma_wait3A_42] : memref<2x16x20x1000xi32, #tpu.memory_space<hbm>> -> memref<1x1x20x1000xi32, #tpu.memory_space<hbm>>
      %dma_wait3A_44 = tpu.memref_squeeze %dma_wait3A_43 : memref<1x1x20x1000xi32, #tpu.memory_space<hbm>> -> memref<20x1000xi32, #tpu.memory_space<hbm>>
      tpu.wait_dma2 semaphore(%run_scoped3A_29 : memref<!tpu.dma_semaphore, #tpu.memory_space<semaphore_mem>>) src(%dma_wait3A_44 : memref<20x1000xi32, #tpu.memory_space<hbm>>) dst(%arg13 : memref<20x1000xi32, #tpu.memory_space<vmem>>)
      tpu.yield
    }) : () -> ()
    %barrier3A = arith.constant 0 : index
    tpu.barrier barrier_id(%barrier3A)
    %eq3A = arith.constant 0 : i32
    %eq3A_2 = arith.cmpi eq, %arg0, %eq3A : i32
    %convert_element_type3A = arith.extui %eq3A_2 : i1 to i32
    %cond3A = arith.constant 0 : i32
    %cond3A_3 = arith.cmpi ne, %convert_element_type3A, %cond3A : i32
    scf.if %cond3A_3 {
      %dma_start3A_29 = arith.constant 0 : i32
      %dma_start3A_30 = arith.constant 0 : i32
      %dma_start3A_31 = tpu.memref_slice %arg12[%dma_start3A_29, %dma_start3A_30] : memref<20x1000xi32, #tpu.memory_space<vmem>> -> memref<1x1000xi32, #tpu.memory_space<vmem>>
      %dma_start3A_32 = tpu.memref_squeeze %dma_start3A_31 : memref<1x1000xi32, #tpu.memory_space<vmem>> -> memref<1000xi32, #tpu.memory_space<vmem>>
      %dma_start3A_33 = arith.constant 0 : i32
      %dma_start3A_34 = arith.constant 0 : i32
      %dma_start3A_35 = tpu.memref_slice %arg2[%dma_start3A_33, %dma_start3A_34] : memref<10240x16xf32, #tpu.memory_space<hbm>> -> memref<10240x16xf32, #tpu.memory_space<hbm>>
      tpu.enqueue_indirect_dma source(%dma_start3A_35 : memref<10240x16xf32, #tpu.memory_space<hbm>>) target(%arg14 : memref<1000x16xf32, #tpu.memory_space<vmem>>) offsets(%dma_start3A_32 : memref<1000xi32, #tpu.memory_space<vmem>>) semaphore(%arg18 : memref<!tpu.dma_semaphore, #tpu.memory_space<semaphore_mem>>)
      %scan3A_36 = arith.constant 0 : i32
      %scan3A_37 = arith.constant 0 : i32
      %scan3A_38 = arith.constant 10 : i32
      %scan3A_39 = arith.addi %scan3A_37, %scan3A_38 : i32
      %scan3A_40 = arith.constant 1 : i32
      scf.for %scan3A_42 = %scan3A_37 to %scan3A_39 step %scan3A_40  : i32 {
        %mul3A_43 = arith.constant 2 : i32
        %mul3A_44 = arith.muli %mul3A_43, %scan3A_42 : i32
        %add3A = arith.constant 1 : i32
        %add3A_45 = arith.addi %mul3A_44, %add3A : i32
        %dma_start3A_46 = arith.constant 0 : i32
        %dma_start3A_47 = tpu.memref_slice %arg12[%add3A_45, %dma_start3A_46] : memref<20x1000xi32, #tpu.memory_space<vmem>> -> memref<1x1000xi32, #tpu.memory_space<vmem>>
        %dma_start3A_48 = tpu.memref_squeeze %dma_start3A_47 : memref<1x1000xi32, #tpu.memory_space<vmem>> -> memref<1000xi32, #tpu.memory_space<vmem>>
        %dma_start3A_49 = arith.constant 0 : i32
        %dma_start3A_50 = arith.constant 0 : i32
        %dma_start3A_51 = tpu.memref_slice %arg2[%dma_start3A_49, %dma_start3A_50] : memref<10240x16xf32, #tpu.memory_space<hbm>> -> memref<10240x16xf32, #tpu.memory_space<hbm>>
        tpu.enqueue_indirect_dma source(%dma_start3A_51 : memref<10240x16xf32, #tpu.memory_space<hbm>>) target(%arg15 : memref<1000x16xf32, #tpu.memory_space<vmem>>) offsets(%dma_start3A_48 : memref<1000xi32, #tpu.memory_space<vmem>>) semaphore(%arg19 : memref<!tpu.dma_semaphore, #tpu.memory_space<semaphore_mem>>)
        %dma_wait3A = arith.constant 0 : i32
        %dma_wait3A_52 = tpu.memref_slice %arg12[%mul3A_44, %dma_wait3A] : memref<20x1000xi32, #tpu.memory_space<vmem>> -> memref<1x1000xi32, #tpu.memory_space<vmem>>
        %dma_wait3A_53 = tpu.memref_squeeze %dma_wait3A_52 : memref<1x1000xi32, #tpu.memory_space<vmem>> -> memref<1000xi32, #tpu.memory_space<vmem>>
        %dma_wait3A_54 = arith.constant 0 : i32
        %dma_wait3A_55 = arith.constant 0 : i32
        %dma_wait3A_56 = tpu.memref_slice %arg2[%dma_wait3A_54, %dma_wait3A_55] : memref<10240x16xf32, #tpu.memory_space<hbm>> -> memref<10240x16xf32, #tpu.memory_space<hbm>>
        tpu.wait_indirect_dma semaphore(%arg18 : memref<!tpu.dma_semaphore, #tpu.memory_space<semaphore_mem>>) src(%dma_wait3A_56 : memref<10240x16xf32, #tpu.memory_space<hbm>>) dst(%arg14 : memref<1000x16xf32, #tpu.memory_space<vmem>>)
        %lt3A = arith.constant 9 : i32
        %lt3A_57 = arith.cmpi slt, %scan3A_42, %lt3A : i32
        %convert_element_type3A_58 = arith.extui %lt3A_57 : i1 to i32
        %cond3A_59 = arith.constant 0 : i32
        %cond3A_60 = arith.cmpi ne, %convert_element_type3A_58, %cond3A_59 : i32
        scf.if %cond3A_60 {
          %add3A_69 = arith.constant 2 : i32
          %add3A_70 = arith.addi %mul3A_44, %add3A_69 : i32
          %dma_start3A_71 = arith.constant 0 : i32
          %dma_start3A_72 = tpu.memref_slice %arg12[%add3A_70, %dma_start3A_71] : memref<20x1000xi32, #tpu.memory_space<vmem>> -> memref<1x1000xi32, #tpu.memory_space<vmem>>
          %dma_start3A_73 = tpu.memref_squeeze %dma_start3A_72 : memref<1x1000xi32, #tpu.memory_space<vmem>> -> memref<1000xi32, #tpu.memory_space<vmem>>
          %dma_start3A_74 = arith.constant 0 : i32
          %dma_start3A_75 = arith.constant 0 : i32
          %dma_start3A_76 = tpu.memref_slice %arg2[%dma_start3A_74, %dma_start3A_75] : memref<10240x16xf32, #tpu.memory_space<hbm>> -> memref<10240x16xf32, #tpu.memory_space<hbm>>
          tpu.enqueue_indirect_dma source(%dma_start3A_76 : memref<10240x16xf32, #tpu.memory_space<hbm>>) target(%arg14 : memref<1000x16xf32, #tpu.memory_space<vmem>>) offsets(%dma_start3A_73 : memref<1000xi32, #tpu.memory_space<vmem>>) semaphore(%arg18 : memref<!tpu.dma_semaphore, #tpu.memory_space<semaphore_mem>>)
        } else {
        }
        %add3A_61 = arith.constant 1 : i32
        %add3A_62 = arith.addi %mul3A_44, %add3A_61 : i32
        %dma_wait3A_63 = arith.constant 0 : i32
        %dma_wait3A_64 = tpu.memref_slice %arg12[%add3A_62, %dma_wait3A_63] : memref<20x1000xi32, #tpu.memory_space<vmem>> -> memref<1x1000xi32, #tpu.memory_space<vmem>>
        %dma_wait3A_65 = tpu.memref_squeeze %dma_wait3A_64 : memref<1x1000xi32, #tpu.memory_space<vmem>> -> memref<1000xi32, #tpu.memory_space<vmem>>
        %dma_wait3A_66 = arith.constant 0 : i32
        %dma_wait3A_67 = arith.constant 0 : i32
        %dma_wait3A_68 = tpu.memref_slice %arg2[%dma_wait3A_66, %dma_wait3A_67] : memref<10240x16xf32, #tpu.memory_space<hbm>> -> memref<10240x16xf32, #tpu.memory_space<hbm>>
        tpu.wait_indirect_dma semaphore(%arg19 : memref<!tpu.dma_semaphore, #tpu.memory_space<semaphore_mem>>) src(%dma_wait3A_68 : memref<10240x16xf32, #tpu.memory_space<hbm>>) dst(%arg15 : memref<1000x16xf32, #tpu.memory_space<vmem>>)
      }
      %scan3A_41 = arith.constant 10 : i32
    } else {
    }
    %eq3A_4 = arith.constant 1 : i32
    %eq3A_5 = arith.cmpi eq, %arg0, %eq3A_4 : i32
    %convert_element_type3A_6 = arith.extui %eq3A_5 : i1 to i32
    %cond3A_7 = arith.constant 0 : i32
    %cond3A_8 = arith.cmpi ne, %convert_element_type3A_6, %cond3A_7 : i32
    scf.if %cond3A_8 {
      %dma_start3A_29 = arith.constant 0 : i32
      %dma_start3A_30 = arith.constant 0 : i32
      %dma_start3A_31 = tpu.memref_slice %arg12[%dma_start3A_29, %dma_start3A_30] : memref<20x1000xi32, #tpu.memory_space<vmem>> -> memref<1x1000xi32, #tpu.memory_space<vmem>>
      %dma_start3A_32 = tpu.memref_squeeze %dma_start3A_31 : memref<1x1000xi32, #tpu.memory_space<vmem>> -> memref<1000xi32, #tpu.memory_space<vmem>>
      %dma_start3A_33 = arith.constant 0 : i32
      %dma_start3A_34 = arith.constant 0 : i32
      %dma_start3A_35 = tpu.memref_slice %arg3[%dma_start3A_33, %dma_start3A_34] : memref<10240x16xf32, #tpu.memory_space<hbm>> -> memref<10240x16xf32, #tpu.memory_space<hbm>>
      tpu.enqueue_indirect_dma source(%dma_start3A_35 : memref<10240x16xf32, #tpu.memory_space<hbm>>) target(%arg14 : memref<1000x16xf32, #tpu.memory_space<vmem>>) offsets(%dma_start3A_32 : memref<1000xi32, #tpu.memory_space<vmem>>) semaphore(%arg18 : memref<!tpu.dma_semaphore, #tpu.memory_space<semaphore_mem>>)
      %scan3A_36 = arith.constant 0 : i32
      %scan3A_37 = arith.constant 0 : i32
      %scan3A_38 = arith.constant 10 : i32
      %scan3A_39 = arith.addi %scan3A_37, %scan3A_38 : i32
      %scan3A_40 = arith.constant 1 : i32
      scf.for %scan3A_42 = %scan3A_37 to %scan3A_39 step %scan3A_40  : i32 {
        %mul3A_43 = arith.constant 2 : i32
        %mul3A_44 = arith.muli %mul3A_43, %scan3A_42 : i32
        %add3A = arith.constant 1 : i32
        %add3A_45 = arith.addi %mul3A_44, %add3A : i32
        %dma_start3A_46 = arith.constant 0 : i32
        %dma_start3A_47 = tpu.memref_slice %arg12[%add3A_45, %dma_start3A_46] : memref<20x1000xi32, #tpu.memory_space<vmem>> -> memref<1x1000xi32, #tpu.memory_space<vmem>>
        %dma_start3A_48 = tpu.memref_squeeze %dma_start3A_47 : memref<1x1000xi32, #tpu.memory_space<vmem>> -> memref<1000xi32, #tpu.memory_space<vmem>>
        %dma_start3A_49 = arith.constant 0 : i32
        %dma_start3A_50 = arith.constant 0 : i32
        %dma_start3A_51 = tpu.memref_slice %arg3[%dma_start3A_49, %dma_start3A_50] : memref<10240x16xf32, #tpu.memory_space<hbm>> -> memref<10240x16xf32, #tpu.memory_space<hbm>>
        tpu.enqueue_indirect_dma source(%dma_start3A_51 : memref<10240x16xf32, #tpu.memory_space<hbm>>) target(%arg15 : memref<1000x16xf32, #tpu.memory_space<vmem>>) offsets(%dma_start3A_48 : memref<1000xi32, #tpu.memory_space<vmem>>) semaphore(%arg19 : memref<!tpu.dma_semaphore, #tpu.memory_space<semaphore_mem>>)
        %dma_wait3A = arith.constant 0 : i32
        %dma_wait3A_52 = tpu.memref_slice %arg12[%mul3A_44, %dma_wait3A] : memref<20x1000xi32, #tpu.memory_space<vmem>> -> memref<1x1000xi32, #tpu.memory_space<vmem>>
        %dma_wait3A_53 = tpu.memref_squeeze %dma_wait3A_52 : memref<1x1000xi32, #tpu.memory_space<vmem>> -> memref<1000xi32, #tpu.memory_space<vmem>>
        %dma_wait3A_54 = arith.constant 0 : i32
        %dma_wait3A_55 = arith.constant 0 : i32
        %dma_wait3A_56 = tpu.memref_slice %arg3[%dma_wait3A_54, %dma_wait3A_55] : memref<10240x16xf32, #tpu.memory_space<hbm>> -> memref<10240x16xf32, #tpu.memory_space<hbm>>
        tpu.wait_indirect_dma semaphore(%arg18 : memref<!tpu.dma_semaphore, #tpu.memory_space<semaphore_mem>>) src(%dma_wait3A_56 : memref<10240x16xf32, #tpu.memory_space<hbm>>) dst(%arg14 : memref<1000x16xf32, #tpu.memory_space<vmem>>)
        %lt3A = arith.constant 9 : i32
        %lt3A_57 = arith.cmpi slt, %scan3A_42, %lt3A : i32
        %convert_element_type3A_58 = arith.extui %lt3A_57 : i1 to i32
        %cond3A_59 = arith.constant 0 : i32
        %cond3A_60 = arith.cmpi ne, %convert_element_type3A_58, %cond3A_59 : i32
        scf.if %cond3A_60 {
          %add3A_69 = arith.constant 2 : i32
          %add3A_70 = arith.addi %mul3A_44, %add3A_69 : i32
          %dma_start3A_71 = arith.constant 0 : i32
          %dma_start3A_72 = tpu.memref_slice %arg12[%add3A_70, %dma_start3A_71] : memref<20x1000xi32, #tpu.memory_space<vmem>> -> memref<1x1000xi32, #tpu.memory_space<vmem>>
          %dma_start3A_73 = tpu.memref_squeeze %dma_start3A_72 : memref<1x1000xi32, #tpu.memory_space<vmem>> -> memref<1000xi32, #tpu.memory_space<vmem>>
          %dma_start3A_74 = arith.constant 0 : i32
          %dma_start3A_75 = arith.constant 0 : i32
          %dma_start3A_76 = tpu.memref_slice %arg3[%dma_start3A_74, %dma_start3A_75] : memref<10240x16xf32, #tpu.memory_space<hbm>> -> memref<10240x16xf32, #tpu.memory_space<hbm>>
          tpu.enqueue_indirect_dma source(%dma_start3A_76 : memref<10240x16xf32, #tpu.memory_space<hbm>>) target(%arg14 : memref<1000x16xf32, #tpu.memory_space<vmem>>) offsets(%dma_start3A_73 : memref<1000xi32, #tpu.memory_space<vmem>>) semaphore(%arg18 : memref<!tpu.dma_semaphore, #tpu.memory_space<semaphore_mem>>)
        } else {
        }
        %add3A_61 = arith.constant 1 : i32
        %add3A_62 = arith.addi %mul3A_44, %add3A_61 : i32
        %dma_wait3A_63 = arith.constant 0 : i32
        %dma_wait3A_64 = tpu.memref_slice %arg12[%add3A_62, %dma_wait3A_63] : memref<20x1000xi32, #tpu.memory_space<vmem>> -> memref<1x1000xi32, #tpu.memory_space<vmem>>
        %dma_wait3A_65 = tpu.memref_squeeze %dma_wait3A_64 : memref<1x1000xi32, #tpu.memory_space<vmem>> -> memref<1000xi32, #tpu.memory_space<vmem>>
        %dma_wait3A_66 = arith.constant 0 : i32
        %dma_wait3A_67 = arith.constant 0 : i32
        %dma_wait3A_68 = tpu.memref_slice %arg3[%dma_wait3A_66, %dma_wait3A_67] : memref<10240x16xf32, #tpu.memory_space<hbm>> -> memref<10240x16xf32, #tpu.memory_space<hbm>>
        tpu.wait_indirect_dma semaphore(%arg19 : memref<!tpu.dma_semaphore, #tpu.memory_space<semaphore_mem>>) src(%dma_wait3A_68 : memref<10240x16xf32, #tpu.memory_space<hbm>>) dst(%arg15 : memref<1000x16xf32, #tpu.memory_space<vmem>>)
      }
      %scan3A_41 = arith.constant 10 : i32
    } else {
    }
    %barrier3A_9 = arith.constant 0 : index
    tpu.barrier barrier_id(%barrier3A_9)
    "tpu.region"() ({
      %run_scoped3A_29 = tpu.sem_alloc : memref<!tpu.dma_semaphore, #tpu.memory_space<semaphore_mem>>
      %dma_start3A_30 = arith.constant 0 : i32
      %dma_start3A_31 = tpu.memref_slice %arg7[%arg0, %mul3A_0, %dma_start3A_30] : memref<2x10240x16xf32, #tpu.memory_space<hbm>> -> memref<1x640x16xf32, #tpu.memory_space<hbm>>
      %dma_start3A_32 = tpu.memref_squeeze %dma_start3A_31 : memref<1x640x16xf32, #tpu.memory_space<hbm>> -> memref<640x16xf32, #tpu.memory_space<hbm>>
      %dma_start3A_33 = arith.constant 0 : i32
      %dma_start3A_34 = tpu.memref_slice %arg9[%mul3A_0, %dma_start3A_33] : memref<10240x16xf32, #tpu.memory_space<vmem_shared>> -> memref<640x16xf32, #tpu.memory_space<vmem_shared>>
      tpu.enqueue_dma source(%dma_start3A_34 : memref<640x16xf32, #tpu.memory_space<vmem_shared>>) target(%dma_start3A_32 : memref<640x16xf32, #tpu.memory_space<hbm>>) target_semaphore(%run_scoped3A_29 : memref<!tpu.dma_semaphore, #tpu.memory_space<semaphore_mem>>)
      %dma_wait3A = arith.constant 0 : i32
      %dma_wait3A_35 = tpu.memref_slice %arg7[%arg0, %mul3A_0, %dma_wait3A] : memref<2x10240x16xf32, #tpu.memory_space<hbm>> -> memref<1x640x16xf32, #tpu.memory_space<hbm>>
      %dma_wait3A_36 = tpu.memref_squeeze %dma_wait3A_35 : memref<1x640x16xf32, #tpu.memory_space<hbm>> -> memref<640x16xf32, #tpu.memory_space<hbm>>
      %dma_wait3A_37 = arith.constant 0 : i32
      %dma_wait3A_38 = tpu.memref_slice %arg9[%mul3A_0, %dma_wait3A_37] : memref<10240x16xf32, #tpu.memory_space<vmem_shared>> -> memref<640x16xf32, #tpu.memory_space<vmem_shared>>
      tpu.wait_dma2 semaphore(%run_scoped3A_29 : memref<!tpu.dma_semaphore, #tpu.memory_space<semaphore_mem>>) src(%dma_wait3A_38 : memref<640x16xf32, #tpu.memory_space<vmem_shared>>) dst(%dma_wait3A_36 : memref<640x16xf32, #tpu.memory_space<hbm>>)
      tpu.yield
    }) : () -> ()
    "tpu.region"() ({
      %run_scoped3A_29 = tpu.sem_alloc : memref<!tpu.dma_semaphore, #tpu.memory_space<semaphore_mem>>
      %dma_start3A_30 = arith.constant 0 : i32
      %dma_start3A_31 = tpu.memref_slice %arg9[%mul3A_0, %dma_start3A_30] : memref<10240x16xf32, #tpu.memory_space<vmem_shared>> -> memref<640x16xf32, #tpu.memory_space<vmem_shared>>
      %dma_start3A_32 = arith.constant 0 : i32
      %dma_start3A_33 = tpu.memref_slice %arg9[%mul3A_0, %dma_start3A_32] : memref<10240x16xf32, #tpu.memory_space<vmem_shared>> -> memref<640x16xf32, #tpu.memory_space<vmem_shared>>
      tpu.enqueue_dma source(%dma_start3A_33 : memref<640x16xf32, #tpu.memory_space<vmem_shared>>) target(%arg16 : memref<640x16xf32, #tpu.memory_space<vmem>>) target_semaphore(%run_scoped3A_29 : memref<!tpu.dma_semaphore, #tpu.memory_space<semaphore_mem>>)
      %dma_wait3A = arith.constant 0 : i32
      %dma_wait3A_34 = tpu.memref_slice %arg9[%mul3A_0, %dma_wait3A] : memref<10240x16xf32, #tpu.memory_space<vmem_shared>> -> memref<640x16xf32, #tpu.memory_space<vmem_shared>>
      %dma_wait3A_35 = arith.constant 0 : i32
      %dma_wait3A_36 = tpu.memref_slice %arg9[%mul3A_0, %dma_wait3A_35] : memref<10240x16xf32, #tpu.memory_space<vmem_shared>> -> memref<640x16xf32, #tpu.memory_space<vmem_shared>>
      tpu.wait_dma2 semaphore(%run_scoped3A_29 : memref<!tpu.dma_semaphore, #tpu.memory_space<semaphore_mem>>) src(%dma_wait3A_36 : memref<640x16xf32, #tpu.memory_space<vmem_shared>>) dst(%arg16 : memref<640x16xf32, #tpu.memory_space<vmem>>)
      tpu.yield
    }) : () -> ()
    "tpu.region"() ({
      %run_scoped3A_29 = tpu.sem_alloc : memref<!tpu.dma_semaphore, #tpu.memory_space<semaphore_mem>>
      %dma_start3A_30 = arith.constant 0 : i32
      %dma_start3A_31 = tpu.memref_slice %arg5[%mul3A_0, %dma_start3A_30] : memref<10240x16xf32, #tpu.memory_space<hbm>> -> memref<640x16xf32, #tpu.memory_space<hbm>>
      %dma_start3A_32 = arith.constant 0 : i32
      %dma_start3A_33 = tpu.memref_slice %arg5[%mul3A_0, %dma_start3A_32] : memref<10240x16xf32, #tpu.memory_space<hbm>> -> memref<640x16xf32, #tpu.memory_space<hbm>>
      tpu.enqueue_dma source(%dma_start3A_33 : memref<640x16xf32, #tpu.memory_space<hbm>>) target(%arg17 : memref<640x16xf32, #tpu.memory_space<vmem>>) target_semaphore(%run_scoped3A_29 : memref<!tpu.dma_semaphore, #tpu.memory_space<semaphore_mem>>)
      %dma_wait3A = arith.constant 0 : i32
      %dma_wait3A_34 = tpu.memref_slice %arg5[%mul3A_0, %dma_wait3A] : memref<10240x16xf32, #tpu.memory_space<hbm>> -> memref<640x16xf32, #tpu.memory_space<hbm>>
      %dma_wait3A_35 = arith.constant 0 : i32
      %dma_wait3A_36 = tpu.memref_slice %arg5[%mul3A_0, %dma_wait3A_35] : memref<10240x16xf32, #tpu.memory_space<hbm>> -> memref<640x16xf32, #tpu.memory_space<hbm>>
      tpu.wait_dma2 semaphore(%run_scoped3A_29 : memref<!tpu.dma_semaphore, #tpu.memory_space<semaphore_mem>>) src(%dma_wait3A_36 : memref<640x16xf32, #tpu.memory_space<hbm>>) dst(%arg17 : memref<640x16xf32, #tpu.memory_space<vmem>>)
      tpu.yield
    }) : () -> ()
    %scan3A = arith.constant 0 : i32
    %scan3A_10 = arith.constant 0 : i32
    %scan3A_11 = arith.constant 640 : i32
    %scan3A_12 = arith.addi %scan3A_10, %scan3A_11 : i32
    %scan3A_13 = arith.constant 1 : i32
    scf.for %scan3A_29 = %scan3A_10 to %scan3A_12 step %scan3A_13  : i32 {
      %get3A = arith.index_cast %scan3A_29 : i32 to index
      %get3A_30 = arith.constant 0 : index
      %get3A_31 = tpu.vector_load %arg16[%get3A, %get3A_30] {strides = array<i32>} : memref<640x16xf32, #tpu.memory_space<vmem>>, vector<1x16xf32>,
      %get3A_32 = vector.shape_cast %get3A_31 : vector<1x16xf32> to vector<16xf32>
      %get3A_33 = arith.index_cast %scan3A_29 : i32 to index
      %get3A_34 = arith.constant 0 : index
      %get3A_35 = tpu.vector_load %arg17[%get3A_33, %get3A_34] {strides = array<i32>} : memref<640x16xf32, #tpu.memory_space<vmem>>, vector<1x16xf32>,
      %get3A_36 = vector.shape_cast %get3A_35 : vector<1x16xf32> to vector<16xf32>
      %mul3A_37 = arith.mulf %get3A_32, %get3A_36 : vector<16xf32>
      %swap3A = arith.index_cast %scan3A_29 : i32 to index
      %swap3A_38 = arith.constant 0 : index
      %swap3A_39 = tpu.vector_load %arg16[%swap3A, %swap3A_38] {strides = array<i32>} : memref<640x16xf32, #tpu.memory_space<vmem>>, vector<1x16xf32>,
      %swap3A_40 = vector.shape_cast %swap3A_39 : vector<1x16xf32> to vector<16xf32>
      %swap3A_41 = vector.shape_cast %mul3A_37 : vector<16xf32> to vector<1x16xf32>
      tpu.vector_store %arg16[%swap3A, %swap3A_38], %swap3A_41 {strides = array<i32>} : memref<640x16xf32, #tpu.memory_space<vmem>>, vector<1x16xf32>,
    }
    %scan3A_14 = arith.constant 640 : i32
    "tpu.region"() ({
      %run_scoped3A_29 = tpu.sem_alloc : memref<!tpu.dma_semaphore, #tpu.memory_space<semaphore_mem>>
      %dma_start3A_30 = arith.constant 0 : i32
      %dma_start3A_31 = tpu.memref_slice %arg11[%mul3A_0, %dma_start3A_30] : memref<10240x16xf32, #tpu.memory_space<vmem_shared>> -> memref<640x16xf32, #tpu.memory_space<vmem_shared>>
      %dma_start3A_32 = arith.constant 0 : i32
      %dma_start3A_33 = tpu.memref_slice %arg11[%mul3A_0, %dma_start3A_32] : memref<10240x16xf32, #tpu.memory_space<vmem_shared>> -> memref<640x16xf32, #tpu.memory_space<vmem_shared>>
      tpu.enqueue_dma source(%arg16 : memref<640x16xf32, #tpu.memory_space<vmem>>) target(%dma_start3A_33 : memref<640x16xf32, #tpu.memory_space<vmem_shared>>) target_semaphore(%run_scoped3A_29 : memref<!tpu.dma_semaphore, #tpu.memory_space<semaphore_mem>>)
      %dma_wait3A = arith.constant 0 : i32
      %dma_wait3A_34 = tpu.memref_slice %arg11[%mul3A_0, %dma_wait3A] : memref<10240x16xf32, #tpu.memory_space<vmem_shared>> -> memref<640x16xf32, #tpu.memory_space<vmem_shared>>
      %dma_wait3A_35 = arith.constant 0 : i32
      %dma_wait3A_36 = tpu.memref_slice %arg11[%mul3A_0, %dma_wait3A_35] : memref<10240x16xf32, #tpu.memory_space<vmem_shared>> -> memref<640x16xf32, #tpu.memory_space<vmem_shared>>
      tpu.wait_dma2 semaphore(%run_scoped3A_29 : memref<!tpu.dma_semaphore, #tpu.memory_space<semaphore_mem>>) src(%arg16 : memref<640x16xf32, #tpu.memory_space<vmem>>) dst(%dma_wait3A_36 : memref<640x16xf32, #tpu.memory_space<vmem_shared>>)
      tpu.yield
    }) : () -> ()
    %barrier3A_15 = arith.constant 0 : index
    tpu.barrier barrier_id(%barrier3A_15)
    %dma_start3A = arith.constant 0 : i32
    %dma_start3A_16 = arith.constant 0 : i32
    %dma_start3A_17 = tpu.memref_slice %arg12[%dma_start3A, %dma_start3A_16] : memref<20x1000xi32, #tpu.memory_space<vmem>> -> memref<1x1000xi32, #tpu.memory_space<vmem>>
    %dma_start3A_18 = tpu.memref_squeeze %dma_start3A_17 : memref<1x1000xi32, #tpu.memory_space<vmem>> -> memref<1000xi32, #tpu.memory_space<vmem>>
    %dma_start3A_19 = arith.constant 0 : i32
    %dma_start3A_20 = arith.constant 0 : i32
    %dma_start3A_21 = tpu.memref_slice %arg11[%dma_start3A_19, %dma_start3A_20] : memref<10240x16xf32, #tpu.memory_space<vmem_shared>> -> memref<10240x16xf32, #tpu.memory_space<vmem_shared>>
    tpu.enqueue_indirect_dma source(%dma_start3A_21 : memref<10240x16xf32, #tpu.memory_space<vmem_shared>>) target(%arg14 : memref<1000x16xf32, #tpu.memory_space<vmem>>) offsets(%dma_start3A_18 : memref<1000xi32, #tpu.memory_space<vmem>>) semaphore(%arg18 : memref<!tpu.dma_semaphore, #tpu.memory_space<semaphore_mem>>)
    %scan3A_22 = arith.constant 0 : i32
    %scan3A_23 = arith.constant 0 : i32
    %scan3A_24 = arith.constant 10 : i32
    %scan3A_25 = arith.addi %scan3A_23, %scan3A_24 : i32
    %scan3A_26 = arith.constant 1 : i32
    scf.for %scan3A_29 = %scan3A_23 to %scan3A_25 step %scan3A_26  : i32 {
      %mul3A_30 = arith.constant 2 : i32
      %mul3A_31 = arith.muli %mul3A_30, %scan3A_29 : i32
      %add3A = arith.constant 1 : i32
      %add3A_32 = arith.addi %mul3A_31, %add3A : i32
      %dma_start3A_33 = arith.constant 0 : i32
      %dma_start3A_34 = tpu.memref_slice %arg12[%add3A_32, %dma_start3A_33] : memref<20x1000xi32, #tpu.memory_space<vmem>> -> memref<1x1000xi32, #tpu.memory_space<vmem>>
      %dma_start3A_35 = tpu.memref_squeeze %dma_start3A_34 : memref<1x1000xi32, #tpu.memory_space<vmem>> -> memref<1000xi32, #tpu.memory_space<vmem>>
      %dma_start3A_36 = arith.constant 0 : i32
      %dma_start3A_37 = arith.constant 0 : i32
      %dma_start3A_38 = tpu.memref_slice %arg11[%dma_start3A_36, %dma_start3A_37] : memref<10240x16xf32, #tpu.memory_space<vmem_shared>> -> memref<10240x16xf32, #tpu.memory_space<vmem_shared>>
      tpu.enqueue_indirect_dma source(%dma_start3A_38 : memref<10240x16xf32, #tpu.memory_space<vmem_shared>>) target(%arg15 : memref<1000x16xf32, #tpu.memory_space<vmem>>) offsets(%dma_start3A_35 : memref<1000xi32, #tpu.memory_space<vmem>>) semaphore(%arg19 : memref<!tpu.dma_semaphore, #tpu.memory_space<semaphore_mem>>)
      %dma_wait3A = arith.constant 0 : i32
      %dma_wait3A_39 = tpu.memref_slice %arg12[%mul3A_31, %dma_wait3A] : memref<20x1000xi32, #tpu.memory_space<vmem>> -> memref<1x1000xi32, #tpu.memory_space<vmem>>
      %dma_wait3A_40 = tpu.memref_squeeze %dma_wait3A_39 : memref<1x1000xi32, #tpu.memory_space<vmem>> -> memref<1000xi32, #tpu.memory_space<vmem>>
      %dma_wait3A_41 = arith.constant 0 : i32
      %dma_wait3A_42 = arith.constant 0 : i32
      %dma_wait3A_43 = tpu.memref_slice %arg11[%dma_wait3A_41, %dma_wait3A_42] : memref<10240x16xf32, #tpu.memory_space<vmem_shared>> -> memref<10240x16xf32, #tpu.memory_space<vmem_shared>>
      tpu.wait_indirect_dma semaphore(%arg18 : memref<!tpu.dma_semaphore, #tpu.memory_space<semaphore_mem>>) src(%dma_wait3A_43 : memref<10240x16xf32, #tpu.memory_space<vmem_shared>>) dst(%arg14 : memref<1000x16xf32, #tpu.memory_space<vmem>>)
      %lt3A = arith.constant 9 : i32
      %lt3A_44 = arith.cmpi slt, %scan3A_29, %lt3A : i32
      %convert_element_type3A_45 = arith.extui %lt3A_44 : i1 to i32
      %cond3A_46 = arith.constant 0 : i32
      %cond3A_47 = arith.cmpi ne, %convert_element_type3A_45, %cond3A_46 : i32
      scf.if %cond3A_47 {
        %add3A_56 = arith.constant 2 : i32
        %add3A_57 = arith.addi %mul3A_31, %add3A_56 : i32
        %dma_start3A_58 = arith.constant 0 : i32
        %dma_start3A_59 = tpu.memref_slice %arg12[%add3A_57, %dma_start3A_58] : memref<20x1000xi32, #tpu.memory_space<vmem>> -> memref<1x1000xi32, #tpu.memory_space<vmem>>
        %dma_start3A_60 = tpu.memref_squeeze %dma_start3A_59 : memref<1x1000xi32, #tpu.memory_space<vmem>> -> memref<1000xi32, #tpu.memory_space<vmem>>
        %dma_start3A_61 = arith.constant 0 : i32
        %dma_start3A_62 = arith.constant 0 : i32
        %dma_start3A_63 = tpu.memref_slice %arg11[%dma_start3A_61, %dma_start3A_62] : memref<10240x16xf32, #tpu.memory_space<vmem_shared>> -> memref<10240x16xf32, #tpu.memory_space<vmem_shared>>
        tpu.enqueue_indirect_dma source(%dma_start3A_63 : memref<10240x16xf32, #tpu.memory_space<vmem_shared>>) target(%arg14 : memref<1000x16xf32, #tpu.memory_space<vmem>>) offsets(%dma_start3A_60 : memref<1000xi32, #tpu.memory_space<vmem>>) semaphore(%arg18 : memref<!tpu.dma_semaphore, #tpu.memory_space<semaphore_mem>>)
      } else {
      }
      %add3A_48 = arith.constant 1 : i32
      %add3A_49 = arith.addi %mul3A_31, %add3A_48 : i32
      %dma_wait3A_50 = arith.constant 0 : i32
      %dma_wait3A_51 = tpu.memref_slice %arg12[%add3A_49, %dma_wait3A_50] : memref<20x1000xi32, #tpu.memory_space<vmem>> -> memref<1x1000xi32, #tpu.memory_space<vmem>>
      %dma_wait3A_52 = tpu.memref_squeeze %dma_wait3A_51 : memref<1x1000xi32, #tpu.memory_space<vmem>> -> memref<1000xi32, #tpu.memory_space<vmem>>
      %dma_wait3A_53 = arith.constant 0 : i32
      %dma_wait3A_54 = arith.constant 0 : i32
      %dma_wait3A_55 = tpu.memref_slice %arg11[%dma_wait3A_53, %dma_wait3A_54] : memref<10240x16xf32, #tpu.memory_space<vmem_shared>> -> memref<10240x16xf32, #tpu.memory_space<vmem_shared>>
      tpu.wait_indirect_dma semaphore(%arg19 : memref<!tpu.dma_semaphore, #tpu.memory_space<semaphore_mem>>) src(%dma_wait3A_55 : memref<10240x16xf32, #tpu.memory_space<vmem_shared>>) dst(%arg15 : memref<1000x16xf32, #tpu.memory_space<vmem>>)
    }
    %scan3A_27 = arith.constant 10 : i32
    %barrier3A_28 = arith.constant 0 : index
    tpu.barrier barrier_id(%barrier3A_28)
    "tpu.region"() ({
      %run_scoped3A_29 = tpu.sem_alloc : memref<!tpu.dma_semaphore, #tpu.memory_space<semaphore_mem>>
      %dma_start3A_30 = arith.constant 0 : i32
      %dma_start3A_31 = tpu.memref_slice %arg8[%arg0, %mul3A_0, %dma_start3A_30] : memref<2x10240x16xf32, #tpu.memory_space<hbm>> -> memref<1x640x16xf32, #tpu.memory_space<hbm>>
      %dma_start3A_32 = tpu.memref_squeeze %dma_start3A_31 : memref<1x640x16xf32, #tpu.memory_space<hbm>> -> memref<640x16xf32, #tpu.memory_space<hbm>>
      %dma_start3A_33 = arith.constant 0 : i32
      %dma_start3A_34 = tpu.memref_slice %arg10[%mul3A_0, %dma_start3A_33] : memref<10240x16xf32, #tpu.memory_space<vmem_shared>> -> memref<640x16xf32, #tpu.memory_space<vmem_shared>>
      tpu.enqueue_dma source(%dma_start3A_34 : memref<640x16xf32, #tpu.memory_space<vmem_shared>>) target(%dma_start3A_32 : memref<640x16xf32, #tpu.memory_space<hbm>>) target_semaphore(%run_scoped3A_29 : memref<!tpu.dma_semaphore, #tpu.memory_space<semaphore_mem>>)
      %dma_wait3A = arith.constant 0 : i32
      %dma_wait3A_35 = tpu.memref_slice %arg8[%arg0, %mul3A_0, %dma_wait3A] : memref<2x10240x16xf32, #tpu.memory_space<hbm>> -> memref<1x640x16xf32, #tpu.memory_space<hbm>>
      %dma_wait3A_36 = tpu.memref_squeeze %dma_wait3A_35 : memref<1x640x16xf32, #tpu.memory_space<hbm>> -> memref<640x16xf32, #tpu.memory_space<hbm>>
      %dma_wait3A_37 = arith.constant 0 : i32
      %dma_wait3A_38 = tpu.memref_slice %arg10[%mul3A_0, %dma_wait3A_37] : memref<10240x16xf32, #tpu.memory_space<vmem_shared>> -> memref<640x16xf32, #tpu.memory_space<vmem_shared>>
      tpu.wait_dma2 semaphore(%run_scoped3A_29 : memref<!tpu.dma_semaphore, #tpu.memory_space<semaphore_mem>>) src(%dma_wait3A_38 : memref<640x16xf32, #tpu.memory_space<vmem_shared>>) dst(%dma_wait3A_36 : memref<640x16xf32, #tpu.memory_space<hbm>>)
      tpu.yield
    }) : () -> ()
    return
  }
}

#map = affine_map<(d0, d1) -> (0, 0)>
#map1 = affine_map<(d0, d1) -> (0, 0, 0, 0)>
#map2 = affine_map<(d0, d1) -> (0, 0, 0)>
module attributes {stable_mosaic.version = 14 : i64} {
  func.func @_round_sc(%arg0: i32, %arg1: i32, %arg2: memref<10240x16xf32, #tpu.memory_space<hbm>>, %arg3: memref<10240x16xf32, #tpu.memory_space<hbm>>, %arg4: memref<2x16x20x1000xi32, #tpu.memory_space<hbm>>, %arg5: memref<10240x16xf32, #tpu.memory_space<hbm>>, %arg6: memref<10240x16xf32, #tpu.memory_space<hbm>>, %arg7: memref<2x10240x16xf32, #tpu.memory_space<hbm>>, %arg8: memref<2x10240x16xf32, #tpu.memory_space<hbm>>, %arg9: memref<10240x16xf32, #tpu.memory_space<vmem_shared>>, %arg10: memref<10240x16xf32, #tpu.memory_space<vmem_shared>>, %arg11: memref<10240x16xf32, #tpu.memory_space<vmem_shared>>, %arg12: memref<20x1000xi32, #tpu.memory_space<vmem>>, %arg13: memref<20x1000xi32, #tpu.memory_space<vmem>>, %arg14: memref<1000x16xf32, #tpu.memory_space<vmem>>, %arg15: memref<1000x16xf32, #tpu.memory_space<vmem>>, %arg16: memref<640x16xf32, #tpu.memory_space<vmem>>, %arg17: memref<640x16xf32, #tpu.memory_space<vmem>>, %arg18: memref<!tpu.dma_semaphore, #tpu.memory_space<semaphore_mem>>, %arg19: memref<!tpu.dma_semaphore, #tpu.memory_space<semaphore_mem>>) attributes {dimension_semantics = [#tpu.dimension_semantics<core_parallel>, #tpu.dimension_semantics<subcore_parallel>], iteration_bounds = array<i64: 2, 16>, scalar_prefetch = 0 : i64, scratch_operands = 11 : i64, tpu.core_type = #tpu.core_type<sc_vector_subcore>, window_params = [{transform_indices = #map}, {transform_indices = #map}, {transform_indices = #map1}, {transform_indices = #map}, {transform_indices = #map}, {transform_indices = #map2}, {transform_indices = #map2}]} {
    %mul3A = arith.constant 640 : i32
    %mul3A_0 = arith.muli %arg1, %mul3A : i32
    "tpu.region"() ({
      %run_scoped3A_29 = tpu.sem_alloc : memref<!tpu.dma_semaphore, #tpu.memory_space<semaphore_mem>>
      %dma_start3A_30 = arith.constant 0 : i32
      %dma_start3A_31 = tpu.memref_slice %arg9[%mul3A_0, %dma_start3A_30] : memref<10240x16xf32, #tpu.memory_space<vmem_shared>> -> memref<640x16xf32, #tpu.memory_space<vmem_shared>>
      %dma_start3A_32 = arith.constant 0 : i32
      %dma_start3A_33 = tpu.memref_slice %arg6[%mul3A_0, %dma_start3A_32] : memref<10240x16xf32, #tpu.memory_space<hbm>> -> memref<640x16xf32, #tpu.memory_space<hbm>>
      tpu.enqueue_dma source(%dma_start3A_33 : memref<640x16xf32, #tpu.memory_space<hbm>>) target(%dma_start3A_31 : memref<640x16xf32, #tpu.memory_space<vmem_shared>>) target_semaphore(%run_scoped3A_29 : memref<!tpu.dma_semaphore, #tpu.memory_space<semaphore_mem>>)
      %dma_wait3A = arith.constant 0 : i32
      %dma_wait3A_34 = tpu.memref_slice %arg9[%mul3A_0, %dma_wait3A] : memref<10240x16xf32, #tpu.memory_space<vmem_shared>> -> memref<640x16xf32, #tpu.memory_space<vmem_shared>>
      %dma_wait3A_35 = arith.constant 0 : i32
      %dma_wait3A_36 = tpu.memref_slice %arg6[%mul3A_0, %dma_wait3A_35] : memref<10240x16xf32, #tpu.memory_space<hbm>> -> memref<640x16xf32, #tpu.memory_space<hbm>>
      tpu.wait_dma2 semaphore(%run_scoped3A_29 : memref<!tpu.dma_semaphore, #tpu.memory_space<semaphore_mem>>) src(%dma_wait3A_36 : memref<640x16xf32, #tpu.memory_space<hbm>>) dst(%dma_wait3A_34 : memref<640x16xf32, #tpu.memory_space<vmem_shared>>)
      tpu.yield
    }) : () -> ()
    "tpu.region"() ({
      %run_scoped3A_29 = tpu.sem_alloc : memref<!tpu.dma_semaphore, #tpu.memory_space<semaphore_mem>>
      %dma_start3A_30 = arith.constant 0 : i32
      %dma_start3A_31 = tpu.memref_slice %arg10[%mul3A_0, %dma_start3A_30] : memref<10240x16xf32, #tpu.memory_space<vmem_shared>> -> memref<640x16xf32, #tpu.memory_space<vmem_shared>>
      %dma_start3A_32 = arith.constant 0 : i32
      %dma_start3A_33 = tpu.memref_slice %arg6[%mul3A_0, %dma_start3A_32] : memref<10240x16xf32, #tpu.memory_space<hbm>> -> memref<640x16xf32, #tpu.memory_space<hbm>>
      tpu.enqueue_dma source(%dma_start3A_33 : memref<640x16xf32, #tpu.memory_space<hbm>>) target(%dma_start3A_31 : memref<640x16xf32, #tpu.memory_space<vmem_shared>>) target_semaphore(%run_scoped3A_29 : memref<!tpu.dma_semaphore, #tpu.memory_space<semaphore_mem>>)
      %dma_wait3A = arith.constant 0 : i32
      %dma_wait3A_34 = tpu.memref_slice %arg10[%mul3A_0, %dma_wait3A] : memref<10240x16xf32, #tpu.memory_space<vmem_shared>> -> memref<640x16xf32, #tpu.memory_space<vmem_shared>>
      %dma_wait3A_35 = arith.constant 0 : i32
      %dma_wait3A_36 = tpu.memref_slice %arg6[%mul3A_0, %dma_wait3A_35] : memref<10240x16xf32, #tpu.memory_space<hbm>> -> memref<640x16xf32, #tpu.memory_space<hbm>>
      tpu.wait_dma2 semaphore(%run_scoped3A_29 : memref<!tpu.dma_semaphore, #tpu.memory_space<semaphore_mem>>) src(%dma_wait3A_36 : memref<640x16xf32, #tpu.memory_space<hbm>>) dst(%dma_wait3A_34 : memref<640x16xf32, #tpu.memory_space<vmem_shared>>)
      tpu.yield
    }) : () -> ()
    %run_scoped3A = arith.constant 0 : i32
    "tpu.region"() ({
      %run_scoped3A_29 = tpu.sem_alloc : memref<!tpu.dma_semaphore, #tpu.memory_space<semaphore_mem>>
      %dma_start3A_30 = arith.constant 0 : i32
      %dma_start3A_31 = arith.constant 0 : i32
      %dma_start3A_32 = tpu.memref_slice %arg4[%run_scoped3A, %arg1, %dma_start3A_30, %dma_start3A_31] : memref<2x16x20x1000xi32, #tpu.memory_space<hbm>> -> memref<1x1x20x1000xi32, #tpu.memory_space<hbm>>
      %dma_start3A_33 = tpu.memref_squeeze %dma_start3A_32 : memref<1x1x20x1000xi32, #tpu.memory_space<hbm>> -> memref<20x1000xi32, #tpu.memory_space<hbm>>
      %dma_start3A_34 = arith.constant 0 : i32
      %dma_start3A_35 = arith.constant 0 : i32
      %dma_start3A_36 = tpu.memref_slice %arg4[%run_scoped3A, %arg1, %dma_start3A_34, %dma_start3A_35] : memref<2x16x20x1000xi32, #tpu.memory_space<hbm>> -> memref<1x1x20x1000xi32, #tpu.memory_space<hbm>>
      %dma_start3A_37 = tpu.memref_squeeze %dma_start3A_36 : memref<1x1x20x1000xi32, #tpu.memory_space<hbm>> -> memref<20x1000xi32, #tpu.memory_space<hbm>>
      tpu.enqueue_dma source(%dma_start3A_37 : memref<20x1000xi32, #tpu.memory_space<hbm>>) target(%arg12 : memref<20x1000xi32, #tpu.memory_space<vmem>>) target_semaphore(%run_scoped3A_29 : memref<!tpu.dma_semaphore, #tpu.memory_space<semaphore_mem>>)
      %dma_wait3A = arith.constant 0 : i32
      %dma_wait3A_38 = arith.constant 0 : i32
      %dma_wait3A_39 = tpu.memref_slice %arg4[%run_scoped3A, %arg1, %dma_wait3A, %dma_wait3A_38] : memref<2x16x20x1000xi32, #tpu.memory_space<hbm>> -> memref<1x1x20x1000xi32, #tpu.memory_space<hbm>>
      %dma_wait3A_40 = tpu.memref_squeeze %dma_wait3A_39 : memref<1x1x20x1000xi32, #tpu.memory_space<hbm>> -> memref<20x1000xi32, #tpu.memory_space<hbm>>
      %dma_wait3A_41 = arith.constant 0 : i32
      %dma_wait3A_42 = arith.constant 0 : i32
      %dma_wait3A_43 = tpu.memref_slice %arg4[%run_scoped3A, %arg1, %dma_wait3A_41, %dma_wait3A_42] : memref<2x16x20x1000xi32, #tpu.memory_space<hbm>> -> memref<1x1x20x1000xi32, #tpu.memory_space<hbm>>
      %dma_wait3A_44 = tpu.memref_squeeze %dma_wait3A_43 : memref<1x1x20x1000xi32, #tpu.memory_space<hbm>> -> memref<20x1000xi32, #tpu.memory_space<hbm>>
      tpu.wait_dma2 semaphore(%run_scoped3A_29 : memref<!tpu.dma_semaphore, #tpu.memory_space<semaphore_mem>>) src(%dma_wait3A_44 : memref<20x1000xi32, #tpu.memory_space<hbm>>) dst(%arg12 : memref<20x1000xi32, #tpu.memory_space<vmem>>)
      tpu.yield
    }) : () -> ()
    %run_scoped3A_1 = arith.constant 1 : i32
    "tpu.region"() ({
      %run_scoped3A_29 = tpu.sem_alloc : memref<!tpu.dma_semaphore, #tpu.memory_space<semaphore_mem>>
      %dma_start3A_30 = arith.constant 0 : i32
      %dma_start3A_31 = arith.constant 0 : i32
      %dma_start3A_32 = tpu.memref_slice %arg4[%run_scoped3A_1, %arg1, %dma_start3A_30, %dma_start3A_31] : memref<2x16x20x1000xi32, #tpu.memory_space<hbm>> -> memref<1x1x20x1000xi32, #tpu.memory_space<hbm>>
      %dma_start3A_33 = tpu.memref_squeeze %dma_start3A_32 : memref<1x1x20x1000xi32, #tpu.memory_space<hbm>> -> memref<20x1000xi32, #tpu.memory_space<hbm>>
      %dma_start3A_34 = arith.constant 0 : i32
      %dma_start3A_35 = arith.constant 0 : i32
      %dma_start3A_36 = tpu.memref_slice %arg4[%run_scoped3A_1, %arg1, %dma_start3A_34, %dma_start3A_35] : memref<2x16x20x1000xi32, #tpu.memory_space<hbm>> -> memref<1x1x20x1000xi32, #tpu.memory_space<hbm>>
      %dma_start3A_37 = tpu.memref_squeeze %dma_start3A_36 : memref<1x1x20x1000xi32, #tpu.memory_space<hbm>> -> memref<20x1000xi32, #tpu.memory_space<hbm>>
      tpu.enqueue_dma source(%dma_start3A_37 : memref<20x1000xi32, #tpu.memory_space<hbm>>) target(%arg13 : memref<20x1000xi32, #tpu.memory_space<vmem>>) target_semaphore(%run_scoped3A_29 : memref<!tpu.dma_semaphore, #tpu.memory_space<semaphore_mem>>)
      %dma_wait3A = arith.constant 0 : i32
      %dma_wait3A_38 = arith.constant 0 : i32
      %dma_wait3A_39 = tpu.memref_slice %arg4[%run_scoped3A_1, %arg1, %dma_wait3A, %dma_wait3A_38] : memref<2x16x20x1000xi32, #tpu.memory_space<hbm>> -> memref<1x1x20x1000xi32, #tpu.memory_space<hbm>>
      %dma_wait3A_40 = tpu.memref_squeeze %dma_wait3A_39 : memref<1x1x20x1000xi32, #tpu.memory_space<hbm>> -> memref<20x1000xi32, #tpu.memory_space<hbm>>
      %dma_wait3A_41 = arith.constant 0 : i32
      %dma_wait3A_42 = arith.constant 0 : i32
      %dma_wait3A_43 = tpu.memref_slice %arg4[%run_scoped3A_1, %arg1, %dma_wait3A_41, %dma_wait3A_42] : memref<2x16x20x1000xi32, #tpu.memory_space<hbm>> -> memref<1x1x20x1000xi32, #tpu.memory_space<hbm>>
      %dma_wait3A_44 = tpu.memref_squeeze %dma_wait3A_43 : memref<1x1x20x1000xi32, #tpu.memory_space<hbm>> -> memref<20x1000xi32, #tpu.memory_space<hbm>>
      tpu.wait_dma2 semaphore(%run_scoped3A_29 : memref<!tpu.dma_semaphore, #tpu.memory_space<semaphore_mem>>) src(%dma_wait3A_44 : memref<20x1000xi32, #tpu.memory_space<hbm>>) dst(%arg13 : memref<20x1000xi32, #tpu.memory_space<vmem>>)
      tpu.yield
    }) : () -> ()
    %barrier3A = arith.constant 0 : index
    tpu.barrier barrier_id(%barrier3A)
    %eq3A = arith.constant 0 : i32
    %eq3A_2 = arith.cmpi eq, %arg0, %eq3A : i32
    %convert_element_type3A = arith.extui %eq3A_2 : i1 to i32
    %cond3A = arith.constant 0 : i32
    %cond3A_3 = arith.cmpi ne, %convert_element_type3A, %cond3A : i32
    scf.if %cond3A_3 {
      %dma_start3A_29 = arith.constant 0 : i32
      %dma_start3A_30 = arith.constant 0 : i32
      %dma_start3A_31 = tpu.memref_slice %arg12[%dma_start3A_29, %dma_start3A_30] : memref<20x1000xi32, #tpu.memory_space<vmem>> -> memref<1x1000xi32, #tpu.memory_space<vmem>>
      %dma_start3A_32 = tpu.memref_squeeze %dma_start3A_31 : memref<1x1000xi32, #tpu.memory_space<vmem>> -> memref<1000xi32, #tpu.memory_space<vmem>>
      %dma_start3A_33 = arith.constant 0 : i32
      %dma_start3A_34 = arith.constant 0 : i32
      %dma_start3A_35 = tpu.memref_slice %arg2[%dma_start3A_33, %dma_start3A_34] : memref<10240x16xf32, #tpu.memory_space<hbm>> -> memref<10240x16xf32, #tpu.memory_space<hbm>>
      tpu.enqueue_indirect_dma source(%dma_start3A_35 : memref<10240x16xf32, #tpu.memory_space<hbm>>) target(%arg14 : memref<1000x16xf32, #tpu.memory_space<vmem>>) offsets(%dma_start3A_32 : memref<1000xi32, #tpu.memory_space<vmem>>) semaphore(%arg18 : memref<!tpu.dma_semaphore, #tpu.memory_space<semaphore_mem>>)
      %scan3A_36 = arith.constant 0 : i32
      %scan3A_37 = arith.constant 0 : i32
      %scan3A_38 = arith.constant 10 : i32
      %scan3A_39 = arith.addi %scan3A_37, %scan3A_38 : i32
      %scan3A_40 = arith.constant 1 : i32
      scf.for %scan3A_42 = %scan3A_37 to %scan3A_39 step %scan3A_40  : i32 {
        %mul3A_43 = arith.constant 2 : i32
        %mul3A_44 = arith.muli %mul3A_43, %scan3A_42 : i32
        %add3A = arith.constant 1 : i32
        %add3A_45 = arith.addi %mul3A_44, %add3A : i32
        %dma_start3A_46 = arith.constant 0 : i32
        %dma_start3A_47 = tpu.memref_slice %arg12[%add3A_45, %dma_start3A_46] : memref<20x1000xi32, #tpu.memory_space<vmem>> -> memref<1x1000xi32, #tpu.memory_space<vmem>>
        %dma_start3A_48 = tpu.memref_squeeze %dma_start3A_47 : memref<1x1000xi32, #tpu.memory_space<vmem>> -> memref<1000xi32, #tpu.memory_space<vmem>>
        %dma_start3A_49 = arith.constant 0 : i32
        %dma_start3A_50 = arith.constant 0 : i32
        %dma_start3A_51 = tpu.memref_slice %arg2[%dma_start3A_49, %dma_start3A_50] : memref<10240x16xf32, #tpu.memory_space<hbm>> -> memref<10240x16xf32, #tpu.memory_space<hbm>>
        tpu.enqueue_indirect_dma source(%dma_start3A_51 : memref<10240x16xf32, #tpu.memory_space<hbm>>) target(%arg15 : memref<1000x16xf32, #tpu.memory_space<vmem>>) offsets(%dma_start3A_48 : memref<1000xi32, #tpu.memory_space<vmem>>) semaphore(%arg19 : memref<!tpu.dma_semaphore, #tpu.memory_space<semaphore_mem>>)
        %dma_wait3A = arith.constant 0 : i32
        %dma_wait3A_52 = tpu.memref_slice %arg12[%mul3A_44, %dma_wait3A] : memref<20x1000xi32, #tpu.memory_space<vmem>> -> memref<1x1000xi32, #tpu.memory_space<vmem>>
        %dma_wait3A_53 = tpu.memref_squeeze %dma_wait3A_52 : memref<1x1000xi32, #tpu.memory_space<vmem>> -> memref<1000xi32, #tpu.memory_space<vmem>>
        %dma_wait3A_54 = arith.constant 0 : i32
        %dma_wait3A_55 = arith.constant 0 : i32
        %dma_wait3A_56 = tpu.memref_slice %arg2[%dma_wait3A_54, %dma_wait3A_55] : memref<10240x16xf32, #tpu.memory_space<hbm>> -> memref<10240x16xf32, #tpu.memory_space<hbm>>
        tpu.wait_indirect_dma semaphore(%arg18 : memref<!tpu.dma_semaphore, #tpu.memory_space<semaphore_mem>>) src(%dma_wait3A_56 : memref<10240x16xf32, #tpu.memory_space<hbm>>) dst(%arg14 : memref<1000x16xf32, #tpu.memory_space<vmem>>)
        %lt3A = arith.constant 9 : i32
        %lt3A_57 = arith.cmpi slt, %scan3A_42, %lt3A : i32
        %convert_element_type3A_58 = arith.extui %lt3A_57 : i1 to i32
        %cond3A_59 = arith.constant 0 : i32
        %cond3A_60 = arith.cmpi ne, %convert_element_type3A_58, %cond3A_59 : i32
        scf.if %cond3A_60 {
          %add3A_69 = arith.constant 2 : i32
          %add3A_70 = arith.addi %mul3A_44, %add3A_69 : i32
          %dma_start3A_71 = arith.constant 0 : i32
          %dma_start3A_72 = tpu.memref_slice %arg12[%add3A_70, %dma_start3A_71] : memref<20x1000xi32, #tpu.memory_space<vmem>> -> memref<1x1000xi32, #tpu.memory_space<vmem>>
          %dma_start3A_73 = tpu.memref_squeeze %dma_start3A_72 : memref<1x1000xi32, #tpu.memory_space<vmem>> -> memref<1000xi32, #tpu.memory_space<vmem>>
          %dma_start3A_74 = arith.constant 0 : i32
          %dma_start3A_75 = arith.constant 0 : i32
          %dma_start3A_76 = tpu.memref_slice %arg2[%dma_start3A_74, %dma_start3A_75] : memref<10240x16xf32, #tpu.memory_space<hbm>> -> memref<10240x16xf32, #tpu.memory_space<hbm>>
          tpu.enqueue_indirect_dma source(%dma_start3A_76 : memref<10240x16xf32, #tpu.memory_space<hbm>>) target(%arg14 : memref<1000x16xf32, #tpu.memory_space<vmem>>) offsets(%dma_start3A_73 : memref<1000xi32, #tpu.memory_space<vmem>>) semaphore(%arg18 : memref<!tpu.dma_semaphore, #tpu.memory_space<semaphore_mem>>)
        } else {
        }
        %add3A_61 = arith.constant 1 : i32
        %add3A_62 = arith.addi %mul3A_44, %add3A_61 : i32
        %dma_wait3A_63 = arith.constant 0 : i32
        %dma_wait3A_64 = tpu.memref_slice %arg12[%add3A_62, %dma_wait3A_63] : memref<20x1000xi32, #tpu.memory_space<vmem>> -> memref<1x1000xi32, #tpu.memory_space<vmem>>
        %dma_wait3A_65 = tpu.memref_squeeze %dma_wait3A_64 : memref<1x1000xi32, #tpu.memory_space<vmem>> -> memref<1000xi32, #tpu.memory_space<vmem>>
        %dma_wait3A_66 = arith.constant 0 : i32
        %dma_wait3A_67 = arith.constant 0 : i32
        %dma_wait3A_68 = tpu.memref_slice %arg2[%dma_wait3A_66, %dma_wait3A_67] : memref<10240x16xf32, #tpu.memory_space<hbm>> -> memref<10240x16xf32, #tpu.memory_space<hbm>>
        tpu.wait_indirect_dma semaphore(%arg19 : memref<!tpu.dma_semaphore, #tpu.memory_space<semaphore_mem>>) src(%dma_wait3A_68 : memref<10240x16xf32, #tpu.memory_space<hbm>>) dst(%arg15 : memref<1000x16xf32, #tpu.memory_space<vmem>>)
      }
      %scan3A_41 = arith.constant 10 : i32
    } else {
    }
    %eq3A_4 = arith.constant 1 : i32
    %eq3A_5 = arith.cmpi eq, %arg0, %eq3A_4 : i32
    %convert_element_type3A_6 = arith.extui %eq3A_5 : i1 to i32
    %cond3A_7 = arith.constant 0 : i32
    %cond3A_8 = arith.cmpi ne, %convert_element_type3A_6, %cond3A_7 : i32
    scf.if %cond3A_8 {
      %dma_start3A_29 = arith.constant 0 : i32
      %dma_start3A_30 = arith.constant 0 : i32
      %dma_start3A_31 = tpu.memref_slice %arg12[%dma_start3A_29, %dma_start3A_30] : memref<20x1000xi32, #tpu.memory_space<vmem>> -> memref<1x1000xi32, #tpu.memory_space<vmem>>
      %dma_start3A_32 = tpu.memref_squeeze %dma_start3A_31 : memref<1x1000xi32, #tpu.memory_space<vmem>> -> memref<1000xi32, #tpu.memory_space<vmem>>
      %dma_start3A_33 = arith.constant 0 : i32
      %dma_start3A_34 = arith.constant 0 : i32
      %dma_start3A_35 = tpu.memref_slice %arg3[%dma_start3A_33, %dma_start3A_34] : memref<10240x16xf32, #tpu.memory_space<hbm>> -> memref<10240x16xf32, #tpu.memory_space<hbm>>
      tpu.enqueue_indirect_dma source(%dma_start3A_35 : memref<10240x16xf32, #tpu.memory_space<hbm>>) target(%arg14 : memref<1000x16xf32, #tpu.memory_space<vmem>>) offsets(%dma_start3A_32 : memref<1000xi32, #tpu.memory_space<vmem>>) semaphore(%arg18 : memref<!tpu.dma_semaphore, #tpu.memory_space<semaphore_mem>>)
      %scan3A_36 = arith.constant 0 : i32
      %scan3A_37 = arith.constant 0 : i32
      %scan3A_38 = arith.constant 10 : i32
      %scan3A_39 = arith.addi %scan3A_37, %scan3A_38 : i32
      %scan3A_40 = arith.constant 1 : i32
      scf.for %scan3A_42 = %scan3A_37 to %scan3A_39 step %scan3A_40  : i32 {
        %mul3A_43 = arith.constant 2 : i32
        %mul3A_44 = arith.muli %mul3A_43, %scan3A_42 : i32
        %add3A = arith.constant 1 : i32
        %add3A_45 = arith.addi %mul3A_44, %add3A : i32
        %dma_start3A_46 = arith.constant 0 : i32
        %dma_start3A_47 = tpu.memref_slice %arg12[%add3A_45, %dma_start3A_46] : memref<20x1000xi32, #tpu.memory_space<vmem>> -> memref<1x1000xi32, #tpu.memory_space<vmem>>
        %dma_start3A_48 = tpu.memref_squeeze %dma_start3A_47 : memref<1x1000xi32, #tpu.memory_space<vmem>> -> memref<1000xi32, #tpu.memory_space<vmem>>
        %dma_start3A_49 = arith.constant 0 : i32
        %dma_start3A_50 = arith.constant 0 : i32
        %dma_start3A_51 = tpu.memref_slice %arg3[%dma_start3A_49, %dma_start3A_50] : memref<10240x16xf32, #tpu.memory_space<hbm>> -> memref<10240x16xf32, #tpu.memory_space<hbm>>
        tpu.enqueue_indirect_dma source(%dma_start3A_51 : memref<10240x16xf32, #tpu.memory_space<hbm>>) target(%arg15 : memref<1000x16xf32, #tpu.memory_space<vmem>>) offsets(%dma_start3A_48 : memref<1000xi32, #tpu.memory_space<vmem>>) semaphore(%arg19 : memref<!tpu.dma_semaphore, #tpu.memory_space<semaphore_mem>>)
        %dma_wait3A = arith.constant 0 : i32
        %dma_wait3A_52 = tpu.memref_slice %arg12[%mul3A_44, %dma_wait3A] : memref<20x1000xi32, #tpu.memory_space<vmem>> -> memref<1x1000xi32, #tpu.memory_space<vmem>>
        %dma_wait3A_53 = tpu.memref_squeeze %dma_wait3A_52 : memref<1x1000xi32, #tpu.memory_space<vmem>> -> memref<1000xi32, #tpu.memory_space<vmem>>
        %dma_wait3A_54 = arith.constant 0 : i32
        %dma_wait3A_55 = arith.constant 0 : i32
        %dma_wait3A_56 = tpu.memref_slice %arg3[%dma_wait3A_54, %dma_wait3A_55] : memref<10240x16xf32, #tpu.memory_space<hbm>> -> memref<10240x16xf32, #tpu.memory_space<hbm>>
        tpu.wait_indirect_dma semaphore(%arg18 : memref<!tpu.dma_semaphore, #tpu.memory_space<semaphore_mem>>) src(%dma_wait3A_56 : memref<10240x16xf32, #tpu.memory_space<hbm>>) dst(%arg14 : memref<1000x16xf32, #tpu.memory_space<vmem>>)
        %lt3A = arith.constant 9 : i32
        %lt3A_57 = arith.cmpi slt, %scan3A_42, %lt3A : i32
        %convert_element_type3A_58 = arith.extui %lt3A_57 : i1 to i32
        %cond3A_59 = arith.constant 0 : i32
        %cond3A_60 = arith.cmpi ne, %convert_element_type3A_58, %cond3A_59 : i32
        scf.if %cond3A_60 {
          %add3A_69 = arith.constant 2 : i32
          %add3A_70 = arith.addi %mul3A_44, %add3A_69 : i32
          %dma_start3A_71 = arith.constant 0 : i32
          %dma_start3A_72 = tpu.memref_slice %arg12[%add3A_70, %dma_start3A_71] : memref<20x1000xi32, #tpu.memory_space<vmem>> -> memref<1x1000xi32, #tpu.memory_space<vmem>>
          %dma_start3A_73 = tpu.memref_squeeze %dma_start3A_72 : memref<1x1000xi32, #tpu.memory_space<vmem>> -> memref<1000xi32, #tpu.memory_space<vmem>>
          %dma_start3A_74 = arith.constant 0 : i32
          %dma_start3A_75 = arith.constant 0 : i32
          %dma_start3A_76 = tpu.memref_slice %arg3[%dma_start3A_74, %dma_start3A_75] : memref<10240x16xf32, #tpu.memory_space<hbm>> -> memref<10240x16xf32, #tpu.memory_space<hbm>>
          tpu.enqueue_indirect_dma source(%dma_start3A_76 : memref<10240x16xf32, #tpu.memory_space<hbm>>) target(%arg14 : memref<1000x16xf32, #tpu.memory_space<vmem>>) offsets(%dma_start3A_73 : memref<1000xi32, #tpu.memory_space<vmem>>) semaphore(%arg18 : memref<!tpu.dma_semaphore, #tpu.memory_space<semaphore_mem>>)
        } else {
        }
        %add3A_61 = arith.constant 1 : i32
        %add3A_62 = arith.addi %mul3A_44, %add3A_61 : i32
        %dma_wait3A_63 = arith.constant 0 : i32
        %dma_wait3A_64 = tpu.memref_slice %arg12[%add3A_62, %dma_wait3A_63] : memref<20x1000xi32, #tpu.memory_space<vmem>> -> memref<1x1000xi32, #tpu.memory_space<vmem>>
        %dma_wait3A_65 = tpu.memref_squeeze %dma_wait3A_64 : memref<1x1000xi32, #tpu.memory_space<vmem>> -> memref<1000xi32, #tpu.memory_space<vmem>>
        %dma_wait3A_66 = arith.constant 0 : i32
        %dma_wait3A_67 = arith.constant 0 : i32
        %dma_wait3A_68 = tpu.memref_slice %arg3[%dma_wait3A_66, %dma_wait3A_67] : memref<10240x16xf32, #tpu.memory_space<hbm>> -> memref<10240x16xf32, #tpu.memory_space<hbm>>
        tpu.wait_indirect_dma semaphore(%arg19 : memref<!tpu.dma_semaphore, #tpu.memory_space<semaphore_mem>>) src(%dma_wait3A_68 : memref<10240x16xf32, #tpu.memory_space<hbm>>) dst(%arg15 : memref<1000x16xf32, #tpu.memory_space<vmem>>)
      }
      %scan3A_41 = arith.constant 10 : i32
    } else {
    }
    %barrier3A_9 = arith.constant 0 : index
    tpu.barrier barrier_id(%barrier3A_9)
    "tpu.region"() ({
      %run_scoped3A_29 = tpu.sem_alloc : memref<!tpu.dma_semaphore, #tpu.memory_space<semaphore_mem>>
      %dma_start3A_30 = arith.constant 0 : i32
      %dma_start3A_31 = tpu.memref_slice %arg7[%arg0, %mul3A_0, %dma_start3A_30] : memref<2x10240x16xf32, #tpu.memory_space<hbm>> -> memref<1x640x16xf32, #tpu.memory_space<hbm>>
      %dma_start3A_32 = tpu.memref_squeeze %dma_start3A_31 : memref<1x640x16xf32, #tpu.memory_space<hbm>> -> memref<640x16xf32, #tpu.memory_space<hbm>>
      %dma_start3A_33 = arith.constant 0 : i32
      %dma_start3A_34 = tpu.memref_slice %arg9[%mul3A_0, %dma_start3A_33] : memref<10240x16xf32, #tpu.memory_space<vmem_shared>> -> memref<640x16xf32, #tpu.memory_space<vmem_shared>>
      tpu.enqueue_dma source(%dma_start3A_34 : memref<640x16xf32, #tpu.memory_space<vmem_shared>>) target(%dma_start3A_32 : memref<640x16xf32, #tpu.memory_space<hbm>>) target_semaphore(%run_scoped3A_29 : memref<!tpu.dma_semaphore, #tpu.memory_space<semaphore_mem>>)
      %dma_wait3A = arith.constant 0 : i32
      %dma_wait3A_35 = tpu.memref_slice %arg7[%arg0, %mul3A_0, %dma_wait3A] : memref<2x10240x16xf32, #tpu.memory_space<hbm>> -> memref<1x640x16xf32, #tpu.memory_space<hbm>>
      %dma_wait3A_36 = tpu.memref_squeeze %dma_wait3A_35 : memref<1x640x16xf32, #tpu.memory_space<hbm>> -> memref<640x16xf32, #tpu.memory_space<hbm>>
      %dma_wait3A_37 = arith.constant 0 : i32
      %dma_wait3A_38 = tpu.memref_slice %arg9[%mul3A_0, %dma_wait3A_37] : memref<10240x16xf32, #tpu.memory_space<vmem_shared>> -> memref<640x16xf32, #tpu.memory_space<vmem_shared>>
      tpu.wait_dma2 semaphore(%run_scoped3A_29 : memref<!tpu.dma_semaphore, #tpu.memory_space<semaphore_mem>>) src(%dma_wait3A_38 : memref<640x16xf32, #tpu.memory_space<vmem_shared>>) dst(%dma_wait3A_36 : memref<640x16xf32, #tpu.memory_space<hbm>>)
      tpu.yield
    }) : () -> ()
    "tpu.region"() ({
      %run_scoped3A_29 = tpu.sem_alloc : memref<!tpu.dma_semaphore, #tpu.memory_space<semaphore_mem>>
      %dma_start3A_30 = arith.constant 0 : i32
      %dma_start3A_31 = tpu.memref_slice %arg9[%mul3A_0, %dma_start3A_30] : memref<10240x16xf32, #tpu.memory_space<vmem_shared>> -> memref<640x16xf32, #tpu.memory_space<vmem_shared>>
      %dma_start3A_32 = arith.constant 0 : i32
      %dma_start3A_33 = tpu.memref_slice %arg9[%mul3A_0, %dma_start3A_32] : memref<10240x16xf32, #tpu.memory_space<vmem_shared>> -> memref<640x16xf32, #tpu.memory_space<vmem_shared>>
      tpu.enqueue_dma source(%dma_start3A_33 : memref<640x16xf32, #tpu.memory_space<vmem_shared>>) target(%arg16 : memref<640x16xf32, #tpu.memory_space<vmem>>) target_semaphore(%run_scoped3A_29 : memref<!tpu.dma_semaphore, #tpu.memory_space<semaphore_mem>>)
      %dma_wait3A = arith.constant 0 : i32
      %dma_wait3A_34 = tpu.memref_slice %arg9[%mul3A_0, %dma_wait3A] : memref<10240x16xf32, #tpu.memory_space<vmem_shared>> -> memref<640x16xf32, #tpu.memory_space<vmem_shared>>
      %dma_wait3A_35 = arith.constant 0 : i32
      %dma_wait3A_36 = tpu.memref_slice %arg9[%mul3A_0, %dma_wait3A_35] : memref<10240x16xf32, #tpu.memory_space<vmem_shared>> -> memref<640x16xf32, #tpu.memory_space<vmem_shared>>
      tpu.wait_dma2 semaphore(%run_scoped3A_29 : memref<!tpu.dma_semaphore, #tpu.memory_space<semaphore_mem>>) src(%dma_wait3A_36 : memref<640x16xf32, #tpu.memory_space<vmem_shared>>) dst(%arg16 : memref<640x16xf32, #tpu.memory_space<vmem>>)
      tpu.yield
    }) : () -> ()
    "tpu.region"() ({
      %run_scoped3A_29 = tpu.sem_alloc : memref<!tpu.dma_semaphore, #tpu.memory_space<semaphore_mem>>
      %dma_start3A_30 = arith.constant 0 : i32
      %dma_start3A_31 = tpu.memref_slice %arg5[%mul3A_0, %dma_start3A_30] : memref<10240x16xf32, #tpu.memory_space<hbm>> -> memref<640x16xf32, #tpu.memory_space<hbm>>
      %dma_start3A_32 = arith.constant 0 : i32
      %dma_start3A_33 = tpu.memref_slice %arg5[%mul3A_0, %dma_start3A_32] : memref<10240x16xf32, #tpu.memory_space<hbm>> -> memref<640x16xf32, #tpu.memory_space<hbm>>
      tpu.enqueue_dma source(%dma_start3A_33 : memref<640x16xf32, #tpu.memory_space<hbm>>) target(%arg17 : memref<640x16xf32, #tpu.memory_space<vmem>>) target_semaphore(%run_scoped3A_29 : memref<!tpu.dma_semaphore, #tpu.memory_space<semaphore_mem>>)
      %dma_wait3A = arith.constant 0 : i32
      %dma_wait3A_34 = tpu.memref_slice %arg5[%mul3A_0, %dma_wait3A] : memref<10240x16xf32, #tpu.memory_space<hbm>> -> memref<640x16xf32, #tpu.memory_space<hbm>>
      %dma_wait3A_35 = arith.constant 0 : i32
      %dma_wait3A_36 = tpu.memref_slice %arg5[%mul3A_0, %dma_wait3A_35] : memref<10240x16xf32, #tpu.memory_space<hbm>> -> memref<640x16xf32, #tpu.memory_space<hbm>>
      tpu.wait_dma2 semaphore(%run_scoped3A_29 : memref<!tpu.dma_semaphore, #tpu.memory_space<semaphore_mem>>) src(%dma_wait3A_36 : memref<640x16xf32, #tpu.memory_space<hbm>>) dst(%arg17 : memref<640x16xf32, #tpu.memory_space<vmem>>)
      tpu.yield
    }) : () -> ()
    %scan3A = arith.constant 0 : i32
    %scan3A_10 = arith.constant 0 : i32
    %scan3A_11 = arith.constant 640 : i32
    %scan3A_12 = arith.addi %scan3A_10, %scan3A_11 : i32
    %scan3A_13 = arith.constant 1 : i32
    scf.for %scan3A_29 = %scan3A_10 to %scan3A_12 step %scan3A_13  : i32 {
      %get3A = arith.index_cast %scan3A_29 : i32 to index
      %get3A_30 = arith.constant 0 : index
      %get3A_31 = tpu.vector_load %arg16[%get3A, %get3A_30] {strides = array<i32>} : memref<640x16xf32, #tpu.memory_space<vmem>>, vector<1x16xf32>,
      %get3A_32 = vector.shape_cast %get3A_31 : vector<1x16xf32> to vector<16xf32>
      %get3A_33 = arith.index_cast %scan3A_29 : i32 to index
      %get3A_34 = arith.constant 0 : index
      %get3A_35 = tpu.vector_load %arg17[%get3A_33, %get3A_34] {strides = array<i32>} : memref<640x16xf32, #tpu.memory_space<vmem>>, vector<1x16xf32>,
      %get3A_36 = vector.shape_cast %get3A_35 : vector<1x16xf32> to vector<16xf32>
      %mul3A_37 = arith.mulf %get3A_32, %get3A_36 : vector<16xf32>
      %swap3A = arith.index_cast %scan3A_29 : i32 to index
      %swap3A_38 = arith.constant 0 : index
      %swap3A_39 = tpu.vector_load %arg16[%swap3A, %swap3A_38] {strides = array<i32>} : memref<640x16xf32, #tpu.memory_space<vmem>>, vector<1x16xf32>,
      %swap3A_40 = vector.shape_cast %swap3A_39 : vector<1x16xf32> to vector<16xf32>
      %swap3A_41 = vector.shape_cast %mul3A_37 : vector<16xf32> to vector<1x16xf32>
      tpu.vector_store %arg16[%swap3A, %swap3A_38], %swap3A_41 {strides = array<i32>} : memref<640x16xf32, #tpu.memory_space<vmem>>, vector<1x16xf32>,
    }
    %scan3A_14 = arith.constant 640 : i32
    "tpu.region"() ({
      %run_scoped3A_29 = tpu.sem_alloc : memref<!tpu.dma_semaphore, #tpu.memory_space<semaphore_mem>>
      %dma_start3A_30 = arith.constant 0 : i32
      %dma_start3A_31 = tpu.memref_slice %arg11[%mul3A_0, %dma_start3A_30] : memref<10240x16xf32, #tpu.memory_space<vmem_shared>> -> memref<640x16xf32, #tpu.memory_space<vmem_shared>>
      %dma_start3A_32 = arith.constant 0 : i32
      %dma_start3A_33 = tpu.memref_slice %arg11[%mul3A_0, %dma_start3A_32] : memref<10240x16xf32, #tpu.memory_space<vmem_shared>> -> memref<640x16xf32, #tpu.memory_space<vmem_shared>>
      tpu.enqueue_dma source(%arg16 : memref<640x16xf32, #tpu.memory_space<vmem>>) target(%dma_start3A_33 : memref<640x16xf32, #tpu.memory_space<vmem_shared>>) target_semaphore(%run_scoped3A_29 : memref<!tpu.dma_semaphore, #tpu.memory_space<semaphore_mem>>)
      %dma_wait3A = arith.constant 0 : i32
      %dma_wait3A_34 = tpu.memref_slice %arg11[%mul3A_0, %dma_wait3A] : memref<10240x16xf32, #tpu.memory_space<vmem_shared>> -> memref<640x16xf32, #tpu.memory_space<vmem_shared>>
      %dma_wait3A_35 = arith.constant 0 : i32
      %dma_wait3A_36 = tpu.memref_slice %arg11[%mul3A_0, %dma_wait3A_35] : memref<10240x16xf32, #tpu.memory_space<vmem_shared>> -> memref<640x16xf32, #tpu.memory_space<vmem_shared>>
      tpu.wait_dma2 semaphore(%run_scoped3A_29 : memref<!tpu.dma_semaphore, #tpu.memory_space<semaphore_mem>>) src(%arg16 : memref<640x16xf32, #tpu.memory_space<vmem>>) dst(%dma_wait3A_36 : memref<640x16xf32, #tpu.memory_space<vmem_shared>>)
      tpu.yield
    }) : () -> ()
    %barrier3A_15 = arith.constant 0 : index
    tpu.barrier barrier_id(%barrier3A_15)
    %dma_start3A = arith.constant 0 : i32
    %dma_start3A_16 = arith.constant 0 : i32
    %dma_start3A_17 = tpu.memref_slice %arg12[%dma_start3A, %dma_start3A_16] : memref<20x1000xi32, #tpu.memory_space<vmem>> -> memref<1x1000xi32, #tpu.memory_space<vmem>>
    %dma_start3A_18 = tpu.memref_squeeze %dma_start3A_17 : memref<1x1000xi32, #tpu.memory_space<vmem>> -> memref<1000xi32, #tpu.memory_space<vmem>>
    %dma_start3A_19 = arith.constant 0 : i32
    %dma_start3A_20 = arith.constant 0 : i32
    %dma_start3A_21 = tpu.memref_slice %arg11[%dma_start3A_19, %dma_start3A_20] : memref<10240x16xf32, #tpu.memory_space<vmem_shared>> -> memref<10240x16xf32, #tpu.memory_space<vmem_shared>>
    tpu.enqueue_indirect_dma source(%dma_start3A_21 : memref<10240x16xf32, #tpu.memory_space<vmem_shared>>) target(%arg14 : memref<1000x16xf32, #tpu.memory_space<vmem>>) offsets(%dma_start3A_18 : memref<1000xi32, #tpu.memory_space<vmem>>) semaphore(%arg18 : memref<!tpu.dma_semaphore, #tpu.memory_space<semaphore_mem>>)
    %scan3A_22 = arith.constant 0 : i32
    %scan3A_23 = arith.constant 0 : i32
    %scan3A_24 = arith.constant 10 : i32
    %scan3A_25 = arith.addi %scan3A_23, %scan3A_24 : i32
    %scan3A_26 = arith.constant 1 : i32
    scf.for %scan3A_29 = %scan3A_23 to %scan3A_25 step %scan3A_26  : i32 {
      %mul3A_30 = arith.constant 2 : i32
      %mul3A_31 = arith.muli %mul3A_30, %scan3A_29 : i32
      %add3A = arith.constant 1 : i32
      %add3A_32 = arith.addi %mul3A_31, %add3A : i32
      %dma_start3A_33 = arith.constant 0 : i32
      %dma_start3A_34 = tpu.memref_slice %arg12[%add3A_32, %dma_start3A_33] : memref<20x1000xi32, #tpu.memory_space<vmem>> -> memref<1x1000xi32, #tpu.memory_space<vmem>>
      %dma_start3A_35 = tpu.memref_squeeze %dma_start3A_34 : memref<1x1000xi32, #tpu.memory_space<vmem>> -> memref<1000xi32, #tpu.memory_space<vmem>>
      %dma_start3A_36 = arith.constant 0 : i32
      %dma_start3A_37 = arith.constant 0 : i32
      %dma_start3A_38 = tpu.memref_slice %arg11[%dma_start3A_36, %dma_start3A_37] : memref<10240x16xf32, #tpu.memory_space<vmem_shared>> -> memref<10240x16xf32, #tpu.memory_space<vmem_shared>>
      tpu.enqueue_indirect_dma source(%dma_start3A_38 : memref<10240x16xf32, #tpu.memory_space<vmem_shared>>) target(%arg15 : memref<1000x16xf32, #tpu.memory_space<vmem>>) offsets(%dma_start3A_35 : memref<1000xi32, #tpu.memory_space<vmem>>) semaphore(%arg19 : memref<!tpu.dma_semaphore, #tpu.memory_space<semaphore_mem>>)
      %dma_wait3A = arith.constant 0 : i32
      %dma_wait3A_39 = tpu.memref_slice %arg12[%mul3A_31, %dma_wait3A] : memref<20x1000xi32, #tpu.memory_space<vmem>> -> memref<1x1000xi32, #tpu.memory_space<vmem>>
      %dma_wait3A_40 = tpu.memref_squeeze %dma_wait3A_39 : memref<1x1000xi32, #tpu.memory_space<vmem>> -> memref<1000xi32, #tpu.memory_space<vmem>>
      %dma_wait3A_41 = arith.constant 0 : i32
      %dma_wait3A_42 = arith.constant 0 : i32
      %dma_wait3A_43 = tpu.memref_slice %arg11[%dma_wait3A_41, %dma_wait3A_42] : memref<10240x16xf32, #tpu.memory_space<vmem_shared>> -> memref<10240x16xf32, #tpu.memory_space<vmem_shared>>
      tpu.wait_indirect_dma semaphore(%arg18 : memref<!tpu.dma_semaphore, #tpu.memory_space<semaphore_mem>>) src(%dma_wait3A_43 : memref<10240x16xf32, #tpu.memory_space<vmem_shared>>) dst(%arg14 : memref<1000x16xf32, #tpu.memory_space<vmem>>)
      %lt3A = arith.constant 9 : i32
      %lt3A_44 = arith.cmpi slt, %scan3A_29, %lt3A : i32
      %convert_element_type3A_45 = arith.extui %lt3A_44 : i1 to i32
      %cond3A_46 = arith.constant 0 : i32
      %cond3A_47 = arith.cmpi ne, %convert_element_type3A_45, %cond3A_46 : i32
      scf.if %cond3A_47 {
        %add3A_56 = arith.constant 2 : i32
        %add3A_57 = arith.addi %mul3A_31, %add3A_56 : i32
        %dma_start3A_58 = arith.constant 0 : i32
        %dma_start3A_59 = tpu.memref_slice %arg12[%add3A_57, %dma_start3A_58] : memref<20x1000xi32, #tpu.memory_space<vmem>> -> memref<1x1000xi32, #tpu.memory_space<vmem>>
        %dma_start3A_60 = tpu.memref_squeeze %dma_start3A_59 : memref<1x1000xi32, #tpu.memory_space<vmem>> -> memref<1000xi32, #tpu.memory_space<vmem>>
        %dma_start3A_61 = arith.constant 0 : i32
        %dma_start3A_62 = arith.constant 0 : i32
        %dma_start3A_63 = tpu.memref_slice %arg11[%dma_start3A_61, %dma_start3A_62] : memref<10240x16xf32, #tpu.memory_space<vmem_shared>> -> memref<10240x16xf32, #tpu.memory_space<vmem_shared>>
        tpu.enqueue_indirect_dma source(%dma_start3A_63 : memref<10240x16xf32, #tpu.memory_space<vmem_shared>>) target(%arg14 : memref<1000x16xf32, #tpu.memory_space<vmem>>) offsets(%dma_start3A_60 : memref<1000xi32, #tpu.memory_space<vmem>>) semaphore(%arg18 : memref<!tpu.dma_semaphore, #tpu.memory_space<semaphore_mem>>)
      } else {
      }
      %add3A_48 = arith.constant 1 : i32
      %add3A_49 = arith.addi %mul3A_31, %add3A_48 : i32
      %dma_wait3A_50 = arith.constant 0 : i32
      %dma_wait3A_51 = tpu.memref_slice %arg12[%add3A_49, %dma_wait3A_50] : memref<20x1000xi32, #tpu.memory_space<vmem>> -> memref<1x1000xi32, #tpu.memory_space<vmem>>
      %dma_wait3A_52 = tpu.memref_squeeze %dma_wait3A_51 : memref<1x1000xi32, #tpu.memory_space<vmem>> -> memref<1000xi32, #tpu.memory_space<vmem>>
      %dma_wait3A_53 = arith.constant 0 : i32
      %dma_wait3A_54 = arith.constant 0 : i32
      %dma_wait3A_55 = tpu.memref_slice %arg11[%dma_wait3A_53, %dma_wait3A_54] : memref<10240x16xf32, #tpu.memory_space<vmem_shared>> -> memref<10240x16xf32, #tpu.memory_space<vmem_shared>>
      tpu.wait_indirect_dma semaphore(%arg19 : memref<!tpu.dma_semaphore, #tpu.memory_space<semaphore_mem>>) src(%dma_wait3A_55 : memref<10240x16xf32, #tpu.memory_space<vmem_shared>>) dst(%arg15 : memref<1000x16xf32, #tpu.memory_space<vmem>>)
    }
    %scan3A_27 = arith.constant 10 : i32
    %barrier3A_28 = arith.constant 0 : index
    tpu.barrier barrier_id(%barrier3A_28)
    "tpu.region"() ({
      %run_scoped3A_29 = tpu.sem_alloc : memref<!tpu.dma_semaphore, #tpu.memory_space<semaphore_mem>>
      %dma_start3A_30 = arith.constant 0 : i32
      %dma_start3A_31 = tpu.memref_slice %arg8[%arg0, %mul3A_0, %dma_start3A_30] : memref<2x10240x16xf32, #tpu.memory_space<hbm>> -> memref<1x640x16xf32, #tpu.memory_space<hbm>>
      %dma_start3A_32 = tpu.memref_squeeze %dma_start3A_31 : memref<1x640x16xf32, #tpu.memory_space<hbm>> -> memref<640x16xf32, #tpu.memory_space<hbm>>
      %dma_start3A_33 = arith.constant 0 : i32
      %dma_start3A_34 = tpu.memref_slice %arg10[%mul3A_0, %dma_start3A_33] : memref<10240x16xf32, #tpu.memory_space<vmem_shared>> -> memref<640x16xf32, #tpu.memory_space<vmem_shared>>
      tpu.enqueue_dma source(%dma_start3A_34 : memref<640x16xf32, #tpu.memory_space<vmem_shared>>) target(%dma_start3A_32 : memref<640x16xf32, #tpu.memory_space<hbm>>) target_semaphore(%run_scoped3A_29 : memref<!tpu.dma_semaphore, #tpu.memory_space<semaphore_mem>>)
      %dma_wait3A = arith.constant 0 : i32
      %dma_wait3A_35 = tpu.memref_slice %arg8[%arg0, %mul3A_0, %dma_wait3A] : memref<2x10240x16xf32, #tpu.memory_space<hbm>> -> memref<1x640x16xf32, #tpu.memory_space<hbm>>
      %dma_wait3A_36 = tpu.memref_squeeze %dma_wait3A_35 : memref<1x640x16xf32, #tpu.memory_space<hbm>> -> memref<640x16xf32, #tpu.memory_space<hbm>>
      %dma_wait3A_37 = arith.constant 0 : i32
      %dma_wait3A_38 = tpu.memref_slice %arg10[%mul3A_0, %dma_wait3A_37] : memref<10240x16xf32, #tpu.memory_space<vmem_shared>> -> memref<640x16xf32, #tpu.memory_space<vmem_shared>>
      tpu.wait_dma2 semaphore(%run_scoped3A_29 : memref<!tpu.dma_semaphore, #tpu.memory_space<semaphore_mem>>) src(%dma_wait3A_38 : memref<640x16xf32, #tpu.memory_space<vmem_shared>>) dst(%dma_wait3A_36 : memref<640x16xf32, #tpu.memory_space<hbm>>)
      tpu.yield
    }) : () -> ()
    return
  }
}

module attributes {stable_mosaic.version = 14 : i64} {
  func.func @_prep_body(%arg0: memref<1250x1024xf32, #tpu.memory_space<vmem>>, %arg1: memref<1024x128xf32, #tpu.memory_space<vmem>>, %arg2: memref<1024x128xf32, #tpu.memory_space<vmem>>, %arg3: memref<1x128xf32, #tpu.memory_space<vmem>>, %arg4: memref<1x128xf32, #tpu.memory_space<vmem>>, %arg5: memref<2x2x80x128xf32, #tpu.memory_space<vmem>>, %arg6: memref<16x128x128xf32, #tpu.memory_space<vmem>>, %arg7: memref<1280x128xf32, #tpu.memory_space<vmem>>, %arg8: memref<1280x128xf32, #tpu.memory_space<vmem>>, %arg9: memref<1280x128xf32, #tpu.memory_space<vmem>>, %arg10: memref<1280x128xf32, #tpu.memory_space<vmem>>, %arg11: memref<1280x128xf32, #tpu.memory_space<vmem>>, %arg12: memref<1280x128xf32, #tpu.memory_space<vmem>>, %arg13: memref<1280x128xf32, #tpu.memory_space<vmem>>) attributes {dimension_semantics = [], scalar_prefetch = 0 : i64, scratch_operands = 0 : i64, tpu.core_type = #tpu.core_type<tc>} {
    %get3A = arith.constant 0 : index
    %get3A_0 = arith.constant 0 : index
    %get3A_1 = vector.load %arg0[%get3A, %get3A_0] : memref<1250x1024xf32, #tpu.memory_space<vmem>>, vector<1250x1024xf32>
    %broadcast_in_dim3A = arith.constant 0.000000e+00 : f32
    %broadcast_in_dim3A_2 = vector.broadcast %broadcast_in_dim3A : f32 to vector<30x128xf32>
    %get3A_3 = arith.constant 0 : index
    %get3A_4 = arith.constant 0 : index
    %get3A_5 = vector.load %arg1[%get3A_3, %get3A_4] : memref<1024x128xf32, #tpu.memory_space<vmem>>, vector<1024x128xf32>
    %dot_general3A = arith.constant dense<0.000000e+00> : vector<1250x128xf32>
    %dot_general3A_6 = tpu.matmul %get3A_1, %get3A_5, %dot_general3A {dimension_numbers = #tpu.dot_dimension_numbers<[1], [0], [0], [1], [0, 0, 1, 1], [], []>, transpose_lhs_hint = false} : vector<1250x1024xf32>, vector<1024x128xf32>, vector<1250x128xf32> -> vector<1250x128xf32>
    %get3A_7 = arith.constant 0 : index
    %get3A_8 = arith.constant 0 : index
    %get3A_9 = vector.load %arg3[%get3A_7, %get3A_8] : memref<1x128xf32, #tpu.memory_space<vmem>>, vector<1x128xf32>
    %add3A = vector.broadcast %get3A_9 : vector<1x128xf32> to vector<1250x128xf32>
    %add3A_10 = arith.addf %dot_general3A_6, %add3A : vector<1250x128xf32>
    %max3A = arith.constant 0.000000e+00 : f32
    %max3A_11 = vector.broadcast %max3A : f32 to vector<1250x128xf32>
    %max3A_12 = arith.maximumf %add3A_10, %max3A_11 : vector<1250x128xf32>
    %concatenate3A = tpu.concatenate %max3A_12, %broadcast_in_dim3A_2 in 0 : vector<1250x128xf32>, vector<30x128xf32> -> vector<1280x128xf32>
    %get3A_13 = arith.constant 0 : index
    %get3A_14 = arith.constant 0 : index
    %get3A_15 = vector.load %arg2[%get3A_13, %get3A_14] : memref<1024x128xf32, #tpu.memory_space<vmem>>, vector<1024x128xf32>
    %dot_general3A_16 = arith.constant dense<0.000000e+00> : vector<1250x128xf32>
    %dot_general3A_17 = tpu.matmul %get3A_1, %get3A_15, %dot_general3A_16 {dimension_numbers = #tpu.dot_dimension_numbers<[1], [0], [0], [1], [0, 0, 1, 1], [], []>, transpose_lhs_hint = false} : vector<1250x1024xf32>, vector<1024x128xf32>, vector<1250x128xf32> -> vector<1250x128xf32>
    %get3A_18 = arith.constant 0 : index
    %get3A_19 = arith.constant 0 : index
    %get3A_20 = vector.load %arg4[%get3A_18, %get3A_19] : memref<1x128xf32, #tpu.memory_space<vmem>>, vector<1x128xf32>
    %add3A_21 = vector.broadcast %get3A_20 : vector<1x128xf32> to vector<1250x128xf32>
    %add3A_22 = arith.addf %dot_general3A_17, %add3A_21 : vector<1250x128xf32>
    %max3A_23 = arith.constant 0.000000e+00 : f32
    %max3A_24 = vector.broadcast %max3A_23 : f32 to vector<1250x128xf32>
    %max3A_25 = arith.maximumf %add3A_22, %max3A_24 : vector<1250x128xf32>
    %concatenate3A_26 = tpu.concatenate %max3A_25, %broadcast_in_dim3A_2 in 0 : vector<1250x128xf32>, vector<30x128xf32> -> vector<1280x128xf32>
    %get3A_27 = arith.constant 0 : index
    %get3A_28 = arith.constant 0 : index
    %get3A_29 = arith.constant 0 : index
    %get3A_30 = arith.constant 0 : index
    %get3A_31 = vector.load %arg5[%get3A_27, %get3A_28, %get3A_29, %get3A_30] : memref<2x2x80x128xf32, #tpu.memory_space<vmem>>, vector<1x2x80x128xf32>
    %get3A_32 = vector.shape_cast %get3A_31 : vector<1x2x80x128xf32> to vector<2x80x128xf32>
    %get3A_33 = arith.constant 1 : index
    %get3A_34 = arith.constant 0 : index
    %get3A_35 = arith.constant 0 : index
    %get3A_36 = arith.constant 0 : index
    %get3A_37 = vector.load %arg5[%get3A_33, %get3A_34, %get3A_35, %get3A_36] : memref<2x2x80x128xf32, #tpu.memory_space<vmem>>, vector<1x2x80x128xf32>
    %get3A_38 = vector.shape_cast %get3A_37 : vector<1x2x80x128xf32> to vector<2x80x128xf32>
    %add3A_39 = arith.addf %get3A_32, %get3A_38 : vector<2x80x128xf32>
    %slice3A = vector.extract_strided_slice %add3A_39 {offsets = [0, 0, 0], sizes = [1, 80, 128], strides = [1, 1, 1]} : vector<2x80x128xf32> to vector<1x80x128xf32>
    %squeeze3A = vector.shape_cast %slice3A : vector<1x80x128xf32> to vector<80x128xf32>
    %gt3A = arith.constant 5.000000e-01 : f32
    %gt3A_40 = vector.broadcast %gt3A : f32 to vector<80x128xf32>
    %gt3A_41 = arith.cmpf ogt, %squeeze3A, %gt3A_40 : vector<80x128xf32>
    %slice3A_42 = vector.extract_strided_slice %add3A_39 {offsets = [0, 0, 0], sizes = [1, 80, 128], strides = [1, 1, 1]} : vector<2x80x128xf32> to vector<1x80x128xf32>
    %squeeze3A_43 = vector.shape_cast %slice3A_42 : vector<1x80x128xf32> to vector<80x128xf32>
    %max3A_44 = arith.constant 1.000000e+00 : f32
    %max3A_45 = vector.broadcast %max3A_44 : f32 to vector<80x128xf32>
    %max3A_46 = arith.maximumf %squeeze3A_43, %max3A_45 : vector<80x128xf32>
    %rsqrt3A = math.rsqrt %max3A_46 : vector<80x128xf32>
    %jit3A = arith.constant 0.000000e+00 : f32
    %broadcast_in_dim3A_47 = vector.broadcast %jit3A : f32 to vector<80x128xf32>
    %select_n3A = arith.select %gt3A_41, %rsqrt3A, %broadcast_in_dim3A_47 : vector<80x128xi1>, vector<80x128xf32>
    %slice3A_48 = vector.extract_strided_slice %add3A_39 {offsets = [1, 0, 0], sizes = [1, 80, 128], strides = [1, 1, 1]} : vector<2x80x128xf32> to vector<1x80x128xf32>
    %squeeze3A_49 = vector.shape_cast %slice3A_48 : vector<1x80x128xf32> to vector<80x128xf32>
    %gt3A_50 = arith.constant 5.000000e-01 : f32
    %gt3A_51 = vector.broadcast %gt3A_50 : f32 to vector<80x128xf32>
    %gt3A_52 = arith.cmpf ogt, %squeeze3A_49, %gt3A_51 : vector<80x128xf32>
    %slice3A_53 = vector.extract_strided_slice %add3A_39 {offsets = [1, 0, 0], sizes = [1, 80, 128], strides = [1, 1, 1]} : vector<2x80x128xf32> to vector<1x80x128xf32>
    %squeeze3A_54 = vector.shape_cast %slice3A_53 : vector<1x80x128xf32> to vector<80x128xf32>
    %max3A_55 = arith.constant 1.000000e+00 : f32
    %max3A_56 = vector.broadcast %max3A_55 : f32 to vector<80x128xf32>
    %max3A_57 = arith.maximumf %squeeze3A_54, %max3A_56 : vector<80x128xf32>
    %rsqrt3A_58 = math.rsqrt %max3A_57 : vector<80x128xf32>
    %jit3A_59 = arith.constant 0.000000e+00 : f32
    %broadcast_in_dim3A_60 = vector.broadcast %jit3A_59 : f32 to vector<80x128xf32>
    %select_n3A_61 = arith.select %gt3A_52, %rsqrt3A_58, %broadcast_in_dim3A_60 : vector<80x128xi1>, vector<80x128xf32>
    %get3A_62 = arith.constant 0 : index
    %get3A_63 = arith.constant 0 : index
    %get3A_64 = arith.constant 0 : index
    %get3A_65 = vector.load %arg6[%get3A_62, %get3A_63, %get3A_64] : memref<16x128x128xf32, #tpu.memory_space<vmem>>, vector<1x128x128xf32>
    %get3A_66 = vector.shape_cast %get3A_65 : vector<1x128x128xf32> to vector<128x128xf32>
    %dot_general3A_67 = arith.constant dense<0.000000e+00> : vector<80x128xf32>
    %dot_general3A_68 = tpu.matmul %select_n3A, %get3A_66, %dot_general3A_67 {dimension_numbers = #tpu.dot_dimension_numbers<[1], [0], [0], [1], [0, 0, 1, 1], [], []>, transpose_lhs_hint = false} : vector<80x128xf32>, vector<128x128xf32>, vector<80x128xf32> -> vector<80x128xf32>
    %get3A_69 = arith.constant 1 : index
    %get3A_70 = arith.constant 0 : index
    %get3A_71 = arith.constant 0 : index
    %get3A_72 = vector.load %arg6[%get3A_69, %get3A_70, %get3A_71] : memref<16x128x128xf32, #tpu.memory_space<vmem>>, vector<1x128x128xf32>
    %get3A_73 = vector.shape_cast %get3A_72 : vector<1x128x128xf32> to vector<128x128xf32>
    %dot_general3A_74 = arith.constant dense<0.000000e+00> : vector<80x128xf32>
    %dot_general3A_75 = tpu.matmul %select_n3A, %get3A_73, %dot_general3A_74 {dimension_numbers = #tpu.dot_dimension_numbers<[1], [0], [0], [1], [0, 0, 1, 1], [], []>, transpose_lhs_hint = false} : vector<80x128xf32>, vector<128x128xf32>, vector<80x128xf32> -> vector<80x128xf32>
    %get3A_76 = arith.constant 2 : index
    %get3A_77 = arith.constant 0 : index
    %get3A_78 = arith.constant 0 : index
    %get3A_79 = vector.load %arg6[%get3A_76, %get3A_77, %get3A_78] : memref<16x128x128xf32, #tpu.memory_space<vmem>>, vector<1x128x128xf32>
    %get3A_80 = vector.shape_cast %get3A_79 : vector<1x128x128xf32> to vector<128x128xf32>
    %dot_general3A_81 = arith.constant dense<0.000000e+00> : vector<80x128xf32>
    %dot_general3A_82 = tpu.matmul %select_n3A, %get3A_80, %dot_general3A_81 {dimension_numbers = #tpu.dot_dimension_numbers<[1], [0], [0], [1], [0, 0, 1, 1], [], []>, transpose_lhs_hint = false} : vector<80x128xf32>, vector<128x128xf32>, vector<80x128xf32> -> vector<80x128xf32>
    %get3A_83 = arith.constant 3 : index
    %get3A_84 = arith.constant 0 : index
    %get3A_85 = arith.constant 0 : index
    %get3A_86 = vector.load %arg6[%get3A_83, %get3A_84, %get3A_85] : memref<16x128x128xf32, #tpu.memory_space<vmem>>, vector<1x128x128xf32>
    %get3A_87 = vector.shape_cast %get3A_86 : vector<1x128x128xf32> to vector<128x128xf32>
    %dot_general3A_88 = arith.constant dense<0.000000e+00> : vector<80x128xf32>
    %dot_general3A_89 = tpu.matmul %select_n3A, %get3A_87, %dot_general3A_88 {dimension_numbers = #tpu.dot_dimension_numbers<[1], [0], [0], [1], [0, 0, 1, 1], [], []>, transpose_lhs_hint = false} : vector<80x128xf32>, vector<128x128xf32>, vector<80x128xf32> -> vector<80x128xf32>
    %get3A_90 = arith.constant 4 : index
    %get3A_91 = arith.constant 0 : index
    %get3A_92 = arith.constant 0 : index
    %get3A_93 = vector.load %arg6[%get3A_90, %get3A_91, %get3A_92] : memref<16x128x128xf32, #tpu.memory_space<vmem>>, vector<1x128x128xf32>
    %get3A_94 = vector.shape_cast %get3A_93 : vector<1x128x128xf32> to vector<128x128xf32>
    %dot_general3A_95 = arith.constant dense<0.000000e+00> : vector<80x128xf32>
    %dot_general3A_96 = tpu.matmul %select_n3A, %get3A_94, %dot_general3A_95 {dimension_numbers = #tpu.dot_dimension_numbers<[1], [0], [0], [1], [0, 0, 1, 1], [], []>, transpose_lhs_hint = false} : vector<80x128xf32>, vector<128x128xf32>, vector<80x128xf32> -> vector<80x128xf32>
    %get3A_97 = arith.constant 5 : index
    %get3A_98 = arith.constant 0 : index
    %get3A_99 = arith.constant 0 : index
    %get3A_100 = vector.load %arg6[%get3A_97, %get3A_98, %get3A_99] : memref<16x128x128xf32, #tpu.memory_space<vmem>>, vector<1x128x128xf32>
    %get3A_101 = vector.shape_cast %get3A_100 : vector<1x128x128xf32> to vector<128x128xf32>
    %dot_general3A_102 = arith.constant dense<0.000000e+00> : vector<80x128xf32>
    %dot_general3A_103 = tpu.matmul %select_n3A, %get3A_101, %dot_general3A_102 {dimension_numbers = #tpu.dot_dimension_numbers<[1], [0], [0], [1], [0, 0, 1, 1], [], []>, transpose_lhs_hint = false} : vector<80x128xf32>, vector<128x128xf32>, vector<80x128xf32> -> vector<80x128xf32>
    %get3A_104 = arith.constant 6 : index
    %get3A_105 = arith.constant 0 : index
    %get3A_106 = arith.constant 0 : index
    %get3A_107 = vector.load %arg6[%get3A_104, %get3A_105, %get3A_106] : memref<16x128x128xf32, #tpu.memory_space<vmem>>, vector<1x128x128xf32>
    %get3A_108 = vector.shape_cast %get3A_107 : vector<1x128x128xf32> to vector<128x128xf32>
    %dot_general3A_109 = arith.constant dense<0.000000e+00> : vector<80x128xf32>
    %dot_general3A_110 = tpu.matmul %select_n3A, %get3A_108, %dot_general3A_109 {dimension_numbers = #tpu.dot_dimension_numbers<[1], [0], [0], [1], [0, 0, 1, 1], [], []>, transpose_lhs_hint = false} : vector<80x128xf32>, vector<128x128xf32>, vector<80x128xf32> -> vector<80x128xf32>
    %get3A_111 = arith.constant 7 : index
    %get3A_112 = arith.constant 0 : index
    %get3A_113 = arith.constant 0 : index
    %get3A_114 = vector.load %arg6[%get3A_111, %get3A_112, %get3A_113] : memref<16x128x128xf32, #tpu.memory_space<vmem>>, vector<1x128x128xf32>
    %get3A_115 = vector.shape_cast %get3A_114 : vector<1x128x128xf32> to vector<128x128xf32>
    %dot_general3A_116 = arith.constant dense<0.000000e+00> : vector<80x128xf32>
    %dot_general3A_117 = tpu.matmul %select_n3A, %get3A_115, %dot_general3A_116 {dimension_numbers = #tpu.dot_dimension_numbers<[1], [0], [0], [1], [0, 0, 1, 1], [], []>, transpose_lhs_hint = false} : vector<80x128xf32>, vector<128x128xf32>, vector<80x128xf32> -> vector<80x128xf32>
    %get3A_118 = arith.constant 8 : index
    %get3A_119 = arith.constant 0 : index
    %get3A_120 = arith.constant 0 : index
    %get3A_121 = vector.load %arg6[%get3A_118, %get3A_119, %get3A_120] : memref<16x128x128xf32, #tpu.memory_space<vmem>>, vector<1x128x128xf32>
    %get3A_122 = vector.shape_cast %get3A_121 : vector<1x128x128xf32> to vector<128x128xf32>
    %dot_general3A_123 = arith.constant dense<0.000000e+00> : vector<80x128xf32>
    %dot_general3A_124 = tpu.matmul %select_n3A, %get3A_122, %dot_general3A_123 {dimension_numbers = #tpu.dot_dimension_numbers<[1], [0], [0], [1], [0, 0, 1, 1], [], []>, transpose_lhs_hint = false} : vector<80x128xf32>, vector<128x128xf32>, vector<80x128xf32> -> vector<80x128xf32>
    %get3A_125 = arith.constant 9 : index
    %get3A_126 = arith.constant 0 : index
    %get3A_127 = arith.constant 0 : index
    %get3A_128 = vector.load %arg6[%get3A_125, %get3A_126, %get3A_127] : memref<16x128x128xf32, #tpu.memory_space<vmem>>, vector<1x128x128xf32>
    %get3A_129 = vector.shape_cast %get3A_128 : vector<1x128x128xf32> to vector<128x128xf32>
    %dot_general3A_130 = arith.constant dense<0.000000e+00> : vector<80x128xf32>
    %dot_general3A_131 = tpu.matmul %select_n3A, %get3A_129, %dot_general3A_130 {dimension_numbers = #tpu.dot_dimension_numbers<[1], [0], [0], [1], [0, 0, 1, 1], [], []>, transpose_lhs_hint = false} : vector<80x128xf32>, vector<128x128xf32>, vector<80x128xf32> -> vector<80x128xf32>
    %get3A_132 = arith.constant 10 : index
    %get3A_133 = arith.constant 0 : index
    %get3A_134 = arith.constant 0 : index
    %get3A_135 = vector.load %arg6[%get3A_132, %get3A_133, %get3A_134] : memref<16x128x128xf32, #tpu.memory_space<vmem>>, vector<1x128x128xf32>
    %get3A_136 = vector.shape_cast %get3A_135 : vector<1x128x128xf32> to vector<128x128xf32>
    %dot_general3A_137 = arith.constant dense<0.000000e+00> : vector<80x128xf32>
    %dot_general3A_138 = tpu.matmul %select_n3A, %get3A_136, %dot_general3A_137 {dimension_numbers = #tpu.dot_dimension_numbers<[1], [0], [0], [1], [0, 0, 1, 1], [], []>, transpose_lhs_hint = false} : vector<80x128xf32>, vector<128x128xf32>, vector<80x128xf32> -> vector<80x128xf32>
    %get3A_139 = arith.constant 11 : index
    %get3A_140 = arith.constant 0 : index
    %get3A_141 = arith.constant 0 : index
    %get3A_142 = vector.load %arg6[%get3A_139, %get3A_140, %get3A_141] : memref<16x128x128xf32, #tpu.memory_space<vmem>>, vector<1x128x128xf32>
    %get3A_143 = vector.shape_cast %get3A_142 : vector<1x128x128xf32> to vector<128x128xf32>
    %dot_general3A_144 = arith.constant dense<0.000000e+00> : vector<80x128xf32>
    %dot_general3A_145 = tpu.matmul %select_n3A, %get3A_143, %dot_general3A_144 {dimension_numbers = #tpu.dot_dimension_numbers<[1], [0], [0], [1], [0, 0, 1, 1], [], []>, transpose_lhs_hint = false} : vector<80x128xf32>, vector<128x128xf32>, vector<80x128xf32> -> vector<80x128xf32>
    %get3A_146 = arith.constant 12 : index
    %get3A_147 = arith.constant 0 : index
    %get3A_148 = arith.constant 0 : index
    %get3A_149 = vector.load %arg6[%get3A_146, %get3A_147, %get3A_148] : memref<16x128x128xf32, #tpu.memory_space<vmem>>, vector<1x128x128xf32>
    %get3A_150 = vector.shape_cast %get3A_149 : vector<1x128x128xf32> to vector<128x128xf32>
    %dot_general3A_151 = arith.constant dense<0.000000e+00> : vector<80x128xf32>
    %dot_general3A_152 = tpu.matmul %select_n3A, %get3A_150, %dot_general3A_151 {dimension_numbers = #tpu.dot_dimension_numbers<[1], [0], [0], [1], [0, 0, 1, 1], [], []>, transpose_lhs_hint = false} : vector<80x128xf32>, vector<128x128xf32>, vector<80x128xf32> -> vector<80x128xf32>
    %get3A_153 = arith.constant 13 : index
    %get3A_154 = arith.constant 0 : index
    %get3A_155 = arith.constant 0 : index
    %get3A_156 = vector.load %arg6[%get3A_153, %get3A_154, %get3A_155] : memref<16x128x128xf32, #tpu.memory_space<vmem>>, vector<1x128x128xf32>
    %get3A_157 = vector.shape_cast %get3A_156 : vector<1x128x128xf32> to vector<128x128xf32>
    %dot_general3A_158 = arith.constant dense<0.000000e+00> : vector<80x128xf32>
    %dot_general3A_159 = tpu.matmul %select_n3A, %get3A_157, %dot_general3A_158 {dimension_numbers = #tpu.dot_dimension_numbers<[1], [0], [0], [1], [0, 0, 1, 1], [], []>, transpose_lhs_hint = false} : vector<80x128xf32>, vector<128x128xf32>, vector<80x128xf32> -> vector<80x128xf32>
    %get3A_160 = arith.constant 14 : index
    %get3A_161 = arith.constant 0 : index
    %get3A_162 = arith.constant 0 : index
    %get3A_163 = vector.load %arg6[%get3A_160, %get3A_161, %get3A_162] : memref<16x128x128xf32, #tpu.memory_space<vmem>>, vector<1x128x128xf32>
    %get3A_164 = vector.shape_cast %get3A_163 : vector<1x128x128xf32> to vector<128x128xf32>
    %dot_general3A_165 = arith.constant dense<0.000000e+00> : vector<80x128xf32>
    %dot_general3A_166 = tpu.matmul %select_n3A, %get3A_164, %dot_general3A_165 {dimension_numbers = #tpu.dot_dimension_numbers<[1], [0], [0], [1], [0, 0, 1, 1], [], []>, transpose_lhs_hint = false} : vector<80x128xf32>, vector<128x128xf32>, vector<80x128xf32> -> vector<80x128xf32>
    %get3A_167 = arith.constant 15 : index
    %get3A_168 = arith.constant 0 : index
    %get3A_169 = arith.constant 0 : index
    %get3A_170 = vector.load %arg6[%get3A_167, %get3A_168, %get3A_169] : memref<16x128x128xf32, #tpu.memory_space<vmem>>, vector<1x128x128xf32>
    %get3A_171 = vector.shape_cast %get3A_170 : vector<1x128x128xf32> to vector<128x128xf32>
    %dot_general3A_172 = arith.constant dense<0.000000e+00> : vector<80x128xf32>
    %dot_general3A_173 = tpu.matmul %select_n3A, %get3A_171, %dot_general3A_172 {dimension_numbers = #tpu.dot_dimension_numbers<[1], [0], [0], [1], [0, 0, 1, 1], [], []>, transpose_lhs_hint = false} : vector<80x128xf32>, vector<128x128xf32>, vector<80x128xf32> -> vector<80x128xf32>
    %stack3A = vector.shape_cast %dot_general3A_68 : vector<80x128xf32> to vector<80x1x128xf32>
    %stack3A_174 = vector.shape_cast %dot_general3A_75 : vector<80x128xf32> to vector<80x1x128xf32>
    %stack3A_175 = vector.shape_cast %dot_general3A_82 : vector<80x128xf32> to vector<80x1x128xf32>
    %stack3A_176 = vector.shape_cast %dot_general3A_89 : vector<80x128xf32> to vector<80x1x128xf32>
    %stack3A_177 = vector.shape_cast %dot_general3A_96 : vector<80x128xf32> to vector<80x1x128xf32>
    %stack3A_178 = vector.shape_cast %dot_general3A_103 : vector<80x128xf32> to vector<80x1x128xf32>
    %stack3A_179 = vector.shape_cast %dot_general3A_110 : vector<80x128xf32> to vector<80x1x128xf32>
    %stack3A_180 = vector.shape_cast %dot_general3A_117 : vector<80x128xf32> to vector<80x1x128xf32>
    %stack3A_181 = vector.shape_cast %dot_general3A_124 : vector<80x128xf32> to vector<80x1x128xf32>
    %stack3A_182 = vector.shape_cast %dot_general3A_131 : vector<80x128xf32> to vector<80x1x128xf32>
    %stack3A_183 = vector.shape_cast %dot_general3A_138 : vector<80x128xf32> to vector<80x1x128xf32>
    %stack3A_184 = vector.shape_cast %dot_general3A_145 : vector<80x128xf32> to vector<80x1x128xf32>
    %stack3A_185 = vector.shape_cast %dot_general3A_152 : vector<80x128xf32> to vector<80x1x128xf32>
    %stack3A_186 = vector.shape_cast %dot_general3A_159 : vector<80x128xf32> to vector<80x1x128xf32>
    %stack3A_187 = vector.shape_cast %dot_general3A_166 : vector<80x128xf32> to vector<80x1x128xf32>
    %stack3A_188 = vector.shape_cast %dot_general3A_173 : vector<80x128xf32> to vector<80x1x128xf32>
    %stack3A_189 = tpu.concatenate %stack3A, %stack3A_174, %stack3A_175, %stack3A_176, %stack3A_177, %stack3A_178, %stack3A_179, %stack3A_180, %stack3A_181, %stack3A_182, %stack3A_183, %stack3A_184, %stack3A_185, %stack3A_186, %stack3A_187, %stack3A_188 in 1 : vector<80x1x128xf32>, vector<80x1x128xf32>, vector<80x1x128xf32>, vector<80x1x128xf32>, vector<80x1x128xf32>, vector<80x1x128xf32>, vector<80x1x128xf32>, vector<80x1x128xf32>, vector<80x1x128xf32>, vector<80x1x128xf32>, vector<80x1x128xf32>, vector<80x1x128xf32>, vector<80x1x128xf32>, vector<80x1x128xf32>, vector<80x1x128xf32>, vector<80x1x128xf32> -> vector<80x16x128xf32>
    %reshape3A = vector.shape_cast %stack3A_189 : vector<80x16x128xf32> to vector<1280x128xf32>
    %get3A_190 = arith.constant 0 : index
    %get3A_191 = arith.constant 0 : index
    %get3A_192 = arith.constant 0 : index
    %get3A_193 = vector.load %arg6[%get3A_190, %get3A_191, %get3A_192] : memref<16x128x128xf32, #tpu.memory_space<vmem>>, vector<1x128x128xf32>
    %get3A_194 = vector.shape_cast %get3A_193 : vector<1x128x128xf32> to vector<128x128xf32>
    %dot_general3A_195 = arith.constant dense<0.000000e+00> : vector<80x128xf32>
    %dot_general3A_196 = tpu.matmul %select_n3A_61, %get3A_194, %dot_general3A_195 {dimension_numbers = #tpu.dot_dimension_numbers<[1], [0], [0], [1], [0, 0, 1, 1], [], []>, transpose_lhs_hint = false} : vector<80x128xf32>, vector<128x128xf32>, vector<80x128xf32> -> vector<80x128xf32>
    %get3A_197 = arith.constant 1 : index
    %get3A_198 = arith.constant 0 : index
    %get3A_199 = arith.constant 0 : index
    %get3A_200 = vector.load %arg6[%get3A_197, %get3A_198, %get3A_199] : memref<16x128x128xf32, #tpu.memory_space<vmem>>, vector<1x128x128xf32>
    %get3A_201 = vector.shape_cast %get3A_200 : vector<1x128x128xf32> to vector<128x128xf32>
    %dot_general3A_202 = arith.constant dense<0.000000e+00> : vector<80x128xf32>
    %dot_general3A_203 = tpu.matmul %select_n3A_61, %get3A_201, %dot_general3A_202 {dimension_numbers = #tpu.dot_dimension_numbers<[1], [0], [0], [1], [0, 0, 1, 1], [], []>, transpose_lhs_hint = false} : vector<80x128xf32>, vector<128x128xf32>, vector<80x128xf32> -> vector<80x128xf32>
    %get3A_204 = arith.constant 2 : index
    %get3A_205 = arith.constant 0 : index
    %get3A_206 = arith.constant 0 : index
    %get3A_207 = vector.load %arg6[%get3A_204, %get3A_205, %get3A_206] : memref<16x128x128xf32, #tpu.memory_space<vmem>>, vector<1x128x128xf32>
    %get3A_208 = vector.shape_cast %get3A_207 : vector<1x128x128xf32> to vector<128x128xf32>
    %dot_general3A_209 = arith.constant dense<0.000000e+00> : vector<80x128xf32>
    %dot_general3A_210 = tpu.matmul %select_n3A_61, %get3A_208, %dot_general3A_209 {dimension_numbers = #tpu.dot_dimension_numbers<[1], [0], [0], [1], [0, 0, 1, 1], [], []>, transpose_lhs_hint = false} : vector<80x128xf32>, vector<128x128xf32>, vector<80x128xf32> -> vector<80x128xf32>
    %get3A_211 = arith.constant 3 : index
    %get3A_212 = arith.constant 0 : index
    %get3A_213 = arith.constant 0 : index
    %get3A_214 = vector.load %arg6[%get3A_211, %get3A_212, %get3A_213] : memref<16x128x128xf32, #tpu.memory_space<vmem>>, vector<1x128x128xf32>
    %get3A_215 = vector.shape_cast %get3A_214 : vector<1x128x128xf32> to vector<128x128xf32>
    %dot_general3A_216 = arith.constant dense<0.000000e+00> : vector<80x128xf32>
    %dot_general3A_217 = tpu.matmul %select_n3A_61, %get3A_215, %dot_general3A_216 {dimension_numbers = #tpu.dot_dimension_numbers<[1], [0], [0], [1], [0, 0, 1, 1], [], []>, transpose_lhs_hint = false} : vector<80x128xf32>, vector<128x128xf32>, vector<80x128xf32> -> vector<80x128xf32>
    %get3A_218 = arith.constant 4 : index
    %get3A_219 = arith.constant 0 : index
    %get3A_220 = arith.constant 0 : index
    %get3A_221 = vector.load %arg6[%get3A_218, %get3A_219, %get3A_220] : memref<16x128x128xf32, #tpu.memory_space<vmem>>, vector<1x128x128xf32>
    %get3A_222 = vector.shape_cast %get3A_221 : vector<1x128x128xf32> to vector<128x128xf32>
    %dot_general3A_223 = arith.constant dense<0.000000e+00> : vector<80x128xf32>
    %dot_general3A_224 = tpu.matmul %select_n3A_61, %get3A_222, %dot_general3A_223 {dimension_numbers = #tpu.dot_dimension_numbers<[1], [0], [0], [1], [0, 0, 1, 1], [], []>, transpose_lhs_hint = false} : vector<80x128xf32>, vector<128x128xf32>, vector<80x128xf32> -> vector<80x128xf32>
    %get3A_225 = arith.constant 5 : index
    %get3A_226 = arith.constant 0 : index
    %get3A_227 = arith.constant 0 : index
    %get3A_228 = vector.load %arg6[%get3A_225, %get3A_226, %get3A_227] : memref<16x128x128xf32, #tpu.memory_space<vmem>>, vector<1x128x128xf32>
    %get3A_229 = vector.shape_cast %get3A_228 : vector<1x128x128xf32> to vector<128x128xf32>
    %dot_general3A_230 = arith.constant dense<0.000000e+00> : vector<80x128xf32>
    %dot_general3A_231 = tpu.matmul %select_n3A_61, %get3A_229, %dot_general3A_230 {dimension_numbers = #tpu.dot_dimension_numbers<[1], [0], [0], [1], [0, 0, 1, 1], [], []>, transpose_lhs_hint = false} : vector<80x128xf32>, vector<128x128xf32>, vector<80x128xf32> -> vector<80x128xf32>
    %get3A_232 = arith.constant 6 : index
    %get3A_233 = arith.constant 0 : index
    %get3A_234 = arith.constant 0 : index
    %get3A_235 = vector.load %arg6[%get3A_232, %get3A_233, %get3A_234] : memref<16x128x128xf32, #tpu.memory_space<vmem>>, vector<1x128x128xf32>
    %get3A_236 = vector.shape_cast %get3A_235 : vector<1x128x128xf32> to vector<128x128xf32>
    %dot_general3A_237 = arith.constant dense<0.000000e+00> : vector<80x128xf32>
    %dot_general3A_238 = tpu.matmul %select_n3A_61, %get3A_236, %dot_general3A_237 {dimension_numbers = #tpu.dot_dimension_numbers<[1], [0], [0], [1], [0, 0, 1, 1], [], []>, transpose_lhs_hint = false} : vector<80x128xf32>, vector<128x128xf32>, vector<80x128xf32> -> vector<80x128xf32>
    %get3A_239 = arith.constant 7 : index
    %get3A_240 = arith.constant 0 : index
    %get3A_241 = arith.constant 0 : index
    %get3A_242 = vector.load %arg6[%get3A_239, %get3A_240, %get3A_241] : memref<16x128x128xf32, #tpu.memory_space<vmem>>, vector<1x128x128xf32>
    %get3A_243 = vector.shape_cast %get3A_242 : vector<1x128x128xf32> to vector<128x128xf32>
    %dot_general3A_244 = arith.constant dense<0.000000e+00> : vector<80x128xf32>
    %dot_general3A_245 = tpu.matmul %select_n3A_61, %get3A_243, %dot_general3A_244 {dimension_numbers = #tpu.dot_dimension_numbers<[1], [0], [0], [1], [0, 0, 1, 1], [], []>, transpose_lhs_hint = false} : vector<80x128xf32>, vector<128x128xf32>, vector<80x128xf32> -> vector<80x128xf32>
    %get3A_246 = arith.constant 8 : index
    %get3A_247 = arith.constant 0 : index
    %get3A_248 = arith.constant 0 : index
    %get3A_249 = vector.load %arg6[%get3A_246, %get3A_247, %get3A_248] : memref<16x128x128xf32, #tpu.memory_space<vmem>>, vector<1x128x128xf32>
    %get3A_250 = vector.shape_cast %get3A_249 : vector<1x128x128xf32> to vector<128x128xf32>
    %dot_general3A_251 = arith.constant dense<0.000000e+00> : vector<80x128xf32>
    %dot_general3A_252 = tpu.matmul %select_n3A_61, %get3A_250, %dot_general3A_251 {dimension_numbers = #tpu.dot_dimension_numbers<[1], [0], [0], [1], [0, 0, 1, 1], [], []>, transpose_lhs_hint = false} : vector<80x128xf32>, vector<128x128xf32>, vector<80x128xf32> -> vector<80x128xf32>
    %get3A_253 = arith.constant 9 : index
    %get3A_254 = arith.constant 0 : index
    %get3A_255 = arith.constant 0 : index
    %get3A_256 = vector.load %arg6[%get3A_253, %get3A_254, %get3A_255] : memref<16x128x128xf32, #tpu.memory_space<vmem>>, vector<1x128x128xf32>
    %get3A_257 = vector.shape_cast %get3A_256 : vector<1x128x128xf32> to vector<128x128xf32>
    %dot_general3A_258 = arith.constant dense<0.000000e+00> : vector<80x128xf32>
    %dot_general3A_259 = tpu.matmul %select_n3A_61, %get3A_257, %dot_general3A_258 {dimension_numbers = #tpu.dot_dimension_numbers<[1], [0], [0], [1], [0, 0, 1, 1], [], []>, transpose_lhs_hint = false} : vector<80x128xf32>, vector<128x128xf32>, vector<80x128xf32> -> vector<80x128xf32>
    %get3A_260 = arith.constant 10 : index
    %get3A_261 = arith.constant 0 : index
    %get3A_262 = arith.constant 0 : index
    %get3A_263 = vector.load %arg6[%get3A_260, %get3A_261, %get3A_262] : memref<16x128x128xf32, #tpu.memory_space<vmem>>, vector<1x128x128xf32>
    %get3A_264 = vector.shape_cast %get3A_263 : vector<1x128x128xf32> to vector<128x128xf32>
    %dot_general3A_265 = arith.constant dense<0.000000e+00> : vector<80x128xf32>
    %dot_general3A_266 = tpu.matmul %select_n3A_61, %get3A_264, %dot_general3A_265 {dimension_numbers = #tpu.dot_dimension_numbers<[1], [0], [0], [1], [0, 0, 1, 1], [], []>, transpose_lhs_hint = false} : vector<80x128xf32>, vector<128x128xf32>, vector<80x128xf32> -> vector<80x128xf32>
    %get3A_267 = arith.constant 11 : index
    %get3A_268 = arith.constant 0 : index
    %get3A_269 = arith.constant 0 : index
    %get3A_270 = vector.load %arg6[%get3A_267, %get3A_268, %get3A_269] : memref<16x128x128xf32, #tpu.memory_space<vmem>>, vector<1x128x128xf32>
    %get3A_271 = vector.shape_cast %get3A_270 : vector<1x128x128xf32> to vector<128x128xf32>
    %dot_general3A_272 = arith.constant dense<0.000000e+00> : vector<80x128xf32>
    %dot_general3A_273 = tpu.matmul %select_n3A_61, %get3A_271, %dot_general3A_272 {dimension_numbers = #tpu.dot_dimension_numbers<[1], [0], [0], [1], [0, 0, 1, 1], [], []>, transpose_lhs_hint = false} : vector<80x128xf32>, vector<128x128xf32>, vector<80x128xf32> -> vector<80x128xf32>
    %get3A_274 = arith.constant 12 : index
    %get3A_275 = arith.constant 0 : index
    %get3A_276 = arith.constant 0 : index
    %get3A_277 = vector.load %arg6[%get3A_274, %get3A_275, %get3A_276] : memref<16x128x128xf32, #tpu.memory_space<vmem>>, vector<1x128x128xf32>
    %get3A_278 = vector.shape_cast %get3A_277 : vector<1x128x128xf32> to vector<128x128xf32>
    %dot_general3A_279 = arith.constant dense<0.000000e+00> : vector<80x128xf32>
    %dot_general3A_280 = tpu.matmul %select_n3A_61, %get3A_278, %dot_general3A_279 {dimension_numbers = #tpu.dot_dimension_numbers<[1], [0], [0], [1], [0, 0, 1, 1], [], []>, transpose_lhs_hint = false} : vector<80x128xf32>, vector<128x128xf32>, vector<80x128xf32> -> vector<80x128xf32>
    %get3A_281 = arith.constant 13 : index
    %get3A_282 = arith.constant 0 : index
    %get3A_283 = arith.constant 0 : index
    %get3A_284 = vector.load %arg6[%get3A_281, %get3A_282, %get3A_283] : memref<16x128x128xf32, #tpu.memory_space<vmem>>, vector<1x128x128xf32>
    %get3A_285 = vector.shape_cast %get3A_284 : vector<1x128x128xf32> to vector<128x128xf32>
    %dot_general3A_286 = arith.constant dense<0.000000e+00> : vector<80x128xf32>
    %dot_general3A_287 = tpu.matmul %select_n3A_61, %get3A_285, %dot_general3A_286 {dimension_numbers = #tpu.dot_dimension_numbers<[1], [0], [0], [1], [0, 0, 1, 1], [], []>, transpose_lhs_hint = false} : vector<80x128xf32>, vector<128x128xf32>, vector<80x128xf32> -> vector<80x128xf32>
    %get3A_288 = arith.constant 14 : index
    %get3A_289 = arith.constant 0 : index
    %get3A_290 = arith.constant 0 : index
    %get3A_291 = vector.load %arg6[%get3A_288, %get3A_289, %get3A_290] : memref<16x128x128xf32, #tpu.memory_space<vmem>>, vector<1x128x128xf32>
    %get3A_292 = vector.shape_cast %get3A_291 : vector<1x128x128xf32> to vector<128x128xf32>
    %dot_general3A_293 = arith.constant dense<0.000000e+00> : vector<80x128xf32>
    %dot_general3A_294 = tpu.matmul %select_n3A_61, %get3A_292, %dot_general3A_293 {dimension_numbers = #tpu.dot_dimension_numbers<[1], [0], [0], [1], [0, 0, 1, 1], [], []>, transpose_lhs_hint = false} : vector<80x128xf32>, vector<128x128xf32>, vector<80x128xf32> -> vector<80x128xf32>
    %get3A_295 = arith.constant 15 : index
    %get3A_296 = arith.constant 0 : index
    %get3A_297 = arith.constant 0 : index
    %get3A_298 = vector.load %arg6[%get3A_295, %get3A_296, %get3A_297] : memref<16x128x128xf32, #tpu.memory_space<vmem>>, vector<1x128x128xf32>
    %get3A_299 = vector.shape_cast %get3A_298 : vector<1x128x128xf32> to vector<128x128xf32>
    %dot_general3A_300 = arith.constant dense<0.000000e+00> : vector<80x128xf32>
    %dot_general3A_301 = tpu.matmul %select_n3A_61, %get3A_299, %dot_general3A_300 {dimension_numbers = #tpu.dot_dimension_numbers<[1], [0], [0], [1], [0, 0, 1, 1], [], []>, transpose_lhs_hint = false} : vector<80x128xf32>, vector<128x128xf32>, vector<80x128xf32> -> vector<80x128xf32>
    %stack3A_302 = vector.shape_cast %dot_general3A_196 : vector<80x128xf32> to vector<80x1x128xf32>
    %stack3A_303 = vector.shape_cast %dot_general3A_203 : vector<80x128xf32> to vector<80x1x128xf32>
    %stack3A_304 = vector.shape_cast %dot_general3A_210 : vector<80x128xf32> to vector<80x1x128xf32>
    %stack3A_305 = vector.shape_cast %dot_general3A_217 : vector<80x128xf32> to vector<80x1x128xf32>
    %stack3A_306 = vector.shape_cast %dot_general3A_224 : vector<80x128xf32> to vector<80x1x128xf32>
    %stack3A_307 = vector.shape_cast %dot_general3A_231 : vector<80x128xf32> to vector<80x1x128xf32>
    %stack3A_308 = vector.shape_cast %dot_general3A_238 : vector<80x128xf32> to vector<80x1x128xf32>
    %stack3A_309 = vector.shape_cast %dot_general3A_245 : vector<80x128xf32> to vector<80x1x128xf32>
    %stack3A_310 = vector.shape_cast %dot_general3A_252 : vector<80x128xf32> to vector<80x1x128xf32>
    %stack3A_311 = vector.shape_cast %dot_general3A_259 : vector<80x128xf32> to vector<80x1x128xf32>
    %stack3A_312 = vector.shape_cast %dot_general3A_266 : vector<80x128xf32> to vector<80x1x128xf32>
    %stack3A_313 = vector.shape_cast %dot_general3A_273 : vector<80x128xf32> to vector<80x1x128xf32>
    %stack3A_314 = vector.shape_cast %dot_general3A_280 : vector<80x128xf32> to vector<80x1x128xf32>
    %stack3A_315 = vector.shape_cast %dot_general3A_287 : vector<80x128xf32> to vector<80x1x128xf32>
    %stack3A_316 = vector.shape_cast %dot_general3A_294 : vector<80x128xf32> to vector<80x1x128xf32>
    %stack3A_317 = vector.shape_cast %dot_general3A_301 : vector<80x128xf32> to vector<80x1x128xf32>
    %stack3A_318 = tpu.concatenate %stack3A_302, %stack3A_303, %stack3A_304, %stack3A_305, %stack3A_306, %stack3A_307, %stack3A_308, %stack3A_309, %stack3A_310, %stack3A_311, %stack3A_312, %stack3A_313, %stack3A_314, %stack3A_315, %stack3A_316, %stack3A_317 in 1 : vector<80x1x128xf32>, vector<80x1x128xf32>, vector<80x1x128xf32>, vector<80x1x128xf32>, vector<80x1x128xf32>, vector<80x1x128xf32>, vector<80x1x128xf32>, vector<80x1x128xf32>, vector<80x1x128xf32>, vector<80x1x128xf32>, vector<80x1x128xf32>, vector<80x1x128xf32>, vector<80x1x128xf32>, vector<80x1x128xf32>, vector<80x1x128xf32>, vector<80x1x128xf32> -> vector<80x16x128xf32>
    %reshape3A_319 = vector.shape_cast %stack3A_318 : vector<80x16x128xf32> to vector<1280x128xf32>
    %swap3A = arith.constant 0 : index
    %swap3A_320 = arith.constant 0 : index
    %swap3A_321 = vector.load %arg7[%swap3A, %swap3A_320] : memref<1280x128xf32, #tpu.memory_space<vmem>>, vector<1280x128xf32>
    tpu.vector_store %arg7[%swap3A, %swap3A_320], %concatenate3A {strides = array<i32>} : memref<1280x128xf32, #tpu.memory_space<vmem>>, vector<1280x128xf32>,
    %swap3A_322 = arith.constant 0 : index
    %swap3A_323 = arith.constant 0 : index
    %swap3A_324 = vector.load %arg8[%swap3A_322, %swap3A_323] : memref<1280x128xf32, #tpu.memory_space<vmem>>, vector<1280x128xf32>
    tpu.vector_store %arg8[%swap3A_322, %swap3A_323], %concatenate3A_26 {strides = array<i32>} : memref<1280x128xf32, #tpu.memory_space<vmem>>, vector<1280x128xf32>,
    %mul3A = arith.mulf %concatenate3A, %reshape3A : vector<1280x128xf32>
    %swap3A_325 = arith.constant 0 : index
    %swap3A_326 = arith.constant 0 : index
    %swap3A_327 = vector.load %arg9[%swap3A_325, %swap3A_326] : memref<1280x128xf32, #tpu.memory_space<vmem>>, vector<1280x128xf32>
    tpu.vector_store %arg9[%swap3A_325, %swap3A_326], %mul3A {strides = array<i32>} : memref<1280x128xf32, #tpu.memory_space<vmem>>, vector<1280x128xf32>,
    %mul3A_328 = arith.mulf %concatenate3A_26, %reshape3A : vector<1280x128xf32>
    %swap3A_329 = arith.constant 0 : index
    %swap3A_330 = arith.constant 0 : index
    %swap3A_331 = vector.load %arg10[%swap3A_329, %swap3A_330] : memref<1280x128xf32, #tpu.memory_space<vmem>>, vector<1280x128xf32>
    tpu.vector_store %arg10[%swap3A_329, %swap3A_330], %mul3A_328 {strides = array<i32>} : memref<1280x128xf32, #tpu.memory_space<vmem>>, vector<1280x128xf32>,
    %swap3A_332 = arith.constant 0 : index
    %swap3A_333 = arith.constant 0 : index
    %swap3A_334 = vector.load %arg11[%swap3A_332, %swap3A_333] : memref<1280x128xf32, #tpu.memory_space<vmem>>, vector<1280x128xf32>
    tpu.vector_store %arg11[%swap3A_332, %swap3A_333], %reshape3A {strides = array<i32>} : memref<1280x128xf32, #tpu.memory_space<vmem>>, vector<1280x128xf32>,
    %swap3A_335 = arith.constant 0 : index
    %swap3A_336 = arith.constant 0 : index
    %swap3A_337 = vector.load %arg12[%swap3A_335, %swap3A_336] : memref<1280x128xf32, #tpu.memory_space<vmem>>, vector<1280x128xf32>
    tpu.vector_store %arg12[%swap3A_335, %swap3A_336], %reshape3A_319 {strides = array<i32>} : memref<1280x128xf32, #tpu.memory_space<vmem>>, vector<1280x128xf32>,
    %mul3A_338 = arith.mulf %reshape3A, %reshape3A_319 : vector<1280x128xf32>
    %swap3A_339 = arith.constant 0 : index
    %swap3A_340 = arith.constant 0 : index
    %swap3A_341 = vector.load %arg13[%swap3A_339, %swap3A_340] : memref<1280x128xf32, #tpu.memory_space<vmem>>, vector<1280x128xf32>
    tpu.vector_store %arg13[%swap3A_339, %swap3A_340], %mul3A_338 {strides = array<i32>} : memref<1280x128xf32, #tpu.memory_space<vmem>>, vector<1280x128xf32>,
    return
  }
}

module attributes {stable_mosaic.version = 14 : i64} {
  func.func @_round_body(%arg0: memref<2x1280x128xf32, #tpu.memory_space<vmem>>, %arg1: memref<2x1280x128xf32, #tpu.memory_space<vmem>>, %arg2: memref<1280x128xf32, #tpu.memory_space<vmem>>, %arg3: memref<1280x128xf32, #tpu.memory_space<vmem>>, %arg4: memref<1280x128xf32, #tpu.memory_space<vmem>>, %arg5: memref<1280x128xf32, #tpu.memory_space<vmem>>, %arg6: memref<1280x128xf32, #tpu.memory_space<vmem>>, %arg7: memref<1280x128xf32, #tpu.memory_space<vmem>>, %arg8: memref<6x2x128x128xf32, #tpu.memory_space<vmem>>, %arg9: memref<4x2x128x128xf32, #tpu.memory_space<vmem>>, %arg10: memref<4x2x128x128xf32, #tpu.memory_space<vmem>>, %arg11: memref<1x128xf32, #tpu.memory_space<vmem>>, %arg12: memref<1x128xf32, #tpu.memory_space<vmem>>, %arg13: memref<1x128xf32, #tpu.memory_space<vmem>>, %arg14: memref<1x128xf32, #tpu.memory_space<vmem>>, %arg15: memref<1x128xf32, #tpu.memory_space<vmem>>, %arg16: memref<1x128xf32, #tpu.memory_space<vmem>>, %arg17: memref<1280x128xf32, #tpu.memory_space<vmem>>, %arg18: memref<1280x128xf32, #tpu.memory_space<vmem>>, %arg19: memref<1280x128xf32, #tpu.memory_space<vmem>>, %arg20: memref<1280x128xf32, #tpu.memory_space<vmem>>, %arg21: memref<1280x128xf32, #tpu.memory_space<vmem>>, %arg22: memref<1280x128xf32, #tpu.memory_space<vmem>>) attributes {dimension_semantics = [], scalar_prefetch = 0 : i64, scratch_operands = 0 : i64, tpu.core_type = #tpu.core_type<tc>} {
    %get3A = arith.constant 0 : index
    %get3A_0 = arith.constant 0 : index
    %get3A_1 = vector.load %arg2[%get3A, %get3A_0] : memref<1280x128xf32, #tpu.memory_space<vmem>>, vector<1280x128xf32>
    %get3A_2 = arith.constant 0 : index
    %get3A_3 = arith.constant 0 : index
    %get3A_4 = vector.load %arg3[%get3A_2, %get3A_3] : memref<1280x128xf32, #tpu.memory_space<vmem>>, vector<1280x128xf32>
    %get3A_5 = arith.constant 0 : index
    %get3A_6 = arith.constant 0 : index
    %get3A_7 = arith.constant 0 : index
    %get3A_8 = vector.load %arg0[%get3A_5, %get3A_6, %get3A_7] : memref<2x1280x128xf32, #tpu.memory_space<vmem>>, vector<1x1280x128xf32>
    %get3A_9 = vector.shape_cast %get3A_8 : vector<1x1280x128xf32> to vector<1280x128xf32>
    %mul3A = arith.mulf %get3A_9, %get3A_4 : vector<1280x128xf32>
    %get3A_10 = arith.constant 1 : index
    %get3A_11 = arith.constant 0 : index
    %get3A_12 = arith.constant 0 : index
    %get3A_13 = vector.load %arg0[%get3A_10, %get3A_11, %get3A_12] : memref<2x1280x128xf32, #tpu.memory_space<vmem>>, vector<1x1280x128xf32>
    %get3A_14 = vector.shape_cast %get3A_13 : vector<1x1280x128xf32> to vector<1280x128xf32>
    %mul3A_15 = arith.mulf %get3A_14, %get3A_4 : vector<1280x128xf32>
    %get3A_16 = arith.constant 0 : index
    %get3A_17 = arith.constant 0 : index
    %get3A_18 = arith.constant 0 : index
    %get3A_19 = vector.load %arg1[%get3A_16, %get3A_17, %get3A_18] : memref<2x1280x128xf32, #tpu.memory_space<vmem>>, vector<1x1280x128xf32>
    %get3A_20 = vector.shape_cast %get3A_19 : vector<1x1280x128xf32> to vector<1280x128xf32>
    %mul3A_21 = arith.mulf %get3A_20, %get3A_4 : vector<1280x128xf32>
    %get3A_22 = arith.constant 1 : index
    %get3A_23 = arith.constant 0 : index
    %get3A_24 = arith.constant 0 : index
    %get3A_25 = vector.load %arg1[%get3A_22, %get3A_23, %get3A_24] : memref<2x1280x128xf32, #tpu.memory_space<vmem>>, vector<1x1280x128xf32>
    %get3A_26 = vector.shape_cast %get3A_25 : vector<1x1280x128xf32> to vector<1280x128xf32>
    %mul3A_27 = arith.mulf %get3A_26, %get3A_4 : vector<1280x128xf32>
    %get3A_28 = arith.constant 0 : index
    %get3A_29 = arith.constant 0 : index
    %get3A_30 = vector.load %arg4[%get3A_28, %get3A_29] : memref<1280x128xf32, #tpu.memory_space<vmem>>, vector<1280x128xf32>
    %get3A_31 = arith.constant 0 : index
    %get3A_32 = arith.constant 0 : index
    %get3A_33 = vector.load %arg5[%get3A_31, %get3A_32] : memref<1280x128xf32, #tpu.memory_space<vmem>>, vector<1280x128xf32>
    %get3A_34 = arith.constant 0 : index
    %get3A_35 = arith.constant 0 : index
    %get3A_36 = arith.constant 0 : index
    %get3A_37 = arith.constant 0 : index
    %get3A_38 = vector.load %arg8[%get3A_34, %get3A_35, %get3A_36, %get3A_37] : memref<6x2x128x128xf32, #tpu.memory_space<vmem>>, vector<1x1x128x128xf32>
    %get3A_39 = vector.shape_cast %get3A_38 : vector<1x1x128x128xf32> to vector<128x128xf32>
    %dot_general3A = arith.constant dense<0.000000e+00> : vector<1280x128xf32>
    %dot_general3A_40 = tpu.matmul %get3A_30, %get3A_39, %dot_general3A {dimension_numbers = #tpu.dot_dimension_numbers<[1], [0], [0], [1], [0, 0, 1, 1], [], []>, transpose_lhs_hint = false} : vector<1280x128xf32>, vector<128x128xf32>, vector<1280x128xf32> -> vector<1280x128xf32>
    %add3A = arith.constant 0.000000e+00 : f32
    %add3A_41 = vector.broadcast %add3A : f32 to vector<1280x128xf32>
    %add3A_42 = arith.addf %add3A_41, %dot_general3A_40 : vector<1280x128xf32>
    %get3A_43 = arith.constant 1 : index
    %get3A_44 = arith.constant 0 : index
    %get3A_45 = arith.constant 0 : index
    %get3A_46 = arith.constant 0 : index
    %get3A_47 = vector.load %arg8[%get3A_43, %get3A_44, %get3A_45, %get3A_46] : memref<6x2x128x128xf32, #tpu.memory_space<vmem>>, vector<1x1x128x128xf32>
    %get3A_48 = vector.shape_cast %get3A_47 : vector<1x1x128x128xf32> to vector<128x128xf32>
    %dot_general3A_49 = arith.constant dense<0.000000e+00> : vector<1280x128xf32>
    %dot_general3A_50 = tpu.matmul %get3A_33, %get3A_48, %dot_general3A_49 {dimension_numbers = #tpu.dot_dimension_numbers<[1], [0], [0], [1], [0, 0, 1, 1], [], []>, transpose_lhs_hint = false} : vector<1280x128xf32>, vector<128x128xf32>, vector<1280x128xf32> -> vector<1280x128xf32>
    %add3A_51 = arith.addf %add3A_42, %dot_general3A_50 : vector<1280x128xf32>
    %get3A_52 = arith.constant 2 : index
    %get3A_53 = arith.constant 0 : index
    %get3A_54 = arith.constant 0 : index
    %get3A_55 = arith.constant 0 : index
    %get3A_56 = vector.load %arg8[%get3A_52, %get3A_53, %get3A_54, %get3A_55] : memref<6x2x128x128xf32, #tpu.memory_space<vmem>>, vector<1x1x128x128xf32>
    %get3A_57 = vector.shape_cast %get3A_56 : vector<1x1x128x128xf32> to vector<128x128xf32>
    %dot_general3A_58 = arith.constant dense<0.000000e+00> : vector<1280x128xf32>
    %dot_general3A_59 = tpu.matmul %mul3A, %get3A_57, %dot_general3A_58 {dimension_numbers = #tpu.dot_dimension_numbers<[1], [0], [0], [1], [0, 0, 1, 1], [], []>, transpose_lhs_hint = false} : vector<1280x128xf32>, vector<128x128xf32>, vector<1280x128xf32> -> vector<1280x128xf32>
    %add3A_60 = arith.addf %add3A_51, %dot_general3A_59 : vector<1280x128xf32>
    %get3A_61 = arith.constant 3 : index
    %get3A_62 = arith.constant 0 : index
    %get3A_63 = arith.constant 0 : index
    %get3A_64 = arith.constant 0 : index
    %get3A_65 = vector.load %arg8[%get3A_61, %get3A_62, %get3A_63, %get3A_64] : memref<6x2x128x128xf32, #tpu.memory_space<vmem>>, vector<1x1x128x128xf32>
    %get3A_66 = vector.shape_cast %get3A_65 : vector<1x1x128x128xf32> to vector<128x128xf32>
    %dot_general3A_67 = arith.constant dense<0.000000e+00> : vector<1280x128xf32>
    %dot_general3A_68 = tpu.matmul %mul3A_15, %get3A_66, %dot_general3A_67 {dimension_numbers = #tpu.dot_dimension_numbers<[1], [0], [0], [1], [0, 0, 1, 1], [], []>, transpose_lhs_hint = false} : vector<1280x128xf32>, vector<128x128xf32>, vector<1280x128xf32> -> vector<1280x128xf32>
    %add3A_69 = arith.addf %add3A_60, %dot_general3A_68 : vector<1280x128xf32>
    %get3A_70 = arith.constant 4 : index
    %get3A_71 = arith.constant 0 : index
    %get3A_72 = arith.constant 0 : index
    %get3A_73 = arith.constant 0 : index
    %get3A_74 = vector.load %arg8[%get3A_70, %get3A_71, %get3A_72, %get3A_73] : memref<6x2x128x128xf32, #tpu.memory_space<vmem>>, vector<1x1x128x128xf32>
    %get3A_75 = vector.shape_cast %get3A_74 : vector<1x1x128x128xf32> to vector<128x128xf32>
    %dot_general3A_76 = arith.constant dense<0.000000e+00> : vector<1280x128xf32>
    %dot_general3A_77 = tpu.matmul %mul3A_21, %get3A_75, %dot_general3A_76 {dimension_numbers = #tpu.dot_dimension_numbers<[1], [0], [0], [1], [0, 0, 1, 1], [], []>, transpose_lhs_hint = false} : vector<1280x128xf32>, vector<128x128xf32>, vector<1280x128xf32> -> vector<1280x128xf32>
    %add3A_78 = arith.addf %add3A_69, %dot_general3A_77 : vector<1280x128xf32>
    %get3A_79 = arith.constant 5 : index
    %get3A_80 = arith.constant 0 : index
    %get3A_81 = arith.constant 0 : index
    %get3A_82 = arith.constant 0 : index
    %get3A_83 = vector.load %arg8[%get3A_79, %get3A_80, %get3A_81, %get3A_82] : memref<6x2x128x128xf32, #tpu.memory_space<vmem>>, vector<1x1x128x128xf32>
    %get3A_84 = vector.shape_cast %get3A_83 : vector<1x1x128x128xf32> to vector<128x128xf32>
    %dot_general3A_85 = arith.constant dense<0.000000e+00> : vector<1280x128xf32>
    %dot_general3A_86 = tpu.matmul %mul3A_27, %get3A_84, %dot_general3A_85 {dimension_numbers = #tpu.dot_dimension_numbers<[1], [0], [0], [1], [0, 0, 1, 1], [], []>, transpose_lhs_hint = false} : vector<1280x128xf32>, vector<128x128xf32>, vector<1280x128xf32> -> vector<1280x128xf32>
    %add3A_87 = arith.addf %add3A_78, %dot_general3A_86 : vector<1280x128xf32>
    %get3A_88 = arith.constant 0 : index
    %get3A_89 = arith.constant 0 : index
    %get3A_90 = vector.load %arg11[%get3A_88, %get3A_89] : memref<1x128xf32, #tpu.memory_space<vmem>>, vector<1x128xf32>
    %add3A_91 = vector.broadcast %get3A_90 : vector<1x128xf32> to vector<1280x128xf32>
    %add3A_92 = arith.addf %add3A_87, %add3A_91 : vector<1280x128xf32>
    %max3A = arith.constant 0.000000e+00 : f32
    %max3A_93 = vector.broadcast %max3A : f32 to vector<1280x128xf32>
    %max3A_94 = arith.maximumf %add3A_92, %max3A_93 : vector<1280x128xf32>
    %get3A_95 = arith.constant 0 : index
    %get3A_96 = arith.constant 1 : index
    %get3A_97 = arith.constant 0 : index
    %get3A_98 = arith.constant 0 : index
    %get3A_99 = vector.load %arg8[%get3A_95, %get3A_96, %get3A_97, %get3A_98] : memref<6x2x128x128xf32, #tpu.memory_space<vmem>>, vector<1x1x128x128xf32>
    %get3A_100 = vector.shape_cast %get3A_99 : vector<1x1x128x128xf32> to vector<128x128xf32>
    %dot_general3A_101 = arith.constant dense<0.000000e+00> : vector<1280x128xf32>
    %dot_general3A_102 = tpu.matmul %get3A_30, %get3A_100, %dot_general3A_101 {dimension_numbers = #tpu.dot_dimension_numbers<[1], [0], [0], [1], [0, 0, 1, 1], [], []>, transpose_lhs_hint = false} : vector<1280x128xf32>, vector<128x128xf32>, vector<1280x128xf32> -> vector<1280x128xf32>
    %add3A_103 = arith.constant 0.000000e+00 : f32
    %add3A_104 = vector.broadcast %add3A_103 : f32 to vector<1280x128xf32>
    %add3A_105 = arith.addf %add3A_104, %dot_general3A_102 : vector<1280x128xf32>
    %get3A_106 = arith.constant 1 : index
    %get3A_107 = arith.constant 1 : index
    %get3A_108 = arith.constant 0 : index
    %get3A_109 = arith.constant 0 : index
    %get3A_110 = vector.load %arg8[%get3A_106, %get3A_107, %get3A_108, %get3A_109] : memref<6x2x128x128xf32, #tpu.memory_space<vmem>>, vector<1x1x128x128xf32>
    %get3A_111 = vector.shape_cast %get3A_110 : vector<1x1x128x128xf32> to vector<128x128xf32>
    %dot_general3A_112 = arith.constant dense<0.000000e+00> : vector<1280x128xf32>
    %dot_general3A_113 = tpu.matmul %get3A_33, %get3A_111, %dot_general3A_112 {dimension_numbers = #tpu.dot_dimension_numbers<[1], [0], [0], [1], [0, 0, 1, 1], [], []>, transpose_lhs_hint = false} : vector<1280x128xf32>, vector<128x128xf32>, vector<1280x128xf32> -> vector<1280x128xf32>
    %add3A_114 = arith.addf %add3A_105, %dot_general3A_113 : vector<1280x128xf32>
    %get3A_115 = arith.constant 2 : index
    %get3A_116 = arith.constant 1 : index
    %get3A_117 = arith.constant 0 : index
    %get3A_118 = arith.constant 0 : index
    %get3A_119 = vector.load %arg8[%get3A_115, %get3A_116, %get3A_117, %get3A_118] : memref<6x2x128x128xf32, #tpu.memory_space<vmem>>, vector<1x1x128x128xf32>
    %get3A_120 = vector.shape_cast %get3A_119 : vector<1x1x128x128xf32> to vector<128x128xf32>
    %dot_general3A_121 = arith.constant dense<0.000000e+00> : vector<1280x128xf32>
    %dot_general3A_122 = tpu.matmul %mul3A, %get3A_120, %dot_general3A_121 {dimension_numbers = #tpu.dot_dimension_numbers<[1], [0], [0], [1], [0, 0, 1, 1], [], []>, transpose_lhs_hint = false} : vector<1280x128xf32>, vector<128x128xf32>, vector<1280x128xf32> -> vector<1280x128xf32>
    %add3A_123 = arith.addf %add3A_114, %dot_general3A_122 : vector<1280x128xf32>
    %get3A_124 = arith.constant 3 : index
    %get3A_125 = arith.constant 1 : index
    %get3A_126 = arith.constant 0 : index
    %get3A_127 = arith.constant 0 : index
    %get3A_128 = vector.load %arg8[%get3A_124, %get3A_125, %get3A_126, %get3A_127] : memref<6x2x128x128xf32, #tpu.memory_space<vmem>>, vector<1x1x128x128xf32>
    %get3A_129 = vector.shape_cast %get3A_128 : vector<1x1x128x128xf32> to vector<128x128xf32>
    %dot_general3A_130 = arith.constant dense<0.000000e+00> : vector<1280x128xf32>
    %dot_general3A_131 = tpu.matmul %mul3A_15, %get3A_129, %dot_general3A_130 {dimension_numbers = #tpu.dot_dimension_numbers<[1], [0], [0], [1], [0, 0, 1, 1], [], []>, transpose_lhs_hint = false} : vector<1280x128xf32>, vector<128x128xf32>, vector<1280x128xf32> -> vector<1280x128xf32>
    %add3A_132 = arith.addf %add3A_123, %dot_general3A_131 : vector<1280x128xf32>
    %get3A_133 = arith.constant 4 : index
    %get3A_134 = arith.constant 1 : index
    %get3A_135 = arith.constant 0 : index
    %get3A_136 = arith.constant 0 : index
    %get3A_137 = vector.load %arg8[%get3A_133, %get3A_134, %get3A_135, %get3A_136] : memref<6x2x128x128xf32, #tpu.memory_space<vmem>>, vector<1x1x128x128xf32>
    %get3A_138 = vector.shape_cast %get3A_137 : vector<1x1x128x128xf32> to vector<128x128xf32>
    %dot_general3A_139 = arith.constant dense<0.000000e+00> : vector<1280x128xf32>
    %dot_general3A_140 = tpu.matmul %mul3A_21, %get3A_138, %dot_general3A_139 {dimension_numbers = #tpu.dot_dimension_numbers<[1], [0], [0], [1], [0, 0, 1, 1], [], []>, transpose_lhs_hint = false} : vector<1280x128xf32>, vector<128x128xf32>, vector<1280x128xf32> -> vector<1280x128xf32>
    %add3A_141 = arith.addf %add3A_132, %dot_general3A_140 : vector<1280x128xf32>
    %get3A_142 = arith.constant 5 : index
    %get3A_143 = arith.constant 1 : index
    %get3A_144 = arith.constant 0 : index
    %get3A_145 = arith.constant 0 : index
    %get3A_146 = vector.load %arg8[%get3A_142, %get3A_143, %get3A_144, %get3A_145] : memref<6x2x128x128xf32, #tpu.memory_space<vmem>>, vector<1x1x128x128xf32>
    %get3A_147 = vector.shape_cast %get3A_146 : vector<1x1x128x128xf32> to vector<128x128xf32>
    %dot_general3A_148 = arith.constant dense<0.000000e+00> : vector<1280x128xf32>
    %dot_general3A_149 = tpu.matmul %mul3A_27, %get3A_147, %dot_general3A_148 {dimension_numbers = #tpu.dot_dimension_numbers<[1], [0], [0], [1], [0, 0, 1, 1], [], []>, transpose_lhs_hint = false} : vector<1280x128xf32>, vector<128x128xf32>, vector<1280x128xf32> -> vector<1280x128xf32>
    %add3A_150 = arith.addf %add3A_141, %dot_general3A_149 : vector<1280x128xf32>
    %get3A_151 = arith.constant 0 : index
    %get3A_152 = arith.constant 0 : index
    %get3A_153 = vector.load %arg12[%get3A_151, %get3A_152] : memref<1x128xf32, #tpu.memory_space<vmem>>, vector<1x128xf32>
    %add3A_154 = vector.broadcast %get3A_153 : vector<1x128xf32> to vector<1280x128xf32>
    %add3A_155 = arith.addf %add3A_150, %add3A_154 : vector<1280x128xf32>
    %max3A_156 = arith.constant 0.000000e+00 : f32
    %max3A_157 = vector.broadcast %max3A_156 : f32 to vector<1280x128xf32>
    %max3A_158 = arith.maximumf %add3A_155, %max3A_157 : vector<1280x128xf32>
    %get3A_159 = arith.constant 0 : index
    %get3A_160 = arith.constant 0 : index
    %get3A_161 = vector.load %arg6[%get3A_159, %get3A_160] : memref<1280x128xf32, #tpu.memory_space<vmem>>, vector<1280x128xf32>
    %get3A_162 = arith.constant 0 : index
    %get3A_163 = arith.constant 0 : index
    %get3A_164 = vector.load %arg7[%get3A_162, %get3A_163] : memref<1280x128xf32, #tpu.memory_space<vmem>>, vector<1280x128xf32>
    %get3A_165 = arith.constant 0 : index
    %get3A_166 = arith.constant 0 : index
    %get3A_167 = arith.constant 0 : index
    %get3A_168 = arith.constant 0 : index
    %get3A_169 = vector.load %arg9[%get3A_165, %get3A_166, %get3A_167, %get3A_168] : memref<4x2x128x128xf32, #tpu.memory_space<vmem>>, vector<1x1x128x128xf32>
    %get3A_170 = vector.shape_cast %get3A_169 : vector<1x1x128x128xf32> to vector<128x128xf32>
    %dot_general3A_171 = arith.constant dense<0.000000e+00> : vector<1280x128xf32>
    %dot_general3A_172 = tpu.matmul %max3A_94, %get3A_170, %dot_general3A_171 {dimension_numbers = #tpu.dot_dimension_numbers<[1], [0], [0], [1], [0, 0, 1, 1], [], []>, transpose_lhs_hint = false} : vector<1280x128xf32>, vector<128x128xf32>, vector<1280x128xf32> -> vector<1280x128xf32>
    %add3A_173 = arith.constant 0.000000e+00 : f32
    %add3A_174 = vector.broadcast %add3A_173 : f32 to vector<1280x128xf32>
    %add3A_175 = arith.addf %add3A_174, %dot_general3A_172 : vector<1280x128xf32>
    %get3A_176 = arith.constant 1 : index
    %get3A_177 = arith.constant 0 : index
    %get3A_178 = arith.constant 0 : index
    %get3A_179 = arith.constant 0 : index
    %get3A_180 = vector.load %arg9[%get3A_176, %get3A_177, %get3A_178, %get3A_179] : memref<4x2x128x128xf32, #tpu.memory_space<vmem>>, vector<1x1x128x128xf32>
    %get3A_181 = vector.shape_cast %get3A_180 : vector<1x1x128x128xf32> to vector<128x128xf32>
    %dot_general3A_182 = arith.constant dense<0.000000e+00> : vector<1280x128xf32>
    %dot_general3A_183 = tpu.matmul %max3A_158, %get3A_181, %dot_general3A_182 {dimension_numbers = #tpu.dot_dimension_numbers<[1], [0], [0], [1], [0, 0, 1, 1], [], []>, transpose_lhs_hint = false} : vector<1280x128xf32>, vector<128x128xf32>, vector<1280x128xf32> -> vector<1280x128xf32>
    %add3A_184 = arith.addf %add3A_175, %dot_general3A_183 : vector<1280x128xf32>
    %get3A_185 = arith.constant 2 : index
    %get3A_186 = arith.constant 0 : index
    %get3A_187 = arith.constant 0 : index
    %get3A_188 = arith.constant 0 : index
    %get3A_189 = vector.load %arg9[%get3A_185, %get3A_186, %get3A_187, %get3A_188] : memref<4x2x128x128xf32, #tpu.memory_space<vmem>>, vector<1x1x128x128xf32>
    %get3A_190 = vector.shape_cast %get3A_189 : vector<1x1x128x128xf32> to vector<128x128xf32>
    %dot_general3A_191 = arith.constant dense<0.000000e+00> : vector<1280x128xf32>
    %dot_general3A_192 = tpu.matmul %get3A_161, %get3A_190, %dot_general3A_191 {dimension_numbers = #tpu.dot_dimension_numbers<[1], [0], [0], [1], [0, 0, 1, 1], [], []>, transpose_lhs_hint = false} : vector<1280x128xf32>, vector<128x128xf32>, vector<1280x128xf32> -> vector<1280x128xf32>
    %add3A_193 = arith.addf %add3A_184, %dot_general3A_192 : vector<1280x128xf32>
    %get3A_194 = arith.constant 3 : index
    %get3A_195 = arith.constant 0 : index
    %get3A_196 = arith.constant 0 : index
    %get3A_197 = arith.constant 0 : index
    %get3A_198 = vector.load %arg9[%get3A_194, %get3A_195, %get3A_196, %get3A_197] : memref<4x2x128x128xf32, #tpu.memory_space<vmem>>, vector<1x1x128x128xf32>
    %get3A_199 = vector.shape_cast %get3A_198 : vector<1x1x128x128xf32> to vector<128x128xf32>
    %dot_general3A_200 = arith.constant dense<0.000000e+00> : vector<1280x128xf32>
    %dot_general3A_201 = tpu.matmul %get3A_164, %get3A_199, %dot_general3A_200 {dimension_numbers = #tpu.dot_dimension_numbers<[1], [0], [0], [1], [0, 0, 1, 1], [], []>, transpose_lhs_hint = false} : vector<1280x128xf32>, vector<128x128xf32>, vector<1280x128xf32> -> vector<1280x128xf32>
    %add3A_202 = arith.addf %add3A_193, %dot_general3A_201 : vector<1280x128xf32>
    %get3A_203 = arith.constant 0 : index
    %get3A_204 = arith.constant 0 : index
    %get3A_205 = vector.load %arg13[%get3A_203, %get3A_204] : memref<1x128xf32, #tpu.memory_space<vmem>>, vector<1x128xf32>
    %add3A_206 = vector.broadcast %get3A_205 : vector<1x128xf32> to vector<1280x128xf32>
    %add3A_207 = arith.addf %add3A_202, %add3A_206 : vector<1280x128xf32>
    %get3A_208 = arith.constant 0 : index
    %get3A_209 = arith.constant 1 : index
    %get3A_210 = arith.constant 0 : index
    %get3A_211 = arith.constant 0 : index
    %get3A_212 = vector.load %arg9[%get3A_208, %get3A_209, %get3A_210, %get3A_211] : memref<4x2x128x128xf32, #tpu.memory_space<vmem>>, vector<1x1x128x128xf32>
    %get3A_213 = vector.shape_cast %get3A_212 : vector<1x1x128x128xf32> to vector<128x128xf32>
    %dot_general3A_214 = arith.constant dense<0.000000e+00> : vector<1280x128xf32>
    %dot_general3A_215 = tpu.matmul %max3A_94, %get3A_213, %dot_general3A_214 {dimension_numbers = #tpu.dot_dimension_numbers<[1], [0], [0], [1], [0, 0, 1, 1], [], []>, transpose_lhs_hint = false} : vector<1280x128xf32>, vector<128x128xf32>, vector<1280x128xf32> -> vector<1280x128xf32>
    %add3A_216 = arith.constant 0.000000e+00 : f32
    %add3A_217 = vector.broadcast %add3A_216 : f32 to vector<1280x128xf32>
    %add3A_218 = arith.addf %add3A_217, %dot_general3A_215 : vector<1280x128xf32>
    %get3A_219 = arith.constant 1 : index
    %get3A_220 = arith.constant 1 : index
    %get3A_221 = arith.constant 0 : index
    %get3A_222 = arith.constant 0 : index
    %get3A_223 = vector.load %arg9[%get3A_219, %get3A_220, %get3A_221, %get3A_222] : memref<4x2x128x128xf32, #tpu.memory_space<vmem>>, vector<1x1x128x128xf32>
    %get3A_224 = vector.shape_cast %get3A_223 : vector<1x1x128x128xf32> to vector<128x128xf32>
    %dot_general3A_225 = arith.constant dense<0.000000e+00> : vector<1280x128xf32>
    %dot_general3A_226 = tpu.matmul %max3A_158, %get3A_224, %dot_general3A_225 {dimension_numbers = #tpu.dot_dimension_numbers<[1], [0], [0], [1], [0, 0, 1, 1], [], []>, transpose_lhs_hint = false} : vector<1280x128xf32>, vector<128x128xf32>, vector<1280x128xf32> -> vector<1280x128xf32>
    %add3A_227 = arith.addf %add3A_218, %dot_general3A_226 : vector<1280x128xf32>
    %get3A_228 = arith.constant 2 : index
    %get3A_229 = arith.constant 1 : index
    %get3A_230 = arith.constant 0 : index
    %get3A_231 = arith.constant 0 : index
    %get3A_232 = vector.load %arg9[%get3A_228, %get3A_229, %get3A_230, %get3A_231] : memref<4x2x128x128xf32, #tpu.memory_space<vmem>>, vector<1x1x128x128xf32>
    %get3A_233 = vector.shape_cast %get3A_232 : vector<1x1x128x128xf32> to vector<128x128xf32>
    %dot_general3A_234 = arith.constant dense<0.000000e+00> : vector<1280x128xf32>
    %dot_general3A_235 = tpu.matmul %get3A_161, %get3A_233, %dot_general3A_234 {dimension_numbers = #tpu.dot_dimension_numbers<[1], [0], [0], [1], [0, 0, 1, 1], [], []>, transpose_lhs_hint = false} : vector<1280x128xf32>, vector<128x128xf32>, vector<1280x128xf32> -> vector<1280x128xf32>
    %add3A_236 = arith.addf %add3A_227, %dot_general3A_235 : vector<1280x128xf32>
    %get3A_237 = arith.constant 3 : index
    %get3A_238 = arith.constant 1 : index
    %get3A_239 = arith.constant 0 : index
    %get3A_240 = arith.constant 0 : index
    %get3A_241 = vector.load %arg9[%get3A_237, %get3A_238, %get3A_239, %get3A_240] : memref<4x2x128x128xf32, #tpu.memory_space<vmem>>, vector<1x1x128x128xf32>
    %get3A_242 = vector.shape_cast %get3A_241 : vector<1x1x128x128xf32> to vector<128x128xf32>
    %dot_general3A_243 = arith.constant dense<0.000000e+00> : vector<1280x128xf32>
    %dot_general3A_244 = tpu.matmul %get3A_164, %get3A_242, %dot_general3A_243 {dimension_numbers = #tpu.dot_dimension_numbers<[1], [0], [0], [1], [0, 0, 1, 1], [], []>, transpose_lhs_hint = false} : vector<1280x128xf32>, vector<128x128xf32>, vector<1280x128xf32> -> vector<1280x128xf32>
    %add3A_245 = arith.addf %add3A_236, %dot_general3A_244 : vector<1280x128xf32>
    %get3A_246 = arith.constant 0 : index
    %get3A_247 = arith.constant 0 : index
    %get3A_248 = vector.load %arg14[%get3A_246, %get3A_247] : memref<1x128xf32, #tpu.memory_space<vmem>>, vector<1x128xf32>
    %add3A_249 = vector.broadcast %get3A_248 : vector<1x128xf32> to vector<1280x128xf32>
    %add3A_250 = arith.addf %add3A_245, %add3A_249 : vector<1280x128xf32>
    %get3A_251 = arith.constant 0 : index
    %get3A_252 = arith.constant 0 : index
    %get3A_253 = arith.constant 0 : index
    %get3A_254 = arith.constant 0 : index
    %get3A_255 = vector.load %arg10[%get3A_251, %get3A_252, %get3A_253, %get3A_254] : memref<4x2x128x128xf32, #tpu.memory_space<vmem>>, vector<1x1x128x128xf32>
    %get3A_256 = vector.shape_cast %get3A_255 : vector<1x1x128x128xf32> to vector<128x128xf32>
    %dot_general3A_257 = arith.constant dense<0.000000e+00> : vector<1280x128xf32>
    %dot_general3A_258 = tpu.matmul %max3A_94, %get3A_256, %dot_general3A_257 {dimension_numbers = #tpu.dot_dimension_numbers<[1], [0], [0], [1], [0, 0, 1, 1], [], []>, transpose_lhs_hint = false} : vector<1280x128xf32>, vector<128x128xf32>, vector<1280x128xf32> -> vector<1280x128xf32>
    %add3A_259 = arith.constant 0.000000e+00 : f32
    %add3A_260 = vector.broadcast %add3A_259 : f32 to vector<1280x128xf32>
    %add3A_261 = arith.addf %add3A_260, %dot_general3A_258 : vector<1280x128xf32>
    %get3A_262 = arith.constant 1 : index
    %get3A_263 = arith.constant 0 : index
    %get3A_264 = arith.constant 0 : index
    %get3A_265 = arith.constant 0 : index
    %get3A_266 = vector.load %arg10[%get3A_262, %get3A_263, %get3A_264, %get3A_265] : memref<4x2x128x128xf32, #tpu.memory_space<vmem>>, vector<1x1x128x128xf32>
    %get3A_267 = vector.shape_cast %get3A_266 : vector<1x1x128x128xf32> to vector<128x128xf32>
    %dot_general3A_268 = arith.constant dense<0.000000e+00> : vector<1280x128xf32>
    %dot_general3A_269 = tpu.matmul %max3A_158, %get3A_267, %dot_general3A_268 {dimension_numbers = #tpu.dot_dimension_numbers<[1], [0], [0], [1], [0, 0, 1, 1], [], []>, transpose_lhs_hint = false} : vector<1280x128xf32>, vector<128x128xf32>, vector<1280x128xf32> -> vector<1280x128xf32>
    %add3A_270 = arith.addf %add3A_261, %dot_general3A_269 : vector<1280x128xf32>
    %get3A_271 = arith.constant 2 : index
    %get3A_272 = arith.constant 0 : index
    %get3A_273 = arith.constant 0 : index
    %get3A_274 = arith.constant 0 : index
    %get3A_275 = vector.load %arg10[%get3A_271, %get3A_272, %get3A_273, %get3A_274] : memref<4x2x128x128xf32, #tpu.memory_space<vmem>>, vector<1x1x128x128xf32>
    %get3A_276 = vector.shape_cast %get3A_275 : vector<1x1x128x128xf32> to vector<128x128xf32>
    %dot_general3A_277 = arith.constant dense<0.000000e+00> : vector<1280x128xf32>
    %dot_general3A_278 = tpu.matmul %get3A_161, %get3A_276, %dot_general3A_277 {dimension_numbers = #tpu.dot_dimension_numbers<[1], [0], [0], [1], [0, 0, 1, 1], [], []>, transpose_lhs_hint = false} : vector<1280x128xf32>, vector<128x128xf32>, vector<1280x128xf32> -> vector<1280x128xf32>
    %add3A_279 = arith.addf %add3A_270, %dot_general3A_278 : vector<1280x128xf32>
    %get3A_280 = arith.constant 3 : index
    %get3A_281 = arith.constant 0 : index
    %get3A_282 = arith.constant 0 : index
    %get3A_283 = arith.constant 0 : index
    %get3A_284 = vector.load %arg10[%get3A_280, %get3A_281, %get3A_282, %get3A_283] : memref<4x2x128x128xf32, #tpu.memory_space<vmem>>, vector<1x1x128x128xf32>
    %get3A_285 = vector.shape_cast %get3A_284 : vector<1x1x128x128xf32> to vector<128x128xf32>
    %dot_general3A_286 = arith.constant dense<0.000000e+00> : vector<1280x128xf32>
    %dot_general3A_287 = tpu.matmul %get3A_164, %get3A_285, %dot_general3A_286 {dimension_numbers = #tpu.dot_dimension_numbers<[1], [0], [0], [1], [0, 0, 1, 1], [], []>, transpose_lhs_hint = false} : vector<1280x128xf32>, vector<128x128xf32>, vector<1280x128xf32> -> vector<1280x128xf32>
    %add3A_288 = arith.addf %add3A_279, %dot_general3A_287 : vector<1280x128xf32>
    %get3A_289 = arith.constant 0 : index
    %get3A_290 = arith.constant 0 : index
    %get3A_291 = vector.load %arg15[%get3A_289, %get3A_290] : memref<1x128xf32, #tpu.memory_space<vmem>>, vector<1x128xf32>
    %add3A_292 = vector.broadcast %get3A_291 : vector<1x128xf32> to vector<1280x128xf32>
    %add3A_293 = arith.addf %add3A_288, %add3A_292 : vector<1280x128xf32>
    %get3A_294 = arith.constant 0 : index
    %get3A_295 = arith.constant 1 : index
    %get3A_296 = arith.constant 0 : index
    %get3A_297 = arith.constant 0 : index
    %get3A_298 = vector.load %arg10[%get3A_294, %get3A_295, %get3A_296, %get3A_297] : memref<4x2x128x128xf32, #tpu.memory_space<vmem>>, vector<1x1x128x128xf32>
    %get3A_299 = vector.shape_cast %get3A_298 : vector<1x1x128x128xf32> to vector<128x128xf32>
    %dot_general3A_300 = arith.constant dense<0.000000e+00> : vector<1280x128xf32>
    %dot_general3A_301 = tpu.matmul %max3A_94, %get3A_299, %dot_general3A_300 {dimension_numbers = #tpu.dot_dimension_numbers<[1], [0], [0], [1], [0, 0, 1, 1], [], []>, transpose_lhs_hint = false} : vector<1280x128xf32>, vector<128x128xf32>, vector<1280x128xf32> -> vector<1280x128xf32>
    %add3A_302 = arith.constant 0.000000e+00 : f32
    %add3A_303 = vector.broadcast %add3A_302 : f32 to vector<1280x128xf32>
    %add3A_304 = arith.addf %add3A_303, %dot_general3A_301 : vector<1280x128xf32>
    %get3A_305 = arith.constant 1 : index
    %get3A_306 = arith.constant 1 : index
    %get3A_307 = arith.constant 0 : index
    %get3A_308 = arith.constant 0 : index
    %get3A_309 = vector.load %arg10[%get3A_305, %get3A_306, %get3A_307, %get3A_308] : memref<4x2x128x128xf32, #tpu.memory_space<vmem>>, vector<1x1x128x128xf32>
    %get3A_310 = vector.shape_cast %get3A_309 : vector<1x1x128x128xf32> to vector<128x128xf32>
    %dot_general3A_311 = arith.constant dense<0.000000e+00> : vector<1280x128xf32>
    %dot_general3A_312 = tpu.matmul %max3A_158, %get3A_310, %dot_general3A_311 {dimension_numbers = #tpu.dot_dimension_numbers<[1], [0], [0], [1], [0, 0, 1, 1], [], []>, transpose_lhs_hint = false} : vector<1280x128xf32>, vector<128x128xf32>, vector<1280x128xf32> -> vector<1280x128xf32>
    %add3A_313 = arith.addf %add3A_304, %dot_general3A_312 : vector<1280x128xf32>
    %get3A_314 = arith.constant 2 : index
    %get3A_315 = arith.constant 1 : index
    %get3A_316 = arith.constant 0 : index
    %get3A_317 = arith.constant 0 : index
    %get3A_318 = vector.load %arg10[%get3A_314, %get3A_315, %get3A_316, %get3A_317] : memref<4x2x128x128xf32, #tpu.memory_space<vmem>>, vector<1x1x128x128xf32>
    %get3A_319 = vector.shape_cast %get3A_318 : vector<1x1x128x128xf32> to vector<128x128xf32>
    %dot_general3A_320 = arith.constant dense<0.000000e+00> : vector<1280x128xf32>
    %dot_general3A_321 = tpu.matmul %get3A_161, %get3A_319, %dot_general3A_320 {dimension_numbers = #tpu.dot_dimension_numbers<[1], [0], [0], [1], [0, 0, 1, 1], [], []>, transpose_lhs_hint = false} : vector<1280x128xf32>, vector<128x128xf32>, vector<1280x128xf32> -> vector<1280x128xf32>
    %add3A_322 = arith.addf %add3A_313, %dot_general3A_321 : vector<1280x128xf32>
    %get3A_323 = arith.constant 3 : index
    %get3A_324 = arith.constant 1 : index
    %get3A_325 = arith.constant 0 : index
    %get3A_326 = arith.constant 0 : index
    %get3A_327 = vector.load %arg10[%get3A_323, %get3A_324, %get3A_325, %get3A_326] : memref<4x2x128x128xf32, #tpu.memory_space<vmem>>, vector<1x1x128x128xf32>
    %get3A_328 = vector.shape_cast %get3A_327 : vector<1x1x128x128xf32> to vector<128x128xf32>
    %dot_general3A_329 = arith.constant dense<0.000000e+00> : vector<1280x128xf32>
    %dot_general3A_330 = tpu.matmul %get3A_164, %get3A_328, %dot_general3A_329 {dimension_numbers = #tpu.dot_dimension_numbers<[1], [0], [0], [1], [0, 0, 1, 1], [], []>, transpose_lhs_hint = false} : vector<1280x128xf32>, vector<128x128xf32>, vector<1280x128xf32> -> vector<1280x128xf32>
    %add3A_331 = arith.addf %add3A_322, %dot_general3A_330 : vector<1280x128xf32>
    %get3A_332 = arith.constant 0 : index
    %get3A_333 = arith.constant 0 : index
    %get3A_334 = vector.load %arg16[%get3A_332, %get3A_333] : memref<1x128xf32, #tpu.memory_space<vmem>>, vector<1x128xf32>
    %add3A_335 = vector.broadcast %get3A_334 : vector<1x128xf32> to vector<1280x128xf32>
    %add3A_336 = arith.addf %add3A_331, %add3A_335 : vector<1280x128xf32>
    %swap3A = arith.constant 0 : index
    %swap3A_337 = arith.constant 0 : index
    %swap3A_338 = vector.load %arg17[%swap3A, %swap3A_337] : memref<1280x128xf32, #tpu.memory_space<vmem>>, vector<1280x128xf32>
    tpu.vector_store %arg17[%swap3A, %swap3A_337], %add3A_207 {strides = array<i32>} : memref<1280x128xf32, #tpu.memory_space<vmem>>, vector<1280x128xf32>,
    %swap3A_339 = arith.constant 0 : index
    %swap3A_340 = arith.constant 0 : index
    %swap3A_341 = vector.load %arg18[%swap3A_339, %swap3A_340] : memref<1280x128xf32, #tpu.memory_space<vmem>>, vector<1280x128xf32>
    tpu.vector_store %arg18[%swap3A_339, %swap3A_340], %add3A_250 {strides = array<i32>} : memref<1280x128xf32, #tpu.memory_space<vmem>>, vector<1280x128xf32>,
    %swap3A_342 = arith.constant 0 : index
    %swap3A_343 = arith.constant 0 : index
    %swap3A_344 = vector.load %arg19[%swap3A_342, %swap3A_343] : memref<1280x128xf32, #tpu.memory_space<vmem>>, vector<1280x128xf32>
    tpu.vector_store %arg19[%swap3A_342, %swap3A_343], %add3A_293 {strides = array<i32>} : memref<1280x128xf32, #tpu.memory_space<vmem>>, vector<1280x128xf32>,
    %swap3A_345 = arith.constant 0 : index
    %swap3A_346 = arith.constant 0 : index
    %swap3A_347 = vector.load %arg20[%swap3A_345, %swap3A_346] : memref<1280x128xf32, #tpu.memory_space<vmem>>, vector<1280x128xf32>
    tpu.vector_store %arg20[%swap3A_345, %swap3A_346], %add3A_336 {strides = array<i32>} : memref<1280x128xf32, #tpu.memory_space<vmem>>, vector<1280x128xf32>,
    %mul3A_348 = arith.mulf %add3A_207, %get3A_1 : vector<1280x128xf32>
    %swap3A_349 = arith.constant 0 : index
    %swap3A_350 = arith.constant 0 : index
    %swap3A_351 = vector.load %arg21[%swap3A_349, %swap3A_350] : memref<1280x128xf32, #tpu.memory_space<vmem>>, vector<1280x128xf32>
    tpu.vector_store %arg21[%swap3A_349, %swap3A_350], %mul3A_348 {strides = array<i32>} : memref<1280x128xf32, #tpu.memory_space<vmem>>, vector<1280x128xf32>,
    %mul3A_352 = arith.mulf %add3A_250, %get3A_1 : vector<1280x128xf32>
    %swap3A_353 = arith.constant 0 : index
    %swap3A_354 = arith.constant 0 : index
    %swap3A_355 = vector.load %arg22[%swap3A_353, %swap3A_354] : memref<1280x128xf32, #tpu.memory_space<vmem>>, vector<1280x128xf32>
    tpu.vector_store %arg22[%swap3A_353, %swap3A_354], %mul3A_352 {strides = array<i32>} : memref<1280x128xf32, #tpu.memory_space<vmem>>, vector<1280x128xf32>,
    return
  }
}

module attributes {stable_mosaic.version = 14 : i64} {
  func.func @_s2s_body(%arg0: memref<2x1280x128xf32, #tpu.memory_space<vmem>>, %arg1: memref<2x1280x128xf32, #tpu.memory_space<vmem>>, %arg2: memref<1280x128xf32, #tpu.memory_space<vmem>>, %arg3: memref<1280x128xf32, #tpu.memory_space<vmem>>, %arg4: memref<1280x128xf32, #tpu.memory_space<vmem>>, %arg5: memref<1280x128xf32, #tpu.memory_space<vmem>>, %arg6: memref<1280x128xf32, #tpu.memory_space<vmem>>, %arg7: memref<6x2x128x128xf32, #tpu.memory_space<vmem>>, %arg8: memref<4x2x128x128xf32, #tpu.memory_space<vmem>>, %arg9: memref<1x128xf32, #tpu.memory_space<vmem>>, %arg10: memref<1x128xf32, #tpu.memory_space<vmem>>, %arg11: memref<1x128xf32, #tpu.memory_space<vmem>>, %arg12: memref<1x128xf32, #tpu.memory_space<vmem>>, %arg13: memref<1280x128xf32, #tpu.memory_space<vmem>>, %arg14: memref<1280x128xf32, #tpu.memory_space<vmem>>, %arg15: memref<160x80xf32, #tpu.memory_space<vmem>>, %arg16: memref<160x40xf32, #tpu.memory_space<vmem>>, %arg17: memref<160xf32, #tpu.memory_space<vmem>>, %arg18: memref<160xf32, #tpu.memory_space<vmem>>, %arg19: memref<80x20xf32, #tpu.memory_space<vmem>>, %arg20: memref<20xf32, #tpu.memory_space<vmem>>, %arg21: memref<1x1xf32, #tpu.memory_space<vmem>>, %arg22: memref<128x8xf32, #tpu.memory_space<vmem>>, %arg23: memref<8x128xf32, #tpu.memory_space<vmem>>, %arg24: memref<128x16xf32, #tpu.memory_space<vmem>>, %arg25: memref<1x20xf32, #tpu.memory_space<vmem>>) attributes {dimension_semantics = [], scalar_prefetch = 0 : i64, scratch_operands = 0 : i64, tpu.core_type = #tpu.core_type<tc>} {
    %get3A = arith.constant 0 : index
    %get3A_0 = arith.constant 0 : index
    %get3A_1 = vector.load %arg2[%get3A, %get3A_0] : memref<1280x128xf32, #tpu.memory_space<vmem>>, vector<1280x128xf32>
    %get3A_2 = arith.constant 0 : index
    %get3A_3 = arith.constant 0 : index
    %get3A_4 = arith.constant 0 : index
    %get3A_5 = vector.load %arg0[%get3A_2, %get3A_3, %get3A_4] : memref<2x1280x128xf32, #tpu.memory_space<vmem>>, vector<1x1280x128xf32>
    %get3A_6 = vector.shape_cast %get3A_5 : vector<1x1280x128xf32> to vector<1280x128xf32>
    %mul3A = arith.mulf %get3A_6, %get3A_1 : vector<1280x128xf32>
    %get3A_7 = arith.constant 1 : index
    %get3A_8 = arith.constant 0 : index
    %get3A_9 = arith.constant 0 : index
    %get3A_10 = vector.load %arg0[%get3A_7, %get3A_8, %get3A_9] : memref<2x1280x128xf32, #tpu.memory_space<vmem>>, vector<1x1280x128xf32>
    %get3A_11 = vector.shape_cast %get3A_10 : vector<1x1280x128xf32> to vector<1280x128xf32>
    %mul3A_12 = arith.mulf %get3A_11, %get3A_1 : vector<1280x128xf32>
    %get3A_13 = arith.constant 0 : index
    %get3A_14 = arith.constant 0 : index
    %get3A_15 = arith.constant 0 : index
    %get3A_16 = vector.load %arg1[%get3A_13, %get3A_14, %get3A_15] : memref<2x1280x128xf32, #tpu.memory_space<vmem>>, vector<1x1280x128xf32>
    %get3A_17 = vector.shape_cast %get3A_16 : vector<1x1280x128xf32> to vector<1280x128xf32>
    %mul3A_18 = arith.mulf %get3A_17, %get3A_1 : vector<1280x128xf32>
    %get3A_19 = arith.constant 1 : index
    %get3A_20 = arith.constant 0 : index
    %get3A_21 = arith.constant 0 : index
    %get3A_22 = vector.load %arg1[%get3A_19, %get3A_20, %get3A_21] : memref<2x1280x128xf32, #tpu.memory_space<vmem>>, vector<1x1280x128xf32>
    %get3A_23 = vector.shape_cast %get3A_22 : vector<1x1280x128xf32> to vector<1280x128xf32>
    %mul3A_24 = arith.mulf %get3A_23, %get3A_1 : vector<1280x128xf32>
    %get3A_25 = arith.constant 0 : index
    %get3A_26 = arith.constant 0 : index
    %get3A_27 = vector.load %arg3[%get3A_25, %get3A_26] : memref<1280x128xf32, #tpu.memory_space<vmem>>, vector<1280x128xf32>
    %get3A_28 = arith.constant 0 : index
    %get3A_29 = arith.constant 0 : index
    %get3A_30 = vector.load %arg4[%get3A_28, %get3A_29] : memref<1280x128xf32, #tpu.memory_space<vmem>>, vector<1280x128xf32>
    %get3A_31 = arith.constant 0 : index
    %get3A_32 = arith.constant 0 : index
    %get3A_33 = arith.constant 0 : index
    %get3A_34 = arith.constant 0 : index
    %get3A_35 = vector.load %arg7[%get3A_31, %get3A_32, %get3A_33, %get3A_34] : memref<6x2x128x128xf32, #tpu.memory_space<vmem>>, vector<1x1x128x128xf32>
    %get3A_36 = vector.shape_cast %get3A_35 : vector<1x1x128x128xf32> to vector<128x128xf32>
    %dot_general3A = arith.constant dense<0.000000e+00> : vector<1280x128xf32>
    %dot_general3A_37 = tpu.matmul %get3A_27, %get3A_36, %dot_general3A {dimension_numbers = #tpu.dot_dimension_numbers<[1], [0], [0], [1], [0, 0, 1, 1], [], []>, transpose_lhs_hint = false} : vector<1280x128xf32>, vector<128x128xf32>, vector<1280x128xf32> -> vector<1280x128xf32>
    %add3A = arith.constant 0.000000e+00 : f32
    %add3A_38 = vector.broadcast %add3A : f32 to vector<1280x128xf32>
    %add3A_39 = arith.addf %add3A_38, %dot_general3A_37 : vector<1280x128xf32>
    %get3A_40 = arith.constant 1 : index
    %get3A_41 = arith.constant 0 : index
    %get3A_42 = arith.constant 0 : index
    %get3A_43 = arith.constant 0 : index
    %get3A_44 = vector.load %arg7[%get3A_40, %get3A_41, %get3A_42, %get3A_43] : memref<6x2x128x128xf32, #tpu.memory_space<vmem>>, vector<1x1x128x128xf32>
    %get3A_45 = vector.shape_cast %get3A_44 : vector<1x1x128x128xf32> to vector<128x128xf32>
    %dot_general3A_46 = arith.constant dense<0.000000e+00> : vector<1280x128xf32>
    %dot_general3A_47 = tpu.matmul %get3A_30, %get3A_45, %dot_general3A_46 {dimension_numbers = #tpu.dot_dimension_numbers<[1], [0], [0], [1], [0, 0, 1, 1], [], []>, transpose_lhs_hint = false} : vector<1280x128xf32>, vector<128x128xf32>, vector<1280x128xf32> -> vector<1280x128xf32>
    %add3A_48 = arith.addf %add3A_39, %dot_general3A_47 : vector<1280x128xf32>
    %get3A_49 = arith.constant 2 : index
    %get3A_50 = arith.constant 0 : index
    %get3A_51 = arith.constant 0 : index
    %get3A_52 = arith.constant 0 : index
    %get3A_53 = vector.load %arg7[%get3A_49, %get3A_50, %get3A_51, %get3A_52] : memref<6x2x128x128xf32, #tpu.memory_space<vmem>>, vector<1x1x128x128xf32>
    %get3A_54 = vector.shape_cast %get3A_53 : vector<1x1x128x128xf32> to vector<128x128xf32>
    %dot_general3A_55 = arith.constant dense<0.000000e+00> : vector<1280x128xf32>
    %dot_general3A_56 = tpu.matmul %mul3A, %get3A_54, %dot_general3A_55 {dimension_numbers = #tpu.dot_dimension_numbers<[1], [0], [0], [1], [0, 0, 1, 1], [], []>, transpose_lhs_hint = false} : vector<1280x128xf32>, vector<128x128xf32>, vector<1280x128xf32> -> vector<1280x128xf32>
    %add3A_57 = arith.addf %add3A_48, %dot_general3A_56 : vector<1280x128xf32>
    %get3A_58 = arith.constant 3 : index
    %get3A_59 = arith.constant 0 : index
    %get3A_60 = arith.constant 0 : index
    %get3A_61 = arith.constant 0 : index
    %get3A_62 = vector.load %arg7[%get3A_58, %get3A_59, %get3A_60, %get3A_61] : memref<6x2x128x128xf32, #tpu.memory_space<vmem>>, vector<1x1x128x128xf32>
    %get3A_63 = vector.shape_cast %get3A_62 : vector<1x1x128x128xf32> to vector<128x128xf32>
    %dot_general3A_64 = arith.constant dense<0.000000e+00> : vector<1280x128xf32>
    %dot_general3A_65 = tpu.matmul %mul3A_12, %get3A_63, %dot_general3A_64 {dimension_numbers = #tpu.dot_dimension_numbers<[1], [0], [0], [1], [0, 0, 1, 1], [], []>, transpose_lhs_hint = false} : vector<1280x128xf32>, vector<128x128xf32>, vector<1280x128xf32> -> vector<1280x128xf32>
    %add3A_66 = arith.addf %add3A_57, %dot_general3A_65 : vector<1280x128xf32>
    %get3A_67 = arith.constant 4 : index
    %get3A_68 = arith.constant 0 : index
    %get3A_69 = arith.constant 0 : index
    %get3A_70 = arith.constant 0 : index
    %get3A_71 = vector.load %arg7[%get3A_67, %get3A_68, %get3A_69, %get3A_70] : memref<6x2x128x128xf32, #tpu.memory_space<vmem>>, vector<1x1x128x128xf32>
    %get3A_72 = vector.shape_cast %get3A_71 : vector<1x1x128x128xf32> to vector<128x128xf32>
    %dot_general3A_73 = arith.constant dense<0.000000e+00> : vector<1280x128xf32>
    %dot_general3A_74 = tpu.matmul %mul3A_18, %get3A_72, %dot_general3A_73 {dimension_numbers = #tpu.dot_dimension_numbers<[1], [0], [0], [1], [0, 0, 1, 1], [], []>, transpose_lhs_hint = false} : vector<1280x128xf32>, vector<128x128xf32>, vector<1280x128xf32> -> vector<1280x128xf32>
    %add3A_75 = arith.addf %add3A_66, %dot_general3A_74 : vector<1280x128xf32>
    %get3A_76 = arith.constant 5 : index
    %get3A_77 = arith.constant 0 : index
    %get3A_78 = arith.constant 0 : index
    %get3A_79 = arith.constant 0 : index
    %get3A_80 = vector.load %arg7[%get3A_76, %get3A_77, %get3A_78, %get3A_79] : memref<6x2x128x128xf32, #tpu.memory_space<vmem>>, vector<1x1x128x128xf32>
    %get3A_81 = vector.shape_cast %get3A_80 : vector<1x1x128x128xf32> to vector<128x128xf32>
    %dot_general3A_82 = arith.constant dense<0.000000e+00> : vector<1280x128xf32>
    %dot_general3A_83 = tpu.matmul %mul3A_24, %get3A_81, %dot_general3A_82 {dimension_numbers = #tpu.dot_dimension_numbers<[1], [0], [0], [1], [0, 0, 1, 1], [], []>, transpose_lhs_hint = false} : vector<1280x128xf32>, vector<128x128xf32>, vector<1280x128xf32> -> vector<1280x128xf32>
    %add3A_84 = arith.addf %add3A_75, %dot_general3A_83 : vector<1280x128xf32>
    %get3A_85 = arith.constant 0 : index
    %get3A_86 = arith.constant 0 : index
    %get3A_87 = vector.load %arg9[%get3A_85, %get3A_86] : memref<1x128xf32, #tpu.memory_space<vmem>>, vector<1x128xf32>
    %add3A_88 = vector.broadcast %get3A_87 : vector<1x128xf32> to vector<1280x128xf32>
    %add3A_89 = arith.addf %add3A_84, %add3A_88 : vector<1280x128xf32>
    %max3A = arith.constant 0.000000e+00 : f32
    %max3A_90 = vector.broadcast %max3A : f32 to vector<1280x128xf32>
    %max3A_91 = arith.maximumf %add3A_89, %max3A_90 : vector<1280x128xf32>
    %get3A_92 = arith.constant 0 : index
    %get3A_93 = arith.constant 1 : index
    %get3A_94 = arith.constant 0 : index
    %get3A_95 = arith.constant 0 : index
    %get3A_96 = vector.load %arg7[%get3A_92, %get3A_93, %get3A_94, %get3A_95] : memref<6x2x128x128xf32, #tpu.memory_space<vmem>>, vector<1x1x128x128xf32>
    %get3A_97 = vector.shape_cast %get3A_96 : vector<1x1x128x128xf32> to vector<128x128xf32>
    %dot_general3A_98 = arith.constant dense<0.000000e+00> : vector<1280x128xf32>
    %dot_general3A_99 = tpu.matmul %get3A_27, %get3A_97, %dot_general3A_98 {dimension_numbers = #tpu.dot_dimension_numbers<[1], [0], [0], [1], [0, 0, 1, 1], [], []>, transpose_lhs_hint = false} : vector<1280x128xf32>, vector<128x128xf32>, vector<1280x128xf32> -> vector<1280x128xf32>
    %add3A_100 = arith.constant 0.000000e+00 : f32
    %add3A_101 = vector.broadcast %add3A_100 : f32 to vector<1280x128xf32>
    %add3A_102 = arith.addf %add3A_101, %dot_general3A_99 : vector<1280x128xf32>
    %get3A_103 = arith.constant 1 : index
    %get3A_104 = arith.constant 1 : index
    %get3A_105 = arith.constant 0 : index
    %get3A_106 = arith.constant 0 : index
    %get3A_107 = vector.load %arg7[%get3A_103, %get3A_104, %get3A_105, %get3A_106] : memref<6x2x128x128xf32, #tpu.memory_space<vmem>>, vector<1x1x128x128xf32>
    %get3A_108 = vector.shape_cast %get3A_107 : vector<1x1x128x128xf32> to vector<128x128xf32>
    %dot_general3A_109 = arith.constant dense<0.000000e+00> : vector<1280x128xf32>
    %dot_general3A_110 = tpu.matmul %get3A_30, %get3A_108, %dot_general3A_109 {dimension_numbers = #tpu.dot_dimension_numbers<[1], [0], [0], [1], [0, 0, 1, 1], [], []>, transpose_lhs_hint = false} : vector<1280x128xf32>, vector<128x128xf32>, vector<1280x128xf32> -> vector<1280x128xf32>
    %add3A_111 = arith.addf %add3A_102, %dot_general3A_110 : vector<1280x128xf32>
    %get3A_112 = arith.constant 2 : index
    %get3A_113 = arith.constant 1 : index
    %get3A_114 = arith.constant 0 : index
    %get3A_115 = arith.constant 0 : index
    %get3A_116 = vector.load %arg7[%get3A_112, %get3A_113, %get3A_114, %get3A_115] : memref<6x2x128x128xf32, #tpu.memory_space<vmem>>, vector<1x1x128x128xf32>
    %get3A_117 = vector.shape_cast %get3A_116 : vector<1x1x128x128xf32> to vector<128x128xf32>
    %dot_general3A_118 = arith.constant dense<0.000000e+00> : vector<1280x128xf32>
    %dot_general3A_119 = tpu.matmul %mul3A, %get3A_117, %dot_general3A_118 {dimension_numbers = #tpu.dot_dimension_numbers<[1], [0], [0], [1], [0, 0, 1, 1], [], []>, transpose_lhs_hint = false} : vector<1280x128xf32>, vector<128x128xf32>, vector<1280x128xf32> -> vector<1280x128xf32>
    %add3A_120 = arith.addf %add3A_111, %dot_general3A_119 : vector<1280x128xf32>
    %get3A_121 = arith.constant 3 : index
    %get3A_122 = arith.constant 1 : index
    %get3A_123 = arith.constant 0 : index
    %get3A_124 = arith.constant 0 : index
    %get3A_125 = vector.load %arg7[%get3A_121, %get3A_122, %get3A_123, %get3A_124] : memref<6x2x128x128xf32, #tpu.memory_space<vmem>>, vector<1x1x128x128xf32>
    %get3A_126 = vector.shape_cast %get3A_125 : vector<1x1x128x128xf32> to vector<128x128xf32>
    %dot_general3A_127 = arith.constant dense<0.000000e+00> : vector<1280x128xf32>
    %dot_general3A_128 = tpu.matmul %mul3A_12, %get3A_126, %dot_general3A_127 {dimension_numbers = #tpu.dot_dimension_numbers<[1], [0], [0], [1], [0, 0, 1, 1], [], []>, transpose_lhs_hint = false} : vector<1280x128xf32>, vector<128x128xf32>, vector<1280x128xf32> -> vector<1280x128xf32>
    %add3A_129 = arith.addf %add3A_120, %dot_general3A_128 : vector<1280x128xf32>
    %get3A_130 = arith.constant 4 : index
    %get3A_131 = arith.constant 1 : index
    %get3A_132 = arith.constant 0 : index
    %get3A_133 = arith.constant 0 : index
    %get3A_134 = vector.load %arg7[%get3A_130, %get3A_131, %get3A_132, %get3A_133] : memref<6x2x128x128xf32, #tpu.memory_space<vmem>>, vector<1x1x128x128xf32>
    %get3A_135 = vector.shape_cast %get3A_134 : vector<1x1x128x128xf32> to vector<128x128xf32>
    %dot_general3A_136 = arith.constant dense<0.000000e+00> : vector<1280x128xf32>
    %dot_general3A_137 = tpu.matmul %mul3A_18, %get3A_135, %dot_general3A_136 {dimension_numbers = #tpu.dot_dimension_numbers<[1], [0], [0], [1], [0, 0, 1, 1], [], []>, transpose_lhs_hint = false} : vector<1280x128xf32>, vector<128x128xf32>, vector<1280x128xf32> -> vector<1280x128xf32>
    %add3A_138 = arith.addf %add3A_129, %dot_general3A_137 : vector<1280x128xf32>
    %get3A_139 = arith.constant 5 : index
    %get3A_140 = arith.constant 1 : index
    %get3A_141 = arith.constant 0 : index
    %get3A_142 = arith.constant 0 : index
    %get3A_143 = vector.load %arg7[%get3A_139, %get3A_140, %get3A_141, %get3A_142] : memref<6x2x128x128xf32, #tpu.memory_space<vmem>>, vector<1x1x128x128xf32>
    %get3A_144 = vector.shape_cast %get3A_143 : vector<1x1x128x128xf32> to vector<128x128xf32>
    %dot_general3A_145 = arith.constant dense<0.000000e+00> : vector<1280x128xf32>
    %dot_general3A_146 = tpu.matmul %mul3A_24, %get3A_144, %dot_general3A_145 {dimension_numbers = #tpu.dot_dimension_numbers<[1], [0], [0], [1], [0, 0, 1, 1], [], []>, transpose_lhs_hint = false} : vector<1280x128xf32>, vector<128x128xf32>, vector<1280x128xf32> -> vector<1280x128xf32>
    %add3A_147 = arith.addf %add3A_138, %dot_general3A_146 : vector<1280x128xf32>
    %get3A_148 = arith.constant 0 : index
    %get3A_149 = arith.constant 0 : index
    %get3A_150 = vector.load %arg10[%get3A_148, %get3A_149] : memref<1x128xf32, #tpu.memory_space<vmem>>, vector<1x128xf32>
    %add3A_151 = vector.broadcast %get3A_150 : vector<1x128xf32> to vector<1280x128xf32>
    %add3A_152 = arith.addf %add3A_147, %add3A_151 : vector<1280x128xf32>
    %max3A_153 = arith.constant 0.000000e+00 : f32
    %max3A_154 = vector.broadcast %max3A_153 : f32 to vector<1280x128xf32>
    %max3A_155 = arith.maximumf %add3A_152, %max3A_154 : vector<1280x128xf32>
    %get3A_156 = arith.constant 0 : index
    %get3A_157 = arith.constant 0 : index
    %get3A_158 = vector.load %arg5[%get3A_156, %get3A_157] : memref<1280x128xf32, #tpu.memory_space<vmem>>, vector<1280x128xf32>
    %get3A_159 = arith.constant 0 : index
    %get3A_160 = arith.constant 0 : index
    %get3A_161 = vector.load %arg6[%get3A_159, %get3A_160] : memref<1280x128xf32, #tpu.memory_space<vmem>>, vector<1280x128xf32>
    %get3A_162 = arith.constant 0 : index
    %get3A_163 = arith.constant 0 : index
    %get3A_164 = arith.constant 0 : index
    %get3A_165 = arith.constant 0 : index
    %get3A_166 = vector.load %arg8[%get3A_162, %get3A_163, %get3A_164, %get3A_165] : memref<4x2x128x128xf32, #tpu.memory_space<vmem>>, vector<1x1x128x128xf32>
    %get3A_167 = vector.shape_cast %get3A_166 : vector<1x1x128x128xf32> to vector<128x128xf32>
    %dot_general3A_168 = arith.constant dense<0.000000e+00> : vector<1280x128xf32>
    %dot_general3A_169 = tpu.matmul %max3A_91, %get3A_167, %dot_general3A_168 {dimension_numbers = #tpu.dot_dimension_numbers<[1], [0], [0], [1], [0, 0, 1, 1], [], []>, transpose_lhs_hint = false} : vector<1280x128xf32>, vector<128x128xf32>, vector<1280x128xf32> -> vector<1280x128xf32>
    %add3A_170 = arith.constant 0.000000e+00 : f32
    %add3A_171 = vector.broadcast %add3A_170 : f32 to vector<1280x128xf32>
    %add3A_172 = arith.addf %add3A_171, %dot_general3A_169 : vector<1280x128xf32>
    %get3A_173 = arith.constant 1 : index
    %get3A_174 = arith.constant 0 : index
    %get3A_175 = arith.constant 0 : index
    %get3A_176 = arith.constant 0 : index
    %get3A_177 = vector.load %arg8[%get3A_173, %get3A_174, %get3A_175, %get3A_176] : memref<4x2x128x128xf32, #tpu.memory_space<vmem>>, vector<1x1x128x128xf32>
    %get3A_178 = vector.shape_cast %get3A_177 : vector<1x1x128x128xf32> to vector<128x128xf32>
    %dot_general3A_179 = arith.constant dense<0.000000e+00> : vector<1280x128xf32>
    %dot_general3A_180 = tpu.matmul %max3A_155, %get3A_178, %dot_general3A_179 {dimension_numbers = #tpu.dot_dimension_numbers<[1], [0], [0], [1], [0, 0, 1, 1], [], []>, transpose_lhs_hint = false} : vector<1280x128xf32>, vector<128x128xf32>, vector<1280x128xf32> -> vector<1280x128xf32>
    %add3A_181 = arith.addf %add3A_172, %dot_general3A_180 : vector<1280x128xf32>
    %get3A_182 = arith.constant 2 : index
    %get3A_183 = arith.constant 0 : index
    %get3A_184 = arith.constant 0 : index
    %get3A_185 = arith.constant 0 : index
    %get3A_186 = vector.load %arg8[%get3A_182, %get3A_183, %get3A_184, %get3A_185] : memref<4x2x128x128xf32, #tpu.memory_space<vmem>>, vector<1x1x128x128xf32>
    %get3A_187 = vector.shape_cast %get3A_186 : vector<1x1x128x128xf32> to vector<128x128xf32>
    %dot_general3A_188 = arith.constant dense<0.000000e+00> : vector<1280x128xf32>
    %dot_general3A_189 = tpu.matmul %get3A_158, %get3A_187, %dot_general3A_188 {dimension_numbers = #tpu.dot_dimension_numbers<[1], [0], [0], [1], [0, 0, 1, 1], [], []>, transpose_lhs_hint = false} : vector<1280x128xf32>, vector<128x128xf32>, vector<1280x128xf32> -> vector<1280x128xf32>
    %add3A_190 = arith.addf %add3A_181, %dot_general3A_189 : vector<1280x128xf32>
    %get3A_191 = arith.constant 3 : index
    %get3A_192 = arith.constant 0 : index
    %get3A_193 = arith.constant 0 : index
    %get3A_194 = arith.constant 0 : index
    %get3A_195 = vector.load %arg8[%get3A_191, %get3A_192, %get3A_193, %get3A_194] : memref<4x2x128x128xf32, #tpu.memory_space<vmem>>, vector<1x1x128x128xf32>
    %get3A_196 = vector.shape_cast %get3A_195 : vector<1x1x128x128xf32> to vector<128x128xf32>
    %dot_general3A_197 = arith.constant dense<0.000000e+00> : vector<1280x128xf32>
    %dot_general3A_198 = tpu.matmul %get3A_161, %get3A_196, %dot_general3A_197 {dimension_numbers = #tpu.dot_dimension_numbers<[1], [0], [0], [1], [0, 0, 1, 1], [], []>, transpose_lhs_hint = false} : vector<1280x128xf32>, vector<128x128xf32>, vector<1280x128xf32> -> vector<1280x128xf32>
    %add3A_199 = arith.addf %add3A_190, %dot_general3A_198 : vector<1280x128xf32>
    %get3A_200 = arith.constant 0 : index
    %get3A_201 = arith.constant 0 : index
    %get3A_202 = vector.load %arg11[%get3A_200, %get3A_201] : memref<1x128xf32, #tpu.memory_space<vmem>>, vector<1x128xf32>
    %add3A_203 = vector.broadcast %get3A_202 : vector<1x128xf32> to vector<1280x128xf32>
    %add3A_204 = arith.addf %add3A_199, %add3A_203 : vector<1280x128xf32>
    %get3A_205 = arith.constant 0 : index
    %get3A_206 = arith.constant 1 : index
    %get3A_207 = arith.constant 0 : index
    %get3A_208 = arith.constant 0 : index
    %get3A_209 = vector.load %arg8[%get3A_205, %get3A_206, %get3A_207, %get3A_208] : memref<4x2x128x128xf32, #tpu.memory_space<vmem>>, vector<1x1x128x128xf32>
    %get3A_210 = vector.shape_cast %get3A_209 : vector<1x1x128x128xf32> to vector<128x128xf32>
    %dot_general3A_211 = arith.constant dense<0.000000e+00> : vector<1280x128xf32>
    %dot_general3A_212 = tpu.matmul %max3A_91, %get3A_210, %dot_general3A_211 {dimension_numbers = #tpu.dot_dimension_numbers<[1], [0], [0], [1], [0, 0, 1, 1], [], []>, transpose_lhs_hint = false} : vector<1280x128xf32>, vector<128x128xf32>, vector<1280x128xf32> -> vector<1280x128xf32>
    %add3A_213 = arith.constant 0.000000e+00 : f32
    %add3A_214 = vector.broadcast %add3A_213 : f32 to vector<1280x128xf32>
    %add3A_215 = arith.addf %add3A_214, %dot_general3A_212 : vector<1280x128xf32>
    %get3A_216 = arith.constant 1 : index
    %get3A_217 = arith.constant 1 : index
    %get3A_218 = arith.constant 0 : index
    %get3A_219 = arith.constant 0 : index
    %get3A_220 = vector.load %arg8[%get3A_216, %get3A_217, %get3A_218, %get3A_219] : memref<4x2x128x128xf32, #tpu.memory_space<vmem>>, vector<1x1x128x128xf32>
    %get3A_221 = vector.shape_cast %get3A_220 : vector<1x1x128x128xf32> to vector<128x128xf32>
    %dot_general3A_222 = arith.constant dense<0.000000e+00> : vector<1280x128xf32>
    %dot_general3A_223 = tpu.matmul %max3A_155, %get3A_221, %dot_general3A_222 {dimension_numbers = #tpu.dot_dimension_numbers<[1], [0], [0], [1], [0, 0, 1, 1], [], []>, transpose_lhs_hint = false} : vector<1280x128xf32>, vector<128x128xf32>, vector<1280x128xf32> -> vector<1280x128xf32>
    %add3A_224 = arith.addf %add3A_215, %dot_general3A_223 : vector<1280x128xf32>
    %get3A_225 = arith.constant 2 : index
    %get3A_226 = arith.constant 1 : index
    %get3A_227 = arith.constant 0 : index
    %get3A_228 = arith.constant 0 : index
    %get3A_229 = vector.load %arg8[%get3A_225, %get3A_226, %get3A_227, %get3A_228] : memref<4x2x128x128xf32, #tpu.memory_space<vmem>>, vector<1x1x128x128xf32>
    %get3A_230 = vector.shape_cast %get3A_229 : vector<1x1x128x128xf32> to vector<128x128xf32>
    %dot_general3A_231 = arith.constant dense<0.000000e+00> : vector<1280x128xf32>
    %dot_general3A_232 = tpu.matmul %get3A_158, %get3A_230, %dot_general3A_231 {dimension_numbers = #tpu.dot_dimension_numbers<[1], [0], [0], [1], [0, 0, 1, 1], [], []>, transpose_lhs_hint = false} : vector<1280x128xf32>, vector<128x128xf32>, vector<1280x128xf32> -> vector<1280x128xf32>
    %add3A_233 = arith.addf %add3A_224, %dot_general3A_232 : vector<1280x128xf32>
    %get3A_234 = arith.constant 3 : index
    %get3A_235 = arith.constant 1 : index
    %get3A_236 = arith.constant 0 : index
    %get3A_237 = arith.constant 0 : index
    %get3A_238 = vector.load %arg8[%get3A_234, %get3A_235, %get3A_236, %get3A_237] : memref<4x2x128x128xf32, #tpu.memory_space<vmem>>, vector<1x1x128x128xf32>
    %get3A_239 = vector.shape_cast %get3A_238 : vector<1x1x128x128xf32> to vector<128x128xf32>
    %dot_general3A_240 = arith.constant dense<0.000000e+00> : vector<1280x128xf32>
    %dot_general3A_241 = tpu.matmul %get3A_161, %get3A_239, %dot_general3A_240 {dimension_numbers = #tpu.dot_dimension_numbers<[1], [0], [0], [1], [0, 0, 1, 1], [], []>, transpose_lhs_hint = false} : vector<1280x128xf32>, vector<128x128xf32>, vector<1280x128xf32> -> vector<1280x128xf32>
    %add3A_242 = arith.addf %add3A_233, %dot_general3A_241 : vector<1280x128xf32>
    %get3A_243 = arith.constant 0 : index
    %get3A_244 = arith.constant 0 : index
    %get3A_245 = vector.load %arg12[%get3A_243, %get3A_244] : memref<1x128xf32, #tpu.memory_space<vmem>>, vector<1x128xf32>
    %add3A_246 = vector.broadcast %get3A_245 : vector<1x128xf32> to vector<1280x128xf32>
    %add3A_247 = arith.addf %add3A_242, %add3A_246 : vector<1280x128xf32>
    %get3A_248 = arith.constant 0 : index
    %get3A_249 = arith.constant 0 : index
    %get3A_250 = vector.load %arg13[%get3A_248, %get3A_249] : memref<1280x128xf32, #tpu.memory_space<vmem>>, vector<1280x128xf32>
    %get3A_251 = arith.constant 0 : index
    %get3A_252 = arith.constant 0 : index
    %get3A_253 = vector.load %arg14[%get3A_251, %get3A_252] : memref<1280x128xf32, #tpu.memory_space<vmem>>, vector<1280x128xf32>
    %get3A_254 = arith.constant 0 : index
    %get3A_255 = arith.constant 0 : index
    %get3A_256 = vector.load %arg22[%get3A_254, %get3A_255] : memref<128x8xf32, #tpu.memory_space<vmem>>, vector<128x8xf32>
    %get3A_257 = arith.constant 0 : index
    %get3A_258 = arith.constant 0 : index
    %get3A_259 = vector.load %arg23[%get3A_257, %get3A_258] : memref<8x128xf32, #tpu.memory_space<vmem>>, vector<8x128xf32>
    %get3A_260 = arith.constant 0 : index
    %get3A_261 = arith.constant 0 : index
    %get3A_262 = vector.load %arg24[%get3A_260, %get3A_261] : memref<128x16xf32, #tpu.memory_space<vmem>>, vector<128x16xf32>
    %get3A_263 = arith.constant 0 : index
    %get3A_264 = arith.constant 0 : index
    %get3A_265 = vector.load %arg15[%get3A_263, %get3A_264] : memref<160x80xf32, #tpu.memory_space<vmem>>, vector<160x80xf32>
    %get3A_266 = arith.constant 0 : index
    %get3A_267 = arith.constant 0 : index
    %get3A_268 = vector.load %arg16[%get3A_266, %get3A_267] : memref<160x40xf32, #tpu.memory_space<vmem>>, vector<160x40xf32>
    %get3A_269 = arith.constant 0 : index
    %get3A_270 = vector.load %arg17[%get3A_269] : memref<160xf32, #tpu.memory_space<vmem>>, vector<160xf32>
    %broadcast_in_dim3A = vector.shape_cast %get3A_270 : vector<160xf32> to vector<1x160xf32>
    %get3A_271 = arith.constant 0 : index
    %get3A_272 = vector.load %arg18[%get3A_271] : memref<160xf32, #tpu.memory_space<vmem>>, vector<160xf32>
    %broadcast_in_dim3A_273 = vector.shape_cast %get3A_272 : vector<160xf32> to vector<1x160xf32>
    %iota3A = tpu.iota {dimensions = array<i32: 0>} : vector<1280x8xi32>
    %lt3A = arith.constant 1250 : i32
    %lt3A_274 = vector.broadcast %lt3A : i32 to vector<1280x8xi32>
    %lt3A_275 = arith.cmpi slt, %iota3A, %lt3A_274 : vector<1280x8xi32>
    %broadcast_in_dim3A_276 = arith.constant 0.000000e+00 : f32
    %broadcast_in_dim3A_277 = vector.broadcast %broadcast_in_dim3A_276 : f32 to vector<1x6xf32>
    %broadcast_in_dim3A_278 = arith.constant 0.000000e+00 : f32
    %broadcast_in_dim3A_279 = vector.broadcast %broadcast_in_dim3A_278 : f32 to vector<1x40xf32>
    %broadcast_in_dim3A_280 = arith.constant 0.000000e+00 : f32
    %broadcast_in_dim3A_281 = vector.broadcast %broadcast_in_dim3A_280 : f32 to vector<1x40xf32>
    %broadcast_in_dim3A_282 = arith.constant 0.000000e+00 : f32
    %broadcast_in_dim3A_283 = vector.broadcast %broadcast_in_dim3A_282 : f32 to vector<1x80xf32>
    %dot_general3A_284 = arith.constant dense<0.000000e+00> : vector<1x160xf32>
    %dot_general3A_285 = tpu.matmul %broadcast_in_dim3A_283, %get3A_265, %dot_general3A_284 {dimension_numbers = #tpu.dot_dimension_numbers<[1], [1], [0], [0], [0, 0, 1, 0], [], []>, transpose_lhs_hint = false} : vector<1x80xf32>, vector<160x80xf32>, vector<1x160xf32> -> vector<1x160xf32>
    %add3A_286 = arith.addf %dot_general3A_285, %broadcast_in_dim3A : vector<1x160xf32>
    %dot_general3A_287 = arith.constant dense<0.000000e+00> : vector<1x160xf32>
    %dot_general3A_288 = tpu.matmul %broadcast_in_dim3A_279, %get3A_268, %dot_general3A_287 {dimension_numbers = #tpu.dot_dimension_numbers<[1], [1], [0], [0], [0, 0, 1, 0], [], []>, transpose_lhs_hint = false} : vector<1x40xf32>, vector<160x40xf32>, vector<1x160xf32> -> vector<1x160xf32>
    %add3A_289 = arith.addf %add3A_286, %dot_general3A_288 : vector<1x160xf32>
    %add3A_290 = arith.addf %add3A_289, %broadcast_in_dim3A_273 : vector<1x160xf32>
    %slice3A = vector.extract_strided_slice %add3A_290 {offsets = [0, 0], sizes = [1, 40], strides = [1, 1]} : vector<1x160xf32> to vector<1x40xf32>
    %logistic3A = arith.negf %slice3A : vector<1x40xf32>
    %logistic3A_291 = math.exp %logistic3A : vector<1x40xf32>
    %logistic3A_292 = arith.constant 1.000000e+00 : f32
    %logistic3A_293 = vector.broadcast %logistic3A_292 : f32 to vector<1x40xf32>
    %logistic3A_294 = arith.addf %logistic3A_293, %logistic3A_291 : vector<1x40xf32>
    %logistic3A_295 = arith.divf %logistic3A_293, %logistic3A_294 : vector<1x40xf32>
    %slice3A_296 = vector.extract_strided_slice %add3A_290 {offsets = [0, 40], sizes = [1, 40], strides = [1, 1]} : vector<1x160xf32> to vector<1x40xf32>
    %logistic3A_297 = arith.negf %slice3A_296 : vector<1x40xf32>
    %logistic3A_298 = math.exp %logistic3A_297 : vector<1x40xf32>
    %logistic3A_299 = arith.constant 1.000000e+00 : f32
    %logistic3A_300 = vector.broadcast %logistic3A_299 : f32 to vector<1x40xf32>
    %logistic3A_301 = arith.addf %logistic3A_300, %logistic3A_298 : vector<1x40xf32>
    %logistic3A_302 = arith.divf %logistic3A_300, %logistic3A_301 : vector<1x40xf32>
    %slice3A_303 = vector.extract_strided_slice %add3A_290 {offsets = [0, 80], sizes = [1, 40], strides = [1, 1]} : vector<1x160xf32> to vector<1x40xf32>
    %tanh3A = math.tanh %slice3A_303 : vector<1x40xf32>
    %slice3A_304 = vector.extract_strided_slice %add3A_290 {offsets = [0, 120], sizes = [1, 40], strides = [1, 1]} : vector<1x160xf32> to vector<1x40xf32>
    %logistic3A_305 = arith.negf %slice3A_304 : vector<1x40xf32>
    %logistic3A_306 = math.exp %logistic3A_305 : vector<1x40xf32>
    %logistic3A_307 = arith.constant 1.000000e+00 : f32
    %logistic3A_308 = vector.broadcast %logistic3A_307 : f32 to vector<1x40xf32>
    %logistic3A_309 = arith.addf %logistic3A_308, %logistic3A_306 : vector<1x40xf32>
    %logistic3A_310 = arith.divf %logistic3A_308, %logistic3A_309 : vector<1x40xf32>
    %mul3A_311 = arith.mulf %logistic3A_302, %broadcast_in_dim3A_281 : vector<1x40xf32>
    %mul3A_312 = arith.mulf %logistic3A_295, %tanh3A : vector<1x40xf32>
    %add3A_313 = arith.addf %mul3A_311, %mul3A_312 : vector<1x40xf32>
    %tanh3A_314 = math.tanh %add3A_313 : vector<1x40xf32>
    %mul3A_315 = arith.mulf %logistic3A_310, %tanh3A_314 : vector<1x40xf32>
    %slice3A_316 = vector.extract_strided_slice %mul3A_315 {offsets = [0, 0], sizes = [1, 10], strides = [1, 1]} : vector<1x40xf32> to vector<1x10xf32>
    %concatenate3A = tpu.concatenate %slice3A_316, %broadcast_in_dim3A_277 in 1 : vector<1x10xf32>, vector<1x6xf32> -> vector<1x16xf32>
    %tile3A = tpu.concatenate %concatenate3A, %concatenate3A, %concatenate3A, %concatenate3A, %concatenate3A, %concatenate3A, %concatenate3A, %concatenate3A in 1 : vector<1x16xf32>, vector<1x16xf32>, vector<1x16xf32>, vector<1x16xf32>, vector<1x16xf32>, vector<1x16xf32>, vector<1x16xf32>, vector<1x16xf32> -> vector<1x128xf32>
    %mul3A_317 = vector.broadcast %tile3A : vector<1x128xf32> to vector<1280x128xf32>
    %mul3A_318 = arith.mulf %get3A_250, %mul3A_317 : vector<1280x128xf32>
    %slice3A_319 = vector.extract_strided_slice %mul3A_315 {offsets = [0, 10], sizes = [1, 10], strides = [1, 1]} : vector<1x40xf32> to vector<1x10xf32>
    %concatenate3A_320 = tpu.concatenate %slice3A_319, %broadcast_in_dim3A_277 in 1 : vector<1x10xf32>, vector<1x6xf32> -> vector<1x16xf32>
    %tile3A_321 = tpu.concatenate %concatenate3A_320, %concatenate3A_320, %concatenate3A_320, %concatenate3A_320, %concatenate3A_320, %concatenate3A_320, %concatenate3A_320, %concatenate3A_320 in 1 : vector<1x16xf32>, vector<1x16xf32>, vector<1x16xf32>, vector<1x16xf32>, vector<1x16xf32>, vector<1x16xf32>, vector<1x16xf32>, vector<1x16xf32> -> vector<1x128xf32>
    %mul3A_322 = vector.broadcast %tile3A_321 : vector<1x128xf32> to vector<1280x128xf32>
    %mul3A_323 = arith.mulf %get3A_253, %mul3A_322 : vector<1280x128xf32>
    %add3A_324 = arith.addf %mul3A_318, %mul3A_323 : vector<1280x128xf32>
    %slice3A_325 = vector.extract_strided_slice %mul3A_315 {offsets = [0, 20], sizes = [1, 10], strides = [1, 1]} : vector<1x40xf32> to vector<1x10xf32>
    %concatenate3A_326 = tpu.concatenate %slice3A_325, %broadcast_in_dim3A_277 in 1 : vector<1x10xf32>, vector<1x6xf32> -> vector<1x16xf32>
    %tile3A_327 = tpu.concatenate %concatenate3A_326, %concatenate3A_326, %concatenate3A_326, %concatenate3A_326, %concatenate3A_326, %concatenate3A_326, %concatenate3A_326, %concatenate3A_326 in 1 : vector<1x16xf32>, vector<1x16xf32>, vector<1x16xf32>, vector<1x16xf32>, vector<1x16xf32>, vector<1x16xf32>, vector<1x16xf32>, vector<1x16xf32> -> vector<1x128xf32>
    %mul3A_328 = vector.broadcast %tile3A_327 : vector<1x128xf32> to vector<1280x128xf32>
    %mul3A_329 = arith.mulf %add3A_204, %mul3A_328 : vector<1280x128xf32>
    %add3A_330 = arith.addf %add3A_324, %mul3A_329 : vector<1280x128xf32>
    %slice3A_331 = vector.extract_strided_slice %mul3A_315 {offsets = [0, 30], sizes = [1, 10], strides = [1, 1]} : vector<1x40xf32> to vector<1x10xf32>
    %concatenate3A_332 = tpu.concatenate %slice3A_331, %broadcast_in_dim3A_277 in 1 : vector<1x10xf32>, vector<1x6xf32> -> vector<1x16xf32>
    %tile3A_333 = tpu.concatenate %concatenate3A_332, %concatenate3A_332, %concatenate3A_332, %concatenate3A_332, %concatenate3A_332, %concatenate3A_332, %concatenate3A_332, %concatenate3A_332 in 1 : vector<1x16xf32>, vector<1x16xf32>, vector<1x16xf32>, vector<1x16xf32>, vector<1x16xf32>, vector<1x16xf32>, vector<1x16xf32>, vector<1x16xf32> -> vector<1x128xf32>
    %mul3A_334 = vector.broadcast %tile3A_333 : vector<1x128xf32> to vector<1280x128xf32>
    %mul3A_335 = arith.mulf %add3A_247, %mul3A_334 : vector<1280x128xf32>
    %add3A_336 = arith.addf %add3A_330, %mul3A_335 : vector<1280x128xf32>
    %dot_general3A_337 = arith.constant dense<0.000000e+00> : vector<1280x8xf32>
    %dot_general3A_338 = tpu.matmul %add3A_336, %get3A_256, %dot_general3A_337 {dimension_numbers = #tpu.dot_dimension_numbers<[1], [0], [0], [1], [0, 0, 1, 1], [], []>, transpose_lhs_hint = false} : vector<1280x128xf32>, vector<128x8xf32>, vector<1280x8xf32> -> vector<1280x8xf32>
    %jit3A = arith.constant -1.000000e+30 : f32
    %broadcast_in_dim3A_339 = vector.broadcast %jit3A : f32 to vector<1280x8xf32>
    %select_n3A = arith.select %lt3A_275, %dot_general3A_338, %broadcast_in_dim3A_339 : vector<1280x8xi1>, vector<1280x8xf32>
    %reduce_max3A = vector.shape_cast %select_n3A : vector<1280x8xf32> to vector<1x1280x8xf32>
    %reduce_max3A_340 = arith.constant dense<0xFF800000> : vector<1xf32>
    %reduce_max3A_341 = vector.multi_reduction <maximumf>, %reduce_max3A, %reduce_max3A_340 [1, 2] : vector<1x1280x8xf32> to vector<1xf32>
    %reduce_max3A_342 = vector.shape_cast %reduce_max3A_341 : vector<1xf32> to vector<1x1x1xf32>
    %reduce_max3A_343 = vector.extract %reduce_max3A_342[0, 0, 0] : f32 from vector<1x1x1xf32>
    %sub3A = vector.broadcast %reduce_max3A_343 : f32 to vector<1280x8xf32>
    %sub3A_344 = arith.subf %select_n3A, %sub3A : vector<1280x8xf32>
    %exp3A = math.exp %sub3A_344 : vector<1280x8xf32>
    %jit3A_345 = arith.constant 0.000000e+00 : f32
    %broadcast_in_dim3A_346 = vector.broadcast %jit3A_345 : f32 to vector<1280x8xf32>
    %select_n3A_347 = arith.select %lt3A_275, %exp3A, %broadcast_in_dim3A_346 : vector<1280x8xi1>, vector<1280x8xf32>
    %reduce_sum3A = vector.shape_cast %select_n3A_347 : vector<1280x8xf32> to vector<1x1280x8xf32>
    %reduce_sum3A_348 = arith.constant dense<0.000000e+00> : vector<1xf32>
    %reduce_sum3A_349 = vector.multi_reduction <add>, %reduce_sum3A, %reduce_sum3A_348 [1, 2] : vector<1x1280x8xf32> to vector<1xf32>
    %reduce_sum3A_350 = vector.shape_cast %reduce_sum3A_349 : vector<1xf32> to vector<1x1x1xf32>
    %reduce_sum3A_351 = vector.extract %reduce_sum3A_350[0, 0, 0] : f32 from vector<1x1x1xf32>
    %div3A = vector.broadcast %reduce_sum3A_351 : f32 to vector<1280x8xf32>
    %div3A_352 = arith.divf %select_n3A_347, %div3A : vector<1280x8xf32>
    %dot_general3A_353 = arith.constant dense<0.000000e+00> : vector<1280x128xf32>
    %dot_general3A_354 = tpu.matmul %div3A_352, %get3A_259, %dot_general3A_353 {dimension_numbers = #tpu.dot_dimension_numbers<[1], [0], [0], [1], [0, 0, 1, 1], [], []>, transpose_lhs_hint = false} : vector<1280x8xf32>, vector<8x128xf32>, vector<1280x128xf32> -> vector<1280x128xf32>
    %mul3A_355 = arith.mulf %dot_general3A_354, %get3A_250 : vector<1280x128xf32>
    %reduce_sum3A_356 = arith.constant dense<0.000000e+00> : vector<128xf32>
    %reduce_sum3A_357 = vector.multi_reduction <add>, %mul3A_355, %reduce_sum3A_356 [0] : vector<1280x128xf32> to vector<128xf32>
    %broadcast_in_dim3A_358 = vector.shape_cast %reduce_sum3A_357 : vector<128xf32> to vector<1x128xf32>
    %dot_general3A_359 = arith.constant dense<0.000000e+00> : vector<1x16xf32>
    %dot_general3A_360 = tpu.matmul %broadcast_in_dim3A_358, %get3A_262, %dot_general3A_359 {dimension_numbers = #tpu.dot_dimension_numbers<[1], [0], [0], [1], [0, 0, 1, 1], [], []>, transpose_lhs_hint = false} : vector<1x128xf32>, vector<128x16xf32>, vector<1x16xf32> -> vector<1x16xf32>
    %mul3A_361 = arith.mulf %dot_general3A_354, %get3A_253 : vector<1280x128xf32>
    %reduce_sum3A_362 = arith.constant dense<0.000000e+00> : vector<128xf32>
    %reduce_sum3A_363 = vector.multi_reduction <add>, %mul3A_361, %reduce_sum3A_362 [0] : vector<1280x128xf32> to vector<128xf32>
    %broadcast_in_dim3A_364 = vector.shape_cast %reduce_sum3A_363 : vector<128xf32> to vector<1x128xf32>
    %dot_general3A_365 = arith.constant dense<0.000000e+00> : vector<1x16xf32>
    %dot_general3A_366 = tpu.matmul %broadcast_in_dim3A_364, %get3A_262, %dot_general3A_365 {dimension_numbers = #tpu.dot_dimension_numbers<[1], [0], [0], [1], [0, 0, 1, 1], [], []>, transpose_lhs_hint = false} : vector<1x128xf32>, vector<128x16xf32>, vector<1x16xf32> -> vector<1x16xf32>
    %mul3A_367 = arith.mulf %dot_general3A_354, %add3A_204 : vector<1280x128xf32>
    %reduce_sum3A_368 = arith.constant dense<0.000000e+00> : vector<128xf32>
    %reduce_sum3A_369 = vector.multi_reduction <add>, %mul3A_367, %reduce_sum3A_368 [0] : vector<1280x128xf32> to vector<128xf32>
    %broadcast_in_dim3A_370 = vector.shape_cast %reduce_sum3A_369 : vector<128xf32> to vector<1x128xf32>
    %dot_general3A_371 = arith.constant dense<0.000000e+00> : vector<1x16xf32>
    %dot_general3A_372 = tpu.matmul %broadcast_in_dim3A_370, %get3A_262, %dot_general3A_371 {dimension_numbers = #tpu.dot_dimension_numbers<[1], [0], [0], [1], [0, 0, 1, 1], [], []>, transpose_lhs_hint = false} : vector<1x128xf32>, vector<128x16xf32>, vector<1x16xf32> -> vector<1x16xf32>
    %mul3A_373 = arith.mulf %dot_general3A_354, %add3A_247 : vector<1280x128xf32>
    %reduce_sum3A_374 = arith.constant dense<0.000000e+00> : vector<128xf32>
    %reduce_sum3A_375 = vector.multi_reduction <add>, %mul3A_373, %reduce_sum3A_374 [0] : vector<1280x128xf32> to vector<128xf32>
    %broadcast_in_dim3A_376 = vector.shape_cast %reduce_sum3A_375 : vector<128xf32> to vector<1x128xf32>
    %dot_general3A_377 = arith.constant dense<0.000000e+00> : vector<1x16xf32>
    %dot_general3A_378 = tpu.matmul %broadcast_in_dim3A_376, %get3A_262, %dot_general3A_377 {dimension_numbers = #tpu.dot_dimension_numbers<[1], [0], [0], [1], [0, 0, 1, 1], [], []>, transpose_lhs_hint = false} : vector<1x128xf32>, vector<128x16xf32>, vector<1x16xf32> -> vector<1x16xf32>
    %slice3A_379 = vector.extract_strided_slice %dot_general3A_360 {offsets = [0, 0], sizes = [1, 10], strides = [1, 1]} : vector<1x16xf32> to vector<1x10xf32>
    %slice3A_380 = vector.extract_strided_slice %dot_general3A_366 {offsets = [0, 0], sizes = [1, 10], strides = [1, 1]} : vector<1x16xf32> to vector<1x10xf32>
    %slice3A_381 = vector.extract_strided_slice %dot_general3A_372 {offsets = [0, 0], sizes = [1, 10], strides = [1, 1]} : vector<1x16xf32> to vector<1x10xf32>
    %slice3A_382 = vector.extract_strided_slice %dot_general3A_378 {offsets = [0, 0], sizes = [1, 10], strides = [1, 1]} : vector<1x16xf32> to vector<1x10xf32>
    %concatenate3A_383 = tpu.concatenate %slice3A_379, %slice3A_380, %slice3A_381, %slice3A_382 in 1 : vector<1x10xf32>, vector<1x10xf32>, vector<1x10xf32>, vector<1x10xf32> -> vector<1x40xf32>
    %concatenate3A_384 = tpu.concatenate %mul3A_315, %concatenate3A_383 in 1 : vector<1x40xf32>, vector<1x40xf32> -> vector<1x80xf32>
    %dot_general3A_385 = arith.constant dense<0.000000e+00> : vector<1x160xf32>
    %dot_general3A_386 = tpu.matmul %concatenate3A_384, %get3A_265, %dot_general3A_385 {dimension_numbers = #tpu.dot_dimension_numbers<[1], [1], [0], [0], [0, 0, 1, 0], [], []>, transpose_lhs_hint = false} : vector<1x80xf32>, vector<160x80xf32>, vector<1x160xf32> -> vector<1x160xf32>
    %add3A_387 = arith.addf %dot_general3A_386, %broadcast_in_dim3A : vector<1x160xf32>
    %dot_general3A_388 = arith.constant dense<0.000000e+00> : vector<1x160xf32>
    %dot_general3A_389 = tpu.matmul %mul3A_315, %get3A_268, %dot_general3A_388 {dimension_numbers = #tpu.dot_dimension_numbers<[1], [1], [0], [0], [0, 0, 1, 0], [], []>, transpose_lhs_hint = false} : vector<1x40xf32>, vector<160x40xf32>, vector<1x160xf32> -> vector<1x160xf32>
    %add3A_390 = arith.addf %add3A_387, %dot_general3A_389 : vector<1x160xf32>
    %add3A_391 = arith.addf %add3A_390, %broadcast_in_dim3A_273 : vector<1x160xf32>
    %slice3A_392 = vector.extract_strided_slice %add3A_391 {offsets = [0, 0], sizes = [1, 40], strides = [1, 1]} : vector<1x160xf32> to vector<1x40xf32>
    %logistic3A_393 = arith.negf %slice3A_392 : vector<1x40xf32>
    %logistic3A_394 = math.exp %logistic3A_393 : vector<1x40xf32>
    %logistic3A_395 = arith.constant 1.000000e+00 : f32
    %logistic3A_396 = vector.broadcast %logistic3A_395 : f32 to vector<1x40xf32>
    %logistic3A_397 = arith.addf %logistic3A_396, %logistic3A_394 : vector<1x40xf32>
    %logistic3A_398 = arith.divf %logistic3A_396, %logistic3A_397 : vector<1x40xf32>
    %slice3A_399 = vector.extract_strided_slice %add3A_391 {offsets = [0, 40], sizes = [1, 40], strides = [1, 1]} : vector<1x160xf32> to vector<1x40xf32>
    %logistic3A_400 = arith.negf %slice3A_399 : vector<1x40xf32>
    %logistic3A_401 = math.exp %logistic3A_400 : vector<1x40xf32>
    %logistic3A_402 = arith.constant 1.000000e+00 : f32
    %logistic3A_403 = vector.broadcast %logistic3A_402 : f32 to vector<1x40xf32>
    %logistic3A_404 = arith.addf %logistic3A_403, %logistic3A_401 : vector<1x40xf32>
    %logistic3A_405 = arith.divf %logistic3A_403, %logistic3A_404 : vector<1x40xf32>
    %slice3A_406 = vector.extract_strided_slice %add3A_391 {offsets = [0, 80], sizes = [1, 40], strides = [1, 1]} : vector<1x160xf32> to vector<1x40xf32>
    %tanh3A_407 = math.tanh %slice3A_406 : vector<1x40xf32>
    %slice3A_408 = vector.extract_strided_slice %add3A_391 {offsets = [0, 120], sizes = [1, 40], strides = [1, 1]} : vector<1x160xf32> to vector<1x40xf32>
    %logistic3A_409 = arith.negf %slice3A_408 : vector<1x40xf32>
    %logistic3A_410 = math.exp %logistic3A_409 : vector<1x40xf32>
    %logistic3A_411 = arith.constant 1.000000e+00 : f32
    %logistic3A_412 = vector.broadcast %logistic3A_411 : f32 to vector<1x40xf32>
    %logistic3A_413 = arith.addf %logistic3A_412, %logistic3A_410 : vector<1x40xf32>
    %logistic3A_414 = arith.divf %logistic3A_412, %logistic3A_413 : vector<1x40xf32>
    %mul3A_415 = arith.mulf %logistic3A_405, %add3A_313 : vector<1x40xf32>
    %mul3A_416 = arith.mulf %logistic3A_398, %tanh3A_407 : vector<1x40xf32>
    %add3A_417 = arith.addf %mul3A_415, %mul3A_416 : vector<1x40xf32>
    %tanh3A_418 = math.tanh %add3A_417 : vector<1x40xf32>
    %mul3A_419 = arith.mulf %logistic3A_414, %tanh3A_418 : vector<1x40xf32>
    %slice3A_420 = vector.extract_strided_slice %mul3A_419 {offsets = [0, 0], sizes = [1, 10], strides = [1, 1]} : vector<1x40xf32> to vector<1x10xf32>
    %concatenate3A_421 = tpu.concatenate %slice3A_420, %broadcast_in_dim3A_277 in 1 : vector<1x10xf32>, vector<1x6xf32> -> vector<1x16xf32>
    %tile3A_422 = tpu.concatenate %concatenate3A_421, %concatenate3A_421, %concatenate3A_421, %concatenate3A_421, %concatenate3A_421, %concatenate3A_421, %concatenate3A_421, %concatenate3A_421 in 1 : vector<1x16xf32>, vector<1x16xf32>, vector<1x16xf32>, vector<1x16xf32>, vector<1x16xf32>, vector<1x16xf32>, vector<1x16xf32>, vector<1x16xf32> -> vector<1x128xf32>
    %mul3A_423 = vector.broadcast %tile3A_422 : vector<1x128xf32> to vector<1280x128xf32>
    %mul3A_424 = arith.mulf %get3A_250, %mul3A_423 : vector<1280x128xf32>
    %slice3A_425 = vector.extract_strided_slice %mul3A_419 {offsets = [0, 10], sizes = [1, 10], strides = [1, 1]} : vector<1x40xf32> to vector<1x10xf32>
    %concatenate3A_426 = tpu.concatenate %slice3A_425, %broadcast_in_dim3A_277 in 1 : vector<1x10xf32>, vector<1x6xf32> -> vector<1x16xf32>
    %tile3A_427 = tpu.concatenate %concatenate3A_426, %concatenate3A_426, %concatenate3A_426, %concatenate3A_426, %concatenate3A_426, %concatenate3A_426, %concatenate3A_426, %concatenate3A_426 in 1 : vector<1x16xf32>, vector<1x16xf32>, vector<1x16xf32>, vector<1x16xf32>, vector<1x16xf32>, vector<1x16xf32>, vector<1x16xf32>, vector<1x16xf32> -> vector<1x128xf32>
    %mul3A_428 = vector.broadcast %tile3A_427 : vector<1x128xf32> to vector<1280x128xf32>
    %mul3A_429 = arith.mulf %get3A_253, %mul3A_428 : vector<1280x128xf32>
    %add3A_430 = arith.addf %mul3A_424, %mul3A_429 : vector<1280x128xf32>
    %slice3A_431 = vector.extract_strided_slice %mul3A_419 {offsets = [0, 20], sizes = [1, 10], strides = [1, 1]} : vector<1x40xf32> to vector<1x10xf32>
    %concatenate3A_432 = tpu.concatenate %slice3A_431, %broadcast_in_dim3A_277 in 1 : vector<1x10xf32>, vector<1x6xf32> -> vector<1x16xf32>
    %tile3A_433 = tpu.concatenate %concatenate3A_432, %concatenate3A_432, %concatenate3A_432, %concatenate3A_432, %concatenate3A_432, %concatenate3A_432, %concatenate3A_432, %concatenate3A_432 in 1 : vector<1x16xf32>, vector<1x16xf32>, vector<1x16xf32>, vector<1x16xf32>, vector<1x16xf32>, vector<1x16xf32>, vector<1x16xf32>, vector<1x16xf32> -> vector<1x128xf32>
    %mul3A_434 = vector.broadcast %tile3A_433 : vector<1x128xf32> to vector<1280x128xf32>
    %mul3A_435 = arith.mulf %add3A_204, %mul3A_434 : vector<1280x128xf32>
    %add3A_436 = arith.addf %add3A_430, %mul3A_435 : vector<1280x128xf32>
    %slice3A_437 = vector.extract_strided_slice %mul3A_419 {offsets = [0, 30], sizes = [1, 10], strides = [1, 1]} : vector<1x40xf32> to vector<1x10xf32>
    %concatenate3A_438 = tpu.concatenate %slice3A_437, %broadcast_in_dim3A_277 in 1 : vector<1x10xf32>, vector<1x6xf32> -> vector<1x16xf32>
    %tile3A_439 = tpu.concatenate %concatenate3A_438, %concatenate3A_438, %concatenate3A_438, %concatenate3A_438, %concatenate3A_438, %concatenate3A_438, %concatenate3A_438, %concatenate3A_438 in 1 : vector<1x16xf32>, vector<1x16xf32>, vector<1x16xf32>, vector<1x16xf32>, vector<1x16xf32>, vector<1x16xf32>, vector<1x16xf32>, vector<1x16xf32> -> vector<1x128xf32>
    %mul3A_440 = vector.broadcast %tile3A_439 : vector<1x128xf32> to vector<1280x128xf32>
    %mul3A_441 = arith.mulf %add3A_247, %mul3A_440 : vector<1280x128xf32>
    %add3A_442 = arith.addf %add3A_436, %mul3A_441 : vector<1280x128xf32>
    %dot_general3A_443 = arith.constant dense<0.000000e+00> : vector<1280x8xf32>
    %dot_general3A_444 = tpu.matmul %add3A_442, %get3A_256, %dot_general3A_443 {dimension_numbers = #tpu.dot_dimension_numbers<[1], [0], [0], [1], [0, 0, 1, 1], [], []>, transpose_lhs_hint = false} : vector<1280x128xf32>, vector<128x8xf32>, vector<1280x8xf32> -> vector<1280x8xf32>
    %jit3A_445 = arith.constant -1.000000e+30 : f32
    %broadcast_in_dim3A_446 = vector.broadcast %jit3A_445 : f32 to vector<1280x8xf32>
    %select_n3A_447 = arith.select %lt3A_275, %dot_general3A_444, %broadcast_in_dim3A_446 : vector<1280x8xi1>, vector<1280x8xf32>
    %reduce_max3A_448 = vector.shape_cast %select_n3A_447 : vector<1280x8xf32> to vector<1x1280x8xf32>
    %reduce_max3A_449 = arith.constant dense<0xFF800000> : vector<1xf32>
    %reduce_max3A_450 = vector.multi_reduction <maximumf>, %reduce_max3A_448, %reduce_max3A_449 [1, 2] : vector<1x1280x8xf32> to vector<1xf32>
    %reduce_max3A_451 = vector.shape_cast %reduce_max3A_450 : vector<1xf32> to vector<1x1x1xf32>
    %reduce_max3A_452 = vector.extract %reduce_max3A_451[0, 0, 0] : f32 from vector<1x1x1xf32>
    %sub3A_453 = vector.broadcast %reduce_max3A_452 : f32 to vector<1280x8xf32>
    %sub3A_454 = arith.subf %select_n3A_447, %sub3A_453 : vector<1280x8xf32>
    %exp3A_455 = math.exp %sub3A_454 : vector<1280x8xf32>
    %jit3A_456 = arith.constant 0.000000e+00 : f32
    %broadcast_in_dim3A_457 = vector.broadcast %jit3A_456 : f32 to vector<1280x8xf32>
    %select_n3A_458 = arith.select %lt3A_275, %exp3A_455, %broadcast_in_dim3A_457 : vector<1280x8xi1>, vector<1280x8xf32>
    %reduce_sum3A_459 = vector.shape_cast %select_n3A_458 : vector<1280x8xf32> to vector<1x1280x8xf32>
    %reduce_sum3A_460 = arith.constant dense<0.000000e+00> : vector<1xf32>
    %reduce_sum3A_461 = vector.multi_reduction <add>, %reduce_sum3A_459, %reduce_sum3A_460 [1, 2] : vector<1x1280x8xf32> to vector<1xf32>
    %reduce_sum3A_462 = vector.shape_cast %reduce_sum3A_461 : vector<1xf32> to vector<1x1x1xf32>
    %reduce_sum3A_463 = vector.extract %reduce_sum3A_462[0, 0, 0] : f32 from vector<1x1x1xf32>
    %div3A_464 = vector.broadcast %reduce_sum3A_463 : f32 to vector<1280x8xf32>
    %div3A_465 = arith.divf %select_n3A_458, %div3A_464 : vector<1280x8xf32>
    %dot_general3A_466 = arith.constant dense<0.000000e+00> : vector<1280x128xf32>
    %dot_general3A_467 = tpu.matmul %div3A_465, %get3A_259, %dot_general3A_466 {dimension_numbers = #tpu.dot_dimension_numbers<[1], [0], [0], [1], [0, 0, 1, 1], [], []>, transpose_lhs_hint = false} : vector<1280x8xf32>, vector<8x128xf32>, vector<1280x128xf32> -> vector<1280x128xf32>
    %mul3A_468 = arith.mulf %dot_general3A_467, %get3A_250 : vector<1280x128xf32>
    %reduce_sum3A_469 = arith.constant dense<0.000000e+00> : vector<128xf32>
    %reduce_sum3A_470 = vector.multi_reduction <add>, %mul3A_468, %reduce_sum3A_469 [0] : vector<1280x128xf32> to vector<128xf32>
    %broadcast_in_dim3A_471 = vector.shape_cast %reduce_sum3A_470 : vector<128xf32> to vector<1x128xf32>
    %dot_general3A_472 = arith.constant dense<0.000000e+00> : vector<1x16xf32>
    %dot_general3A_473 = tpu.matmul %broadcast_in_dim3A_471, %get3A_262, %dot_general3A_472 {dimension_numbers = #tpu.dot_dimension_numbers<[1], [0], [0], [1], [0, 0, 1, 1], [], []>, transpose_lhs_hint = false} : vector<1x128xf32>, vector<128x16xf32>, vector<1x16xf32> -> vector<1x16xf32>
    %mul3A_474 = arith.mulf %dot_general3A_467, %get3A_253 : vector<1280x128xf32>
    %reduce_sum3A_475 = arith.constant dense<0.000000e+00> : vector<128xf32>
    %reduce_sum3A_476 = vector.multi_reduction <add>, %mul3A_474, %reduce_sum3A_475 [0] : vector<1280x128xf32> to vector<128xf32>
    %broadcast_in_dim3A_477 = vector.shape_cast %reduce_sum3A_476 : vector<128xf32> to vector<1x128xf32>
    %dot_general3A_478 = arith.constant dense<0.000000e+00> : vector<1x16xf32>
    %dot_general3A_479 = tpu.matmul %broadcast_in_dim3A_477, %get3A_262, %dot_general3A_478 {dimension_numbers = #tpu.dot_dimension_numbers<[1], [0], [0], [1], [0, 0, 1, 1], [], []>, transpose_lhs_hint = false} : vector<1x128xf32>, vector<128x16xf32>, vector<1x16xf32> -> vector<1x16xf32>
    %mul3A_480 = arith.mulf %dot_general3A_467, %add3A_204 : vector<1280x128xf32>
    %reduce_sum3A_481 = arith.constant dense<0.000000e+00> : vector<128xf32>
    %reduce_sum3A_482 = vector.multi_reduction <add>, %mul3A_480, %reduce_sum3A_481 [0] : vector<1280x128xf32> to vector<128xf32>
    %broadcast_in_dim3A_483 = vector.shape_cast %reduce_sum3A_482 : vector<128xf32> to vector<1x128xf32>
    %dot_general3A_484 = arith.constant dense<0.000000e+00> : vector<1x16xf32>
    %dot_general3A_485 = tpu.matmul %broadcast_in_dim3A_483, %get3A_262, %dot_general3A_484 {dimension_numbers = #tpu.dot_dimension_numbers<[1], [0], [0], [1], [0, 0, 1, 1], [], []>, transpose_lhs_hint = false} : vector<1x128xf32>, vector<128x16xf32>, vector<1x16xf32> -> vector<1x16xf32>
    %mul3A_486 = arith.mulf %dot_general3A_467, %add3A_247 : vector<1280x128xf32>
    %reduce_sum3A_487 = arith.constant dense<0.000000e+00> : vector<128xf32>
    %reduce_sum3A_488 = vector.multi_reduction <add>, %mul3A_486, %reduce_sum3A_487 [0] : vector<1280x128xf32> to vector<128xf32>
    %broadcast_in_dim3A_489 = vector.shape_cast %reduce_sum3A_488 : vector<128xf32> to vector<1x128xf32>
    %dot_general3A_490 = arith.constant dense<0.000000e+00> : vector<1x16xf32>
    %dot_general3A_491 = tpu.matmul %broadcast_in_dim3A_489, %get3A_262, %dot_general3A_490 {dimension_numbers = #tpu.dot_dimension_numbers<[1], [0], [0], [1], [0, 0, 1, 1], [], []>, transpose_lhs_hint = false} : vector<1x128xf32>, vector<128x16xf32>, vector<1x16xf32> -> vector<1x16xf32>
    %slice3A_492 = vector.extract_strided_slice %dot_general3A_473 {offsets = [0, 0], sizes = [1, 10], strides = [1, 1]} : vector<1x16xf32> to vector<1x10xf32>
    %slice3A_493 = vector.extract_strided_slice %dot_general3A_479 {offsets = [0, 0], sizes = [1, 10], strides = [1, 1]} : vector<1x16xf32> to vector<1x10xf32>
    %slice3A_494 = vector.extract_strided_slice %dot_general3A_485 {offsets = [0, 0], sizes = [1, 10], strides = [1, 1]} : vector<1x16xf32> to vector<1x10xf32>
    %slice3A_495 = vector.extract_strided_slice %dot_general3A_491 {offsets = [0, 0], sizes = [1, 10], strides = [1, 1]} : vector<1x16xf32> to vector<1x10xf32>
    %concatenate3A_496 = tpu.concatenate %slice3A_492, %slice3A_493, %slice3A_494, %slice3A_495 in 1 : vector<1x10xf32>, vector<1x10xf32>, vector<1x10xf32>, vector<1x10xf32> -> vector<1x40xf32>
    %concatenate3A_497 = tpu.concatenate %mul3A_419, %concatenate3A_496 in 1 : vector<1x40xf32>, vector<1x40xf32> -> vector<1x80xf32>
    %dot_general3A_498 = arith.constant dense<0.000000e+00> : vector<1x160xf32>
    %dot_general3A_499 = tpu.matmul %concatenate3A_497, %get3A_265, %dot_general3A_498 {dimension_numbers = #tpu.dot_dimension_numbers<[1], [1], [0], [0], [0, 0, 1, 0], [], []>, transpose_lhs_hint = false} : vector<1x80xf32>, vector<160x80xf32>, vector<1x160xf32> -> vector<1x160xf32>
    %add3A_500 = arith.addf %dot_general3A_499, %broadcast_in_dim3A : vector<1x160xf32>
    %dot_general3A_501 = arith.constant dense<0.000000e+00> : vector<1x160xf32>
    %dot_general3A_502 = tpu.matmul %mul3A_419, %get3A_268, %dot_general3A_501 {dimension_numbers = #tpu.dot_dimension_numbers<[1], [1], [0], [0], [0, 0, 1, 0], [], []>, transpose_lhs_hint = false} : vector<1x40xf32>, vector<160x40xf32>, vector<1x160xf32> -> vector<1x160xf32>
    %add3A_503 = arith.addf %add3A_500, %dot_general3A_502 : vector<1x160xf32>
    %add3A_504 = arith.addf %add3A_503, %broadcast_in_dim3A_273 : vector<1x160xf32>
    %slice3A_505 = vector.extract_strided_slice %add3A_504 {offsets = [0, 0], sizes = [1, 40], strides = [1, 1]} : vector<1x160xf32> to vector<1x40xf32>
    %logistic3A_506 = arith.negf %slice3A_505 : vector<1x40xf32>
    %logistic3A_507 = math.exp %logistic3A_506 : vector<1x40xf32>
    %logistic3A_508 = arith.constant 1.000000e+00 : f32
    %logistic3A_509 = vector.broadcast %logistic3A_508 : f32 to vector<1x40xf32>
    %logistic3A_510 = arith.addf %logistic3A_509, %logistic3A_507 : vector<1x40xf32>
    %logistic3A_511 = arith.divf %logistic3A_509, %logistic3A_510 : vector<1x40xf32>
    %slice3A_512 = vector.extract_strided_slice %add3A_504 {offsets = [0, 40], sizes = [1, 40], strides = [1, 1]} : vector<1x160xf32> to vector<1x40xf32>
    %logistic3A_513 = arith.negf %slice3A_512 : vector<1x40xf32>
    %logistic3A_514 = math.exp %logistic3A_513 : vector<1x40xf32>
    %logistic3A_515 = arith.constant 1.000000e+00 : f32
    %logistic3A_516 = vector.broadcast %logistic3A_515 : f32 to vector<1x40xf32>
    %logistic3A_517 = arith.addf %logistic3A_516, %logistic3A_514 : vector<1x40xf32>
    %logistic3A_518 = arith.divf %logistic3A_516, %logistic3A_517 : vector<1x40xf32>
    %slice3A_519 = vector.extract_strided_slice %add3A_504 {offsets = [0, 80], sizes = [1, 40], strides = [1, 1]} : vector<1x160xf32> to vector<1x40xf32>
    %tanh3A_520 = math.tanh %slice3A_519 : vector<1x40xf32>
    %slice3A_521 = vector.extract_strided_slice %add3A_504 {offsets = [0, 120], sizes = [1, 40], strides = [1, 1]} : vector<1x160xf32> to vector<1x40xf32>
    %logistic3A_522 = arith.negf %slice3A_521 : vector<1x40xf32>
    %logistic3A_523 = math.exp %logistic3A_522 : vector<1x40xf32>
    %logistic3A_524 = arith.constant 1.000000e+00 : f32
    %logistic3A_525 = vector.broadcast %logistic3A_524 : f32 to vector<1x40xf32>
    %logistic3A_526 = arith.addf %logistic3A_525, %logistic3A_523 : vector<1x40xf32>
    %logistic3A_527 = arith.divf %logistic3A_525, %logistic3A_526 : vector<1x40xf32>
    %mul3A_528 = arith.mulf %logistic3A_518, %add3A_417 : vector<1x40xf32>
    %mul3A_529 = arith.mulf %logistic3A_511, %tanh3A_520 : vector<1x40xf32>
    %add3A_530 = arith.addf %mul3A_528, %mul3A_529 : vector<1x40xf32>
    %tanh3A_531 = math.tanh %add3A_530 : vector<1x40xf32>
    %mul3A_532 = arith.mulf %logistic3A_527, %tanh3A_531 : vector<1x40xf32>
    %slice3A_533 = vector.extract_strided_slice %mul3A_532 {offsets = [0, 0], sizes = [1, 10], strides = [1, 1]} : vector<1x40xf32> to vector<1x10xf32>
    %concatenate3A_534 = tpu.concatenate %slice3A_533, %broadcast_in_dim3A_277 in 1 : vector<1x10xf32>, vector<1x6xf32> -> vector<1x16xf32>
    %tile3A_535 = tpu.concatenate %concatenate3A_534, %concatenate3A_534, %concatenate3A_534, %concatenate3A_534, %concatenate3A_534, %concatenate3A_534, %concatenate3A_534, %concatenate3A_534 in 1 : vector<1x16xf32>, vector<1x16xf32>, vector<1x16xf32>, vector<1x16xf32>, vector<1x16xf32>, vector<1x16xf32>, vector<1x16xf32>, vector<1x16xf32> -> vector<1x128xf32>
    %mul3A_536 = vector.broadcast %tile3A_535 : vector<1x128xf32> to vector<1280x128xf32>
    %mul3A_537 = arith.mulf %get3A_250, %mul3A_536 : vector<1280x128xf32>
    %slice3A_538 = vector.extract_strided_slice %mul3A_532 {offsets = [0, 10], sizes = [1, 10], strides = [1, 1]} : vector<1x40xf32> to vector<1x10xf32>
    %concatenate3A_539 = tpu.concatenate %slice3A_538, %broadcast_in_dim3A_277 in 1 : vector<1x10xf32>, vector<1x6xf32> -> vector<1x16xf32>
    %tile3A_540 = tpu.concatenate %concatenate3A_539, %concatenate3A_539, %concatenate3A_539, %concatenate3A_539, %concatenate3A_539, %concatenate3A_539, %concatenate3A_539, %concatenate3A_539 in 1 : vector<1x16xf32>, vector<1x16xf32>, vector<1x16xf32>, vector<1x16xf32>, vector<1x16xf32>, vector<1x16xf32>, vector<1x16xf32>, vector<1x16xf32> -> vector<1x128xf32>
    %mul3A_541 = vector.broadcast %tile3A_540 : vector<1x128xf32> to vector<1280x128xf32>
    %mul3A_542 = arith.mulf %get3A_253, %mul3A_541 : vector<1280x128xf32>
    %add3A_543 = arith.addf %mul3A_537, %mul3A_542 : vector<1280x128xf32>
    %slice3A_544 = vector.extract_strided_slice %mul3A_532 {offsets = [0, 20], sizes = [1, 10], strides = [1, 1]} : vector<1x40xf32> to vector<1x10xf32>
    %concatenate3A_545 = tpu.concatenate %slice3A_544, %broadcast_in_dim3A_277 in 1 : vector<1x10xf32>, vector<1x6xf32> -> vector<1x16xf32>
    %tile3A_546 = tpu.concatenate %concatenate3A_545, %concatenate3A_545, %concatenate3A_545, %concatenate3A_545, %concatenate3A_545, %concatenate3A_545, %concatenate3A_545, %concatenate3A_545 in 1 : vector<1x16xf32>, vector<1x16xf32>, vector<1x16xf32>, vector<1x16xf32>, vector<1x16xf32>, vector<1x16xf32>, vector<1x16xf32>, vector<1x16xf32> -> vector<1x128xf32>
    %mul3A_547 = vector.broadcast %tile3A_546 : vector<1x128xf32> to vector<1280x128xf32>
    %mul3A_548 = arith.mulf %add3A_204, %mul3A_547 : vector<1280x128xf32>
    %add3A_549 = arith.addf %add3A_543, %mul3A_548 : vector<1280x128xf32>
    %slice3A_550 = vector.extract_strided_slice %mul3A_532 {offsets = [0, 30], sizes = [1, 10], strides = [1, 1]} : vector<1x40xf32> to vector<1x10xf32>
    %concatenate3A_551 = tpu.concatenate %slice3A_550, %broadcast_in_dim3A_277 in 1 : vector<1x10xf32>, vector<1x6xf32> -> vector<1x16xf32>
    %tile3A_552 = tpu.concatenate %concatenate3A_551, %concatenate3A_551, %concatenate3A_551, %concatenate3A_551, %concatenate3A_551, %concatenate3A_551, %concatenate3A_551, %concatenate3A_551 in 1 : vector<1x16xf32>, vector<1x16xf32>, vector<1x16xf32>, vector<1x16xf32>, vector<1x16xf32>, vector<1x16xf32>, vector<1x16xf32>, vector<1x16xf32> -> vector<1x128xf32>
    %mul3A_553 = vector.broadcast %tile3A_552 : vector<1x128xf32> to vector<1280x128xf32>
    %mul3A_554 = arith.mulf %add3A_247, %mul3A_553 : vector<1280x128xf32>
    %add3A_555 = arith.addf %add3A_549, %mul3A_554 : vector<1280x128xf32>
    %dot_general3A_556 = arith.constant dense<0.000000e+00> : vector<1280x8xf32>
    %dot_general3A_557 = tpu.matmul %add3A_555, %get3A_256, %dot_general3A_556 {dimension_numbers = #tpu.dot_dimension_numbers<[1], [0], [0], [1], [0, 0, 1, 1], [], []>, transpose_lhs_hint = false} : vector<1280x128xf32>, vector<128x8xf32>, vector<1280x8xf32> -> vector<1280x8xf32>
    %jit3A_558 = arith.constant -1.000000e+30 : f32
    %broadcast_in_dim3A_559 = vector.broadcast %jit3A_558 : f32 to vector<1280x8xf32>
    %select_n3A_560 = arith.select %lt3A_275, %dot_general3A_557, %broadcast_in_dim3A_559 : vector<1280x8xi1>, vector<1280x8xf32>
    %reduce_max3A_561 = vector.shape_cast %select_n3A_560 : vector<1280x8xf32> to vector<1x1280x8xf32>
    %reduce_max3A_562 = arith.constant dense<0xFF800000> : vector<1xf32>
    %reduce_max3A_563 = vector.multi_reduction <maximumf>, %reduce_max3A_561, %reduce_max3A_562 [1, 2] : vector<1x1280x8xf32> to vector<1xf32>
    %reduce_max3A_564 = vector.shape_cast %reduce_max3A_563 : vector<1xf32> to vector<1x1x1xf32>
    %reduce_max3A_565 = vector.extract %reduce_max3A_564[0, 0, 0] : f32 from vector<1x1x1xf32>
    %sub3A_566 = vector.broadcast %reduce_max3A_565 : f32 to vector<1280x8xf32>
    %sub3A_567 = arith.subf %select_n3A_560, %sub3A_566 : vector<1280x8xf32>
    %exp3A_568 = math.exp %sub3A_567 : vector<1280x8xf32>
    %jit3A_569 = arith.constant 0.000000e+00 : f32
    %broadcast_in_dim3A_570 = vector.broadcast %jit3A_569 : f32 to vector<1280x8xf32>
    %select_n3A_571 = arith.select %lt3A_275, %exp3A_568, %broadcast_in_dim3A_570 : vector<1280x8xi1>, vector<1280x8xf32>
    %reduce_sum3A_572 = vector.shape_cast %select_n3A_571 : vector<1280x8xf32> to vector<1x1280x8xf32>
    %reduce_sum3A_573 = arith.constant dense<0.000000e+00> : vector<1xf32>
    %reduce_sum3A_574 = vector.multi_reduction <add>, %reduce_sum3A_572, %reduce_sum3A_573 [1, 2] : vector<1x1280x8xf32> to vector<1xf32>
    %reduce_sum3A_575 = vector.shape_cast %reduce_sum3A_574 : vector<1xf32> to vector<1x1x1xf32>
    %reduce_sum3A_576 = vector.extract %reduce_sum3A_575[0, 0, 0] : f32 from vector<1x1x1xf32>
    %div3A_577 = vector.broadcast %reduce_sum3A_576 : f32 to vector<1280x8xf32>
    %div3A_578 = arith.divf %select_n3A_571, %div3A_577 : vector<1280x8xf32>
    %dot_general3A_579 = arith.constant dense<0.000000e+00> : vector<1280x128xf32>
    %dot_general3A_580 = tpu.matmul %div3A_578, %get3A_259, %dot_general3A_579 {dimension_numbers = #tpu.dot_dimension_numbers<[1], [0], [0], [1], [0, 0, 1, 1], [], []>, transpose_lhs_hint = false} : vector<1280x8xf32>, vector<8x128xf32>, vector<1280x128xf32> -> vector<1280x128xf32>
    %mul3A_581 = arith.mulf %dot_general3A_580, %get3A_250 : vector<1280x128xf32>
    %reduce_sum3A_582 = arith.constant dense<0.000000e+00> : vector<128xf32>
    %reduce_sum3A_583 = vector.multi_reduction <add>, %mul3A_581, %reduce_sum3A_582 [0] : vector<1280x128xf32> to vector<128xf32>
    %broadcast_in_dim3A_584 = vector.shape_cast %reduce_sum3A_583 : vector<128xf32> to vector<1x128xf32>
    %dot_general3A_585 = arith.constant dense<0.000000e+00> : vector<1x16xf32>
    %dot_general3A_586 = tpu.matmul %broadcast_in_dim3A_584, %get3A_262, %dot_general3A_585 {dimension_numbers = #tpu.dot_dimension_numbers<[1], [0], [0], [1], [0, 0, 1, 1], [], []>, transpose_lhs_hint = false} : vector<1x128xf32>, vector<128x16xf32>, vector<1x16xf32> -> vector<1x16xf32>
    %mul3A_587 = arith.mulf %dot_general3A_580, %get3A_253 : vector<1280x128xf32>
    %reduce_sum3A_588 = arith.constant dense<0.000000e+00> : vector<128xf32>
    %reduce_sum3A_589 = vector.multi_reduction <add>, %mul3A_587, %reduce_sum3A_588 [0] : vector<1280x128xf32> to vector<128xf32>
    %broadcast_in_dim3A_590 = vector.shape_cast %reduce_sum3A_589 : vector<128xf32> to vector<1x128xf32>
    %dot_general3A_591 = arith.constant dense<0.000000e+00> : vector<1x16xf32>
    %dot_general3A_592 = tpu.matmul %broadcast_in_dim3A_590, %get3A_262, %dot_general3A_591 {dimension_numbers = #tpu.dot_dimension_numbers<[1], [0], [0], [1], [0, 0, 1, 1], [], []>, transpose_lhs_hint = false} : vector<1x128xf32>, vector<128x16xf32>, vector<1x16xf32> -> vector<1x16xf32>
    %mul3A_593 = arith.mulf %dot_general3A_580, %add3A_204 : vector<1280x128xf32>
    %reduce_sum3A_594 = arith.constant dense<0.000000e+00> : vector<128xf32>
    %reduce_sum3A_595 = vector.multi_reduction <add>, %mul3A_593, %reduce_sum3A_594 [0] : vector<1280x128xf32> to vector<128xf32>
    %broadcast_in_dim3A_596 = vector.shape_cast %reduce_sum3A_595 : vector<128xf32> to vector<1x128xf32>
    %dot_general3A_597 = arith.constant dense<0.000000e+00> : vector<1x16xf32>
    %dot_general3A_598 = tpu.matmul %broadcast_in_dim3A_596, %get3A_262, %dot_general3A_597 {dimension_numbers = #tpu.dot_dimension_numbers<[1], [0], [0], [1], [0, 0, 1, 1], [], []>, transpose_lhs_hint = false} : vector<1x128xf32>, vector<128x16xf32>, vector<1x16xf32> -> vector<1x16xf32>
    %mul3A_599 = arith.mulf %dot_general3A_580, %add3A_247 : vector<1280x128xf32>
    %reduce_sum3A_600 = arith.constant dense<0.000000e+00> : vector<128xf32>
    %reduce_sum3A_601 = vector.multi_reduction <add>, %mul3A_599, %reduce_sum3A_600 [0] : vector<1280x128xf32> to vector<128xf32>
    %broadcast_in_dim3A_602 = vector.shape_cast %reduce_sum3A_601 : vector<128xf32> to vector<1x128xf32>
    %dot_general3A_603 = arith.constant dense<0.000000e+00> : vector<1x16xf32>
    %dot_general3A_604 = tpu.matmul %broadcast_in_dim3A_602, %get3A_262, %dot_general3A_603 {dimension_numbers = #tpu.dot_dimension_numbers<[1], [0], [0], [1], [0, 0, 1, 1], [], []>, transpose_lhs_hint = false} : vector<1x128xf32>, vector<128x16xf32>, vector<1x16xf32> -> vector<1x16xf32>
    %slice3A_605 = vector.extract_strided_slice %dot_general3A_586 {offsets = [0, 0], sizes = [1, 10], strides = [1, 1]} : vector<1x16xf32> to vector<1x10xf32>
    %slice3A_606 = vector.extract_strided_slice %dot_general3A_592 {offsets = [0, 0], sizes = [1, 10], strides = [1, 1]} : vector<1x16xf32> to vector<1x10xf32>
    %slice3A_607 = vector.extract_strided_slice %dot_general3A_598 {offsets = [0, 0], sizes = [1, 10], strides = [1, 1]} : vector<1x16xf32> to vector<1x10xf32>
    %slice3A_608 = vector.extract_strided_slice %dot_general3A_604 {offsets = [0, 0], sizes = [1, 10], strides = [1, 1]} : vector<1x16xf32> to vector<1x10xf32>
    %concatenate3A_609 = tpu.concatenate %slice3A_605, %slice3A_606, %slice3A_607, %slice3A_608 in 1 : vector<1x10xf32>, vector<1x10xf32>, vector<1x10xf32>, vector<1x10xf32> -> vector<1x40xf32>
    %concatenate3A_610 = tpu.concatenate %mul3A_532, %concatenate3A_609 in 1 : vector<1x40xf32>, vector<1x40xf32> -> vector<1x80xf32>
    %get3A_611 = arith.constant 0 : index
    %get3A_612 = arith.constant 0 : index
    %get3A_613 = vector.load %arg19[%get3A_611, %get3A_612] : memref<80x20xf32, #tpu.memory_space<vmem>>, vector<80x20xf32>
    %dot_general3A_614 = arith.constant dense<0.000000e+00> : vector<1x20xf32>
    %dot_general3A_615 = tpu.matmul %concatenate3A_610, %get3A_613, %dot_general3A_614 {dimension_numbers = #tpu.dot_dimension_numbers<[1], [0], [0], [1], [0, 0, 1, 1], [], []>, transpose_lhs_hint = false} : vector<1x80xf32>, vector<80x20xf32>, vector<1x20xf32> -> vector<1x20xf32>
    %get3A_616 = arith.constant 0 : index
    %get3A_617 = vector.load %arg20[%get3A_616] : memref<20xf32, #tpu.memory_space<vmem>>, vector<20xf32>
    %broadcast_in_dim3A_618 = vector.shape_cast %get3A_617 : vector<20xf32> to vector<1x20xf32>
    %add3A_619 = arith.addf %dot_general3A_615, %broadcast_in_dim3A_618 : vector<1x20xf32>
    %get3A_620 = arith.constant 0 : index
    %get3A_621 = arith.constant 0 : index
    %get3A_622 = vector.load %arg21[%get3A_620, %get3A_621] : memref<1x1xf32, #tpu.memory_space<vmem>>, vector<1x1xf32>
    %get3A_623 = vector.extract %get3A_622[0, 0] : f32 from vector<1x1xf32>
    %ge3A = arith.constant 0.000000e+00 : f32
    %ge3A_624 = vector.broadcast %ge3A : f32 to vector<1x20xf32>
    %ge3A_625 = arith.cmpf oge, %add3A_619, %ge3A_624 : vector<1x20xf32>
    %mul3A_626 = vector.broadcast %get3A_623 : f32 to vector<1x20xf32>
    %mul3A_627 = arith.mulf %mul3A_626, %add3A_619 : vector<1x20xf32>
    %select_n3A_628 = arith.select %ge3A_625, %add3A_619, %mul3A_627 : vector<1x20xi1>, vector<1x20xf32>
    %swap3A = arith.constant 0 : index
    %swap3A_629 = arith.constant 0 : index
    %swap3A_630 = vector.load %arg25[%swap3A, %swap3A_629] : memref<1x20xf32, #tpu.memory_space<vmem>>, vector<1x20xf32>
    tpu.vector_store %arg25[%swap3A, %swap3A_629], %select_n3A_628 {strides = array<i32>} : memref<1x20xf32, #tpu.memory_space<vmem>>, vector<1x20xf32>,
    return
  }
}

</mosaic_0001>

<sc_bundles>
// kernel: kernel.10.cloned.1.call-start
scs
__scs_entry_jumppad:
0x0: {  	(pc) =	sbr.rel $0x88, $3  }
0x1: {  	(tag) =	ssettag $0x0;
	lr =	simm.s32 $0x1  }
0x2: {  	[smem:$0x3F90] =	sst lr;
	_ =	strace $0xD0000000  }
0x3: {  	_ = 	snop  }
0x4: {  	_ = 	snop  }
0x5: {  	_ = 	snop  }
0x6: {  	_ = 	snop  }
0x7: {  	_ = 	snop  }
__scs_overlays_trampoline_lowered:
0x8: {  	[smem:$0x3F9F] =	sst s0  }
0x9: {  	[smem:$0x3FA0] =	sst s1  }
0xa: {  	[smem:$0x3FA1] =	sst s2  }
0xb: {  	[smem:$0x3FA2] =	sst s3  }
0xc: {  	[smem:$0x3FA3] =	sst s4  }
0xd: {  	[smem:$0x3FA4] =	sst s5  }
0xe: {  	[smem:$0x3FA5] =	sst s6  }
0xf: {  	[smem:$0x3FA6] =	sst s7  }
0x10: {  	[smem:$0x3FA7] =	sst s8  }
0x11: {  	[smem:$0x3FA8] =	sst s9;
	s0 =	simm.s32 @!p0 $0x0  }
0x12: {  	s1 =	sld [smem:$0x3F8E];
	s0 =	simm.s32 @p0 $0x1  }
0x13: {  	[smem:$0x3FA9] =	sst s0;
	s0 =	simm.s32 @!p1 $0x0  }
0x14: {  	s2 =	sld [smem:$0x3F8D];
	s0 =	simm.s32 @p1 $0x1  }
0x15: {  	[smem:$0x3FAA] =	sst s0;
	s0 =	simm.s32 @!p2 $0x0  }
0x16: {  	s3 =	sld [smem:$0x3FDB];
	s0 =	simm.s32 @p2 $0x1  }
0x17: {  	s4 =	simm.s32 $0x1BF5;
	[smem:$0x3FAC] =	sst s0  }
0x18: {  	s0 =	sld [smem:$0x3F8F];
	_ =	swait.ge [sflag:s4], $0x0  }
0x19: {  	s7 =	sld [smem:$0x3F90]  }
0x1a: {  	s8 =	sadd.s32 $0xFFFFE003, lr  }
0x1b: {  	s9 =	sadd.s32 $0xFFFFFEF7, lr;
	s5 =	simm.s32 $0xFFFFFFFF;
	p2 =	slt.u32 s8, $0xFFFFF086  }
0x1c: {  	p1 =	slt.u32 s9, $0xF7A;
	s5 =	simm.s32 @!p2 $0x0  }
0x1d: {  	s5 =	simm.s32 @p1 $0x1;
	p0 =	seq.s32 s7, s2  }
0x1e: {  	s7 =	smul.u32 @!p0 $0xF7A, s2;
	p2 =	seq.s32 @!p0 s5, $0x0  }
0x1f: {  	s9 =	smul.u32 $0xF7A, s1;
	s8 =	simm.s32 @!p0 $0x1BF5;
	p2 =	por !p2, p0  }
0x20: {  	[sflag:s8] =	ssyncset.s32 @!p0 $0xFFFFF086;
	s6 =	sadd.s32 @!p0 s3, s7;
	s7 =	simm.s32 @!p0 $0x108  }
0x21: {  	s3 =	sadd.s32 s3, s9;
	s6 =	sadd.s32 @!p0 $0x88, s6;
	s7 =	simm.s32 @p2 $0x1082  }
0x22: {  	[simem:s7], [sflag:s8] =	dma.local @!p0 [hbm:s6], $0xF7A  }
0x23: {  	s9 =	sor.u32 $0xD0000000, s2;
	s6 =	simm.s32 $0x108;
	_ =	swait.ge @!p0 [sflag:s8], $0x0  }
0x24: {  	s3 =	sadd.s32 $0x88, s3;
	s6 =	simm.s32 @!p1 $0x1082;
	[sflag:s4] =	ssyncset.s32 $0xFFFFF086  }
0x25: {  	[simem:s6], [sflag:s4] =	dma.local [hbm:s3], $0xF7A  }
0x26: {  	[smem:$0x3F90] =	sst s1;
	(tag) =	ssettag s2;
	_ =	strace s9  }
0x27: {  	s1 =	sld [smem:$0x3FA0]  }
0x28: {  	s2 =	sld [smem:$0x3FA1]  }
0x29: {  	s4 =	sld [smem:$0x3FA3]  }
0x2a: {  	p0 =	seq.s32 s5, $0x0;
	s5 =	sld [smem:$0x3FA4]  }
0x2b: {  	s6 =	sld [smem:$0x3FA5]  }
0x2c: {  	s7 =	sld [smem:$0x3FA6]  }
0x2d: {  	s3 =	simm.s32 $0x108;
	s8 =	sld [smem:$0x3FA7]  }
0x2e: {  	s3 =	simm.s32 @!p0 $0x1082;
	s9 =	sld [smem:$0x3FA8]  }
0x2f: {  	lr =	sadd.s32 s0, s3;
	s0 =	sld [smem:$0x3F9F]  }
0x30: {  	s3 =	sld [smem:$0x3FA2]  }
0x31: {  	[smem:$0x3FAB] =	sst s10  }
0x32: {  	s10 =	sld [smem:$0x3FA9];
	_ =	sdelay $0x3  }
0x33: {  	p0 =	seq.s32 s10, $0x1;
	s10 =	sld [smem:$0x3FAB];
	_ =	sdelay $0x3  }
0x34: {  	[smem:$0x3FAB] =	sst s10  }
0x35: {  	s10 =	sld [smem:$0x3FAA];
	_ =	sdelay $0x3  }
0x36: {  	p1 =	seq.s32 s10, $0x1;
	s10 =	sld [smem:$0x3FAB];
	_ =	sdelay $0x3  }
0x37: {  	[smem:$0x3FAB] =	sst s10  }
0x38: {  	s10 =	sld [smem:$0x3FAC]  }
0x39: {  	_ = 	snop;
	(pc) =	sbr.ind lr, $3  }
0x3a: {  	_ = 	snop  }
0x3b: {  	_ = 	snop  }
0x3c: {  	p2 =	seq.s32 s10, $0x1;
	s10 =	sld [smem:$0x3FAB]  }
0x3d: {  	_ =	shalt  }
0x3e: {  	_ =	shalt  }
0x3f: {  	_ =	shalt  }
0x40: {  	_ =	shalt  }
0x41: {  	_ =	shalt  }
0x42: {  	_ =	shalt  }
0x43: {  	_ =	shalt  }
0x44: {  	_ =	shalt  }
0x45: {  	_ =	shalt  }
0x46: {  	_ =	shalt  }
0x47: {  	_ =	shalt  }
0x48: {  	_ =	shalt  }
0x49: {  	_ =	shalt  }
0x4a: {  	_ =	shalt  }
0x4b: {  	_ =	shalt  }
0x4c: {  	_ =	shalt  }
0x4d: {  	_ =	shalt  }
0x4e: {  	_ =	shalt  }
0x4f: {  	_ =	shalt  }
0x50: {  	_ =	shalt  }
0x51: {  	_ =	shalt  }
0x52: {  	_ =	shalt  }
0x53: {  	_ =	shalt  }
0x54: {  	_ =	shalt  }
0x55: {  	_ =	shalt  }
0x56: {  	_ =	shalt  }
0x57: {  	_ =	shalt  }
0x58: {  	_ =	shalt  }
0x59: {  	_ =	shalt  }
0x5a: {  	_ =	shalt  }
0x5b: {  	_ =	shalt  }
0x5c: {  	_ =	shalt  }
0x5d: {  	_ =	shalt  }
0x5e: {  	_ =	shalt  }
0x5f: {  	_ =	shalt  }
0x60: {  	_ =	shalt  }
0x61: {  	_ =	shalt  }
0x62: {  	_ =	shalt  }
0x63: {  	_ =	shalt  }
0x64: {  	_ =	shalt  }
0x65: {  	_ =	shalt  }
0x66: {  	_ =	shalt  }
0x67: {  	_ =	shalt  }
0x68: {  	_ =	shalt  }
0x69: {  	_ =	shalt  }
0x6a: {  	_ =	shalt  }
0x6b: {  	_ =	shalt  }
0x6c: {  	_ =	shalt  }
0x6d: {  	_ =	shalt  }
0x6e: {  	_ =	shalt  }
0x6f: {  	_ =	shalt  }
0x70: {  	_ =	shalt  }
0x71: {  	_ =	shalt  }
0x72: {  	_ =	shalt  }
0x73: {  	_ =	shalt  }
0x74: {  	_ =	shalt  }
0x75: {  	_ =	shalt  }
0x76: {  	_ =	shalt  }
0x77: {  	_ =	shalt  }
0x78: {  	_ =	shalt  }
0x79: {  	_ =	shalt  }
0x7a: {  	_ =	shalt  }
0x7b: {  	_ =	shalt  }
0x7c: {  	_ =	shalt  }
0x7d: {  	_ =	shalt  }
0x7e: {  	_ =	shalt  }
0x7f: {  	_ =	shalt  }
0x80: {  	_ =	shalt  }
0x81: {  	_ =	shalt  }
0x82: {  	_ =	shalt  }
0x83: {  	_ =	shalt  }
0x84: {  	_ =	shalt  }
0x85: {  	_ =	shalt  }
0x86: {  	_ =	shalt  }
0x87: {  	_ =	shalt  }
.Lfunc_end0:
.L_simem_size_0:
called_computation_lowered:
.L_overlay_start_0:
0x88: {  	s2 =	sld [smem:$0x3FD9]  }
0x89: {  	s3 =	sld [smem:$0x3FFE];
	_ =	sdelay $0x1  }
0x8a: {  	s1 =	srdreg.scid  }
0x8b: {  	s0 =	sand.u32 $0x1, s1  }
0x8c: {  	s16 =	sshll.u32 s0, $0xA;
	s2 =	sadd.s32 s3, s2  }
0x8d: {  	s2 =	sadd.s32 s2, s16  }
0x8e: {  	[smem:$0x3FB7] =	sst s2  }
0x8f: {  	_ = 	snop  }
0x90: {  	(tm) =	ssettm $0x1  }
0x91: {  	s17 =	sld [smem:$0x3FFB];
	_ =	sdelay $0x3  }
0x92: {  	_ =	strace s17  }
0x93: {  	s2 =	sld [smem:$0x3FFC];
	_ =	sdelay $0x3  }
0x94: {  	_ =	strace s2  }
0x95: {  	s2 =	sld [smem:$0x3FFD];
	_ =	sdelay $0x3  }
0x96: {  	_ =	strace s2  }
0x97: {  	_ =	strace $0x8FFFFFFF  }
0x98: {  	s18 =	sld [smem:$0x3FDB];
	_ =	sdelay $0x1  }
0x99: {  	s19 =	simm.s32 $_scs_section_size  }
0x9a: {  	s4 =	simm.s32 $_size__tile_overlayer_lowered;
	s5 =	simm.s32 $_tile_overlayer_lowered  }
0x9b: {  	s22 =	simm.s32 $0x1BFF;
	s21 =	sshll.u32 s5, $0x1;
	s2 =	sadd.s32 s19, s18  }
0x9c: {  	s6 =	simm.s32 $0x0;
	s20 =	sshll.u32 s4, $0x1;
	s4 =	sadd.s32 s21, s2  }
0x9d: {  	[timem:s6], [sflag:s22] =	dma.local [hbm:s4], s20  }
0x9e: {  	_ =	swait.ge [sflag:s22], s20  }
0x9f: {  	s3 =	ssub.s32 $0x0, s20;
	[sflag:s22] =	ssyncset.done $0x0  }
0xa0: {  	[sflag:s22] =	ssyncadd.s32 s3;
	_ =	sdelay $0x1  }
0xa1: {  	s23 =	simm.s32 $0x1B8B  }
0xa2: {  	_ =	swait.ge [sflag:s23], $0x1  }
0xa3: {  	[sflag:s23] =	ssyncset.done $0x0  }
0xa4: {  	s25 =	simm.s32 $0x1B8E;
	s24 =	sld [smem:$0x3FFE];
	[sflag:s23] =	ssyncadd.s32 $0xFFFFFFFF  }
0xa5: {  	s26 =	simm.s32 $execute0_lowered;
	[smem:$0x3FD2] =	sst s25  }
0xa6: {  	s4 =	sshll.u32 s26, $0x1;
	_ =	strace $0x80000046;
	[dreg:$0x1] =	wrdreg $0xFFFFFFFF  }
0xa7: {  	s28 =	simm.s32 $_size_execute0_lowered;
	s2 =	sadd.s32 s2, s4;
	[dreg:$0x0] =	wrdreg $0x0  }
0xa8: {  	s4 =	sshll.u32 s28, $0x1;
	[dreg:$0x2] =	wrdreg s2  }
0xa9: {  	[dreg:$0x3] =	wrdreg s4  }
0xaa: {  	[dreg:$0x4] =	wrdreg $0xC0  }
0xab: {  	_ =	task [dreg:s6], $0x5FFFF  }
0xac: {  	[dreg:$0x1] =	wrdreg $0xFFFFFFFF  }
0xad: {  	[dreg:$0x0] =	wrdreg $0x60  }
0xae: {  	[dreg:$0x2] =	wrdreg s24  }
0xaf: {  	[dreg:$0x3] =	wrdreg $0x0  }
0xb0: {  	[dreg:$0x4] =	wrdreg $0x2800  }
0xb1: {  	[dreg:$0x5] =	wrdreg $0x9  }
0xb2: {  	_ =	task.clear_ibuf [dreg:s6], $0x6FFFF;
	_ =	strace $0x90000046  }
0xb3: {  	s29 =	simm.s32 $0x9;
	_ =	strace $0x80000048  }
0xb4: {  	_ =	swait.ge [sflag:s29], $0x1  }
0xb5: {  	[sflag:s29] =	ssyncadd.s32 $0xFFFFFFFF  }
0xb6: {  	_ =	strace $0x90000048  }
0xb7: {  	_ =	sfence  }
0xb8: {  	s30 =	sld [smem:$0x0];
	_ =	sdelay $0x2  }
0xb9: {  	s31 =	sshll.u32 s1, $0xD;
	s1 =	sshrl.u32 s1, $0x2  }
0xba: {  	s3 =	sand.u32 $0x4000, s31;
	s1 =	sadd.s32 s1, s30  }
0xbb: {  	s0 =	sor.u32 s3, s0;
	s1 =	sshll.u32 s1, $0x11  }
0xbc: {  	s0 =	sor.u32 s1, s0  }
0xbd: {  	s0 =	sadd.s32 $0x8F2B, s0  }
0xbe: {  	[sflag:s0] =	ssyncadd.remote.s32 $0x1  }
0xbf: {  	_ =	sfence.sel $0xFFFF  }
0xc0: {  	[dreg:$0x0] =	wrdreg $0xFFFFFFFF;
	(pc) =	sbr.abs _section_cstart, $3  }
0xc1: {  	[dreg:$0x1] =	wrdreg $0xFFFFFFFF  }
0xc2: {  	_ =	task.clear_ibuf [dreg:s6], $0x2FFFF;
	_ =	strace $0x9FFFFFFF  }
0xc3: {  	(tm) =	ssettm $0x7FFFFFFF  }
tec
execute0_lowered:
.L_overlay_start_1:
0x0: {  	(tag) =	ssettag $0x1  }
0x1: {  	s5 =	rddreg [dreg:$0x0];
	s1 =	srdreg.scid  }
0x2: {  	s0 =	stileid.u32;
	s2 =	rddreg [dreg:$0x1]  }
0x3: {  	s3 =	rddreg [dreg:$0x2];
	s6 =	smul.u32 $0x4E20, s0  }
0x4: {  	s4 =	simm.s32 $0x0;
	s1 =	sand.u32 $0x1, s1;
	s8 =	smul.u32 $0x280, s0  }
0x5: {  	[smem:$0x7FF] =	sst s4;
	s7 =	smul.u32 $0x2710, s1  }
0x6: {  	s9 =	sadd.s32 $0x1AE00, s5;
	s22 =	sshll.u32 s0, $0x6;
	s17 =	sshrl.u32 s8, $0x3  }
0x7: {  	_ =	strace $0x80000047;
	s6 =	sadd.s32 s7, s6;
	s7 =	sadd.s32 s17, s5  }
0x8: {  	[dreg:$0x4] =	wrdreg s9;
	s18 =	smul.u32 $0x5000, s1;
	s10 =	sadd.s32 $0x1A400, s7  }
0x9: {  	s6 =	sshrl.u32 s6, $0x3;
	s7 =	sadd.s32 $0x1A900, s7;
	[dreg:$0x5] =	wrdreg s10  }
0xa: {  	s9 =	sadd.s32 s8, s18;
	s6 =	sadd.s32 s6, s5;
	[dreg:$0x6] =	wrdreg s7  }
0xb: {  	s9 =	sshrl.u32 s9, $0x3;
	s19 =	sadd.s32 $0x6A00, s6;
	s10 =	rddreg [dreg:$0x5]  }
0xc: {  	s20 =	sadd.s32 s9, s5;
	s6 =	sadd.s32 $0x10640, s6;
	[dreg:$0x7] =	wrdreg s19  }
0xd: {  	s21 =	sadd.s32 s8, s2;
	s23 =	sadd.s32 $0x1B000, s20;
	[dreg:$0x8] =	wrdreg s6  }
0xe: {  	s5 =	sor.u32 $0x1C01, s22;
	s24 =	sadd.s32 $0x1B500, s20;
	[dreg:$0x9] =	wrdreg s23  }
0xf: {  	s7 =	sshrl.u32 s21, $0x3;
	[dreg:$0xa] =	wrdreg s24;
	s6 =	simm.s32 $0x1  }
0x10: {  	[spmem:s7], [sflag:s5] =	dma.local [hbm:s10], $0x50  }
0x11: {  	_ =	swait.ge [sflag:s6], $0x50  }
0x12: {  	s8 =	sadd.s32 s8, s3;
	[sflag:s6] =	ssyncset.done $0x0  }
0x13: {  	s8 =	sshrl.u32 s8, $0x3;
	s25 =	rddreg [dreg:$0x6];
	[sflag:s6] =	ssyncadd.s32 $0xFFFFFFB0  }
0x14: {  	[spmem:s8], [sflag:s5] =	dma.local [hbm:s25], $0x50  }
0x15: {  	_ =	swait.ge [sflag:s6], $0x50  }
0x16: {  	[sflag:s6] =	ssyncset.done $0x0  }
0x17: {  	s9 =	simm.s32 $0x500;
	s26 =	rddreg [dreg:$0x7];
	[sflag:s6] =	ssyncadd.s32 $0xFFFFFFB0  }
0x18: {  	[tilespmem:s9], [sflag:$0x1] =	stream.linear.gather [hbm4b:s26+s4], $0x2710, $0x38;
	[tilespmem:$0x5708] =	vst v63  }
0x19: {  	_ =	swait.ge [sflag:s6], $0x2710  }
0x1a: {  	[sflag:s6] =	ssyncset.done $0x0  }
0x1b: {  	s10 =	simm.s32 $0x2C10;
	s11 =	rddreg [dreg:$0x8];
	[sflag:s6] =	ssyncadd.s32 $0xFFFFD8F0  }
0x1c: {  	[tilespmem:s10], [sflag:$0x1] =	stream.linear.gather [hbm4b:s11+s4], $0x2710, $0x38;
	[tilespmem:$0x5708] =	vst v63  }
0x1d: {  	_ =	swait.ge [sflag:s6], $0x2710  }
0x1e: {  	[sflag:s6] =	ssyncset.done $0x0  }
0x1f: {  	s11 =	simm.s32 $0x5320;
	s12 =	rddreg [dreg:$0x4];
	[sflag:s6] =	ssyncadd.s32 $0xFFFFD8F0  }
0x20: {  	[tilespmem:s11], [sflag:$0x1] =	stream.linear.gather [hbm4b:s12+s4], $0x3E8, $0x38;
	[tilespmem:$0x5708] =	vst v63  }
0x21: {  	_ =	swait.ge [sflag:s6], $0x3E8  }
0x22: {  	[sflag:s6] =	ssyncset.done $0x0  }
0x23: {  	[sflag:s6] =	ssyncadd.s32 $0xFFFFFC18  }
0x24: {  	s12 =	simm.s32 $0x3E8;
	[bflag:$0x0] =	sbarrier.arrive $0xFFFF  }
0x25: {  	[spmem:s2] =	stream.indirect.scatter.add.f32 [tilespmem:s11], [sflag:$0x1], $0x1, s9, s12, $0xb8;
	[tilespmem:$0x5708] =	vst v63  }
0x26: {  	_ =	swait.ge [sflag:s6], $0x3E8  }
0x27: {  	[sflag:s6] =	ssyncset.done $0x0  }
0x28: {  	[sflag:s6] =	ssyncadd.s32 $0xFFFFFC18  }
0x29: {  	[spmem:s3] =	stream.indirect.scatter.add.f32 [tilespmem:s11], [sflag:$0x1], $0x1, s10, s12, $0xb8;
	[tilespmem:$0x5708] =	vst v63  }
0x2a: {  	_ =	swait.ge [sflag:s6], $0x3E8  }
0x2b: {  	[sflag:s6] =	ssyncset.done $0x0  }
0x2c: {  	s13 =	simm.s32 $0x8E8;
	[sflag:s6] =	ssyncadd.s32 $0xFFFFFC18  }
0x2d: {  	[spmem:s2] =	stream.indirect.scatter.add.f32 [tilespmem:s11], [sflag:$0x1], $0x1, s13, s12, $0xb8;
	[tilespmem:$0x5708] =	vst v63  }
0x2e: {  	_ =	swait.ge [sflag:s6], $0x3E8  }
0x2f: {  	[sflag:s6] =	ssyncset.done $0x0  }
0x30: {  	s14 =	simm.s32 $0x2FF8;
	[sflag:s6] =	ssyncadd.s32 $0xFFFFFC18  }
0x31: {  	[spmem:s3] =	stream.indirect.scatter.add.f32 [tilespmem:s11], [sflag:$0x1], $0x1, s14, s12, $0xb8;
	[tilespmem:$0x5708] =	vst v63  }
0x32: {  	_ =	swait.ge [sflag:s6], $0x3E8  }
0x33: {  	[sflag:s6] =	ssyncset.done $0x0  }
0x34: {  	s15 =	simm.s32 $0xCD0;
	[sflag:s6] =	ssyncadd.s32 $0xFFFFFC18  }
0x35: {  	[spmem:s2] =	stream.indirect.scatter.add.f32 [tilespmem:s11], [sflag:$0x1], $0x1, s15, s12, $0xb8;
	[tilespmem:$0x5708] =	vst v63  }
0x36: {  	_ =	swait.ge [sflag:s6], $0x3E8  }
0x37: {  	[sflag:s6] =	ssyncset.done $0x0  }
0x38: {  	s16 =	simm.s32 $0x33E0;
	[sflag:s6] =	ssyncadd.s32 $0xFFFFFC18  }
0x39: {  	[spmem:s3] =	stream.indirect.scatter.add.f32 [tilespmem:s11], [sflag:$0x1], $0x1, s16, s12, $0xb8;
	[tilespmem:$0x5708] =	vst v63  }
0x3a: {  	_ =	swait.ge [sflag:s6], $0x3E8  }
0x3b: {  	[sflag:s6] =	ssyncset.done $0x0  }
0x3c: {  	s17 =	simm.s32 $0x10B8;
	[sflag:s6] =	ssyncadd.s32 $0xFFFFFC18  }
0x3d: {  	[spmem:s2] =	stream.indirect.scatter.add.f32 [tilespmem:s11], [sflag:$0x1], $0x1, s17, s12, $0xb8;
	[tilespmem:$0x5708] =	vst v63  }
0x3e: {  	_ =	swait.ge [sflag:s6], $0x3E8  }
0x3f: {  	[sflag:s6] =	ssyncset.done $0x0  }
0x40: {  	s18 =	simm.s32 $0x37C8;
	[sflag:s6] =	ssyncadd.s32 $0xFFFFFC18  }
0x41: {  	[spmem:s3] =	stream.indirect.scatter.add.f32 [tilespmem:s11], [sflag:$0x1], $0x1, s18, s12, $0xb8;
	[tilespmem:$0x5708] =	vst v63  }
0x42: {  	_ =	swait.ge [sflag:s6], $0x3E8  }
0x43: {  	[sflag:s6] =	ssyncset.done $0x0  }
0x44: {  	s19 =	simm.s32 $0x14A0;
	[sflag:s6] =	ssyncadd.s32 $0xFFFFFC18  }
0x45: {  	[spmem:s2] =	stream.indirect.scatter.add.f32 [tilespmem:s11], [sflag:$0x1], $0x1, s19, s12, $0xb8;
	[tilespmem:$0x5708] =	vst v63  }
0x46: {  	_ =	swait.ge [sflag:s6], $0x3E8  }
0x47: {  	[sflag:s6] =	ssyncset.done $0x0  }
0x48: {  	s20 =	simm.s32 $0x3BB0;
	[sflag:s6] =	ssyncadd.s32 $0xFFFFFC18  }
0x49: {  	[spmem:s3] =	stream.indirect.scatter.add.f32 [tilespmem:s11], [sflag:$0x1], $0x1, s20, s12, $0xb8;
	[tilespmem:$0x5708] =	vst v63  }
0x4a: {  	_ =	swait.ge [sflag:s6], $0x3E8  }
0x4b: {  	[sflag:s6] =	ssyncset.done $0x0  }
0x4c: {  	s21 =	simm.s32 $0x1888;
	[sflag:s6] =	ssyncadd.s32 $0xFFFFFC18  }
0x4d: {  	[spmem:s2] =	stream.indirect.scatter.add.f32 [tilespmem:s11], [sflag:$0x1], $0x1, s21, s12, $0xb8;
	[tilespmem:$0x5708] =	vst v63  }
0x4e: {  	_ =	swait.ge [sflag:s6], $0x3E8  }
0x4f: {  	[sflag:s6] =	ssyncset.done $0x0  }
0x50: {  	s22 =	simm.s32 $0x3F98;
	[sflag:s6] =	ssyncadd.s32 $0xFFFFFC18  }
0x51: {  	[spmem:s3] =	stream.indirect.scatter.add.f32 [tilespmem:s11], [sflag:$0x1], $0x1, s22, s12, $0xb8;
	[tilespmem:$0x5708] =	vst v63  }
0x52: {  	_ =	swait.ge [sflag:s6], $0x3E8  }
0x53: {  	[sflag:s6] =	ssyncset.done $0x0  }
0x54: {  	s23 =	simm.s32 $0x1C70;
	[sflag:s6] =	ssyncadd.s32 $0xFFFFFC18  }
0x55: {  	[spmem:s2] =	stream.indirect.scatter.add.f32 [tilespmem:s11], [sflag:$0x1], $0x1, s23, s12, $0xb8;
	[tilespmem:$0x5708] =	vst v63  }
0x56: {  	_ =	swait.ge [sflag:s6], $0x3E8  }
0x57: {  	[sflag:s6] =	ssyncset.done $0x0  }
0x58: {  	s24 =	simm.s32 $0x4380;
	[sflag:s6] =	ssyncadd.s32 $0xFFFFFC18  }
0x59: {  	[spmem:s3] =	stream.indirect.scatter.add.f32 [tilespmem:s11], [sflag:$0x1], $0x1, s24, s12, $0xb8;
	[tilespmem:$0x5708] =	vst v63  }
0x5a: {  	_ =	swait.ge [sflag:s6], $0x3E8  }
0x5b: {  	[sflag:s6] =	ssyncset.done $0x0  }
0x5c: {  	s25 =	simm.s32 $0x2058;
	[sflag:s6] =	ssyncadd.s32 $0xFFFFFC18  }
0x5d: {  	[spmem:s2] =	stream.indirect.scatter.add.f32 [tilespmem:s11], [sflag:$0x1], $0x1, s25, s12, $0xb8;
	[tilespmem:$0x5708] =	vst v63  }
0x5e: {  	_ =	swait.ge [sflag:s6], $0x3E8  }
0x5f: {  	[sflag:s6] =	ssyncset.done $0x0  }
0x60: {  	s26 =	simm.s32 $0x4768;
	[sflag:s6] =	ssyncadd.s32 $0xFFFFFC18  }
0x61: {  	[spmem:s3] =	stream.indirect.scatter.add.f32 [tilespmem:s11], [sflag:$0x1], $0x1, s26, s12, $0xb8;
	[tilespmem:$0x5708] =	vst v63  }
0x62: {  	_ =	swait.ge [sflag:s6], $0x3E8  }
0x63: {  	[sflag:s6] =	ssyncset.done $0x0  }
0x64: {  	s28 =	simm.s32 $0x2440;
	[sflag:s6] =	ssyncadd.s32 $0xFFFFFC18  }
0x65: {  	[spmem:s2] =	stream.indirect.scatter.add.f32 [tilespmem:s11], [sflag:$0x1], $0x1, s28, s12, $0xb8;
	[tilespmem:$0x5708] =	vst v63  }
0x66: {  	_ =	swait.ge [sflag:s6], $0x3E8  }
0x67: {  	[sflag:s6] =	ssyncset.done $0x0  }
0x68: {  	s29 =	simm.s32 $0x4B50;
	[sflag:s6] =	ssyncadd.s32 $0xFFFFFC18  }
0x69: {  	[spmem:s3] =	stream.indirect.scatter.add.f32 [tilespmem:s11], [sflag:$0x1], $0x1, s29, s12, $0xb8;
	[tilespmem:$0x5708] =	vst v63  }
0x6a: {  	_ =	swait.ge [sflag:s6], $0x3E8  }
0x6b: {  	[sflag:s6] =	ssyncset.done $0x0  }
0x6c: {  	s30 =	simm.s32 $0x2828;
	[sflag:s6] =	ssyncadd.s32 $0xFFFFFC18  }
0x6d: {  	[spmem:s2] =	stream.indirect.scatter.add.f32 [tilespmem:s11], [sflag:$0x1], $0x1, s30, s12, $0xb8;
	[tilespmem:$0x5708] =	vst v63  }
0x6e: {  	_ =	swait.ge [sflag:s6], $0x3E8  }
0x6f: {  	[sflag:s6] =	ssyncset.done $0x0  }
0x70: {  	s31 =	simm.s32 $0x4F38;
	[sflag:s6] =	ssyncadd.s32 $0xFFFFFC18  }
0x71: {  	[spmem:s3] =	stream.indirect.scatter.add.f32 [tilespmem:s11], [sflag:$0x1], $0x1, s31, s12, $0xb8;
	[tilespmem:$0x5708] =	vst v63  }
0x72: {  	_ =	swait.ge [sflag:s6], $0x3E8  }
0x73: {  	[sflag:s6] =	ssyncset.done $0x0  }
0x74: {  	[sflag:s6] =	ssyncadd.s32 $0xFFFFFC18  }
0x75: {  	[bflag:$0x0] =	sbarrier.arrive $0xFFFF  }
0x76: {  	s0 =	rddreg [dreg:$0x9]  }
0x77: {  	[hbm:s0], [sflag:s5] =	dma.local [spmem:s7], $0x50  }
0x78: {  	_ =	swait.ge [sflag:s6], $0x50  }
0x79: {  	s0 =	ssub.s32 $0x2, s1;
	s1 =	rddreg [dreg:$0xa]  }
0x7a: {  	[dreg:$0xb] =	wrdreg s1;
	s1 =	sshrl.u32 s0, $0x1  }
0x7b: {  	s0 =	ssub.s32 s0, s1  }
0x7c: {  	s0 =	smax.u32 s0, $0x1  }
0x7d: {  	p0 =	sne.s32 s0, $0x1  }
.Ltmp0:
0x7e: {  	_ = 	snop;
	(pc) =	sbr.rel @!p0 .LBB2_2-.Ltmp0, $4  }
0x7f: {  	[sflag:s6] =	ssyncset.done $0x0  }
0x80: {  	[sflag:s6] =	ssyncadd.s32 $0xFFFFFFB0;
	s1 =	rddreg [dreg:$0xb]  }
0x81: {  	[hbm:s1], [sflag:s5] =	dma.local [spmem:s8], $0x50  }
0x82: {  	s1 =	sadd.s32 $0xFFFFFFFF, s0;
	_ =	swait.ge [sflag:s6], $0x50  }
.LBB2_1:
0x83: {  	[sflag:s6] =	ssyncset.done $0x0  }
0x84: {  	s0 =	rddreg [dreg:$0x5];
	[sflag:s6] =	ssyncadd.s32 $0xFFFFFFB0  }
0x85: {  	[spmem:s7], [sflag:s5] =	dma.local [hbm:s0], $0x50  }
0x86: {  	_ =	swait.ge [sflag:s6], $0x50  }
0x87: {  	[sflag:s6] =	ssyncset.done $0x0  }
0x88: {  	s0 =	rddreg [dreg:$0x6];
	[sflag:s6] =	ssyncadd.s32 $0xFFFFFFB0  }
0x89: {  	[spmem:s8], [sflag:s5] =	dma.local [hbm:s0], $0x50  }
0x8a: {  	_ =	swait.ge [sflag:s6], $0x50  }
0x8b: {  	[sflag:s6] =	ssyncset.done $0x0  }
0x8c: {  	s0 =	rddreg [dreg:$0x7];
	[sflag:s6] =	ssyncadd.s32 $0xFFFFFFB0  }
0x8d: {  	[tilespmem:s9], [sflag:$0x1] =	stream.linear.gather [hbm4b:s0+s4], $0x2710, $0x38;
	[tilespmem:$0x5708] =	vst v63  }
0x8e: {  	_ =	swait.ge [sflag:s6], $0x2710  }
0x8f: {  	[sflag:s6] =	ssyncset.done $0x0  }
0x90: {  	s0 =	rddreg [dreg:$0x8];
	[sflag:s6] =	ssyncadd.s32 $0xFFFFD8F0  }
0x91: {  	[tilespmem:s10], [sflag:$0x1] =	stream.linear.gather [hbm4b:s0+s4], $0x2710, $0x38;
	[tilespmem:$0x5708] =	vst v63  }
0x92: {  	_ =	swait.ge [sflag:s6], $0x2710  }
0x93: {  	[sflag:s6] =	ssyncset.done $0x0  }
0x94: {  	s0 =	rddreg [dreg:$0x4];
	[sflag:s6] =	ssyncadd.s32 $0xFFFFD8F0  }
0x95: {  	[tilespmem:s11], [sflag:$0x1] =	stream.linear.gather [hbm4b:s0+s4], $0x3E8, $0x38;
	[tilespmem:$0x5708] =	vst v63  }
0x96: {  	_ =	swait.ge [sflag:s6], $0x3E8  }
0x97: {  	[sflag:s6] =	ssyncset.done $0x0  }
0x98: {  	[sflag:s6] =	ssyncadd.s32 $0xFFFFFC18  }
0x99: {  	[bflag:$0x0] =	sbarrier.arrive $0xFFFF  }
0x9a: {  	[spmem:s2] =	stream.indirect.scatter.add.f32 [tilespmem:s11], [sflag:$0x1], $0x1, s9, s12, $0xb8;
	[tilespmem:$0x5708] =	vst v63  }
0x9b: {  	_ =	swait.ge [sflag:s6], $0x3E8  }
0x9c: {  	[sflag:s6] =	ssyncset.done $0x0  }
0x9d: {  	[sflag:s6] =	ssyncadd.s32 $0xFFFFFC18  }
0x9e: {  	[spmem:s3] =	stream.indirect.scatter.add.f32 [tilespmem:s11], [sflag:$0x1], $0x1, s10, s12, $0xb8;
	[tilespmem:$0x5708] =	vst v63  }
0x9f: {  	_ =	swait.ge [sflag:s6], $0x3E8  }
0xa0: {  	[sflag:s6] =	ssyncset.done $0x0  }
0xa1: {  	[sflag:s6] =	ssyncadd.s32 $0xFFFFFC18  }
0xa2: {  	[spmem:s2] =	stream.indirect.scatter.add.f32 [tilespmem:s11], [sflag:$0x1], $0x1, s13, s12, $0xb8;
	[tilespmem:$0x5708] =	vst v63  }
0xa3: {  	_ =	swait.ge [sflag:s6], $0x3E8  }
0xa4: {  	[sflag:s6] =	ssyncset.done $0x0  }
0xa5: {  	[sflag:s6] =	ssyncadd.s32 $0xFFFFFC18  }
0xa6: {  	[spmem:s3] =	stream.indirect.scatter.add.f32 [tilespmem:s11], [sflag:$0x1], $0x1, s14, s12, $0xb8;
	[tilespmem:$0x5708] =	vst v63  }
0xa7: {  	_ =	swait.ge [sflag:s6], $0x3E8  }
0xa8: {  	[sflag:s6] =	ssyncset.done $0x0  }
0xa9: {  	[sflag:s6] =	ssyncadd.s32 $0xFFFFFC18  }
0xaa: {  	[spmem:s2] =	stream.indirect.scatter.add.f32 [tilespmem:s11], [sflag:$0x1], $0x1, s15, s12, $0xb8;
	[tilespmem:$0x5708] =	vst v63  }
0xab: {  	_ =	swait.ge [sflag:s6], $0x3E8  }
0xac: {  	[sflag:s6] =	ssyncset.done $0x0  }
0xad: {  	[sflag:s6] =	ssyncadd.s32 $0xFFFFFC18  }
0xae: {  	[spmem:s3] =	stream.indirect.scatter.add.f32 [tilespmem:s11], [sflag:$0x1], $0x1, s16, s12, $0xb8;
	[tilespmem:$0x5708] =	vst v63  }
0xaf: {  	_ =	swait.ge [sflag:s6], $0x3E8  }
0xb0: {  	[sflag:s6] =	ssyncset.done $0x0  }
0xb1: {  	[sflag:s6] =	ssyncadd.s32 $0xFFFFFC18  }
0xb2: {  	[spmem:s2] =	stream.indirect.scatter.add.f32 [tilespmem:s11], [sflag:$0x1], $0x1, s17, s12, $0xb8;
	[tilespmem:$0x5708] =	vst v63  }
0xb3: {  	_ =	swait.ge [sflag:s6], $0x3E8  }
0xb4: {  	[sflag:s6] =	ssyncset.done $0x0  }
0xb5: {  	[sflag:s6] =	ssyncadd.s32 $0xFFFFFC18  }
0xb6: {  	[spmem:s3] =	stream.indirect.scatter.add.f32 [tilespmem:s11], [sflag:$0x1], $0x1, s18, s12, $0xb8;
	[tilespmem:$0x5708] =	vst v63  }
0xb7: {  	_ =	swait.ge [sflag:s6], $0x3E8  }
0xb8: {  	[sflag:s6] =	ssyncset.done $0x0  }
0xb9: {  	[sflag:s6] =	ssyncadd.s32 $0xFFFFFC18  }
0xba: {  	[spmem:s2] =	stream.indirect.scatter.add.f32 [tilespmem:s11], [sflag:$0x1], $0x1, s19, s12, $0xb8;
	[tilespmem:$0x5708] =	vst v63  }
0xbb: {  	_ =	swait.ge [sflag:s6], $0x3E8  }
0xbc: {  	[sflag:s6] =	ssyncset.done $0x0  }
0xbd: {  	[sflag:s6] =	ssyncadd.s32 $0xFFFFFC18  }
0xbe: {  	[spmem:s3] =	stream.indirect.scatter.add.f32 [tilespmem:s11], [sflag:$0x1], $0x1, s20, s12, $0xb8;
	[tilespmem:$0x5708] =	vst v63  }
0xbf: {  	_ =	swait.ge [sflag:s6], $0x3E8  }
0xc0: {  	[sflag:s6] =	ssyncset.done $0x0  }
0xc1: {  	[sflag:s6] =	ssyncadd.s32 $0xFFFFFC18  }
0xc2: {  	[spmem:s2] =	stream.indirect.scatter.add.f32 [tilespmem:s11], [sflag:$0x1], $0x1, s21, s12, $0xb8;
	[tilespmem:$0x5708] =	vst v63  }
0xc3: {  	_ =	swait.ge [sflag:s6], $0x3E8  }
0xc4: {  	[sflag:s6] =	ssyncset.done $0x0  }
0xc5: {  	[sflag:s6] =	ssyncadd.s32 $0xFFFFFC18  }
0xc6: {  	[spmem:s3] =	stream.indirect.scatter.add.f32 [tilespmem:s11], [sflag:$0x1], $0x1, s22, s12, $0xb8;
	[tilespmem:$0x5708] =	vst v63  }
0xc7: {  	_ =	swait.ge [sflag:s6], $0x3E8  }
0xc8: {  	[sflag:s6] =	ssyncset.done $0x0  }
0xc9: {  	[sflag:s6] =	ssyncadd.s32 $0xFFFFFC18  }
0xca: {  	[spmem:s2] =	stream.indirect.scatter.add.f32 [tilespmem:s11], [sflag:$0x1], $0x1, s23, s12, $0xb8;
	[tilespmem:$0x5708] =	vst v63  }
0xcb: {  	_ =	swait.ge [sflag:s6], $0x3E8  }
0xcc: {  	[sflag:s6] =	ssyncset.done $0x0  }
0xcd: {  	[sflag:s6] =	ssyncadd.s32 $0xFFFFFC18  }
0xce: {  	[spmem:s3] =	stream.indirect.scatter.add.f32 [tilespmem:s11], [sflag:$0x1], $0x1, s24, s12, $0xb8;
	[tilespmem:$0x5708] =	vst v63  }
0xcf: {  	_ =	swait.ge [sflag:s6], $0x3E8  }
0xd0: {  	[sflag:s6] =	ssyncset.done $0x0  }
0xd1: {  	[sflag:s6] =	ssyncadd.s32 $0xFFFFFC18  }
0xd2: {  	[spmem:s2] =	stream.indirect.scatter.add.f32 [tilespmem:s11], [sflag:$0x1], $0x1, s25, s12, $0xb8;
	[tilespmem:$0x5708] =	vst v63  }
0xd3: {  	_ =	swait.ge [sflag:s6], $0x3E8  }
0xd4: {  	[sflag:s6] =	ssyncset.done $0x0  }
0xd5: {  	[sflag:s6] =	ssyncadd.s32 $0xFFFFFC18  }
0xd6: {  	[spmem:s3] =	stream.indirect.scatter.add.f32 [tilespmem:s11], [sflag:$0x1], $0x1, s26, s12, $0xb8;
	[tilespmem:$0x5708] =	vst v63  }
0xd7: {  	_ =	swait.ge [sflag:s6], $0x3E8  }
0xd8: {  	[sflag:s6] =	ssyncset.done $0x0  }
0xd9: {  	[sflag:s6] =	ssyncadd.s32 $0xFFFFFC18  }
0xda: {  	[spmem:s2] =	stream.indirect.scatter.add.f32 [tilespmem:s11], [sflag:$0x1], $0x1, s28, s12, $0xb8;
	[tilespmem:$0x5708] =	vst v63  }
0xdb: {  	_ =	swait.ge [sflag:s6], $0x3E8  }
0xdc: {  	[sflag:s6] =	ssyncset.done $0x0  }
0xdd: {  	[sflag:s6] =	ssyncadd.s32 $0xFFFFFC18  }
0xde: {  	[spmem:s3] =	stream.indirect.scatter.add.f32 [tilespmem:s11], [sflag:$0x1], $0x1, s29, s12, $0xb8;
	[tilespmem:$0x5708] =	vst v63  }
0xdf: {  	_ =	swait.ge [sflag:s6], $0x3E8  }
0xe0: {  	[sflag:s6] =	ssyncset.done $0x0  }
0xe1: {  	[sflag:s6] =	ssyncadd.s32 $0xFFFFFC18  }
0xe2: {  	[spmem:s2] =	stream.indirect.scatter.add.f32 [tilespmem:s11], [sflag:$0x1], $0x1, s30, s12, $0xb8;
	[tilespmem:$0x5708] =	vst v63  }
0xe3: {  	_ =	swait.ge [sflag:s6], $0x3E8  }
0xe4: {  	[sflag:s6] =	ssyncset.done $0x0  }
0xe5: {  	[sflag:s6] =	ssyncadd.s32 $0xFFFFFC18  }
0xe6: {  	[spmem:s3] =	stream.indirect.scatter.add.f32 [tilespmem:s11], [sflag:$0x1], $0x1, s31, s12, $0xb8;
	[tilespmem:$0x5708] =	vst v63  }
0xe7: {  	_ =	swait.ge [sflag:s6], $0x3E8  }
0xe8: {  	[sflag:s6] =	ssyncset.done $0x0  }
0xe9: {  	[sflag:s6] =	ssyncadd.s32 $0xFFFFFC18  }
0xea: {  	[bflag:$0x0] =	sbarrier.arrive $0xFFFF  }
0xeb: {  	p0 =	sne.s32 s1, $0x1;
	s0 =	rddreg [dreg:$0x9]  }
0xec: {  	[hbm:s0], [sflag:s5] =	dma.local [spmem:s7], $0x50  }
.Ltmp1:
0xed: {  	_ =	swait.ge [sflag:s6], $0x50;
	(pc) =	sbr.rel @p0 .LBB2_1-.Ltmp1, $4  }
0xee: {  	[sflag:s6] =	ssyncset.done $0x0  }
0xef: {  	s0 =	rddreg [dreg:$0xa];
	[sflag:s6] =	ssyncadd.s32 $0xFFFFFFB0  }
0xf0: {  	[hbm:s0], [sflag:s5] =	dma.local [spmem:s8], $0x50  }
0xf1: {  	s1 =	sadd.s32 $0xFFFFFFFF, s1;
	_ =	swait.ge [sflag:s6], $0x50  }
.LBB2_2:
0xf2: {  	[sflag:s6] =	ssyncset.done $0x0  }
0xf3: {  	[sflag:s6] =	ssyncadd.s32 $0xFFFFFFB0  }
0xf4: {  	_ =	sfence.sel $0x180000  }
0xf5: {  	[bflag:$0x0] =	sbarrier.arrive $0xFFFF  }
0xf6: {  	_ =	strace $0x90000047  }
0xf7: {  	s0 =	stileid.u32;
	[bflag:$0x2] =	sbarrier.arrive $0xFFFF  }
0xf8: {  	p0 =	sne.s32 s0, $0x0;
	s0 =	rddreg [dreg:$0x3]  }
0xf9: {  	s0 =	sadd.s32 @!p0 $0x100000, s0  }
0xfa: {  	[sflag:s0] =	ssyncadd.tile.s32 @!p0 $0x1;
	_ =	shalt  }
.Lfunc_end2:
_tile_overlayer_lowered:
.L_overlay_start_2:
0xfb: {  	(tag) =	ssettag $0x2  }
0xfc: {  	s0 =	rddreg [dreg:$0x0];
	s2 =	stileid.u32  }
0xfd: {  	s1 =	rddreg [dreg:$0x1];
	p0 =	sne.s32 s2, $0x0  }
0xfe: {  	s3 =	rddreg [dreg:$0x2];
	[bflag:$0x3] =	sbarrier.arrive $0xFFFF;
	s2 =	simm.s32 @!p0 $0x1C01  }
0xff: {  	[timem:s3], [sflag:s2] =	dma.local @!p0 [hbm:s0], s1  }
0x100: {  	s0 =	simm.s32 @!p0 $0x1  }
0x101: {  	_ =	swait.ge @!p0 [sflag:s0], s1  }
0x102: {  	s1 =	ssub.s32 @!p0 $0x0, s1;
	[sflag:s0] =	ssyncset.done @!p0 $0x0  }
0x103: {  	[sflag:s0] =	ssyncadd.s32 @!p0 s1  }
0x104: {  	[bflag:$0x3] =	sbarrier.arrive $0xFFFF  }
0x105: {  	_ =	shalt  }

// kernel: kernel.13.cloned.1.call-start
scs
__scs_entry_jumppad:
0x0: {  	(pc) =	sbr.rel $0x88, $3  }
0x1: {  	(tag) =	ssettag $0x0;
	lr =	simm.s32 $0x1  }
0x2: {  	[smem:$0x3F90] =	sst lr;
	_ =	strace $0xD0000000  }
0x3: {  	_ = 	snop  }
0x4: {  	_ = 	snop  }
0x5: {  	_ = 	snop  }
0x6: {  	_ = 	snop  }
0x7: {  	_ = 	snop  }
__scs_overlays_trampoline_lowered:
0x8: {  	[smem:$0x3F9F] =	sst s0  }
0x9: {  	[smem:$0x3FA0] =	sst s1  }
0xa: {  	[smem:$0x3FA1] =	sst s2  }
0xb: {  	[smem:$0x3FA2] =	sst s3  }
0xc: {  	[smem:$0x3FA3] =	sst s4  }
0xd: {  	[smem:$0x3FA4] =	sst s5  }
0xe: {  	[smem:$0x3FA5] =	sst s6  }
0xf: {  	[smem:$0x3FA6] =	sst s7  }
0x10: {  	[smem:$0x3FA7] =	sst s8  }
0x11: {  	[smem:$0x3FA8] =	sst s9;
	s0 =	simm.s32 @!p0 $0x0  }
0x12: {  	s1 =	sld [smem:$0x3F8E];
	s0 =	simm.s32 @p0 $0x1  }
0x13: {  	[smem:$0x3FA9] =	sst s0;
	s0 =	simm.s32 @!p1 $0x0  }
0x14: {  	s2 =	sld [smem:$0x3F8D];
	s0 =	simm.s32 @p1 $0x1  }
0x15: {  	[smem:$0x3FAA] =	sst s0;
	s0 =	simm.s32 @!p2 $0x0  }
0x16: {  	s3 =	sld [smem:$0x3FDB];
	s0 =	simm.s32 @p2 $0x1  }
0x17: {  	s4 =	simm.s32 $0x1BF5;
	[smem:$0x3FAC] =	sst s0  }
0x18: {  	s0 =	sld [smem:$0x3F8F];
	_ =	swait.ge [sflag:s4], $0x0  }
0x19: {  	s7 =	sld [smem:$0x3F90]  }
0x1a: {  	s8 =	sadd.s32 $0xFFFFE003, lr  }
0x1b: {  	s9 =	sadd.s32 $0xFFFFFEF7, lr;
	s5 =	simm.s32 $0xFFFFFFFF;
	p2 =	slt.u32 s8, $0xFFFFF086  }
0x1c: {  	p1 =	slt.u32 s9, $0xF7A;
	s5 =	simm.s32 @!p2 $0x0  }
0x1d: {  	s5 =	simm.s32 @p1 $0x1;
	p0 =	seq.s32 s7, s2  }
0x1e: {  	s7 =	smul.u32 @!p0 $0xF7A, s2;
	p2 =	seq.s32 @!p0 s5, $0x0  }
0x1f: {  	s9 =	smul.u32 $0xF7A, s1;
	s8 =	simm.s32 @!p0 $0x1BF5;
	p2 =	por !p2, p0  }
0x20: {  	[sflag:s8] =	ssyncset.s32 @!p0 $0xFFFFF086;
	s6 =	sadd.s32 @!p0 s3, s7;
	s7 =	simm.s32 @!p0 $0x108  }
0x21: {  	s3 =	sadd.s32 s3, s9;
	s6 =	sadd.s32 @!p0 $0x88, s6;
	s7 =	simm.s32 @p2 $0x1082  }
0x22: {  	[simem:s7], [sflag:s8] =	dma.local @!p0 [hbm:s6], $0xF7A  }
0x23: {  	s9 =	sor.u32 $0xD0000000, s2;
	s6 =	simm.s32 $0x108;
	_ =	swait.ge @!p0 [sflag:s8], $0x0  }
0x24: {  	s3 =	sadd.s32 $0x88, s3;
	s6 =	simm.s32 @!p1 $0x1082;
	[sflag:s4] =	ssyncset.s32 $0xFFFFF086  }
0x25: {  	[simem:s6], [sflag:s4] =	dma.local [hbm:s3], $0xF7A  }
0x26: {  	[smem:$0x3F90] =	sst s1;
	(tag) =	ssettag s2;
	_ =	strace s9  }
0x27: {  	s1 =	sld [smem:$0x3FA0]  }
0x28: {  	s2 =	sld [smem:$0x3FA1]  }
0x29: {  	s4 =	sld [smem:$0x3FA3]  }
0x2a: {  	p0 =	seq.s32 s5, $0x0;
	s5 =	sld [smem:$0x3FA4]  }
0x2b: {  	s6 =	sld [smem:$0x3FA5]  }
0x2c: {  	s7 =	sld [smem:$0x3FA6]  }
0x2d: {  	s3 =	simm.s32 $0x108;
	s8 =	sld [smem:$0x3FA7]  }
0x2e: {  	s3 =	simm.s32 @!p0 $0x1082;
	s9 =	sld [smem:$0x3FA8]  }
0x2f: {  	lr =	sadd.s32 s0, s3;
	s0 =	sld [smem:$0x3F9F]  }
0x30: {  	s3 =	sld [smem:$0x3FA2]  }
0x31: {  	[smem:$0x3FAB] =	sst s10  }
0x32: {  	s10 =	sld [smem:$0x3FA9];
	_ =	sdelay $0x3  }
0x33: {  	p0 =	seq.s32 s10, $0x1;
	s10 =	sld [smem:$0x3FAB];
	_ =	sdelay $0x3  }
0x34: {  	[smem:$0x3FAB] =	sst s10  }
0x35: {  	s10 =	sld [smem:$0x3FAA];
	_ =	sdelay $0x3  }
0x36: {  	p1 =	seq.s32 s10, $0x1;
	s10 =	sld [smem:$0x3FAB];
	_ =	sdelay $0x3  }
0x37: {  	[smem:$0x3FAB] =	sst s10  }
0x38: {  	s10 =	sld [smem:$0x3FAC]  }
0x39: {  	_ = 	snop;
	(pc) =	sbr.ind lr, $3  }
0x3a: {  	_ = 	snop  }
0x3b: {  	_ = 	snop  }
0x3c: {  	p2 =	seq.s32 s10, $0x1;
	s10 =	sld [smem:$0x3FAB]  }
0x3d: {  	_ =	shalt  }
0x3e: {  	_ =	shalt  }
0x3f: {  	_ =	shalt  }
0x40: {  	_ =	shalt  }
0x41: {  	_ =	shalt  }
0x42: {  	_ =	shalt  }
0x43: {  	_ =	shalt  }
0x44: {  	_ =	shalt  }
0x45: {  	_ =	shalt  }
0x46: {  	_ =	shalt  }
0x47: {  	_ =	shalt  }
0x48: {  	_ =	shalt  }
0x49: {  	_ =	shalt  }
0x4a: {  	_ =	shalt  }
0x4b: {  	_ =	shalt  }
0x4c: {  	_ =	shalt  }
0x4d: {  	_ =	shalt  }
0x4e: {  	_ =	shalt  }
0x4f: {  	_ =	shalt  }
0x50: {  	_ =	shalt  }
0x51: {  	_ =	shalt  }
0x52: {  	_ =	shalt  }
0x53: {  	_ =	shalt  }
0x54: {  	_ =	shalt  }
0x55: {  	_ =	shalt  }
0x56: {  	_ =	shalt  }
0x57: {  	_ =	shalt  }
0x58: {  	_ =	shalt  }
0x59: {  	_ =	shalt  }
0x5a: {  	_ =	shalt  }
0x5b: {  	_ =	shalt  }
0x5c: {  	_ =	shalt  }
0x5d: {  	_ =	shalt  }
0x5e: {  	_ =	shalt  }
0x5f: {  	_ =	shalt  }
0x60: {  	_ =	shalt  }
0x61: {  	_ =	shalt  }
0x62: {  	_ =	shalt  }
0x63: {  	_ =	shalt  }
0x64: {  	_ =	shalt  }
0x65: {  	_ =	shalt  }
0x66: {  	_ =	shalt  }
0x67: {  	_ =	shalt  }
0x68: {  	_ =	shalt  }
0x69: {  	_ =	shalt  }
0x6a: {  	_ =	shalt  }
0x6b: {  	_ =	shalt  }
0x6c: {  	_ =	shalt  }
0x6d: {  	_ =	shalt  }
0x6e: {  	_ =	shalt  }
0x6f: {  	_ =	shalt  }
0x70: {  	_ =	shalt  }
0x71: {  	_ =	shalt  }
0x72: {  	_ =	shalt  }
0x73: {  	_ =	shalt  }
0x74: {  	_ =	shalt  }
0x75: {  	_ =	shalt  }
0x76: {  	_ =	shalt  }
0x77: {  	_ =	shalt  }
0x78: {  	_ =	shalt  }
0x79: {  	_ =	shalt  }
0x7a: {  	_ =	shalt  }
0x7b: {  	_ =	shalt  }
0x7c: {  	_ =	shalt  }
0x7d: {  	_ =	shalt  }
0x7e: {  	_ =	shalt  }
0x7f: {  	_ =	shalt  }
0x80: {  	_ =	shalt  }
0x81: {  	_ =	shalt  }
0x82: {  	_ =	shalt  }
0x83: {  	_ =	shalt  }
0x84: {  	_ =	shalt  }
0x85: {  	_ =	shalt  }
0x86: {  	_ =	shalt  }
0x87: {  	_ =	shalt  }
.Lfunc_end0:
.L_simem_size_0:
called_computation.1_lowered:
.L_overlay_start_0:
0x88: {  	s2 =	sld [smem:$0x3FD9]  }
0x89: {  	s3 =	sld [smem:$0x3FFE];
	_ =	sdelay $0x1  }
0x8a: {  	s1 =	srdreg.scid  }
0x8b: {  	s0 =	sand.u32 $0x1, s1  }
0x8c: {  	s16 =	sshll.u32 s0, $0xA;
	s2 =	sadd.s32 s3, s2  }
0x8d: {  	s2 =	sadd.s32 s2, s16  }
0x8e: {  	[smem:$0x3FB7] =	sst s2  }
0x8f: {  	_ = 	snop  }
0x90: {  	(tm) =	ssettm $0x1  }
0x91: {  	s17 =	sld [smem:$0x3FFB];
	_ =	sdelay $0x3  }
0x92: {  	_ =	strace s17  }
0x93: {  	s2 =	sld [smem:$0x3FFC];
	_ =	sdelay $0x3  }
0x94: {  	_ =	strace s2  }
0x95: {  	s2 =	sld [smem:$0x3FFD];
	_ =	sdelay $0x3  }
0x96: {  	_ =	strace s2  }
0x97: {  	_ =	strace $0x8FFFFFFF  }
0x98: {  	s18 =	sld [smem:$0x3FDB];
	_ =	sdelay $0x1  }
0x99: {  	s19 =	simm.s32 $_scs_section_size  }
0x9a: {  	s4 =	simm.s32 $_size__tile_overlayer_lowered;
	s5 =	simm.s32 $_tile_overlayer_lowered  }
0x9b: {  	s22 =	simm.s32 $0x1BFF;
	s21 =	sshll.u32 s5, $0x1;
	s2 =	sadd.s32 s19, s18  }
0x9c: {  	s6 =	simm.s32 $0x0;
	s20 =	sshll.u32 s4, $0x1;
	s4 =	sadd.s32 s21, s2  }
0x9d: {  	[timem:s6], [sflag:s22] =	dma.local [hbm:s4], s20  }
0x9e: {  	_ =	swait.ge [sflag:s22], s20  }
0x9f: {  	s3 =	ssub.s32 $0x0, s20;
	[sflag:s22] =	ssyncset.done $0x0  }
0xa0: {  	[sflag:s22] =	ssyncadd.s32 s3;
	_ =	sdelay $0x1  }
0xa1: {  	s23 =	simm.s32 $0x1B8B  }
0xa2: {  	_ =	swait.ge [sflag:s23], $0x1  }
0xa3: {  	[sflag:s23] =	ssyncset.done $0x0  }
0xa4: {  	s25 =	simm.s32 $0x1B8E;
	s24 =	sld [smem:$0x3FFE];
	[sflag:s23] =	ssyncadd.s32 $0xFFFFFFFF  }
0xa5: {  	s26 =	simm.s32 $execute0_lowered;
	[smem:$0x3FD2] =	sst s25  }
0xa6: {  	s4 =	sshll.u32 s26, $0x1;
	_ =	strace $0x80000049;
	[dreg:$0x1] =	wrdreg $0xFFFFFFFF  }
0xa7: {  	s28 =	simm.s32 $_size_execute0_lowered;
	s2 =	sadd.s32 s2, s4;
	[dreg:$0x0] =	wrdreg $0x0  }
0xa8: {  	s4 =	sshll.u32 s28, $0x1;
	[dreg:$0x2] =	wrdreg s2  }
0xa9: {  	[dreg:$0x3] =	wrdreg s4  }
0xaa: {  	[dreg:$0x4] =	wrdreg $0xC0  }
0xab: {  	_ =	task [dreg:s6], $0x5FFFF  }
0xac: {  	[dreg:$0x1] =	wrdreg $0xFFFFFFFF  }
0xad: {  	[dreg:$0x0] =	wrdreg $0x60  }
0xae: {  	[dreg:$0x2] =	wrdreg s24  }
0xaf: {  	[dreg:$0x3] =	wrdreg $0x0  }
0xb0: {  	[dreg:$0x4] =	wrdreg $0x28000  }
0xb1: {  	[dreg:$0x5] =	wrdreg $0x50000  }
0xb2: {  	[dreg:$0x6] =	wrdreg $0x9  }
0xb3: {  	_ =	task.clear_ibuf [dreg:s6], $0x7FFFF;
	_ =	strace $0x90000049  }
0xb4: {  	s29 =	simm.s32 $0x9;
	_ =	strace $0x8000004B  }
0xb5: {  	_ =	swait.ge [sflag:s29], $0x1  }
0xb6: {  	[sflag:s29] =	ssyncadd.s32 $0xFFFFFFFF  }
0xb7: {  	_ =	strace $0x9000004B  }
0xb8: {  	_ =	sfence  }
0xb9: {  	s30 =	sld [smem:$0x0];
	_ =	sdelay $0x2  }
0xba: {  	s31 =	sshll.u32 s1, $0xD;
	s1 =	sshrl.u32 s1, $0x2  }
0xbb: {  	s3 =	sand.u32 $0x4000, s31;
	s1 =	sadd.s32 s1, s30  }
0xbc: {  	s0 =	sor.u32 s3, s0;
	s1 =	sshll.u32 s1, $0x11  }
0xbd: {  	s0 =	sor.u32 s1, s0  }
0xbe: {  	s0 =	sadd.s32 $0x8F2B, s0  }
0xbf: {  	[sflag:s0] =	ssyncadd.remote.s32 $0x1  }
0xc0: {  	_ =	sfence.sel $0xFFFF  }
0xc1: {  	[dreg:$0x0] =	wrdreg $0xFFFFFFFF;
	(pc) =	sbr.abs _section_cstart, $3  }
0xc2: {  	[dreg:$0x1] =	wrdreg $0xFFFFFFFF  }
0xc3: {  	_ =	task.clear_ibuf [dreg:s6], $0x2FFFF;
	_ =	strace $0x9FFFFFFF  }
0xc4: {  	(tm) =	ssettm $0x7FFFFFFF  }
0xc5: {  	_ =	shalt  }
tec
execute0_lowered:
.L_overlay_start_1:
0x0: {  	(tag) =	ssettag $0x1  }
0x1: {  	s0 =	rddreg [dreg:$0x0]  }
0x2: {  	s1 =	rddreg [dreg:$0x1]  }
0x3: {  	s3 =	rddreg [dreg:$0x2]  }
0x4: {  	s2 =	rddreg [dreg:$0x3];
	s13 =	stileid.u32;
	s5 =	simm.s32 $0x0  }
0x5: {  	s4 =	srdreg.scid;
	s17 =	simm.s32 $0x3;
	s19 =	simm.s32 $0x7800  }
0x6: {  	s28 =	simm.s32 $0x2;
	s15 =	simm.s32 $0xBA68;
	s29 =	simm.s32 $0x19140  }
0x7: {  	s30 =	simm.s32 $0x0;
	s6 =	smul.u32 $0x4E20, s13;
	[smem:$0x7FF] =	sst s5  }
0x8: {  	s9 =	smul.u32 $0x2800, s13;
	s10 =	sand.u32 $0x1, s4;
	s4 =	sadd.s32 $0x1A400, s0  }
0x9: {  	s5 =	sadd.s32 $0x1F400, s0;
	s20 =	sshll.u32 s13, $0x6;
	s13 =	simm.s32 $0xAEB0  }
0xa: {  	_ =	strace $0x8000004A;
	s7 =	smul.u32 $0x28000, s10;
	s8 =	ssub.s32 $0x2, s10  }
0xb: {  	p0 =	seq.s32 s10, $0x1;
	s10 =	simm.s32 $0xA2F8;
	s6 =	sshrl.u32 s6, $0x3  }
0xc: {  	s11 =	sshrl.u32 s9, $0x3;
	s12 =	sshrl.u32 s8, $0x1;
	s14 =	sadd.s32 s9, s1  }
0xd: {  	s21 =	sadd.s32 s9, s3;
	s26 =	sadd.s32 s9, s2;
	s3 =	simm.s32 $0x9B28  }
0xe: {  	s6 =	sadd.s32 s6, s0;
	s7 =	sadd.s32 s9, s7;
	s11 =	sadd.s32 s11, s0  }
0xf: {  	s12 =	ssub.s32 s8, s12;
	s8 =	sor.u32 $0x1C03, s20;
	[dreg:$0xa] =	wrdreg s26  }
0x10: {  	[dreg:$0x5] =	wrdreg s14;
	s16 =	sshrl.u32 s14, $0x3;
	s18 =	sshrl.u32 s21, $0x3  }
0x11: {  	s21 =	simm.s32 $0x3E8;
	s20 =	simm.s32 $0x9740;
	s9 =	simm.s32 $0x9F10  }
0x12: {  	s14 =	simm.s32 $0xB298;
	s26 =	simm.s32 $0xC238;
	s22 =	sadd.s32 $0x6A00, s6  }
0x13: {  	s7 =	sshrl.u32 s7, $0x3;
	s23 =	sadd.s32 $0x10640, s6;
	[dreg:$0x6] =	wrdreg s22  }
0x14: {  	s25 =	sadd.s32 $0x24400, s11;
	s31 =	smax.u32 s12, $0x1;
	[dreg:$0x7] =	wrdreg s23  }
0x15: {  	s12 =	simm.s32 $0xAAC8;
	s6 =	simm.s32 $0xB680;
	[dreg:$0x9] =	wrdreg s25  }
0x16: {  	s0 =	sadd.s32 s7, s0;
	s7 =	sadd.s32 $0x29400, s11;
	[dreg:$0xc] =	wrdreg s31  }
0x17: {  	s22 =	simm.s32 $0x11440;
	s25 =	simm.s32 $0x1;
	s24 =	sadd.s32 $0x2E400, s0  }
0x18: {  	s11 =	simm.s32 $0xA6E0;
	s0 =	sadd.s32 $0x38400, s0;
	[dreg:$0x8] =	wrdreg s24  }
0x19: {  	s23 =	simm.s32 $0xBE50;
	[dreg:$0xb] =	wrdreg s0;
	s24 =	simm.s32 $0x152C0  }
.LBB2_1:
0x1a: {  	[spmem:s16], [sflag:s8] =	dma.local [hbm:s7], $0x500  }
0x1b: {  	_ =	swait.ge [sflag:s17], $0x500  }
0x1c: {  	[sflag:s17] =	ssyncset.done $0x0  }
0x1d: {  	[sflag:s17] =	ssyncadd.s32 $0xFFFFFB00  }
0x1e: {  	[spmem:s18], [sflag:s8] =	dma.local [hbm:s7], $0x500  }
0x1f: {  	_ =	swait.ge [sflag:s17], $0x500  }
0x20: {  	[sflag:s17] =	ssyncset.done $0x0  }
0x21: {  	s0 =	simm.s32 $0x0;
	s1 =	rddreg [dreg:$0x6];
	[sflag:s17] =	ssyncadd.s32 $0xFFFFFB00  }
0x22: {  	[tilespmem:s19], [sflag:$0x3] =	stream.linear.gather [hbm4b:s1+s0], $0x4E20, $0x38;
	[tilespmem:$0x1E140] =	vst v63  }
0x23: {  	_ =	swait.ge [sflag:s17], $0x4E20  }
0x24: {  	[sflag:s17] =	ssyncset.done $0x0  }
0x25: {  	s31 =	simm.s32 $0xC620;
	s1 =	rddreg [dreg:$0x7];
	[sflag:s17] =	ssyncadd.s32 $0xFFFFB1E0  }
0x26: {  	[tilespmem:s31], [sflag:$0x3] =	stream.linear.gather [hbm4b:s1+s0], $0x4E20, $0x38;
	[tilespmem:$0x1E140] =	vst v63  }
.Ltmp0:
0x27: {  	_ =	swait.ge [sflag:s17], $0x4E20;
	(pc) =	sbr.rel @!p0 .LBB2_2-.Ltmp0, $3  }
0x28: {  	[sflag:s17] =	ssyncset.done $0x0  }
0x29: {  	[sflag:s17] =	ssyncadd.s32 $0xFFFFB1E0  }
0x2a: {  	[bflag:$0x0] =	sbarrier.arrive $0xFFFF;
	_ =	sdelay $0x1  }
0x2b: {  	[tilespmem:s22], [sflag:$0x1] =	stream.indirect.gather [hbm4b:s5+s21], $0x10, s19, s21, $0xb8;
	[tilespmem:$0x1E140] =	vst v63  }
0x2c: {  	s0 =	simm.s32 $0x7BE8  }
0x2d: {  	[tilespmem:s24], [sflag:$0x2] =	stream.indirect.gather [hbm4b:s5+s21], $0x10, s0, s21, $0xb8;
	[tilespmem:$0x1E140] =	vst v63  }
0x2e: {  	_ =	swait.ge [sflag:s25], $0x3E80  }
0x2f: {  	[sflag:s25] =	ssyncset.done $0x0  }
0x30: {  	s1 =	simm.s32 $0x7FD0;
	[sflag:s25] =	ssyncadd.s32 $0xFFFFC180  }
0x31: {  	[tilespmem:s22], [sflag:$0x1] =	stream.indirect.gather [hbm4b:s5+s21], $0x10, s1, s21, $0xb8;
	[tilespmem:$0x1E140] =	vst v63  }
0x32: {  	_ =	swait.ge [sflag:s28], $0x3E80  }
0x33: {  	[sflag:s28] =	ssyncset.done $0x0  }
0x34: {  	s31 =	simm.s32 $0x83B8;
	[sflag:s28] =	ssyncadd.s32 $0xFFFFC180  }
0x35: {  	[tilespmem:s24], [sflag:$0x2] =	stream.indirect.gather [hbm4b:s5+s21], $0x10, s31, s21, $0xb8;
	[tilespmem:$0x1E140] =	vst v63  }
0x36: {  	_ =	swait.ge [sflag:s25], $0x3E80  }
0x37: {  	[sflag:s25] =	ssyncset.done $0x0  }
0x38: {  	s1 =	simm.s32 $0x87A0;
	[sflag:s25] =	ssyncadd.s32 $0xFFFFC180  }
0x39: {  	[tilespmem:s22], [sflag:$0x1] =	stream.indirect.gather [hbm4b:s5+s21], $0x10, s1, s21, $0xb8;
	[tilespmem:$0x1E140] =	vst v63  }
0x3a: {  	_ =	swait.ge [sflag:s28], $0x3E80  }
0x3b: {  	[sflag:s28] =	ssyncset.done $0x0  }
0x3c: {  	s31 =	simm.s32 $0x8B88;
	[sflag:s28] =	ssyncadd.s32 $0xFFFFC180  }
0x3d: {  	[tilespmem:s24], [sflag:$0x2] =	stream.indirect.gather [hbm4b:s5+s21], $0x10, s31, s21, $0xb8;
	[tilespmem:$0x1E140] =	vst v63  }
0x3e: {  	_ =	swait.ge [sflag:s25], $0x3E80  }
0x3f: {  	[sflag:s25] =	ssyncset.done $0x0  }
0x40: {  	s1 =	simm.s32 $0x8F70;
	[sflag:s25] =	ssyncadd.s32 $0xFFFFC180  }
0x41: {  	[tilespmem:s22], [sflag:$0x1] =	stream.indirect.gather [hbm4b:s5+s21], $0x10, s1, s21, $0xb8;
	[tilespmem:$0x1E140] =	vst v63  }
0x42: {  	_ =	swait.ge [sflag:s28], $0x3E80  }
0x43: {  	[sflag:s28] =	ssyncset.done $0x0  }
0x44: {  	s31 =	simm.s32 $0x9358;
	[sflag:s28] =	ssyncadd.s32 $0xFFFFC180  }
0x45: {  	[tilespmem:s24], [sflag:$0x2] =	stream.indirect.gather [hbm4b:s5+s21], $0x10, s31, s21, $0xb8;
	[tilespmem:$0x1E140] =	vst v63  }
0x46: {  	_ =	swait.ge [sflag:s25], $0x3E80  }
0x47: {  	[sflag:s25] =	ssyncset.done $0x0  }
0x48: {  	[sflag:s25] =	ssyncadd.s32 $0xFFFFC180  }
0x49: {  	[tilespmem:s22], [sflag:$0x1] =	stream.indirect.gather [hbm4b:s5+s21], $0x10, s20, s21, $0xb8;
	[tilespmem:$0x1E140] =	vst v63  }
0x4a: {  	_ =	swait.ge [sflag:s28], $0x3E80  }
0x4b: {  	[sflag:s28] =	ssyncset.done $0x0  }
0x4c: {  	[sflag:s28] =	ssyncadd.s32 $0xFFFFC180  }
0x4d: {  	[tilespmem:s24], [sflag:$0x2] =	stream.indirect.gather [hbm4b:s5+s21], $0x10, s3, s21, $0xb8;
	[tilespmem:$0x1E140] =	vst v63  }
0x4e: {  	_ =	swait.ge [sflag:s25], $0x3E80  }
0x4f: {  	[sflag:s25] =	ssyncset.done $0x0  }
0x50: {  	[sflag:s25] =	ssyncadd.s32 $0xFFFFC180  }
0x51: {  	[tilespmem:s22], [sflag:$0x1] =	stream.indirect.gather [hbm4b:s5+s21], $0x10, s9, s21, $0xb8;
	[tilespmem:$0x1E140] =	vst v63  }
0x52: {  	_ =	swait.ge [sflag:s28], $0x3E80  }
0x53: {  	[sflag:s28] =	ssyncset.done $0x0  }
0x54: {  	[sflag:s28] =	ssyncadd.s32 $0xFFFFC180  }
0x55: {  	[tilespmem:s24], [sflag:$0x2] =	stream.indirect.gather [hbm4b:s5+s21], $0x10, s10, s21, $0xb8;
	[tilespmem:$0x1E140] =	vst v63  }
0x56: {  	_ =	swait.ge [sflag:s25], $0x3E80  }
0x57: {  	[sflag:s25] =	ssyncset.done $0x0  }
0x58: {  	[sflag:s25] =	ssyncadd.s32 $0xFFFFC180  }
0x59: {  	[tilespmem:s22], [sflag:$0x1] =	stream.indirect.gather [hbm4b:s5+s21], $0x10, s11, s21, $0xb8;
	[tilespmem:$0x1E140] =	vst v63  }
0x5a: {  	_ =	swait.ge [sflag:s28], $0x3E80  }
0x5b: {  	[sflag:s28] =	ssyncset.done $0x0  }
0x5c: {  	[sflag:s28] =	ssyncadd.s32 $0xFFFFC180  }
0x5d: {  	[tilespmem:s24], [sflag:$0x2] =	stream.indirect.gather [hbm4b:s5+s21], $0x10, s12, s21, $0xb8;
	[tilespmem:$0x1E140] =	vst v63  }
0x5e: {  	_ =	swait.ge [sflag:s25], $0x3E80  }
0x5f: {  	[sflag:s25] =	ssyncset.done $0x0  }
0x60: {  	[sflag:s25] =	ssyncadd.s32 $0xFFFFC180  }
0x61: {  	[tilespmem:s22], [sflag:$0x1] =	stream.indirect.gather [hbm4b:s5+s21], $0x10, s13, s21, $0xb8;
	[tilespmem:$0x1E140] =	vst v63  }
0x62: {  	_ =	swait.ge [sflag:s28], $0x3E80  }
0x63: {  	[sflag:s28] =	ssyncset.done $0x0  }
0x64: {  	[sflag:s28] =	ssyncadd.s32 $0xFFFFC180  }
0x65: {  	[tilespmem:s24], [sflag:$0x2] =	stream.indirect.gather [hbm4b:s5+s21], $0x10, s14, s21, $0xb8;
	[tilespmem:$0x1E140] =	vst v63  }
0x66: {  	_ =	swait.ge [sflag:s25], $0x3E80  }
0x67: {  	[sflag:s25] =	ssyncset.done $0x0  }
0x68: {  	[sflag:s25] =	ssyncadd.s32 $0xFFFFC180  }
0x69: {  	[tilespmem:s22], [sflag:$0x1] =	stream.indirect.gather [hbm4b:s5+s21], $0x10, s6, s21, $0xb8;
	[tilespmem:$0x1E140] =	vst v63  }
0x6a: {  	_ =	swait.ge [sflag:s28], $0x3E80  }
0x6b: {  	[sflag:s28] =	ssyncset.done $0x0  }
0x6c: {  	[sflag:s28] =	ssyncadd.s32 $0xFFFFC180  }
0x6d: {  	[tilespmem:s24], [sflag:$0x2] =	stream.indirect.gather [hbm4b:s5+s21], $0x10, s15, s21, $0xb8;
	[tilespmem:$0x1E140] =	vst v63  }
0x6e: {  	_ =	swait.ge [sflag:s25], $0x3E80  }
0x6f: {  	[sflag:s25] =	ssyncset.done $0x0  }
0x70: {  	[sflag:s25] =	ssyncadd.s32 $0xFFFFC180  }
0x71: {  	[tilespmem:s22], [sflag:$0x1] =	stream.indirect.gather [hbm4b:s5+s21], $0x10, s23, s21, $0xb8;
	[tilespmem:$0x1E140] =	vst v63  }
.Ltmp1:
0x72: {  	_ = 	snop;
	(pc) =	sbr.rel .LBB2_4-.Ltmp1, $4  }
0x73: {  	_ =	swait.ge [sflag:s28], $0x3E80  }
0x74: {  	[sflag:s28] =	ssyncset.done $0x0  }
0x75: {  	[sflag:s28] =	ssyncadd.s32 $0xFFFFC180  }
0x76: {  	[tilespmem:s24], [sflag:$0x2] =	stream.indirect.gather [hbm4b:s5+s21], $0x10, s26, s21, $0xb8;
	[tilespmem:$0x1E140] =	vst v63  }
.LBB2_2:
0x77: {  	[tilespmem:s22], [sflag:$0x1] =	stream.indirect.gather [hbm4b:s4+s21], $0x10, s19, s21, $0xb8;
	[tilespmem:$0x1E140] =	vst v63  }
0x78: {  	s0 =	simm.s32 $0x7BE8  }
0x79: {  	[tilespmem:s24], [sflag:$0x2] =	stream.indirect.gather [hbm4b:s4+s21], $0x10, s0, s21, $0xb8;
	[tilespmem:$0x1E140] =	vst v63  }
0x7a: {  	_ =	swait.ge [sflag:s25], $0x3E80  }
0x7b: {  	[sflag:s25] =	ssyncset.done $0x0  }
0x7c: {  	s1 =	simm.s32 $0x7FD0;
	[sflag:s25] =	ssyncadd.s32 $0xFFFFC180  }
0x7d: {  	[tilespmem:s22], [sflag:$0x1] =	stream.indirect.gather [hbm4b:s4+s21], $0x10, s1, s21, $0xb8;
	[tilespmem:$0x1E140] =	vst v63  }
0x7e: {  	_ =	swait.ge [sflag:s28], $0x3E80  }
0x7f: {  	[sflag:s28] =	ssyncset.done $0x0  }
0x80: {  	s31 =	simm.s32 $0x83B8;
	[sflag:s28] =	ssyncadd.s32 $0xFFFFC180  }
0x81: {  	[tilespmem:s24], [sflag:$0x2] =	stream.indirect.gather [hbm4b:s4+s21], $0x10, s31, s21, $0xb8;
	[tilespmem:$0x1E140] =	vst v63  }
0x82: {  	_ =	swait.ge [sflag:s25], $0x3E80  }
0x83: {  	[sflag:s25] =	ssyncset.done $0x0  }
0x84: {  	s1 =	simm.s32 $0x87A0;
	[sflag:s25] =	ssyncadd.s32 $0xFFFFC180  }
0x85: {  	[tilespmem:s22], [sflag:$0x1] =	stream.indirect.gather [hbm4b:s4+s21], $0x10, s1, s21, $0xb8;
	[tilespmem:$0x1E140] =	vst v63  }
0x86: {  	_ =	swait.ge [sflag:s28], $0x3E80  }
0x87: {  	[sflag:s28] =	ssyncset.done $0x0  }
0x88: {  	s31 =	simm.s32 $0x8B88;
	[sflag:s28] =	ssyncadd.s32 $0xFFFFC180  }
0x89: {  	[tilespmem:s24], [sflag:$0x2] =	stream.indirect.gather [hbm4b:s4+s21], $0x10, s31, s21, $0xb8;
	[tilespmem:$0x1E140] =	vst v63  }
0x8a: {  	_ =	swait.ge [sflag:s25], $0x3E80  }
0x8b: {  	[sflag:s25] =	ssyncset.done $0x0  }
0x8c: {  	s1 =	simm.s32 $0x8F70;
	[sflag:s25] =	ssyncadd.s32 $0xFFFFC180  }
0x8d: {  	[tilespmem:s22], [sflag:$0x1] =	stream.indirect.gather [hbm4b:s4+s21], $0x10, s1, s21, $0xb8;
	[tilespmem:$0x1E140] =	vst v63  }
0x8e: {  	_ =	swait.ge [sflag:s28], $0x3E80  }
0x8f: {  	[sflag:s28] =	ssyncset.done $0x0  }
0x90: {  	s31 =	simm.s32 $0x9358;
	[sflag:s28] =	ssyncadd.s32 $0xFFFFC180  }
0x91: {  	[tilespmem:s24], [sflag:$0x2] =	stream.indirect.gather [hbm4b:s4+s21], $0x10, s31, s21, $0xb8;
	[tilespmem:$0x1E140] =	vst v63  }
0x92: {  	_ =	swait.ge [sflag:s25], $0x3E80  }
0x93: {  	[sflag:s25] =	ssyncset.done $0x0  }
0x94: {  	[sflag:s25] =	ssyncadd.s32 $0xFFFFC180  }
0x95: {  	[tilespmem:s22], [sflag:$0x1] =	stream.indirect.gather [hbm4b:s4+s21], $0x10, s20, s21, $0xb8;
	[tilespmem:$0x1E140] =	vst v63  }
0x96: {  	_ =	swait.ge [sflag:s28], $0x3E80  }
0x97: {  	[sflag:s28] =	ssyncset.done $0x0  }
0x98: {  	[sflag:s28] =	ssyncadd.s32 $0xFFFFC180  }
0x99: {  	[tilespmem:s24], [sflag:$0x2] =	stream.indirect.gather [hbm4b:s4+s21], $0x10, s3, s21, $0xb8;
	[tilespmem:$0x1E140] =	vst v63  }
0x9a: {  	_ =	swait.ge [sflag:s25], $0x3E80  }
0x9b: {  	[sflag:s25] =	ssyncset.done $0x0  }
0x9c: {  	[sflag:s25] =	ssyncadd.s32 $0xFFFFC180  }
0x9d: {  	[tilespmem:s22], [sflag:$0x1] =	stream.indirect.gather [hbm4b:s4+s21], $0x10, s9, s21, $0xb8;
	[tilespmem:$0x1E140] =	vst v63  }
0x9e: {  	_ =	swait.ge [sflag:s28], $0x3E80  }
0x9f: {  	[sflag:s28] =	ssyncset.done $0x0  }
0xa0: {  	[sflag:s28] =	ssyncadd.s32 $0xFFFFC180  }
0xa1: {  	[tilespmem:s24], [sflag:$0x2] =	stream.indirect.gather [hbm4b:s4+s21], $0x10, s10, s21, $0xb8;
	[tilespmem:$0x1E140] =	vst v63  }
0xa2: {  	_ =	swait.ge [sflag:s25], $0x3E80  }
0xa3: {  	[sflag:s25] =	ssyncset.done $0x0  }
0xa4: {  	[sflag:s25] =	ssyncadd.s32 $0xFFFFC180  }
0xa5: {  	[tilespmem:s22], [sflag:$0x1] =	stream.indirect.gather [hbm4b:s4+s21], $0x10, s11, s21, $0xb8;
	[tilespmem:$0x1E140] =	vst v63  }
0xa6: {  	_ =	swait.ge [sflag:s28], $0x3E80  }
0xa7: {  	[sflag:s28] =	ssyncset.done $0x0  }
0xa8: {  	[sflag:s28] =	ssyncadd.s32 $0xFFFFC180  }
0xa9: {  	[tilespmem:s24], [sflag:$0x2] =	stream.indirect.gather [hbm4b:s4+s21], $0x10, s12, s21, $0xb8;
	[tilespmem:$0x1E140] =	vst v63  }
0xaa: {  	_ =	swait.ge [sflag:s25], $0x3E80  }
0xab: {  	[sflag:s25] =	ssyncset.done $0x0  }
0xac: {  	[sflag:s25] =	ssyncadd.s32 $0xFFFFC180  }
0xad: {  	[tilespmem:s22], [sflag:$0x1] =	stream.indirect.gather [hbm4b:s4+s21], $0x10, s13, s21, $0xb8;
	[tilespmem:$0x1E140] =	vst v63  }
0xae: {  	_ =	swait.ge [sflag:s28], $0x3E80  }
0xaf: {  	[sflag:s28] =	ssyncset.done $0x0  }
0xb0: {  	[sflag:s28] =	ssyncadd.s32 $0xFFFFC180  }
0xb1: {  	[tilespmem:s24], [sflag:$0x2] =	stream.indirect.gather [hbm4b:s4+s21], $0x10, s14, s21, $0xb8;
	[tilespmem:$0x1E140] =	vst v63  }
0xb2: {  	_ =	swait.ge [sflag:s25], $0x3E80  }
0xb3: {  	[sflag:s25] =	ssyncset.done $0x0  }
0xb4: {  	[sflag:s25] =	ssyncadd.s32 $0xFFFFC180  }
0xb5: {  	[tilespmem:s22], [sflag:$0x1] =	stream.indirect.gather [hbm4b:s4+s21], $0x10, s6, s21, $0xb8;
	[tilespmem:$0x1E140] =	vst v63  }
0xb6: {  	_ =	swait.ge [sflag:s28], $0x3E80  }
0xb7: {  	[sflag:s28] =	ssyncset.done $0x0  }
0xb8: {  	[sflag:s28] =	ssyncadd.s32 $0xFFFFC180  }
0xb9: {  	[tilespmem:s24], [sflag:$0x2] =	stream.indirect.gather [hbm4b:s4+s21], $0x10, s15, s21, $0xb8;
	[tilespmem:$0x1E140] =	vst v63  }
0xba: {  	_ =	swait.ge [sflag:s25], $0x3E80  }
0xbb: {  	[sflag:s25] =	ssyncset.done $0x0  }
0xbc: {  	[sflag:s25] =	ssyncadd.s32 $0xFFFFC180  }
0xbd: {  	[tilespmem:s22], [sflag:$0x1] =	stream.indirect.gather [hbm4b:s4+s21], $0x10, s23, s21, $0xb8;
	[tilespmem:$0x1E140] =	vst v63  }
0xbe: {  	_ =	swait.ge [sflag:s28], $0x3E80  }
0xbf: {  	[sflag:s28] =	ssyncset.done $0x0  }
0xc0: {  	[sflag:s28] =	ssyncadd.s32 $0xFFFFC180  }
0xc1: {  	[tilespmem:s24], [sflag:$0x2] =	stream.indirect.gather [hbm4b:s4+s21], $0x10, s26, s21, $0xb8;
	[tilespmem:$0x1E140] =	vst v63  }
.LBB2_4:
0xc2: {  	_ =	swait.ge [sflag:s25], $0x3E80  }
0xc3: {  	[sflag:s25] =	ssyncset.done $0x0  }
0xc4: {  	[sflag:s25] =	ssyncadd.s32 $0xFFFFC180  }
0xc5: {  	_ =	swait.ge [sflag:s28], $0x3E80  }
0xc6: {  	[sflag:s28] =	ssyncset.done $0x0  }
0xc7: {  	[sflag:s28] =	ssyncadd.s32 $0xFFFFC180  }
0xc8: {  	[bflag:$0x0] =	sbarrier.arrive $0xFFFF  }
0xc9: {  	s0 =	rddreg [dreg:$0x8]  }
0xca: {  	[hbm:s0], [sflag:s8] =	dma.local [spmem:s16], $0x500  }
0xcb: {  	_ =	swait.ge [sflag:s17], $0x500  }
0xcc: {  	[sflag:s17] =	ssyncset.done $0x0  }
0xcd: {  	s1 =	rddreg [dreg:$0x5];
	[sflag:s17] =	ssyncadd.s32 $0xFFFFFB00  }
0xce: {  	[tilespmem:s29], [sflag:$0x3] =	stream.linear.gather [spmem:s1], $0x2800, $0x38;
	[tilespmem:$0x1E140] =	vst v63  }
0xcf: {  	_ =	swait.ge [sflag:s17], $0x2800  }
0xd0: {  	s31 =	simm.s32 $0x1B940;
	[sflag:s17] =	ssyncset.done $0x0  }
0xd1: {  	s0 =	simm.s32 $0x0;
	s1 =	rddreg [dreg:$0x9];
	[sflag:s17] =	ssyncadd.s32 $0xFFFFD800  }
0xd2: {  	[tilespmem:s31], [sflag:$0x3] =	stream.linear.gather [hbm4b:s1+s0], $0x2800, $0x38;
	[tilespmem:$0x1E140] =	vst v63  }
0xd3: {  	_ =	swait.ge [sflag:s17], $0x2800  }
0xd4: {  	[sflag:s17] =	ssyncset.done $0x0  }
0xd5: {  	s31 =	simm.s32 $0x0;
	[sflag:s17] =	ssyncadd.s32 $0xFFFFD800  }
0xd6: {  	s0 =	simm.s32 $0x40;
	v0 =	vld [tilespmem:s31+$0x1B940]  }
.LBB2_5:
0xd7: {  	p1 =	sne.s32 s0, $0x9FC0;
	v1 =	vld [tilespmem:s31+$0x19140];
	_ =	sdelay $0x2  }
.Ltmp2:
0xd8: {  	(pc) =	sbr.rel @p1 .LBB2_5-.Ltmp2, $4  }
0xd9: {  	_ = 	snop  }
0xda: {  	v1 =	vmul.f32 v0, v1  }
0xdb: {  	s1 =	sshra.s32 s0, $0x2  }
0xdc: {  	s0 =	sadd.s32 $0x40, s0;
	v0 =	vld [tilespmem:s1+$0x1B940];
	[tilespmem:s31+$0x19140] =	vst v1;
	s31 =	smov.u32 s1  }
0xdd: {  	v1 =	vld [tilespmem:s31+$0x19140];
	_ =	sdelay $0x4  }
0xde: {  	v0 =	vmul.f32 v0, v1;
	_ =	sdelay $0x1  }
0xdf: {  	s0 =	rddreg [dreg:$0xa];
	[tilespmem:s31+$0x19140] =	vst v0  }
0xe0: {  	[spmem:s0] =	stream.linear.scatter [tilespmem:s29], [sflag:$0x3], $0x2800, $0x38;
	[tilespmem:$0x1E140] =	vst v63  }
0xe1: {  	_ =	swait.ge [sflag:s17], $0x2800  }
0xe2: {  	[sflag:s17] =	ssyncset.done $0x0  }
0xe3: {  	[sflag:s17] =	ssyncadd.s32 $0xFFFFD800  }
0xe4: {  	[bflag:$0x0] =	sbarrier.arrive $0xFFFF  }
0xe5: {  	[tilespmem:s22], [sflag:$0x1] =	stream.indirect.gather [spmem:s2], $0x10, s19, s21, $0xb8;
	[tilespmem:$0x1E140] =	vst v63  }
0xe6: {  	s31 =	simm.s32 $0x7BE8  }
0xe7: {  	[tilespmem:s24], [sflag:$0x2] =	stream.indirect.gather [spmem:s2], $0x10, s31, s21, $0xb8;
	[tilespmem:$0x1E140] =	vst v63  }
0xe8: {  	_ =	swait.ge [sflag:s25], $0x3E80  }
0xe9: {  	[sflag:s25] =	ssyncset.done $0x0  }
0xea: {  	s1 =	simm.s32 $0x7FD0;
	[sflag:s25] =	ssyncadd.s32 $0xFFFFC180  }
0xeb: {  	[tilespmem:s22], [sflag:$0x1] =	stream.indirect.gather [spmem:s2], $0x10, s1, s21, $0xb8;
	[tilespmem:$0x1E140] =	vst v63  }
0xec: {  	_ =	swait.ge [sflag:s28], $0x3E80  }
0xed: {  	[sflag:s28] =	ssyncset.done $0x0  }
0xee: {  	s31 =	simm.s32 $0x83B8;
	[sflag:s28] =	ssyncadd.s32 $0xFFFFC180  }
0xef: {  	[tilespmem:s24], [sflag:$0x2] =	stream.indirect.gather [spmem:s2], $0x10, s31, s21, $0xb8;
	[tilespmem:$0x1E140] =	vst v63  }
0xf0: {  	_ =	swait.ge [sflag:s25], $0x3E80  }
0xf1: {  	[sflag:s25] =	ssyncset.done $0x0  }
0xf2: {  	s1 =	simm.s32 $0x87A0;
	[sflag:s25] =	ssyncadd.s32 $0xFFFFC180  }
0xf3: {  	[tilespmem:s22], [sflag:$0x1] =	stream.indirect.gather [spmem:s2], $0x10, s1, s21, $0xb8;
	[tilespmem:$0x1E140] =	vst v63  }
0xf4: {  	_ =	swait.ge [sflag:s28], $0x3E80  }
0xf5: {  	[sflag:s28] =	ssyncset.done $0x0  }
0xf6: {  	s31 =	simm.s32 $0x8B88;
	[sflag:s28] =	ssyncadd.s32 $0xFFFFC180  }
0xf7: {  	[tilespmem:s24], [sflag:$0x2] =	stream.indirect.gather [spmem:s2], $0x10, s31, s21, $0xb8;
	[tilespmem:$0x1E140] =	vst v63  }
0xf8: {  	_ =	swait.ge [sflag:s25], $0x3E80  }
0xf9: {  	[sflag:s25] =	ssyncset.done $0x0  }
0xfa: {  	s1 =	simm.s32 $0x8F70;
	[sflag:s25] =	ssyncadd.s32 $0xFFFFC180  }
0xfb: {  	[tilespmem:s22], [sflag:$0x1] =	stream.indirect.gather [spmem:s2], $0x10, s1, s21, $0xb8;
	[tilespmem:$0x1E140] =	vst v63  }
0xfc: {  	_ =	swait.ge [sflag:s28], $0x3E80  }
0xfd: {  	[sflag:s28] =	ssyncset.done $0x0  }
0xfe: {  	s31 =	simm.s32 $0x9358;
	[sflag:s28] =	ssyncadd.s32 $0xFFFFC180  }
0xff: {  	[tilespmem:s24], [sflag:$0x2] =	stream.indirect.gather [spmem:s2], $0x10, s31, s21, $0xb8;
	[tilespmem:$0x1E140] =	vst v63  }
0x100: {  	_ =	swait.ge [sflag:s25], $0x3E80  }
0x101: {  	[sflag:s25] =	ssyncset.done $0x0  }
0x102: {  	[sflag:s25] =	ssyncadd.s32 $0xFFFFC180  }
0x103: {  	[tilespmem:s22], [sflag:$0x1] =	stream.indirect.gather [spmem:s2], $0x10, s20, s21, $0xb8;
	[tilespmem:$0x1E140] =	vst v63  }
0x104: {  	_ =	swait.ge [sflag:s28], $0x3E80  }
0x105: {  	[sflag:s28] =	ssyncset.done $0x0  }
0x106: {  	[sflag:s28] =	ssyncadd.s32 $0xFFFFC180  }
0x107: {  	[tilespmem:s24], [sflag:$0x2] =	stream.indirect.gather [spmem:s2], $0x10, s3, s21, $0xb8;
	[tilespmem:$0x1E140] =	vst v63  }
0x108: {  	_ =	swait.ge [sflag:s25], $0x3E80  }
0x109: {  	[sflag:s25] =	ssyncset.done $0x0  }
0x10a: {  	[sflag:s25] =	ssyncadd.s32 $0xFFFFC180  }
0x10b: {  	[tilespmem:s22], [sflag:$0x1] =	stream.indirect.gather [spmem:s2], $0x10, s9, s21, $0xb8;
	[tilespmem:$0x1E140] =	vst v63  }
0x10c: {  	_ =	swait.ge [sflag:s28], $0x3E80  }
0x10d: {  	[sflag:s28] =	ssyncset.done $0x0  }
0x10e: {  	[sflag:s28] =	ssyncadd.s32 $0xFFFFC180  }
0x10f: {  	[tilespmem:s24], [sflag:$0x2] =	stream.indirect.gather [spmem:s2], $0x10, s10, s21, $0xb8;
	[tilespmem:$0x1E140] =	vst v63  }
0x110: {  	_ =	swait.ge [sflag:s25], $0x3E80  }
0x111: {  	[sflag:s25] =	ssyncset.done $0x0  }
0x112: {  	[sflag:s25] =	ssyncadd.s32 $0xFFFFC180  }
0x113: {  	[tilespmem:s22], [sflag:$0x1] =	stream.indirect.gather [spmem:s2], $0x10, s11, s21, $0xb8;
	[tilespmem:$0x1E140] =	vst v63  }
0x114: {  	_ =	swait.ge [sflag:s28], $0x3E80  }
0x115: {  	[sflag:s28] =	ssyncset.done $0x0  }
0x116: {  	[sflag:s28] =	ssyncadd.s32 $0xFFFFC180  }
0x117: {  	[tilespmem:s24], [sflag:$0x2] =	stream.indirect.gather [spmem:s2], $0x10, s12, s21, $0xb8;
	[tilespmem:$0x1E140] =	vst v63  }
0x118: {  	_ =	swait.ge [sflag:s25], $0x3E80  }
0x119: {  	[sflag:s25] =	ssyncset.done $0x0  }
0x11a: {  	[sflag:s25] =	ssyncadd.s32 $0xFFFFC180  }
0x11b: {  	[tilespmem:s22], [sflag:$0x1] =	stream.indirect.gather [spmem:s2], $0x10, s13, s21, $0xb8;
	[tilespmem:$0x1E140] =	vst v63  }
0x11c: {  	_ =	swait.ge [sflag:s28], $0x3E80  }
0x11d: {  	[sflag:s28] =	ssyncset.done $0x0  }
0x11e: {  	[sflag:s28] =	ssyncadd.s32 $0xFFFFC180  }
0x11f: {  	[tilespmem:s24], [sflag:$0x2] =	stream.indirect.gather [spmem:s2], $0x10, s14, s21, $0xb8;
	[tilespmem:$0x1E140] =	vst v63  }
0x120: {  	_ =	swait.ge [sflag:s25], $0x3E80  }
0x121: {  	[sflag:s25] =	ssyncset.done $0x0  }
0x122: {  	[sflag:s25] =	ssyncadd.s32 $0xFFFFC180  }
0x123: {  	[tilespmem:s22], [sflag:$0x1] =	stream.indirect.gather [spmem:s2], $0x10, s6, s21, $0xb8;
	[tilespmem:$0x1E140] =	vst v63  }
0x124: {  	_ =	swait.ge [sflag:s28], $0x3E80  }
0x125: {  	[sflag:s28] =	ssyncset.done $0x0  }
0x126: {  	[sflag:s28] =	ssyncadd.s32 $0xFFFFC180  }
0x127: {  	[tilespmem:s24], [sflag:$0x2] =	stream.indirect.gather [spmem:s2], $0x10, s15, s21, $0xb8;
	[tilespmem:$0x1E140] =	vst v63  }
0x128: {  	_ =	swait.ge [sflag:s25], $0x3E80  }
0x129: {  	[sflag:s25] =	ssyncset.done $0x0  }
0x12a: {  	[sflag:s25] =	ssyncadd.s32 $0xFFFFC180  }
0x12b: {  	[tilespmem:s22], [sflag:$0x1] =	stream.indirect.gather [spmem:s2], $0x10, s23, s21, $0xb8;
	[tilespmem:$0x1E140] =	vst v63  }
0x12c: {  	_ =	swait.ge [sflag:s28], $0x3E80  }
0x12d: {  	[sflag:s28] =	ssyncset.done $0x0  }
0x12e: {  	[sflag:s28] =	ssyncadd.s32 $0xFFFFC180  }
0x12f: {  	[tilespmem:s24], [sflag:$0x2] =	stream.indirect.gather [spmem:s2], $0x10, s26, s21, $0xb8;
	[tilespmem:$0x1E140] =	vst v63  }
0x130: {  	_ =	swait.ge [sflag:s25], $0x3E80  }
0x131: {  	[sflag:s25] =	ssyncset.done $0x0  }
0x132: {  	[sflag:s25] =	ssyncadd.s32 $0xFFFFC180  }
0x133: {  	_ =	swait.ge [sflag:s28], $0x3E80  }
0x134: {  	[sflag:s28] =	ssyncset.done $0x0  }
0x135: {  	[sflag:s28] =	ssyncadd.s32 $0xFFFFC180  }
0x136: {  	[bflag:$0x0] =	sbarrier.arrive $0xFFFF  }
0x137: {  	s1 =	rddreg [dreg:$0xb]  }
0x138: {  	[hbm:s1], [sflag:s8] =	dma.local [spmem:s18], $0x500  }
0x139: {  	_ =	swait.ge [sflag:s17], $0x500  }
0x13a: {  	s30 =	sadd.s32 $0x1, s30;
	s31 =	rddreg [dreg:$0xc]  }
0x13b: {  	p1 =	sne.s32 s30, s31  }
.Ltmp3:
0x13c: {  	_ = 	snop;
	(pc) =	sbr.rel @p1 .LBB2_1-.Ltmp3, $3  }
0x13d: {  	_ =	sdelay $0x1  }
0x13e: {  	[sflag:s17] =	ssyncset.done $0x0  }
0x13f: {  	[sflag:s17] =	ssyncadd.s32 $0xFFFFFB00  }
0x140: {  	_ =	sfence.sel $0x180000  }
0x141: {  	[bflag:$0x0] =	sbarrier.arrive $0xFFFF  }
0x142: {  	_ =	strace $0x9000004A  }
0x143: {  	s0 =	stileid.u32;
	[bflag:$0x2] =	sbarrier.arrive $0xFFFF  }
0x144: {  	p0 =	sne.s32 s0, $0x0;
	s0 =	rddreg [dreg:$0x4]  }
0x145: {  	s0 =	sadd.s32 @!p0 $0x100000, s0  }
0x146: {  	[sflag:s0] =	ssyncadd.tile.s32 @!p0 $0x1;
	_ =	shalt  }
.Lfunc_end2:
_tile_overlayer_lowered:
.L_overlay_start_2:
0x147: {  	(tag) =	ssettag $0x2  }
0x148: {  	s0 =	rddreg [dreg:$0x0];
	s2 =	stileid.u32  }
0x149: {  	s1 =	rddreg [dreg:$0x1];
	p0 =	sne.s32 s2, $0x0  }
0x14a: {  	s3 =	rddreg [dreg:$0x2];
	[bflag:$0x3] =	sbarrier.arrive $0xFFFF;
	s2 =	simm.s32 @!p0 $0x1C03  }
0x14b: {  	[timem:s3], [sflag:s2] =	dma.local @!p0 [hbm:s0], s1  }
0x14c: {  	s0 =	simm.s32 @!p0 $0x3  }
0x14d: {  	_ =	swait.ge @!p0 [sflag:s0], s1  }
0x14e: {  	s1 =	ssub.s32 @!p0 $0x0, s1;
	[sflag:s0] =	ssyncset.done @!p0 $0x0  }
0x14f: {  	[sflag:s0] =	ssyncadd.s32 @!p0 s1  }
0x150: {  	[bflag:$0x3] =	sbarrier.arrive $0xFFFF  }
0x151: {  	_ =	shalt  }

// kernel: kernel.16.cloned.1.call-start
scs
__scs_entry_jumppad:
0x0: {  	(pc) =	sbr.rel $0x88, $3  }
0x1: {  	(tag) =	ssettag $0x0;
	lr =	simm.s32 $0x1  }
0x2: {  	[smem:$0x3F90] =	sst lr;
	_ =	strace $0xD0000000  }
0x3: {  	_ = 	snop  }
0x4: {  	_ = 	snop  }
0x5: {  	_ = 	snop  }
0x6: {  	_ = 	snop  }
0x7: {  	_ = 	snop  }
__scs_overlays_trampoline_lowered:
0x8: {  	[smem:$0x3F9F] =	sst s0  }
0x9: {  	[smem:$0x3FA0] =	sst s1  }
0xa: {  	[smem:$0x3FA1] =	sst s2  }
0xb: {  	[smem:$0x3FA2] =	sst s3  }
0xc: {  	[smem:$0x3FA3] =	sst s4  }
0xd: {  	[smem:$0x3FA4] =	sst s5  }
0xe: {  	[smem:$0x3FA5] =	sst s6  }
0xf: {  	[smem:$0x3FA6] =	sst s7  }
0x10: {  	[smem:$0x3FA7] =	sst s8  }
0x11: {  	[smem:$0x3FA8] =	sst s9;
	s0 =	simm.s32 @!p0 $0x0  }
0x12: {  	s1 =	sld [smem:$0x3F8E];
	s0 =	simm.s32 @p0 $0x1  }
0x13: {  	[smem:$0x3FA9] =	sst s0;
	s0 =	simm.s32 @!p1 $0x0  }
0x14: {  	s2 =	sld [smem:$0x3F8D];
	s0 =	simm.s32 @p1 $0x1  }
0x15: {  	[smem:$0x3FAA] =	sst s0;
	s0 =	simm.s32 @!p2 $0x0  }
0x16: {  	s3 =	sld [smem:$0x3FDB];
	s0 =	simm.s32 @p2 $0x1  }
0x17: {  	s4 =	simm.s32 $0x1BF5;
	[smem:$0x3FAC] =	sst s0  }
0x18: {  	s0 =	sld [smem:$0x3F8F];
	_ =	swait.ge [sflag:s4], $0x0  }
0x19: {  	s7 =	sld [smem:$0x3F90]  }
0x1a: {  	s8 =	sadd.s32 $0xFFFFE003, lr  }
0x1b: {  	s9 =	sadd.s32 $0xFFFFFEF7, lr;
	s5 =	simm.s32 $0xFFFFFFFF;
	p2 =	slt.u32 s8, $0xFFFFF086  }
0x1c: {  	p1 =	slt.u32 s9, $0xF7A;
	s5 =	simm.s32 @!p2 $0x0  }
0x1d: {  	s5 =	simm.s32 @p1 $0x1;
	p0 =	seq.s32 s7, s2  }
0x1e: {  	s7 =	smul.u32 @!p0 $0xF7A, s2;
	p2 =	seq.s32 @!p0 s5, $0x0  }
0x1f: {  	s9 =	smul.u32 $0xF7A, s1;
	s8 =	simm.s32 @!p0 $0x1BF5;
	p2 =	por !p2, p0  }
0x20: {  	[sflag:s8] =	ssyncset.s32 @!p0 $0xFFFFF086;
	s6 =	sadd.s32 @!p0 s3, s7;
	s7 =	simm.s32 @!p0 $0x108  }
0x21: {  	s3 =	sadd.s32 s3, s9;
	s6 =	sadd.s32 @!p0 $0x88, s6;
	s7 =	simm.s32 @p2 $0x1082  }
0x22: {  	[simem:s7], [sflag:s8] =	dma.local @!p0 [hbm:s6], $0xF7A  }
0x23: {  	s9 =	sor.u32 $0xD0000000, s2;
	s6 =	simm.s32 $0x108;
	_ =	swait.ge @!p0 [sflag:s8], $0x0  }
0x24: {  	s3 =	sadd.s32 $0x88, s3;
	s6 =	simm.s32 @!p1 $0x1082;
	[sflag:s4] =	ssyncset.s32 $0xFFFFF086  }
0x25: {  	[simem:s6], [sflag:s4] =	dma.local [hbm:s3], $0xF7A  }
0x26: {  	[smem:$0x3F90] =	sst s1;
	(tag) =	ssettag s2;
	_ =	strace s9  }
0x27: {  	s1 =	sld [smem:$0x3FA0]  }
0x28: {  	s2 =	sld [smem:$0x3FA1]  }
0x29: {  	s4 =	sld [smem:$0x3FA3]  }
0x2a: {  	p0 =	seq.s32 s5, $0x0;
	s5 =	sld [smem:$0x3FA4]  }
0x2b: {  	s6 =	sld [smem:$0x3FA5]  }
0x2c: {  	s7 =	sld [smem:$0x3FA6]  }
0x2d: {  	s3 =	simm.s32 $0x108;
	s8 =	sld [smem:$0x3FA7]  }
0x2e: {  	s3 =	simm.s32 @!p0 $0x1082;
	s9 =	sld [smem:$0x3FA8]  }
0x2f: {  	lr =	sadd.s32 s0, s3;
	s0 =	sld [smem:$0x3F9F]  }
0x30: {  	s3 =	sld [smem:$0x3FA2]  }
0x31: {  	[smem:$0x3FAB] =	sst s10  }
0x32: {  	s10 =	sld [smem:$0x3FA9];
	_ =	sdelay $0x3  }
0x33: {  	p0 =	seq.s32 s10, $0x1;
	s10 =	sld [smem:$0x3FAB];
	_ =	sdelay $0x3  }
0x34: {  	[smem:$0x3FAB] =	sst s10  }
0x35: {  	s10 =	sld [smem:$0x3FAA];
	_ =	sdelay $0x3  }
0x36: {  	p1 =	seq.s32 s10, $0x1;
	s10 =	sld [smem:$0x3FAB];
	_ =	sdelay $0x3  }
0x37: {  	[smem:$0x3FAB] =	sst s10  }
0x38: {  	s10 =	sld [smem:$0x3FAC]  }
0x39: {  	_ = 	snop;
	(pc) =	sbr.ind lr, $3  }
0x3a: {  	_ = 	snop  }
0x3b: {  	_ = 	snop  }
0x3c: {  	p2 =	seq.s32 s10, $0x1;
	s10 =	sld [smem:$0x3FAB]  }
0x3d: {  	_ =	shalt  }
0x3e: {  	_ =	shalt  }
0x3f: {  	_ =	shalt  }
0x40: {  	_ =	shalt  }
0x41: {  	_ =	shalt  }
0x42: {  	_ =	shalt  }
0x43: {  	_ =	shalt  }
0x44: {  	_ =	shalt  }
0x45: {  	_ =	shalt  }
0x46: {  	_ =	shalt  }
0x47: {  	_ =	shalt  }
0x48: {  	_ =	shalt  }
0x49: {  	_ =	shalt  }
0x4a: {  	_ =	shalt  }
0x4b: {  	_ =	shalt  }
0x4c: {  	_ =	shalt  }
0x4d: {  	_ =	shalt  }
0x4e: {  	_ =	shalt  }
0x4f: {  	_ =	shalt  }
0x50: {  	_ =	shalt  }
0x51: {  	_ =	shalt  }
0x52: {  	_ =	shalt  }
0x53: {  	_ =	shalt  }
0x54: {  	_ =	shalt  }
0x55: {  	_ =	shalt  }
0x56: {  	_ =	shalt  }
0x57: {  	_ =	shalt  }
0x58: {  	_ =	shalt  }
0x59: {  	_ =	shalt  }
0x5a: {  	_ =	shalt  }
0x5b: {  	_ =	shalt  }
0x5c: {  	_ =	shalt  }
0x5d: {  	_ =	shalt  }
0x5e: {  	_ =	shalt  }
0x5f: {  	_ =	shalt  }
0x60: {  	_ =	shalt  }
0x61: {  	_ =	shalt  }
0x62: {  	_ =	shalt  }
0x63: {  	_ =	shalt  }
0x64: {  	_ =	shalt  }
0x65: {  	_ =	shalt  }
0x66: {  	_ =	shalt  }
0x67: {  	_ =	shalt  }
0x68: {  	_ =	shalt  }
0x69: {  	_ =	shalt  }
0x6a: {  	_ =	shalt  }
0x6b: {  	_ =	shalt  }
0x6c: {  	_ =	shalt  }
0x6d: {  	_ =	shalt  }
0x6e: {  	_ =	shalt  }
0x6f: {  	_ =	shalt  }
0x70: {  	_ =	shalt  }
0x71: {  	_ =	shalt  }
0x72: {  	_ =	shalt  }
0x73: {  	_ =	shalt  }
0x74: {  	_ =	shalt  }
0x75: {  	_ =	shalt  }
0x76: {  	_ =	shalt  }
0x77: {  	_ =	shalt  }
0x78: {  	_ =	shalt  }
0x79: {  	_ =	shalt  }
0x7a: {  	_ =	shalt  }
0x7b: {  	_ =	shalt  }
0x7c: {  	_ =	shalt  }
0x7d: {  	_ =	shalt  }
0x7e: {  	_ =	shalt  }
0x7f: {  	_ =	shalt  }
0x80: {  	_ =	shalt  }
0x81: {  	_ =	shalt  }
0x82: {  	_ =	shalt  }
0x83: {  	_ =	shalt  }
0x84: {  	_ =	shalt  }
0x85: {  	_ =	shalt  }
0x86: {  	_ =	shalt  }
0x87: {  	_ =	shalt  }
.Lfunc_end0:
.L_simem_size_0:
called_computation.2_lowered:
.L_overlay_start_0:
0x88: {  	s2 =	sld [smem:$0x3FD9]  }
0x89: {  	s3 =	sld [smem:$0x3FFE];
	_ =	sdelay $0x1  }
0x8a: {  	s1 =	srdreg.scid  }
0x8b: {  	s0 =	sand.u32 $0x1, s1  }
0x8c: {  	s16 =	sshll.u32 s0, $0xA;
	s2 =	sadd.s32 s3, s2  }
0x8d: {  	s2 =	sadd.s32 s2, s16  }
0x8e: {  	[smem:$0x3FB7] =	sst s2  }
0x8f: {  	_ = 	snop  }
0x90: {  	(tm) =	ssettm $0x1  }
0x91: {  	s17 =	sld [smem:$0x3FFB];
	_ =	sdelay $0x3  }
0x92: {  	_ =	strace s17  }
0x93: {  	s2 =	sld [smem:$0x3FFC];
	_ =	sdelay $0x3  }
0x94: {  	_ =	strace s2  }
0x95: {  	s2 =	sld [smem:$0x3FFD];
	_ =	sdelay $0x3  }
0x96: {  	_ =	strace s2  }
0x97: {  	_ =	strace $0x8FFFFFFF  }
0x98: {  	s18 =	sld [smem:$0x3FDB];
	_ =	sdelay $0x1  }
0x99: {  	s19 =	simm.s32 $_scs_section_size  }
0x9a: {  	s4 =	simm.s32 $_size__tile_overlayer_lowered;
	s5 =	simm.s32 $_tile_overlayer_lowered  }
0x9b: {  	s22 =	simm.s32 $0x1BFF;
	s21 =	sshll.u32 s5, $0x1;
	s2 =	sadd.s32 s19, s18  }
0x9c: {  	s6 =	simm.s32 $0x0;
	s20 =	sshll.u32 s4, $0x1;
	s4 =	sadd.s32 s21, s2  }
0x9d: {  	[timem:s6], [sflag:s22] =	dma.local [hbm:s4], s20  }
0x9e: {  	_ =	swait.ge [sflag:s22], s20  }
0x9f: {  	s3 =	ssub.s32 $0x0, s20;
	[sflag:s22] =	ssyncset.done $0x0  }
0xa0: {  	[sflag:s22] =	ssyncadd.s32 s3;
	_ =	sdelay $0x1  }
0xa1: {  	s23 =	simm.s32 $0x1B8B  }
0xa2: {  	_ =	swait.ge [sflag:s23], $0x1  }
0xa3: {  	[sflag:s23] =	ssyncset.done $0x0  }
0xa4: {  	s25 =	simm.s32 $0x1B8E;
	s24 =	sld [smem:$0x3FFE];
	[sflag:s23] =	ssyncadd.s32 $0xFFFFFFFF  }
0xa5: {  	s26 =	simm.s32 $execute0_lowered;
	[smem:$0x3FD2] =	sst s25  }
0xa6: {  	s4 =	sshll.u32 s26, $0x1;
	_ =	strace $0x8000004C;
	[dreg:$0x1] =	wrdreg $0xFFFFFFFF  }
0xa7: {  	s28 =	simm.s32 $_size_execute0_lowered;
	s2 =	sadd.s32 s2, s4;
	[dreg:$0x0] =	wrdreg $0x0  }
0xa8: {  	s4 =	sshll.u32 s28, $0x1;
	[dreg:$0x2] =	wrdreg s2  }
0xa9: {  	[dreg:$0x3] =	wrdreg s4  }
0xaa: {  	[dreg:$0x4] =	wrdreg $0xC0  }
0xab: {  	_ =	task [dreg:s6], $0x5FFFF  }
0xac: {  	[dreg:$0x1] =	wrdreg $0xFFFFFFFF  }
0xad: {  	[dreg:$0x0] =	wrdreg $0x60  }
0xae: {  	[dreg:$0x2] =	wrdreg s24  }
0xaf: {  	[dreg:$0x3] =	wrdreg $0x0  }
0xb0: {  	[dreg:$0x4] =	wrdreg $0x28000  }
0xb1: {  	[dreg:$0x5] =	wrdreg $0x50000  }
0xb2: {  	[dreg:$0x6] =	wrdreg $0x9  }
0xb3: {  	_ =	task.clear_ibuf [dreg:s6], $0x7FFFF;
	_ =	strace $0x9000004C  }
0xb4: {  	s29 =	simm.s32 $0x9;
	_ =	strace $0x8000004E  }
0xb5: {  	_ =	swait.ge [sflag:s29], $0x1  }
0xb6: {  	[sflag:s29] =	ssyncadd.s32 $0xFFFFFFFF  }
0xb7: {  	_ =	strace $0x9000004E  }
0xb8: {  	_ =	sfence  }
0xb9: {  	s30 =	sld [smem:$0x0];
	_ =	sdelay $0x2  }
0xba: {  	s31 =	sshll.u32 s1, $0xD;
	s1 =	sshrl.u32 s1, $0x2  }
0xbb: {  	s3 =	sand.u32 $0x4000, s31;
	s1 =	sadd.s32 s1, s30  }
0xbc: {  	s0 =	sor.u32 s3, s0;
	s1 =	sshll.u32 s1, $0x11  }
0xbd: {  	s0 =	sor.u32 s1, s0  }
0xbe: {  	s0 =	sadd.s32 $0x8F2B, s0  }
0xbf: {  	[sflag:s0] =	ssyncadd.remote.s32 $0x1  }
0xc0: {  	_ =	sfence.sel $0xFFFF  }
0xc1: {  	[dreg:$0x0] =	wrdreg $0xFFFFFFFF;
	(pc) =	sbr.abs _section_cstart, $3  }
0xc2: {  	[dreg:$0x1] =	wrdreg $0xFFFFFFFF  }
0xc3: {  	_ =	task.clear_ibuf [dreg:s6], $0x2FFFF;
	_ =	strace $0x9FFFFFFF  }
0xc4: {  	(tm) =	ssettm $0x7FFFFFFF  }
0xc5: {  	_ =	shalt  }
tec
execute0_lowered:
.L_overlay_start_1:
0x0: {  	(tag) =	ssettag $0x1  }
0x1: {  	s0 =	rddreg [dreg:$0x0]  }
0x2: {  	s1 =	rddreg [dreg:$0x1]  }
0x3: {  	s3 =	rddreg [dreg:$0x2]  }
0x4: {  	s2 =	rddreg [dreg:$0x3];
	s13 =	stileid.u32;
	s5 =	simm.s32 $0x0  }
0x5: {  	s4 =	srdreg.scid;
	s17 =	simm.s32 $0x3;
	s19 =	simm.s32 $0x7800  }
0x6: {  	s28 =	simm.s32 $0x2;
	s15 =	simm.s32 $0xBA68;
	s29 =	simm.s32 $0x19140  }
0x7: {  	s30 =	simm.s32 $0x0;
	s6 =	smul.u32 $0x4E20, s13;
	[smem:$0x7FF] =	sst s5  }
0x8: {  	s9 =	smul.u32 $0x2800, s13;
	s10 =	sand.u32 $0x1, s4;
	s4 =	sadd.s32 $0x1A400, s0  }
0x9: {  	s5 =	sadd.s32 $0x1F400, s0;
	s20 =	sshll.u32 s13, $0x6;
	s13 =	simm.s32 $0xAEB0  }
0xa: {  	_ =	strace $0x8000004D;
	s7 =	smul.u32 $0x28000, s10;
	s8 =	ssub.s32 $0x2, s10  }
0xb: {  	p0 =	seq.s32 s10, $0x1;
	s10 =	simm.s32 $0xA2F8;
	s6 =	sshrl.u32 s6, $0x3  }
0xc: {  	s11 =	sshrl.u32 s9, $0x3;
	s12 =	sshrl.u32 s8, $0x1;
	s14 =	sadd.s32 s9, s1  }
0xd: {  	s21 =	sadd.s32 s9, s3;
	s26 =	sadd.s32 s9, s2;
	s3 =	simm.s32 $0x9B28  }
0xe: {  	s6 =	sadd.s32 s6, s0;
	s7 =	sadd.s32 s9, s7;
	s11 =	sadd.s32 s11, s0  }
0xf: {  	s12 =	ssub.s32 s8, s12;
	s8 =	sor.u32 $0x1C03, s20;
	[dreg:$0xa] =	wrdreg s26  }
0x10: {  	[dreg:$0x5] =	wrdreg s14;
	s16 =	sshrl.u32 s14, $0x3;
	s18 =	sshrl.u32 s21, $0x3  }
0x11: {  	s21 =	simm.s32 $0x3E8;
	s20 =	simm.s32 $0x9740;
	s9 =	simm.s32 $0x9F10  }
0x12: {  	s14 =	simm.s32 $0xB298;
	s26 =	simm.s32 $0xC238;
	s22 =	sadd.s32 $0x6A00, s6  }
0x13: {  	s7 =	sshrl.u32 s7, $0x3;
	s23 =	sadd.s32 $0x10640, s6;
	[dreg:$0x6] =	wrdreg s22  }
0x14: {  	s25 =	sadd.s32 $0x24400, s11;
	s31 =	smax.u32 s12, $0x1;
	[dreg:$0x7] =	wrdreg s23  }
0x15: {  	s12 =	simm.s32 $0xAAC8;
	s6 =	simm.s32 $0xB680;
	[dreg:$0x9] =	wrdreg s25  }
0x16: {  	s0 =	sadd.s32 s7, s0;
	s7 =	sadd.s32 $0x29400, s11;
	[dreg:$0xc] =	wrdreg s31  }
0x17: {  	s22 =	simm.s32 $0x11440;
	s25 =	simm.s32 $0x1;
	s24 =	sadd.s32 $0x2E400, s0  }
0x18: {  	s11 =	simm.s32 $0xA6E0;
	s0 =	sadd.s32 $0x38400, s0;
	[dreg:$0x8] =	wrdreg s24  }
0x19: {  	s23 =	simm.s32 $0xBE50;
	[dreg:$0xb] =	wrdreg s0;
	s24 =	simm.s32 $0x152C0  }
.LBB2_1:
0x1a: {  	[spmem:s16], [sflag:s8] =	dma.local [hbm:s7], $0x500  }
0x1b: {  	_ =	swait.ge [sflag:s17], $0x500  }
0x1c: {  	[sflag:s17] =	ssyncset.done $0x0  }
0x1d: {  	[sflag:s17] =	ssyncadd.s32 $0xFFFFFB00  }
0x1e: {  	[spmem:s18], [sflag:s8] =	dma.local [hbm:s7], $0x500  }
0x1f: {  	_ =	swait.ge [sflag:s17], $0x500  }
0x20: {  	[sflag:s17] =	ssyncset.done $0x0  }
0x21: {  	s0 =	simm.s32 $0x0;
	s1 =	rddreg [dreg:$0x6];
	[sflag:s17] =	ssyncadd.s32 $0xFFFFFB00  }
0x22: {  	[tilespmem:s19], [sflag:$0x3] =	stream.linear.gather [hbm4b:s1+s0], $0x4E20, $0x38;
	[tilespmem:$0x1E140] =	vst v63  }
0x23: {  	_ =	swait.ge [sflag:s17], $0x4E20  }
0x24: {  	[sflag:s17] =	ssyncset.done $0x0  }
0x25: {  	s31 =	simm.s32 $0xC620;
	s1 =	rddreg [dreg:$0x7];
	[sflag:s17] =	ssyncadd.s32 $0xFFFFB1E0  }
0x26: {  	[tilespmem:s31], [sflag:$0x3] =	stream.linear.gather [hbm4b:s1+s0], $0x4E20, $0x38;
	[tilespmem:$0x1E140] =	vst v63  }
.Ltmp0:
0x27: {  	_ =	swait.ge [sflag:s17], $0x4E20;
	(pc) =	sbr.rel @!p0 .LBB2_2-.Ltmp0, $3  }
0x28: {  	[sflag:s17] =	ssyncset.done $0x0  }
0x29: {  	[sflag:s17] =	ssyncadd.s32 $0xFFFFB1E0  }
0x2a: {  	[bflag:$0x0] =	sbarrier.arrive $0xFFFF;
	_ =	sdelay $0x1  }
0x2b: {  	[tilespmem:s22], [sflag:$0x1] =	stream.indirect.gather [hbm4b:s5+s21], $0x10, s19, s21, $0xb8;
	[tilespmem:$0x1E140] =	vst v63  }
0x2c: {  	s0 =	simm.s32 $0x7BE8  }
0x2d: {  	[tilespmem:s24], [sflag:$0x2] =	stream.indirect.gather [hbm4b:s5+s21], $0x10, s0, s21, $0xb8;
	[tilespmem:$0x1E140] =	vst v63  }
0x2e: {  	_ =	swait.ge [sflag:s25], $0x3E80  }
0x2f: {  	[sflag:s25] =	ssyncset.done $0x0  }
0x30: {  	s1 =	simm.s32 $0x7FD0;
	[sflag:s25] =	ssyncadd.s32 $0xFFFFC180  }
0x31: {  	[tilespmem:s22], [sflag:$0x1] =	stream.indirect.gather [hbm4b:s5+s21], $0x10, s1, s21, $0xb8;
	[tilespmem:$0x1E140] =	vst v63  }
0x32: {  	_ =	swait.ge [sflag:s28], $0x3E80  }
0x33: {  	[sflag:s28] =	ssyncset.done $0x0  }
0x34: {  	s31 =	simm.s32 $0x83B8;
	[sflag:s28] =	ssyncadd.s32 $0xFFFFC180  }
0x35: {  	[tilespmem:s24], [sflag:$0x2] =	stream.indirect.gather [hbm4b:s5+s21], $0x10, s31, s21, $0xb8;
	[tilespmem:$0x1E140] =	vst v63  }
0x36: {  	_ =	swait.ge [sflag:s25], $0x3E80  }
0x37: {  	[sflag:s25] =	ssyncset.done $0x0  }
0x38: {  	s1 =	simm.s32 $0x87A0;
	[sflag:s25] =	ssyncadd.s32 $0xFFFFC180  }
0x39: {  	[tilespmem:s22], [sflag:$0x1] =	stream.indirect.gather [hbm4b:s5+s21], $0x10, s1, s21, $0xb8;
	[tilespmem:$0x1E140] =	vst v63  }
0x3a: {  	_ =	swait.ge [sflag:s28], $0x3E80  }
0x3b: {  	[sflag:s28] =	ssyncset.done $0x0  }
0x3c: {  	s31 =	simm.s32 $0x8B88;
	[sflag:s28] =	ssyncadd.s32 $0xFFFFC180  }
0x3d: {  	[tilespmem:s24], [sflag:$0x2] =	stream.indirect.gather [hbm4b:s5+s21], $0x10, s31, s21, $0xb8;
	[tilespmem:$0x1E140] =	vst v63  }
0x3e: {  	_ =	swait.ge [sflag:s25], $0x3E80  }
0x3f: {  	[sflag:s25] =	ssyncset.done $0x0  }
0x40: {  	s1 =	simm.s32 $0x8F70;
	[sflag:s25] =	ssyncadd.s32 $0xFFFFC180  }
0x41: {  	[tilespmem:s22], [sflag:$0x1] =	stream.indirect.gather [hbm4b:s5+s21], $0x10, s1, s21, $0xb8;
	[tilespmem:$0x1E140] =	vst v63  }
0x42: {  	_ =	swait.ge [sflag:s28], $0x3E80  }
0x43: {  	[sflag:s28] =	ssyncset.done $0x0  }
0x44: {  	s31 =	simm.s32 $0x9358;
	[sflag:s28] =	ssyncadd.s32 $0xFFFFC180  }
0x45: {  	[tilespmem:s24], [sflag:$0x2] =	stream.indirect.gather [hbm4b:s5+s21], $0x10, s31, s21, $0xb8;
	[tilespmem:$0x1E140] =	vst v63  }
0x46: {  	_ =	swait.ge [sflag:s25], $0x3E80  }
0x47: {  	[sflag:s25] =	ssyncset.done $0x0  }
0x48: {  	[sflag:s25] =	ssyncadd.s32 $0xFFFFC180  }
0x49: {  	[tilespmem:s22], [sflag:$0x1] =	stream.indirect.gather [hbm4b:s5+s21], $0x10, s20, s21, $0xb8;
	[tilespmem:$0x1E140] =	vst v63  }
0x4a: {  	_ =	swait.ge [sflag:s28], $0x3E80  }
0x4b: {  	[sflag:s28] =	ssyncset.done $0x0  }
0x4c: {  	[sflag:s28] =	ssyncadd.s32 $0xFFFFC180  }
0x4d: {  	[tilespmem:s24], [sflag:$0x2] =	stream.indirect.gather [hbm4b:s5+s21], $0x10, s3, s21, $0xb8;
	[tilespmem:$0x1E140] =	vst v63  }
0x4e: {  	_ =	swait.ge [sflag:s25], $0x3E80  }
0x4f: {  	[sflag:s25] =	ssyncset.done $0x0  }
0x50: {  	[sflag:s25] =	ssyncadd.s32 $0xFFFFC180  }
0x51: {  	[tilespmem:s22], [sflag:$0x1] =	stream.indirect.gather [hbm4b:s5+s21], $0x10, s9, s21, $0xb8;
	[tilespmem:$0x1E140] =	vst v63  }
0x52: {  	_ =	swait.ge [sflag:s28], $0x3E80  }
0x53: {  	[sflag:s28] =	ssyncset.done $0x0  }
0x54: {  	[sflag:s28] =	ssyncadd.s32 $0xFFFFC180  }
0x55: {  	[tilespmem:s24], [sflag:$0x2] =	stream.indirect.gather [hbm4b:s5+s21], $0x10, s10, s21, $0xb8;
	[tilespmem:$0x1E140] =	vst v63  }
0x56: {  	_ =	swait.ge [sflag:s25], $0x3E80  }
0x57: {  	[sflag:s25] =	ssyncset.done $0x0  }
0x58: {  	[sflag:s25] =	ssyncadd.s32 $0xFFFFC180  }
0x59: {  	[tilespmem:s22], [sflag:$0x1] =	stream.indirect.gather [hbm4b:s5+s21], $0x10, s11, s21, $0xb8;
	[tilespmem:$0x1E140] =	vst v63  }
0x5a: {  	_ =	swait.ge [sflag:s28], $0x3E80  }
0x5b: {  	[sflag:s28] =	ssyncset.done $0x0  }
0x5c: {  	[sflag:s28] =	ssyncadd.s32 $0xFFFFC180  }
0x5d: {  	[tilespmem:s24], [sflag:$0x2] =	stream.indirect.gather [hbm4b:s5+s21], $0x10, s12, s21, $0xb8;
	[tilespmem:$0x1E140] =	vst v63  }
0x5e: {  	_ =	swait.ge [sflag:s25], $0x3E80  }
0x5f: {  	[sflag:s25] =	ssyncset.done $0x0  }
0x60: {  	[sflag:s25] =	ssyncadd.s32 $0xFFFFC180  }
0x61: {  	[tilespmem:s22], [sflag:$0x1] =	stream.indirect.gather [hbm4b:s5+s21], $0x10, s13, s21, $0xb8;
	[tilespmem:$0x1E140] =	vst v63  }
0x62: {  	_ =	swait.ge [sflag:s28], $0x3E80  }
0x63: {  	[sflag:s28] =	ssyncset.done $0x0  }
0x64: {  	[sflag:s28] =	ssyncadd.s32 $0xFFFFC180  }
0x65: {  	[tilespmem:s24], [sflag:$0x2] =	stream.indirect.gather [hbm4b:s5+s21], $0x10, s14, s21, $0xb8;
	[tilespmem:$0x1E140] =	vst v63  }
0x66: {  	_ =	swait.ge [sflag:s25], $0x3E80  }
0x67: {  	[sflag:s25] =	ssyncset.done $0x0  }
0x68: {  	[sflag:s25] =	ssyncadd.s32 $0xFFFFC180  }
0x69: {  	[tilespmem:s22], [sflag:$0x1] =	stream.indirect.gather [hbm4b:s5+s21], $0x10, s6, s21, $0xb8;
	[tilespmem:$0x1E140] =	vst v63  }
0x6a: {  	_ =	swait.ge [sflag:s28], $0x3E80  }
0x6b: {  	[sflag:s28] =	ssyncset.done $0x0  }
0x6c: {  	[sflag:s28] =	ssyncadd.s32 $0xFFFFC180  }
0x6d: {  	[tilespmem:s24], [sflag:$0x2] =	stream.indirect.gather [hbm4b:s5+s21], $0x10, s15, s21, $0xb8;
	[tilespmem:$0x1E140] =	vst v63  }
0x6e: {  	_ =	swait.ge [sflag:s25], $0x3E80  }
0x6f: {  	[sflag:s25] =	ssyncset.done $0x0  }
0x70: {  	[sflag:s25] =	ssyncadd.s32 $0xFFFFC180  }
0x71: {  	[tilespmem:s22], [sflag:$0x1] =	stream.indirect.gather [hbm4b:s5+s21], $0x10, s23, s21, $0xb8;
	[tilespmem:$0x1E140] =	vst v63  }
.Ltmp1:
0x72: {  	_ = 	snop;
	(pc) =	sbr.rel .LBB2_4-.Ltmp1, $4  }
0x73: {  	_ =	swait.ge [sflag:s28], $0x3E80  }
0x74: {  	[sflag:s28] =	ssyncset.done $0x0  }
0x75: {  	[sflag:s28] =	ssyncadd.s32 $0xFFFFC180  }
0x76: {  	[tilespmem:s24], [sflag:$0x2] =	stream.indirect.gather [hbm4b:s5+s21], $0x10, s26, s21, $0xb8;
	[tilespmem:$0x1E140] =	vst v63  }
.LBB2_2:
0x77: {  	[tilespmem:s22], [sflag:$0x1] =	stream.indirect.gather [hbm4b:s4+s21], $0x10, s19, s21, $0xb8;
	[tilespmem:$0x1E140] =	vst v63  }
0x78: {  	s0 =	simm.s32 $0x7BE8  }
0x79: {  	[tilespmem:s24], [sflag:$0x2] =	stream.indirect.gather [hbm4b:s4+s21], $0x10, s0, s21, $0xb8;
	[tilespmem:$0x1E140] =	vst v63  }
0x7a: {  	_ =	swait.ge [sflag:s25], $0x3E80  }
0x7b: {  	[sflag:s25] =	ssyncset.done $0x0  }
0x7c: {  	s1 =	simm.s32 $0x7FD0;
	[sflag:s25] =	ssyncadd.s32 $0xFFFFC180  }
0x7d: {  	[tilespmem:s22], [sflag:$0x1] =	stream.indirect.gather [hbm4b:s4+s21], $0x10, s1, s21, $0xb8;
	[tilespmem:$0x1E140] =	vst v63  }
0x7e: {  	_ =	swait.ge [sflag:s28], $0x3E80  }
0x7f: {  	[sflag:s28] =	ssyncset.done $0x0  }
0x80: {  	s31 =	simm.s32 $0x83B8;
	[sflag:s28] =	ssyncadd.s32 $0xFFFFC180  }
0x81: {  	[tilespmem:s24], [sflag:$0x2] =	stream.indirect.gather [hbm4b:s4+s21], $0x10, s31, s21, $0xb8;
	[tilespmem:$0x1E140] =	vst v63  }
0x82: {  	_ =	swait.ge [sflag:s25], $0x3E80  }
0x83: {  	[sflag:s25] =	ssyncset.done $0x0  }
0x84: {  	s1 =	simm.s32 $0x87A0;
	[sflag:s25] =	ssyncadd.s32 $0xFFFFC180  }
0x85: {  	[tilespmem:s22], [sflag:$0x1] =	stream.indirect.gather [hbm4b:s4+s21], $0x10, s1, s21, $0xb8;
	[tilespmem:$0x1E140] =	vst v63  }
0x86: {  	_ =	swait.ge [sflag:s28], $0x3E80  }
0x87: {  	[sflag:s28] =	ssyncset.done $0x0  }
0x88: {  	s31 =	simm.s32 $0x8B88;
	[sflag:s28] =	ssyncadd.s32 $0xFFFFC180  }
0x89: {  	[tilespmem:s24], [sflag:$0x2] =	stream.indirect.gather [hbm4b:s4+s21], $0x10, s31, s21, $0xb8;
	[tilespmem:$0x1E140] =	vst v63  }
0x8a: {  	_ =	swait.ge [sflag:s25], $0x3E80  }
0x8b: {  	[sflag:s25] =	ssyncset.done $0x0  }
0x8c: {  	s1 =	simm.s32 $0x8F70;
	[sflag:s25] =	ssyncadd.s32 $0xFFFFC180  }
0x8d: {  	[tilespmem:s22], [sflag:$0x1] =	stream.indirect.gather [hbm4b:s4+s21], $0x10, s1, s21, $0xb8;
	[tilespmem:$0x1E140] =	vst v63  }
0x8e: {  	_ =	swait.ge [sflag:s28], $0x3E80  }
0x8f: {  	[sflag:s28] =	ssyncset.done $0x0  }
0x90: {  	s31 =	simm.s32 $0x9358;
	[sflag:s28] =	ssyncadd.s32 $0xFFFFC180  }
0x91: {  	[tilespmem:s24], [sflag:$0x2] =	stream.indirect.gather [hbm4b:s4+s21], $0x10, s31, s21, $0xb8;
	[tilespmem:$0x1E140] =	vst v63  }
0x92: {  	_ =	swait.ge [sflag:s25], $0x3E80  }
0x93: {  	[sflag:s25] =	ssyncset.done $0x0  }
0x94: {  	[sflag:s25] =	ssyncadd.s32 $0xFFFFC180  }
0x95: {  	[tilespmem:s22], [sflag:$0x1] =	stream.indirect.gather [hbm4b:s4+s21], $0x10, s20, s21, $0xb8;
	[tilespmem:$0x1E140] =	vst v63  }
0x96: {  	_ =	swait.ge [sflag:s28], $0x3E80  }
0x97: {  	[sflag:s28] =	ssyncset.done $0x0  }
0x98: {  	[sflag:s28] =	ssyncadd.s32 $0xFFFFC180  }
0x99: {  	[tilespmem:s24], [sflag:$0x2] =	stream.indirect.gather [hbm4b:s4+s21], $0x10, s3, s21, $0xb8;
	[tilespmem:$0x1E140] =	vst v63  }
0x9a: {  	_ =	swait.ge [sflag:s25], $0x3E80  }
0x9b: {  	[sflag:s25] =	ssyncset.done $0x0  }
0x9c: {  	[sflag:s25] =	ssyncadd.s32 $0xFFFFC180  }
0x9d: {  	[tilespmem:s22], [sflag:$0x1] =	stream.indirect.gather [hbm4b:s4+s21], $0x10, s9, s21, $0xb8;
	[tilespmem:$0x1E140] =	vst v63  }
0x9e: {  	_ =	swait.ge [sflag:s28], $0x3E80  }
0x9f: {  	[sflag:s28] =	ssyncset.done $0x0  }
0xa0: {  	[sflag:s28] =	ssyncadd.s32 $0xFFFFC180  }
0xa1: {  	[tilespmem:s24], [sflag:$0x2] =	stream.indirect.gather [hbm4b:s4+s21], $0x10, s10, s21, $0xb8;
	[tilespmem:$0x1E140] =	vst v63  }
0xa2: {  	_ =	swait.ge [sflag:s25], $0x3E80  }
0xa3: {  	[sflag:s25] =	ssyncset.done $0x0  }
0xa4: {  	[sflag:s25] =	ssyncadd.s32 $0xFFFFC180  }
0xa5: {  	[tilespmem:s22], [sflag:$0x1] =	stream.indirect.gather [hbm4b:s4+s21], $0x10, s11, s21, $0xb8;
	[tilespmem:$0x1E140] =	vst v63  }
0xa6: {  	_ =	swait.ge [sflag:s28], $0x3E80  }
0xa7: {  	[sflag:s28] =	ssyncset.done $0x0  }
0xa8: {  	[sflag:s28] =	ssyncadd.s32 $0xFFFFC180  }
0xa9: {  	[tilespmem:s24], [sflag:$0x2] =	stream.indirect.gather [hbm4b:s4+s21], $0x10, s12, s21, $0xb8;
	[tilespmem:$0x1E140] =	vst v63  }
0xaa: {  	_ =	swait.ge [sflag:s25], $0x3E80  }
0xab: {  	[sflag:s25] =	ssyncset.done $0x0  }
0xac: {  	[sflag:s25] =	ssyncadd.s32 $0xFFFFC180  }
0xad: {  	[tilespmem:s22], [sflag:$0x1] =	stream.indirect.gather [hbm4b:s4+s21], $0x10, s13, s21, $0xb8;
	[tilespmem:$0x1E140] =	vst v63  }
0xae: {  	_ =	swait.ge [sflag:s28], $0x3E80  }
0xaf: {  	[sflag:s28] =	ssyncset.done $0x0  }
0xb0: {  	[sflag:s28] =	ssyncadd.s32 $0xFFFFC180  }
0xb1: {  	[tilespmem:s24], [sflag:$0x2] =	stream.indirect.gather [hbm4b:s4+s21], $0x10, s14, s21, $0xb8;
	[tilespmem:$0x1E140] =	vst v63  }
0xb2: {  	_ =	swait.ge [sflag:s25], $0x3E80  }
0xb3: {  	[sflag:s25] =	ssyncset.done $0x0  }
0xb4: {  	[sflag:s25] =	ssyncadd.s32 $0xFFFFC180  }
0xb5: {  	[tilespmem:s22], [sflag:$0x1] =	stream.indirect.gather [hbm4b:s4+s21], $0x10, s6, s21, $0xb8;
	[tilespmem:$0x1E140] =	vst v63  }
0xb6: {  	_ =	swait.ge [sflag:s28], $0x3E80  }
0xb7: {  	[sflag:s28] =	ssyncset.done $0x0  }
0xb8: {  	[sflag:s28] =	ssyncadd.s32 $0xFFFFC180  }
0xb9: {  	[tilespmem:s24], [sflag:$0x2] =	stream.indirect.gather [hbm4b:s4+s21], $0x10, s15, s21, $0xb8;
	[tilespmem:$0x1E140] =	vst v63  }
0xba: {  	_ =	swait.ge [sflag:s25], $0x3E80  }
0xbb: {  	[sflag:s25] =	ssyncset.done $0x0  }
0xbc: {  	[sflag:s25] =	ssyncadd.s32 $0xFFFFC180  }
0xbd: {  	[tilespmem:s22], [sflag:$0x1] =	stream.indirect.gather [hbm4b:s4+s21], $0x10, s23, s21, $0xb8;
	[tilespmem:$0x1E140] =	vst v63  }
0xbe: {  	_ =	swait.ge [sflag:s28], $0x3E80  }
0xbf: {  	[sflag:s28] =	ssyncset.done $0x0  }
0xc0: {  	[sflag:s28] =	ssyncadd.s32 $0xFFFFC180  }
0xc1: {  	[tilespmem:s24], [sflag:$0x2] =	stream.indirect.gather [hbm4b:s4+s21], $0x10, s26, s21, $0xb8;
	[tilespmem:$0x1E140] =	vst v63  }
.LBB2_4:
0xc2: {  	_ =	swait.ge [sflag:s25], $0x3E80  }
0xc3: {  	[sflag:s25] =	ssyncset.done $0x0  }
0xc4: {  	[sflag:s25] =	ssyncadd.s32 $0xFFFFC180  }
0xc5: {  	_ =	swait.ge [sflag:s28], $0x3E80  }
0xc6: {  	[sflag:s28] =	ssyncset.done $0x0  }
0xc7: {  	[sflag:s28] =	ssyncadd.s32 $0xFFFFC180  }
0xc8: {  	[bflag:$0x0] =	sbarrier.arrive $0xFFFF  }
0xc9: {  	s0 =	rddreg [dreg:$0x8]  }
0xca: {  	[hbm:s0], [sflag:s8] =	dma.local [spmem:s16], $0x500  }
0xcb: {  	_ =	swait.ge [sflag:s17], $0x500  }
0xcc: {  	[sflag:s17] =	ssyncset.done $0x0  }
0xcd: {  	s1 =	rddreg [dreg:$0x5];
	[sflag:s17] =	ssyncadd.s32 $0xFFFFFB00  }
0xce: {  	[tilespmem:s29], [sflag:$0x3] =	stream.linear.gather [spmem:s1], $0x2800, $0x38;
	[tilespmem:$0x1E140] =	vst v63  }
0xcf: {  	_ =	swait.ge [sflag:s17], $0x2800  }
0xd0: {  	s31 =	simm.s32 $0x1B940;
	[sflag:s17] =	ssyncset.done $0x0  }
0xd1: {  	s0 =	simm.s32 $0x0;
	s1 =	rddreg [dreg:$0x9];
	[sflag:s17] =	ssyncadd.s32 $0xFFFFD800  }
0xd2: {  	[tilespmem:s31], [sflag:$0x3] =	stream.linear.gather [hbm4b:s1+s0], $0x2800, $0x38;
	[tilespmem:$0x1E140] =	vst v63  }
0xd3: {  	_ =	swait.ge [sflag:s17], $0x2800  }
0xd4: {  	[sflag:s17] =	ssyncset.done $0x0  }
0xd5: {  	s31 =	simm.s32 $0x0;
	[sflag:s17] =	ssyncadd.s32 $0xFFFFD800  }
0xd6: {  	s0 =	simm.s32 $0x40;
	v0 =	vld [tilespmem:s31+$0x1B940]  }
.LBB2_5:
0xd7: {  	p1 =	sne.s32 s0, $0x9FC0;
	v1 =	vld [tilespmem:s31+$0x19140];
	_ =	sdelay $0x2  }
.Ltmp2:
0xd8: {  	(pc) =	sbr.rel @p1 .LBB2_5-.Ltmp2, $4  }
0xd9: {  	_ = 	snop  }
0xda: {  	v1 =	vmul.f32 v0, v1  }
0xdb: {  	s1 =	sshra.s32 s0, $0x2  }
0xdc: {  	s0 =	sadd.s32 $0x40, s0;
	v0 =	vld [tilespmem:s1+$0x1B940];
	[tilespmem:s31+$0x19140] =	vst v1;
	s31 =	smov.u32 s1  }
0xdd: {  	v1 =	vld [tilespmem:s31+$0x19140];
	_ =	sdelay $0x4  }
0xde: {  	v0 =	vmul.f32 v0, v1;
	_ =	sdelay $0x1  }
0xdf: {  	s0 =	rddreg [dreg:$0xa];
	[tilespmem:s31+$0x19140] =	vst v0  }
0xe0: {  	[spmem:s0] =	stream.linear.scatter [tilespmem:s29], [sflag:$0x3], $0x2800, $0x38;
	[tilespmem:$0x1E140] =	vst v63  }
0xe1: {  	_ =	swait.ge [sflag:s17], $0x2800  }
0xe2: {  	[sflag:s17] =	ssyncset.done $0x0  }
0xe3: {  	[sflag:s17] =	ssyncadd.s32 $0xFFFFD800  }
0xe4: {  	[bflag:$0x0] =	sbarrier.arrive $0xFFFF  }
0xe5: {  	[tilespmem:s22], [sflag:$0x1] =	stream.indirect.gather [spmem:s2], $0x10, s19, s21, $0xb8;
	[tilespmem:$0x1E140] =	vst v63  }
0xe6: {  	s31 =	simm.s32 $0x7BE8  }
0xe7: {  	[tilespmem:s24], [sflag:$0x2] =	stream.indirect.gather [spmem:s2], $0x10, s31, s21, $0xb8;
	[tilespmem:$0x1E140] =	vst v63  }
0xe8: {  	_ =	swait.ge [sflag:s25], $0x3E80  }
0xe9: {  	[sflag:s25] =	ssyncset.done $0x0  }
0xea: {  	s1 =	simm.s32 $0x7FD0;
	[sflag:s25] =	ssyncadd.s32 $0xFFFFC180  }
0xeb: {  	[tilespmem:s22], [sflag:$0x1] =	stream.indirect.gather [spmem:s2], $0x10, s1, s21, $0xb8;
	[tilespmem:$0x1E140] =	vst v63  }
0xec: {  	_ =	swait.ge [sflag:s28], $0x3E80  }
0xed: {  	[sflag:s28] =	ssyncset.done $0x0  }
0xee: {  	s31 =	simm.s32 $0x83B8;
	[sflag:s28] =	ssyncadd.s32 $0xFFFFC180  }
0xef: {  	[tilespmem:s24], [sflag:$0x2] =	stream.indirect.gather [spmem:s2], $0x10, s31, s21, $0xb8;
	[tilespmem:$0x1E140] =	vst v63  }
0xf0: {  	_ =	swait.ge [sflag:s25], $0x3E80  }
0xf1: {  	[sflag:s25] =	ssyncset.done $0x0  }
0xf2: {  	s1 =	simm.s32 $0x87A0;
	[sflag:s25] =	ssyncadd.s32 $0xFFFFC180  }
0xf3: {  	[tilespmem:s22], [sflag:$0x1] =	stream.indirect.gather [spmem:s2], $0x10, s1, s21, $0xb8;
	[tilespmem:$0x1E140] =	vst v63  }
0xf4: {  	_ =	swait.ge [sflag:s28], $0x3E80  }
0xf5: {  	[sflag:s28] =	ssyncset.done $0x0  }
0xf6: {  	s31 =	simm.s32 $0x8B88;
	[sflag:s28] =	ssyncadd.s32 $0xFFFFC180  }
0xf7: {  	[tilespmem:s24], [sflag:$0x2] =	stream.indirect.gather [spmem:s2], $0x10, s31, s21, $0xb8;
	[tilespmem:$0x1E140] =	vst v63  }
0xf8: {  	_ =	swait.ge [sflag:s25], $0x3E80  }
0xf9: {  	[sflag:s25] =	ssyncset.done $0x0  }
0xfa: {  	s1 =	simm.s32 $0x8F70;
	[sflag:s25] =	ssyncadd.s32 $0xFFFFC180  }
0xfb: {  	[tilespmem:s22], [sflag:$0x1] =	stream.indirect.gather [spmem:s2], $0x10, s1, s21, $0xb8;
	[tilespmem:$0x1E140] =	vst v63  }
0xfc: {  	_ =	swait.ge [sflag:s28], $0x3E80  }
0xfd: {  	[sflag:s28] =	ssyncset.done $0x0  }
0xfe: {  	s31 =	simm.s32 $0x9358;
	[sflag:s28] =	ssyncadd.s32 $0xFFFFC180  }
0xff: {  	[tilespmem:s24], [sflag:$0x2] =	stream.indirect.gather [spmem:s2], $0x10, s31, s21, $0xb8;
	[tilespmem:$0x1E140] =	vst v63  }
0x100: {  	_ =	swait.ge [sflag:s25], $0x3E80  }
0x101: {  	[sflag:s25] =	ssyncset.done $0x0  }
0x102: {  	[sflag:s25] =	ssyncadd.s32 $0xFFFFC180  }
0x103: {  	[tilespmem:s22], [sflag:$0x1] =	stream.indirect.gather [spmem:s2], $0x10, s20, s21, $0xb8;
	[tilespmem:$0x1E140] =	vst v63  }
0x104: {  	_ =	swait.ge [sflag:s28], $0x3E80  }
0x105: {  	[sflag:s28] =	ssyncset.done $0x0  }
0x106: {  	[sflag:s28] =	ssyncadd.s32 $0xFFFFC180  }
0x107: {  	[tilespmem:s24], [sflag:$0x2] =	stream.indirect.gather [spmem:s2], $0x10, s3, s21, $0xb8;
	[tilespmem:$0x1E140] =	vst v63  }
0x108: {  	_ =	swait.ge [sflag:s25], $0x3E80  }
0x109: {  	[sflag:s25] =	ssyncset.done $0x0  }
0x10a: {  	[sflag:s25] =	ssyncadd.s32 $0xFFFFC180  }
0x10b: {  	[tilespmem:s22], [sflag:$0x1] =	stream.indirect.gather [spmem:s2], $0x10, s9, s21, $0xb8;
	[tilespmem:$0x1E140] =	vst v63  }
0x10c: {  	_ =	swait.ge [sflag:s28], $0x3E80  }
0x10d: {  	[sflag:s28] =	ssyncset.done $0x0  }
0x10e: {  	[sflag:s28] =	ssyncadd.s32 $0xFFFFC180  }
0x10f: {  	[tilespmem:s24], [sflag:$0x2] =	stream.indirect.gather [spmem:s2], $0x10, s10, s21, $0xb8;
	[tilespmem:$0x1E140] =	vst v63  }
0x110: {  	_ =	swait.ge [sflag:s25], $0x3E80  }
0x111: {  	[sflag:s25] =	ssyncset.done $0x0  }
0x112: {  	[sflag:s25] =	ssyncadd.s32 $0xFFFFC180  }
0x113: {  	[tilespmem:s22], [sflag:$0x1] =	stream.indirect.gather [spmem:s2], $0x10, s11, s21, $0xb8;
	[tilespmem:$0x1E140] =	vst v63  }
0x114: {  	_ =	swait.ge [sflag:s28], $0x3E80  }
0x115: {  	[sflag:s28] =	ssyncset.done $0x0  }
0x116: {  	[sflag:s28] =	ssyncadd.s32 $0xFFFFC180  }
0x117: {  	[tilespmem:s24], [sflag:$0x2] =	stream.indirect.gather [spmem:s2], $0x10, s12, s21, $0xb8;
	[tilespmem:$0x1E140] =	vst v63  }
0x118: {  	_ =	swait.ge [sflag:s25], $0x3E80  }
0x119: {  	[sflag:s25] =	ssyncset.done $0x0  }
0x11a: {  	[sflag:s25] =	ssyncadd.s32 $0xFFFFC180  }
0x11b: {  	[tilespmem:s22], [sflag:$0x1] =	stream.indirect.gather [spmem:s2], $0x10, s13, s21, $0xb8;
	[tilespmem:$0x1E140] =	vst v63  }
0x11c: {  	_ =	swait.ge [sflag:s28], $0x3E80  }
0x11d: {  	[sflag:s28] =	ssyncset.done $0x0  }
0x11e: {  	[sflag:s28] =	ssyncadd.s32 $0xFFFFC180  }
0x11f: {  	[tilespmem:s24], [sflag:$0x2] =	stream.indirect.gather [spmem:s2], $0x10, s14, s21, $0xb8;
	[tilespmem:$0x1E140] =	vst v63  }
0x120: {  	_ =	swait.ge [sflag:s25], $0x3E80  }
0x121: {  	[sflag:s25] =	ssyncset.done $0x0  }
0x122: {  	[sflag:s25] =	ssyncadd.s32 $0xFFFFC180  }
0x123: {  	[tilespmem:s22], [sflag:$0x1] =	stream.indirect.gather [spmem:s2], $0x10, s6, s21, $0xb8;
	[tilespmem:$0x1E140] =	vst v63  }
0x124: {  	_ =	swait.ge [sflag:s28], $0x3E80  }
0x125: {  	[sflag:s28] =	ssyncset.done $0x0  }
0x126: {  	[sflag:s28] =	ssyncadd.s32 $0xFFFFC180  }
0x127: {  	[tilespmem:s24], [sflag:$0x2] =	stream.indirect.gather [spmem:s2], $0x10, s15, s21, $0xb8;
	[tilespmem:$0x1E140] =	vst v63  }
0x128: {  	_ =	swait.ge [sflag:s25], $0x3E80  }
0x129: {  	[sflag:s25] =	ssyncset.done $0x0  }
0x12a: {  	[sflag:s25] =	ssyncadd.s32 $0xFFFFC180  }
0x12b: {  	[tilespmem:s22], [sflag:$0x1] =	stream.indirect.gather [spmem:s2], $0x10, s23, s21, $0xb8;
	[tilespmem:$0x1E140] =	vst v63  }
0x12c: {  	_ =	swait.ge [sflag:s28], $0x3E80  }
0x12d: {  	[sflag:s28] =	ssyncset.done $0x0  }
0x12e: {  	[sflag:s28] =	ssyncadd.s32 $0xFFFFC180  }
0x12f: {  	[tilespmem:s24], [sflag:$0x2] =	stream.indirect.gather [spmem:s2], $0x10, s26, s21, $0xb8;
	[tilespmem:$0x1E140] =	vst v63  }
0x130: {  	_ =	swait.ge [sflag:s25], $0x3E80  }
0x131: {  	[sflag:s25] =	ssyncset.done $0x0  }
0x132: {  	[sflag:s25] =	ssyncadd.s32 $0xFFFFC180  }
0x133: {  	_ =	swait.ge [sflag:s28], $0x3E80  }
0x134: {  	[sflag:s28] =	ssyncset.done $0x0  }
0x135: {  	[sflag:s28] =	ssyncadd.s32 $0xFFFFC180  }
0x136: {  	[bflag:$0x0] =	sbarrier.arrive $0xFFFF  }
0x137: {  	s1 =	rddreg [dreg:$0xb]  }
0x138: {  	[hbm:s1], [sflag:s8] =	dma.local [spmem:s18], $0x500  }
0x139: {  	_ =	swait.ge [sflag:s17], $0x500  }
0x13a: {  	s30 =	sadd.s32 $0x1, s30;
	s31 =	rddreg [dreg:$0xc]  }
0x13b: {  	p1 =	sne.s32 s30, s31  }
.Ltmp3:
0x13c: {  	_ = 	snop;
	(pc) =	sbr.rel @p1 .LBB2_1-.Ltmp3, $3  }
0x13d: {  	_ =	sdelay $0x1  }
0x13e: {  	[sflag:s17] =	ssyncset.done $0x0  }
0x13f: {  	[sflag:s17] =	ssyncadd.s32 $0xFFFFFB00  }
0x140: {  	_ =	sfence.sel $0x180000  }
0x141: {  	[bflag:$0x0] =	sbarrier.arrive $0xFFFF  }
0x142: {  	_ =	strace $0x9000004D  }
0x143: {  	s0 =	stileid.u32;
	[bflag:$0x2] =	sbarrier.arrive $0xFFFF  }
0x144: {  	p0 =	sne.s32 s0, $0x0;
	s0 =	rddreg [dreg:$0x4]  }
0x145: {  	s0 =	sadd.s32 @!p0 $0x100000, s0  }
0x146: {  	[sflag:s0] =	ssyncadd.tile.s32 @!p0 $0x1;
	_ =	shalt  }
.Lfunc_end2:
_tile_overlayer_lowered:
.L_overlay_start_2:
0x147: {  	(tag) =	ssettag $0x2  }
0x148: {  	s0 =	rddreg [dreg:$0x0];
	s2 =	stileid.u32  }
0x149: {  	s1 =	rddreg [dreg:$0x1];
	p0 =	sne.s32 s2, $0x0  }
0x14a: {  	s3 =	rddreg [dreg:$0x2];
	[bflag:$0x3] =	sbarrier.arrive $0xFFFF;
	s2 =	simm.s32 @!p0 $0x1C03  }
0x14b: {  	[timem:s3], [sflag:s2] =	dma.local @!p0 [hbm:s0], s1  }
0x14c: {  	s0 =	simm.s32 @!p0 $0x3  }
0x14d: {  	_ =	swait.ge @!p0 [sflag:s0], s1  }
0x14e: {  	s1 =	ssub.s32 @!p0 $0x0, s1;
	[sflag:s0] =	ssyncset.done @!p0 $0x0  }
0x14f: {  	[sflag:s0] =	ssyncadd.s32 @!p0 s1  }
0x150: {  	[bflag:$0x3] =	sbarrier.arrive $0xFFFF  }
0x151: {  	_ =	shalt  }

// kernel: kernel.19.cloned.1.call-start
scs
__scs_entry_jumppad:
0x0: {  	(pc) =	sbr.rel $0x88, $3  }
0x1: {  	(tag) =	ssettag $0x0;
	lr =	simm.s32 $0x1  }
0x2: {  	[smem:$0x3F90] =	sst lr;
	_ =	strace $0xD0000000  }
0x3: {  	_ = 	snop  }
0x4: {  	_ = 	snop  }
0x5: {  	_ = 	snop  }
0x6: {  	_ = 	snop  }
0x7: {  	_ = 	snop  }
__scs_overlays_trampoline_lowered:
0x8: {  	[smem:$0x3F9F] =	sst s0  }
0x9: {  	[smem:$0x3FA0] =	sst s1  }
0xa: {  	[smem:$0x3FA1] =	sst s2  }
0xb: {  	[smem:$0x3FA2] =	sst s3  }
0xc: {  	[smem:$0x3FA3] =	sst s4  }
0xd: {  	[smem:$0x3FA4] =	sst s5  }
0xe: {  	[smem:$0x3FA5] =	sst s6  }
0xf: {  	[smem:$0x3FA6] =	sst s7  }
0x10: {  	[smem:$0x3FA7] =	sst s8  }
0x11: {  	[smem:$0x3FA8] =	sst s9;
	s0 =	simm.s32 @!p0 $0x0  }
0x12: {  	s1 =	sld [smem:$0x3F8E];
	s0 =	simm.s32 @p0 $0x1  }
0x13: {  	[smem:$0x3FA9] =	sst s0;
	s0 =	simm.s32 @!p1 $0x0  }
0x14: {  	s2 =	sld [smem:$0x3F8D];
	s0 =	simm.s32 @p1 $0x1  }
0x15: {  	[smem:$0x3FAA] =	sst s0;
	s0 =	simm.s32 @!p2 $0x0  }
0x16: {  	s3 =	sld [smem:$0x3FDB];
	s0 =	simm.s32 @p2 $0x1  }
0x17: {  	s4 =	simm.s32 $0x1BF5;
	[smem:$0x3FAC] =	sst s0  }
0x18: {  	s0 =	sld [smem:$0x3F8F];
	_ =	swait.ge [sflag:s4], $0x0  }
0x19: {  	s7 =	sld [smem:$0x3F90]  }
0x1a: {  	s8 =	sadd.s32 $0xFFFFE003, lr  }
0x1b: {  	s9 =	sadd.s32 $0xFFFFFEF7, lr;
	s5 =	simm.s32 $0xFFFFFFFF;
	p2 =	slt.u32 s8, $0xFFFFF086  }
0x1c: {  	p1 =	slt.u32 s9, $0xF7A;
	s5 =	simm.s32 @!p2 $0x0  }
0x1d: {  	s5 =	simm.s32 @p1 $0x1;
	p0 =	seq.s32 s7, s2  }
0x1e: {  	s7 =	smul.u32 @!p0 $0xF7A, s2;
	p2 =	seq.s32 @!p0 s5, $0x0  }
0x1f: {  	s9 =	smul.u32 $0xF7A, s1;
	s8 =	simm.s32 @!p0 $0x1BF5;
	p2 =	por !p2, p0  }
0x20: {  	[sflag:s8] =	ssyncset.s32 @!p0 $0xFFFFF086;
	s6 =	sadd.s32 @!p0 s3, s7;
	s7 =	simm.s32 @!p0 $0x108  }
0x21: {  	s3 =	sadd.s32 s3, s9;
	s6 =	sadd.s32 @!p0 $0x88, s6;
	s7 =	simm.s32 @p2 $0x1082  }
0x22: {  	[simem:s7], [sflag:s8] =	dma.local @!p0 [hbm:s6], $0xF7A  }
0x23: {  	s9 =	sor.u32 $0xD0000000, s2;
	s6 =	simm.s32 $0x108;
	_ =	swait.ge @!p0 [sflag:s8], $0x0  }
0x24: {  	s3 =	sadd.s32 $0x88, s3;
	s6 =	simm.s32 @!p1 $0x1082;
	[sflag:s4] =	ssyncset.s32 $0xFFFFF086  }
0x25: {  	[simem:s6], [sflag:s4] =	dma.local [hbm:s3], $0xF7A  }
0x26: {  	[smem:$0x3F90] =	sst s1;
	(tag) =	ssettag s2;
	_ =	strace s9  }
0x27: {  	s1 =	sld [smem:$0x3FA0]  }
0x28: {  	s2 =	sld [smem:$0x3FA1]  }
0x29: {  	s4 =	sld [smem:$0x3FA3]  }
0x2a: {  	p0 =	seq.s32 s5, $0x0;
	s5 =	sld [smem:$0x3FA4]  }
0x2b: {  	s6 =	sld [smem:$0x3FA5]  }
0x2c: {  	s7 =	sld [smem:$0x3FA6]  }
0x2d: {  	s3 =	simm.s32 $0x108;
	s8 =	sld [smem:$0x3FA7]  }
0x2e: {  	s3 =	simm.s32 @!p0 $0x1082;
	s9 =	sld [smem:$0x3FA8]  }
0x2f: {  	lr =	sadd.s32 s0, s3;
	s0 =	sld [smem:$0x3F9F]  }
0x30: {  	s3 =	sld [smem:$0x3FA2]  }
0x31: {  	[smem:$0x3FAB] =	sst s10  }
0x32: {  	s10 =	sld [smem:$0x3FA9];
	_ =	sdelay $0x3  }
0x33: {  	p0 =	seq.s32 s10, $0x1;
	s10 =	sld [smem:$0x3FAB];
	_ =	sdelay $0x3  }
0x34: {  	[smem:$0x3FAB] =	sst s10  }
0x35: {  	s10 =	sld [smem:$0x3FAA];
	_ =	sdelay $0x3  }
0x36: {  	p1 =	seq.s32 s10, $0x1;
	s10 =	sld [smem:$0x3FAB];
	_ =	sdelay $0x3  }
0x37: {  	[smem:$0x3FAB] =	sst s10  }
0x38: {  	s10 =	sld [smem:$0x3FAC]  }
0x39: {  	_ = 	snop;
	(pc) =	sbr.ind lr, $3  }
0x3a: {  	_ = 	snop  }
0x3b: {  	_ = 	snop  }
0x3c: {  	p2 =	seq.s32 s10, $0x1;
	s10 =	sld [smem:$0x3FAB]  }
0x3d: {  	_ =	shalt  }
0x3e: {  	_ =	shalt  }
0x3f: {  	_ =	shalt  }
0x40: {  	_ =	shalt  }
0x41: {  	_ =	shalt  }
0x42: {  	_ =	shalt  }
0x43: {  	_ =	shalt  }
0x44: {  	_ =	shalt  }
0x45: {  	_ =	shalt  }
0x46: {  	_ =	shalt  }
0x47: {  	_ =	shalt  }
0x48: {  	_ =	shalt  }
0x49: {  	_ =	shalt  }
0x4a: {  	_ =	shalt  }
0x4b: {  	_ =	shalt  }
0x4c: {  	_ =	shalt  }
0x4d: {  	_ =	shalt  }
0x4e: {  	_ =	shalt  }
0x4f: {  	_ =	shalt  }
0x50: {  	_ =	shalt  }
0x51: {  	_ =	shalt  }
0x52: {  	_ =	shalt  }
0x53: {  	_ =	shalt  }
0x54: {  	_ =	shalt  }
0x55: {  	_ =	shalt  }
0x56: {  	_ =	shalt  }
0x57: {  	_ =	shalt  }
0x58: {  	_ =	shalt  }
0x59: {  	_ =	shalt  }
0x5a: {  	_ =	shalt  }
0x5b: {  	_ =	shalt  }
0x5c: {  	_ =	shalt  }
0x5d: {  	_ =	shalt  }
0x5e: {  	_ =	shalt  }
0x5f: {  	_ =	shalt  }
0x60: {  	_ =	shalt  }
0x61: {  	_ =	shalt  }
0x62: {  	_ =	shalt  }
0x63: {  	_ =	shalt  }
0x64: {  	_ =	shalt  }
0x65: {  	_ =	shalt  }
0x66: {  	_ =	shalt  }
0x67: {  	_ =	shalt  }
0x68: {  	_ =	shalt  }
0x69: {  	_ =	shalt  }
0x6a: {  	_ =	shalt  }
0x6b: {  	_ =	shalt  }
0x6c: {  	_ =	shalt  }
0x6d: {  	_ =	shalt  }
0x6e: {  	_ =	shalt  }
0x6f: {  	_ =	shalt  }
0x70: {  	_ =	shalt  }
0x71: {  	_ =	shalt  }
0x72: {  	_ =	shalt  }
0x73: {  	_ =	shalt  }
0x74: {  	_ =	shalt  }
0x75: {  	_ =	shalt  }
0x76: {  	_ =	shalt  }
0x77: {  	_ =	shalt  }
0x78: {  	_ =	shalt  }
0x79: {  	_ =	shalt  }
0x7a: {  	_ =	shalt  }
0x7b: {  	_ =	shalt  }
0x7c: {  	_ =	shalt  }
0x7d: {  	_ =	shalt  }
0x7e: {  	_ =	shalt  }
0x7f: {  	_ =	shalt  }
0x80: {  	_ =	shalt  }
0x81: {  	_ =	shalt  }
0x82: {  	_ =	shalt  }
0x83: {  	_ =	shalt  }
0x84: {  	_ =	shalt  }
0x85: {  	_ =	shalt  }
0x86: {  	_ =	shalt  }
0x87: {  	_ =	shalt  }
.Lfunc_end0:
.L_simem_size_0:
called_computation.3_lowered:
.L_overlay_start_0:
0x88: {  	s2 =	sld [smem:$0x3FD9]  }
0x89: {  	s3 =	sld [smem:$0x3FFE];
	_ =	sdelay $0x1  }
0x8a: {  	s1 =	srdreg.scid  }
0x8b: {  	s0 =	sand.u32 $0x1, s1  }
0x8c: {  	s16 =	sshll.u32 s0, $0xA;
	s2 =	sadd.s32 s3, s2  }
0x8d: {  	s2 =	sadd.s32 s2, s16  }
0x8e: {  	[smem:$0x3FB7] =	sst s2  }
0x8f: {  	_ = 	snop  }
0x90: {  	(tm) =	ssettm $0x1  }
0x91: {  	s17 =	sld [smem:$0x3FFB];
	_ =	sdelay $0x3  }
0x92: {  	_ =	strace s17  }
0x93: {  	s2 =	sld [smem:$0x3FFC];
	_ =	sdelay $0x3  }
0x94: {  	_ =	strace s2  }
0x95: {  	s2 =	sld [smem:$0x3FFD];
	_ =	sdelay $0x3  }
0x96: {  	_ =	strace s2  }
0x97: {  	_ =	strace $0x8FFFFFFF  }
0x98: {  	s18 =	sld [smem:$0x3FDB];
	_ =	sdelay $0x1  }
0x99: {  	s19 =	simm.s32 $_scs_section_size  }
0x9a: {  	s4 =	simm.s32 $_size__tile_overlayer_lowered;
	s5 =	simm.s32 $_tile_overlayer_lowered  }
0x9b: {  	s22 =	simm.s32 $0x1BFF;
	s21 =	sshll.u32 s5, $0x1;
	s2 =	sadd.s32 s19, s18  }
0x9c: {  	s6 =	simm.s32 $0x0;
	s20 =	sshll.u32 s4, $0x1;
	s4 =	sadd.s32 s21, s2  }
0x9d: {  	[timem:s6], [sflag:s22] =	dma.local [hbm:s4], s20  }
0x9e: {  	_ =	swait.ge [sflag:s22], s20  }
0x9f: {  	s3 =	ssub.s32 $0x0, s20;
	[sflag:s22] =	ssyncset.done $0x0  }
0xa0: {  	[sflag:s22] =	ssyncadd.s32 s3;
	_ =	sdelay $0x1  }
0xa1: {  	s23 =	simm.s32 $0x1B8B  }
0xa2: {  	_ =	swait.ge [sflag:s23], $0x1  }
0xa3: {  	[sflag:s23] =	ssyncset.done $0x0  }
0xa4: {  	s25 =	simm.s32 $0x1B8E;
	s24 =	sld [smem:$0x3FFE];
	[sflag:s23] =	ssyncadd.s32 $0xFFFFFFFF  }
0xa5: {  	s26 =	simm.s32 $execute0_lowered;
	[smem:$0x3FD2] =	sst s25  }
0xa6: {  	s4 =	sshll.u32 s26, $0x1;
	_ =	strace $0x8000004F;
	[dreg:$0x1] =	wrdreg $0xFFFFFFFF  }
0xa7: {  	s28 =	simm.s32 $_size_execute0_lowered;
	s2 =	sadd.s32 s2, s4;
	[dreg:$0x0] =	wrdreg $0x0  }
0xa8: {  	s4 =	sshll.u32 s28, $0x1;
	[dreg:$0x2] =	wrdreg s2  }
0xa9: {  	[dreg:$0x3] =	wrdreg s4  }
0xaa: {  	[dreg:$0x4] =	wrdreg $0xC0  }
0xab: {  	_ =	task [dreg:s6], $0x5FFFF  }
0xac: {  	[dreg:$0x1] =	wrdreg $0xFFFFFFFF  }
0xad: {  	[dreg:$0x0] =	wrdreg $0x60  }
0xae: {  	[dreg:$0x2] =	wrdreg s24  }
0xaf: {  	[dreg:$0x3] =	wrdreg $0x0  }
0xb0: {  	[dreg:$0x4] =	wrdreg $0x28000  }
0xb1: {  	[dreg:$0x5] =	wrdreg $0x50000  }
0xb2: {  	[dreg:$0x6] =	wrdreg $0x9  }
0xb3: {  	_ =	task.clear_ibuf [dreg:s6], $0x7FFFF;
	_ =	strace $0x9000004F  }
0xb4: {  	s29 =	simm.s32 $0x9;
	_ =	strace $0x80000051  }
0xb5: {  	_ =	swait.ge [sflag:s29], $0x1  }
0xb6: {  	[sflag:s29] =	ssyncadd.s32 $0xFFFFFFFF  }
0xb7: {  	_ =	strace $0x90000051  }
0xb8: {  	_ =	sfence  }
0xb9: {  	s30 =	sld [smem:$0x0];
	_ =	sdelay $0x2  }
0xba: {  	s31 =	sshll.u32 s1, $0xD;
	s1 =	sshrl.u32 s1, $0x2  }
0xbb: {  	s3 =	sand.u32 $0x4000, s31;
	s1 =	sadd.s32 s1, s30  }
0xbc: {  	s0 =	sor.u32 s3, s0;
	s1 =	sshll.u32 s1, $0x11  }
0xbd: {  	s0 =	sor.u32 s1, s0  }
0xbe: {  	s0 =	sadd.s32 $0x8F2B, s0  }
0xbf: {  	[sflag:s0] =	ssyncadd.remote.s32 $0x1  }
0xc0: {  	_ =	sfence.sel $0xFFFF  }
0xc1: {  	[dreg:$0x0] =	wrdreg $0xFFFFFFFF;
	(pc) =	sbr.abs _section_cstart, $3  }
0xc2: {  	[dreg:$0x1] =	wrdreg $0xFFFFFFFF  }
0xc3: {  	_ =	task.clear_ibuf [dreg:s6], $0x2FFFF;
	_ =	strace $0x9FFFFFFF  }
0xc4: {  	(tm) =	ssettm $0x7FFFFFFF  }
0xc5: {  	_ =	shalt  }
tec
execute0_lowered:
.L_overlay_start_1:
0x0: {  	(tag) =	ssettag $0x1  }
0x1: {  	s0 =	rddreg [dreg:$0x0]  }
0x2: {  	s1 =	rddreg [dreg:$0x1]  }
0x3: {  	s3 =	rddreg [dreg:$0x2]  }
0x4: {  	s2 =	rddreg [dreg:$0x3];
	s13 =	stileid.u32;
	s5 =	simm.s32 $0x0  }
0x5: {  	s4 =	srdreg.scid;
	s17 =	simm.s32 $0x3;
	s19 =	simm.s32 $0x7800  }
0x6: {  	s28 =	simm.s32 $0x2;
	s15 =	simm.s32 $0xBA68;
	s29 =	simm.s32 $0x19140  }
0x7: {  	s30 =	simm.s32 $0x0;
	s6 =	smul.u32 $0x4E20, s13;
	[smem:$0x7FF] =	sst s5  }
0x8: {  	s9 =	smul.u32 $0x2800, s13;
	s10 =	sand.u32 $0x1, s4;
	s4 =	sadd.s32 $0x1A400, s0  }
0x9: {  	s5 =	sadd.s32 $0x1F400, s0;
	s20 =	sshll.u32 s13, $0x6;
	s13 =	simm.s32 $0xAEB0  }
0xa: {  	_ =	strace $0x80000050;
	s7 =	smul.u32 $0x28000, s10;
	s8 =	ssub.s32 $0x2, s10  }
0xb: {  	p0 =	seq.s32 s10, $0x1;
	s10 =	simm.s32 $0xA2F8;
	s6 =	sshrl.u32 s6, $0x3  }
0xc: {  	s11 =	sshrl.u32 s9, $0x3;
	s12 =	sshrl.u32 s8, $0x1;
	s14 =	sadd.s32 s9, s1  }
0xd: {  	s21 =	sadd.s32 s9, s3;
	s26 =	sadd.s32 s9, s2;
	s3 =	simm.s32 $0x9B28  }
0xe: {  	s6 =	sadd.s32 s6, s0;
	s7 =	sadd.s32 s9, s7;
	s11 =	sadd.s32 s11, s0  }
0xf: {  	s12 =	ssub.s32 s8, s12;
	s8 =	sor.u32 $0x1C03, s20;
	[dreg:$0xa] =	wrdreg s26  }
0x10: {  	[dreg:$0x5] =	wrdreg s14;
	s16 =	sshrl.u32 s14, $0x3;
	s18 =	sshrl.u32 s21, $0x3  }
0x11: {  	s21 =	simm.s32 $0x3E8;
	s20 =	simm.s32 $0x9740;
	s9 =	simm.s32 $0x9F10  }
0x12: {  	s14 =	simm.s32 $0xB298;
	s26 =	simm.s32 $0xC238;
	s22 =	sadd.s32 $0x6A00, s6  }
0x13: {  	s7 =	sshrl.u32 s7, $0x3;
	s23 =	sadd.s32 $0x10640, s6;
	[dreg:$0x6] =	wrdreg s22  }
0x14: {  	s25 =	sadd.s32 $0x24400, s11;
	s31 =	smax.u32 s12, $0x1;
	[dreg:$0x7] =	wrdreg s23  }
0x15: {  	s12 =	simm.s32 $0xAAC8;
	s6 =	simm.s32 $0xB680;
	[dreg:$0x9] =	wrdreg s25  }
0x16: {  	s0 =	sadd.s32 s7, s0;
	s7 =	sadd.s32 $0x29400, s11;
	[dreg:$0xc] =	wrdreg s31  }
0x17: {  	s22 =	simm.s32 $0x11440;
	s25 =	simm.s32 $0x1;
	s24 =	sadd.s32 $0x2E400, s0  }
0x18: {  	s11 =	simm.s32 $0xA6E0;
	s0 =	sadd.s32 $0x38400, s0;
	[dreg:$0x8] =	wrdreg s24  }
0x19: {  	s23 =	simm.s32 $0xBE50;
	[dreg:$0xb] =	wrdreg s0;
	s24 =	simm.s32 $0x152C0  }
.LBB2_1:
0x1a: {  	[spmem:s16], [sflag:s8] =	dma.local [hbm:s7], $0x500  }
0x1b: {  	_ =	swait.ge [sflag:s17], $0x500  }
0x1c: {  	[sflag:s17] =	ssyncset.done $0x0  }
0x1d: {  	[sflag:s17] =	ssyncadd.s32 $0xFFFFFB00  }
0x1e: {  	[spmem:s18], [sflag:s8] =	dma.local [hbm:s7], $0x500  }
0x1f: {  	_ =	swait.ge [sflag:s17], $0x500  }
0x20: {  	[sflag:s17] =	ssyncset.done $0x0  }
0x21: {  	s0 =	simm.s32 $0x0;
	s1 =	rddreg [dreg:$0x6];
	[sflag:s17] =	ssyncadd.s32 $0xFFFFFB00  }
0x22: {  	[tilespmem:s19], [sflag:$0x3] =	stream.linear.gather [hbm4b:s1+s0], $0x4E20, $0x38;
	[tilespmem:$0x1E140] =	vst v63  }
0x23: {  	_ =	swait.ge [sflag:s17], $0x4E20  }
0x24: {  	[sflag:s17] =	ssyncset.done $0x0  }
0x25: {  	s31 =	simm.s32 $0xC620;
	s1 =	rddreg [dreg:$0x7];
	[sflag:s17] =	ssyncadd.s32 $0xFFFFB1E0  }
0x26: {  	[tilespmem:s31], [sflag:$0x3] =	stream.linear.gather [hbm4b:s1+s0], $0x4E20, $0x38;
	[tilespmem:$0x1E140] =	vst v63  }
.Ltmp0:
0x27: {  	_ =	swait.ge [sflag:s17], $0x4E20;
	(pc) =	sbr.rel @!p0 .LBB2_2-.Ltmp0, $3  }
0x28: {  	[sflag:s17] =	ssyncset.done $0x0  }
0x29: {  	[sflag:s17] =	ssyncadd.s32 $0xFFFFB1E0  }
0x2a: {  	[bflag:$0x0] =	sbarrier.arrive $0xFFFF;
	_ =	sdelay $0x1  }
0x2b: {  	[tilespmem:s22], [sflag:$0x1] =	stream.indirect.gather [hbm4b:s5+s21], $0x10, s19, s21, $0xb8;
	[tilespmem:$0x1E140] =	vst v63  }
0x2c: {  	s0 =	simm.s32 $0x7BE8  }
0x2d: {  	[tilespmem:s24], [sflag:$0x2] =	stream.indirect.gather [hbm4b:s5+s21], $0x10, s0, s21, $0xb8;
	[tilespmem:$0x1E140] =	vst v63  }
0x2e: {  	_ =	swait.ge [sflag:s25], $0x3E80  }
0x2f: {  	[sflag:s25] =	ssyncset.done $0x0  }
0x30: {  	s1 =	simm.s32 $0x7FD0;
	[sflag:s25] =	ssyncadd.s32 $0xFFFFC180  }
0x31: {  	[tilespmem:s22], [sflag:$0x1] =	stream.indirect.gather [hbm4b:s5+s21], $0x10, s1, s21, $0xb8;
	[tilespmem:$0x1E140] =	vst v63  }
0x32: {  	_ =	swait.ge [sflag:s28], $0x3E80  }
0x33: {  	[sflag:s28] =	ssyncset.done $0x0  }
0x34: {  	s31 =	simm.s32 $0x83B8;
	[sflag:s28] =	ssyncadd.s32 $0xFFFFC180  }
0x35: {  	[tilespmem:s24], [sflag:$0x2] =	stream.indirect.gather [hbm4b:s5+s21], $0x10, s31, s21, $0xb8;
	[tilespmem:$0x1E140] =	vst v63  }
0x36: {  	_ =	swait.ge [sflag:s25], $0x3E80  }
0x37: {  	[sflag:s25] =	ssyncset.done $0x0  }
0x38: {  	s1 =	simm.s32 $0x87A0;
	[sflag:s25] =	ssyncadd.s32 $0xFFFFC180  }
0x39: {  	[tilespmem:s22], [sflag:$0x1] =	stream.indirect.gather [hbm4b:s5+s21], $0x10, s1, s21, $0xb8;
	[tilespmem:$0x1E140] =	vst v63  }
0x3a: {  	_ =	swait.ge [sflag:s28], $0x3E80  }
0x3b: {  	[sflag:s28] =	ssyncset.done $0x0  }
0x3c: {  	s31 =	simm.s32 $0x8B88;
	[sflag:s28] =	ssyncadd.s32 $0xFFFFC180  }
0x3d: {  	[tilespmem:s24], [sflag:$0x2] =	stream.indirect.gather [hbm4b:s5+s21], $0x10, s31, s21, $0xb8;
	[tilespmem:$0x1E140] =	vst v63  }
0x3e: {  	_ =	swait.ge [sflag:s25], $0x3E80  }
0x3f: {  	[sflag:s25] =	ssyncset.done $0x0  }
0x40: {  	s1 =	simm.s32 $0x8F70;
	[sflag:s25] =	ssyncadd.s32 $0xFFFFC180  }
0x41: {  	[tilespmem:s22], [sflag:$0x1] =	stream.indirect.gather [hbm4b:s5+s21], $0x10, s1, s21, $0xb8;
	[tilespmem:$0x1E140] =	vst v63  }
0x42: {  	_ =	swait.ge [sflag:s28], $0x3E80  }
0x43: {  	[sflag:s28] =	ssyncset.done $0x0  }
0x44: {  	s31 =	simm.s32 $0x9358;
	[sflag:s28] =	ssyncadd.s32 $0xFFFFC180  }
0x45: {  	[tilespmem:s24], [sflag:$0x2] =	stream.indirect.gather [hbm4b:s5+s21], $0x10, s31, s21, $0xb8;
	[tilespmem:$0x1E140] =	vst v63  }
0x46: {  	_ =	swait.ge [sflag:s25], $0x3E80  }
0x47: {  	[sflag:s25] =	ssyncset.done $0x0  }
0x48: {  	[sflag:s25] =	ssyncadd.s32 $0xFFFFC180  }
0x49: {  	[tilespmem:s22], [sflag:$0x1] =	stream.indirect.gather [hbm4b:s5+s21], $0x10, s20, s21, $0xb8;
	[tilespmem:$0x1E140] =	vst v63  }
0x4a: {  	_ =	swait.ge [sflag:s28], $0x3E80  }
0x4b: {  	[sflag:s28] =	ssyncset.done $0x0  }
0x4c: {  	[sflag:s28] =	ssyncadd.s32 $0xFFFFC180  }
0x4d: {  	[tilespmem:s24], [sflag:$0x2] =	stream.indirect.gather [hbm4b:s5+s21], $0x10, s3, s21, $0xb8;
	[tilespmem:$0x1E140] =	vst v63  }
0x4e: {  	_ =	swait.ge [sflag:s25], $0x3E80  }
0x4f: {  	[sflag:s25] =	ssyncset.done $0x0  }
0x50: {  	[sflag:s25] =	ssyncadd.s32 $0xFFFFC180  }
0x51: {  	[tilespmem:s22], [sflag:$0x1] =	stream.indirect.gather [hbm4b:s5+s21], $0x10, s9, s21, $0xb8;
	[tilespmem:$0x1E140] =	vst v63  }
0x52: {  	_ =	swait.ge [sflag:s28], $0x3E80  }
0x53: {  	[sflag:s28] =	ssyncset.done $0x0  }
0x54: {  	[sflag:s28] =	ssyncadd.s32 $0xFFFFC180  }
0x55: {  	[tilespmem:s24], [sflag:$0x2] =	stream.indirect.gather [hbm4b:s5+s21], $0x10, s10, s21, $0xb8;
	[tilespmem:$0x1E140] =	vst v63  }
0x56: {  	_ =	swait.ge [sflag:s25], $0x3E80  }
0x57: {  	[sflag:s25] =	ssyncset.done $0x0  }
0x58: {  	[sflag:s25] =	ssyncadd.s32 $0xFFFFC180  }
0x59: {  	[tilespmem:s22], [sflag:$0x1] =	stream.indirect.gather [hbm4b:s5+s21], $0x10, s11, s21, $0xb8;
	[tilespmem:$0x1E140] =	vst v63  }
0x5a: {  	_ =	swait.ge [sflag:s28], $0x3E80  }
0x5b: {  	[sflag:s28] =	ssyncset.done $0x0  }
0x5c: {  	[sflag:s28] =	ssyncadd.s32 $0xFFFFC180  }
0x5d: {  	[tilespmem:s24], [sflag:$0x2] =	stream.indirect.gather [hbm4b:s5+s21], $0x10, s12, s21, $0xb8;
	[tilespmem:$0x1E140] =	vst v63  }
0x5e: {  	_ =	swait.ge [sflag:s25], $0x3E80  }
0x5f: {  	[sflag:s25] =	ssyncset.done $0x0  }
0x60: {  	[sflag:s25] =	ssyncadd.s32 $0xFFFFC180  }
0x61: {  	[tilespmem:s22], [sflag:$0x1] =	stream.indirect.gather [hbm4b:s5+s21], $0x10, s13, s21, $0xb8;
	[tilespmem:$0x1E140] =	vst v63  }
0x62: {  	_ =	swait.ge [sflag:s28], $0x3E80  }
0x63: {  	[sflag:s28] =	ssyncset.done $0x0  }
0x64: {  	[sflag:s28] =	ssyncadd.s32 $0xFFFFC180  }
0x65: {  	[tilespmem:s24], [sflag:$0x2] =	stream.indirect.gather [hbm4b:s5+s21], $0x10, s14, s21, $0xb8;
	[tilespmem:$0x1E140] =	vst v63  }
0x66: {  	_ =	swait.ge [sflag:s25], $0x3E80  }
0x67: {  	[sflag:s25] =	ssyncset.done $0x0  }
0x68: {  	[sflag:s25] =	ssyncadd.s32 $0xFFFFC180  }
0x69: {  	[tilespmem:s22], [sflag:$0x1] =	stream.indirect.gather [hbm4b:s5+s21], $0x10, s6, s21, $0xb8;
	[tilespmem:$0x1E140] =	vst v63  }
0x6a: {  	_ =	swait.ge [sflag:s28], $0x3E80  }
0x6b: {  	[sflag:s28] =	ssyncset.done $0x0  }
0x6c: {  	[sflag:s28] =	ssyncadd.s32 $0xFFFFC180  }
0x6d: {  	[tilespmem:s24], [sflag:$0x2] =	stream.indirect.gather [hbm4b:s5+s21], $0x10, s15, s21, $0xb8;
	[tilespmem:$0x1E140] =	vst v63  }
0x6e: {  	_ =	swait.ge [sflag:s25], $0x3E80  }
0x6f: {  	[sflag:s25] =	ssyncset.done $0x0  }
0x70: {  	[sflag:s25] =	ssyncadd.s32 $0xFFFFC180  }
0x71: {  	[tilespmem:s22], [sflag:$0x1] =	stream.indirect.gather [hbm4b:s5+s21], $0x10, s23, s21, $0xb8;
	[tilespmem:$0x1E140] =	vst v63  }
.Ltmp1:
0x72: {  	_ = 	snop;
	(pc) =	sbr.rel .LBB2_4-.Ltmp1, $4  }
0x73: {  	_ =	swait.ge [sflag:s28], $0x3E80  }
0x74: {  	[sflag:s28] =	ssyncset.done $0x0  }
0x75: {  	[sflag:s28] =	ssyncadd.s32 $0xFFFFC180  }
0x76: {  	[tilespmem:s24], [sflag:$0x2] =	stream.indirect.gather [hbm4b:s5+s21], $0x10, s26, s21, $0xb8;
	[tilespmem:$0x1E140] =	vst v63  }
.LBB2_2:
0x77: {  	[tilespmem:s22], [sflag:$0x1] =	stream.indirect.gather [hbm4b:s4+s21], $0x10, s19, s21, $0xb8;
	[tilespmem:$0x1E140] =	vst v63  }
0x78: {  	s0 =	simm.s32 $0x7BE8  }
0x79: {  	[tilespmem:s24], [sflag:$0x2] =	stream.indirect.gather [hbm4b:s4+s21], $0x10, s0, s21, $0xb8;
	[tilespmem:$0x1E140] =	vst v63  }
0x7a: {  	_ =	swait.ge [sflag:s25], $0x3E80  }
0x7b: {  	[sflag:s25] =	ssyncset.done $0x0  }
0x7c: {  	s1 =	simm.s32 $0x7FD0;
	[sflag:s25] =	ssyncadd.s32 $0xFFFFC180  }
0x7d: {  	[tilespmem:s22], [sflag:$0x1] =	stream.indirect.gather [hbm4b:s4+s21], $0x10, s1, s21, $0xb8;
	[tilespmem:$0x1E140] =	vst v63  }
0x7e: {  	_ =	swait.ge [sflag:s28], $0x3E80  }
0x7f: {  	[sflag:s28] =	ssyncset.done $0x0  }
0x80: {  	s31 =	simm.s32 $0x83B8;
	[sflag:s28] =	ssyncadd.s32 $0xFFFFC180  }
0x81: {  	[tilespmem:s24], [sflag:$0x2] =	stream.indirect.gather [hbm4b:s4+s21], $0x10, s31, s21, $0xb8;
	[tilespmem:$0x1E140] =	vst v63  }
0x82: {  	_ =	swait.ge [sflag:s25], $0x3E80  }
0x83: {  	[sflag:s25] =	ssyncset.done $0x0  }
0x84: {  	s1 =	simm.s32 $0x87A0;
	[sflag:s25] =	ssyncadd.s32 $0xFFFFC180  }
0x85: {  	[tilespmem:s22], [sflag:$0x1] =	stream.indirect.gather [hbm4b:s4+s21], $0x10, s1, s21, $0xb8;
	[tilespmem:$0x1E140] =	vst v63  }
0x86: {  	_ =	swait.ge [sflag:s28], $0x3E80  }
0x87: {  	[sflag:s28] =	ssyncset.done $0x0  }
0x88: {  	s31 =	simm.s32 $0x8B88;
	[sflag:s28] =	ssyncadd.s32 $0xFFFFC180  }
0x89: {  	[tilespmem:s24], [sflag:$0x2] =	stream.indirect.gather [hbm4b:s4+s21], $0x10, s31, s21, $0xb8;
	[tilespmem:$0x1E140] =	vst v63  }
0x8a: {  	_ =	swait.ge [sflag:s25], $0x3E80  }
0x8b: {  	[sflag:s25] =	ssyncset.done $0x0  }
0x8c: {  	s1 =	simm.s32 $0x8F70;
	[sflag:s25] =	ssyncadd.s32 $0xFFFFC180  }
0x8d: {  	[tilespmem:s22], [sflag:$0x1] =	stream.indirect.gather [hbm4b:s4+s21], $0x10, s1, s21, $0xb8;
	[tilespmem:$0x1E140] =	vst v63  }
0x8e: {  	_ =	swait.ge [sflag:s28], $0x3E80  }
0x8f: {  	[sflag:s28] =	ssyncset.done $0x0  }
0x90: {  	s31 =	simm.s32 $0x9358;
	[sflag:s28] =	ssyncadd.s32 $0xFFFFC180  }
0x91: {  	[tilespmem:s24], [sflag:$0x2] =	stream.indirect.gather [hbm4b:s4+s21], $0x10, s31, s21, $0xb8;
	[tilespmem:$0x1E140] =	vst v63  }
0x92: {  	_ =	swait.ge [sflag:s25], $0x3E80  }
0x93: {  	[sflag:s25] =	ssyncset.done $0x0  }
0x94: {  	[sflag:s25] =	ssyncadd.s32 $0xFFFFC180  }
0x95: {  	[tilespmem:s22], [sflag:$0x1] =	stream.indirect.gather [hbm4b:s4+s21], $0x10, s20, s21, $0xb8;
	[tilespmem:$0x1E140] =	vst v63  }
0x96: {  	_ =	swait.ge [sflag:s28], $0x3E80  }
0x97: {  	[sflag:s28] =	ssyncset.done $0x0  }
0x98: {  	[sflag:s28] =	ssyncadd.s32 $0xFFFFC180  }
0x99: {  	[tilespmem:s24], [sflag:$0x2] =	stream.indirect.gather [hbm4b:s4+s21], $0x10, s3, s21, $0xb8;
	[tilespmem:$0x1E140] =	vst v63  }
0x9a: {  	_ =	swait.ge [sflag:s25], $0x3E80  }
0x9b: {  	[sflag:s25] =	ssyncset.done $0x0  }
0x9c: {  	[sflag:s25] =	ssyncadd.s32 $0xFFFFC180  }
0x9d: {  	[tilespmem:s22], [sflag:$0x1] =	stream.indirect.gather [hbm4b:s4+s21], $0x10, s9, s21, $0xb8;
	[tilespmem:$0x1E140] =	vst v63  }
0x9e: {  	_ =	swait.ge [sflag:s28], $0x3E80  }
0x9f: {  	[sflag:s28] =	ssyncset.done $0x0  }
0xa0: {  	[sflag:s28] =	ssyncadd.s32 $0xFFFFC180  }
0xa1: {  	[tilespmem:s24], [sflag:$0x2] =	stream.indirect.gather [hbm4b:s4+s21], $0x10, s10, s21, $0xb8;
	[tilespmem:$0x1E140] =	vst v63  }
0xa2: {  	_ =	swait.ge [sflag:s25], $0x3E80  }
0xa3: {  	[sflag:s25] =	ssyncset.done $0x0  }
0xa4: {  	[sflag:s25] =	ssyncadd.s32 $0xFFFFC180  }
0xa5: {  	[tilespmem:s22], [sflag:$0x1] =	stream.indirect.gather [hbm4b:s4+s21], $0x10, s11, s21, $0xb8;
	[tilespmem:$0x1E140] =	vst v63  }
0xa6: {  	_ =	swait.ge [sflag:s28], $0x3E80  }
0xa7: {  	[sflag:s28] =	ssyncset.done $0x0  }
0xa8: {  	[sflag:s28] =	ssyncadd.s32 $0xFFFFC180  }
0xa9: {  	[tilespmem:s24], [sflag:$0x2] =	stream.indirect.gather [hbm4b:s4+s21], $0x10, s12, s21, $0xb8;
	[tilespmem:$0x1E140] =	vst v63  }
0xaa: {  	_ =	swait.ge [sflag:s25], $0x3E80  }
0xab: {  	[sflag:s25] =	ssyncset.done $0x0  }
0xac: {  	[sflag:s25] =	ssyncadd.s32 $0xFFFFC180  }
0xad: {  	[tilespmem:s22], [sflag:$0x1] =	stream.indirect.gather [hbm4b:s4+s21], $0x10, s13, s21, $0xb8;
	[tilespmem:$0x1E140] =	vst v63  }
0xae: {  	_ =	swait.ge [sflag:s28], $0x3E80  }
0xaf: {  	[sflag:s28] =	ssyncset.done $0x0  }
0xb0: {  	[sflag:s28] =	ssyncadd.s32 $0xFFFFC180  }
0xb1: {  	[tilespmem:s24], [sflag:$0x2] =	stream.indirect.gather [hbm4b:s4+s21], $0x10, s14, s21, $0xb8;
	[tilespmem:$0x1E140] =	vst v63  }
0xb2: {  	_ =	swait.ge [sflag:s25], $0x3E80  }
0xb3: {  	[sflag:s25] =	ssyncset.done $0x0  }
0xb4: {  	[sflag:s25] =	ssyncadd.s32 $0xFFFFC180  }
0xb5: {  	[tilespmem:s22], [sflag:$0x1] =	stream.indirect.gather [hbm4b:s4+s21], $0x10, s6, s21, $0xb8;
	[tilespmem:$0x1E140] =	vst v63  }
0xb6: {  	_ =	swait.ge [sflag:s28], $0x3E80  }
0xb7: {  	[sflag:s28] =	ssyncset.done $0x0  }
0xb8: {  	[sflag:s28] =	ssyncadd.s32 $0xFFFFC180  }
0xb9: {  	[tilespmem:s24], [sflag:$0x2] =	stream.indirect.gather [hbm4b:s4+s21], $0x10, s15, s21, $0xb8;
	[tilespmem:$0x1E140] =	vst v63  }
0xba: {  	_ =	swait.ge [sflag:s25], $0x3E80  }
0xbb: {  	[sflag:s25] =	ssyncset.done $0x0  }
0xbc: {  	[sflag:s25] =	ssyncadd.s32 $0xFFFFC180  }
0xbd: {  	[tilespmem:s22], [sflag:$0x1] =	stream.indirect.gather [hbm4b:s4+s21], $0x10, s23, s21, $0xb8;
	[tilespmem:$0x1E140] =	vst v63  }
0xbe: {  	_ =	swait.ge [sflag:s28], $0x3E80  }
0xbf: {  	[sflag:s28] =	ssyncset.done $0x0  }
0xc0: {  	[sflag:s28] =	ssyncadd.s32 $0xFFFFC180  }
0xc1: {  	[tilespmem:s24], [sflag:$0x2] =	stream.indirect.gather [hbm4b:s4+s21], $0x10, s26, s21, $0xb8;
	[tilespmem:$0x1E140] =	vst v63  }
.LBB2_4:
0xc2: {  	_ =	swait.ge [sflag:s25], $0x3E80  }
0xc3: {  	[sflag:s25] =	ssyncset.done $0x0  }
0xc4: {  	[sflag:s25] =	ssyncadd.s32 $0xFFFFC180  }
0xc5: {  	_ =	swait.ge [sflag:s28], $0x3E80  }
0xc6: {  	[sflag:s28] =	ssyncset.done $0x0  }
0xc7: {  	[sflag:s28] =	ssyncadd.s32 $0xFFFFC180  }
0xc8: {  	[bflag:$0x0] =	sbarrier.arrive $0xFFFF  }
0xc9: {  	s0 =	rddreg [dreg:$0x8]  }
0xca: {  	[hbm:s0], [sflag:s8] =	dma.local [spmem:s16], $0x500  }
0xcb: {  	_ =	swait.ge [sflag:s17], $0x500  }
0xcc: {  	[sflag:s17] =	ssyncset.done $0x0  }
0xcd: {  	s1 =	rddreg [dreg:$0x5];
	[sflag:s17] =	ssyncadd.s32 $0xFFFFFB00  }
0xce: {  	[tilespmem:s29], [sflag:$0x3] =	stream.linear.gather [spmem:s1], $0x2800, $0x38;
	[tilespmem:$0x1E140] =	vst v63  }
0xcf: {  	_ =	swait.ge [sflag:s17], $0x2800  }
0xd0: {  	s31 =	simm.s32 $0x1B940;
	[sflag:s17] =	ssyncset.done $0x0  }
0xd1: {  	s0 =	simm.s32 $0x0;
	s1 =	rddreg [dreg:$0x9];
	[sflag:s17] =	ssyncadd.s32 $0xFFFFD800  }
0xd2: {  	[tilespmem:s31], [sflag:$0x3] =	stream.linear.gather [hbm4b:s1+s0], $0x2800, $0x38;
	[tilespmem:$0x1E140] =	vst v63  }
0xd3: {  	_ =	swait.ge [sflag:s17], $0x2800  }
0xd4: {  	[sflag:s17] =	ssyncset.done $0x0  }
0xd5: {  	s31 =	simm.s32 $0x0;
	[sflag:s17] =	ssyncadd.s32 $0xFFFFD800  }
0xd6: {  	s0 =	simm.s32 $0x40;
	v0 =	vld [tilespmem:s31+$0x1B940]  }
.LBB2_5:
0xd7: {  	p1 =	sne.s32 s0, $0x9FC0;
	v1 =	vld [tilespmem:s31+$0x19140];
	_ =	sdelay $0x2  }
.Ltmp2:
0xd8: {  	(pc) =	sbr.rel @p1 .LBB2_5-.Ltmp2, $4  }
0xd9: {  	_ = 	snop  }
0xda: {  	v1 =	vmul.f32 v0, v1  }
0xdb: {  	s1 =	sshra.s32 s0, $0x2  }
0xdc: {  	s0 =	sadd.s32 $0x40, s0;
	v0 =	vld [tilespmem:s1+$0x1B940];
	[tilespmem:s31+$0x19140] =	vst v1;
	s31 =	smov.u32 s1  }
0xdd: {  	v1 =	vld [tilespmem:s31+$0x19140];
	_ =	sdelay $0x4  }
0xde: {  	v0 =	vmul.f32 v0, v1;
	_ =	sdelay $0x1  }
0xdf: {  	s0 =	rddreg [dreg:$0xa];
	[tilespmem:s31+$0x19140] =	vst v0  }
0xe0: {  	[spmem:s0] =	stream.linear.scatter [tilespmem:s29], [sflag:$0x3], $0x2800, $0x38;
	[tilespmem:$0x1E140] =	vst v63  }
0xe1: {  	_ =	swait.ge [sflag:s17], $0x2800  }
0xe2: {  	[sflag:s17] =	ssyncset.done $0x0  }
0xe3: {  	[sflag:s17] =	ssyncadd.s32 $0xFFFFD800  }
0xe4: {  	[bflag:$0x0] =	sbarrier.arrive $0xFFFF  }
0xe5: {  	[tilespmem:s22], [sflag:$0x1] =	stream.indirect.gather [spmem:s2], $0x10, s19, s21, $0xb8;
	[tilespmem:$0x1E140] =	vst v63  }
0xe6: {  	s31 =	simm.s32 $0x7BE8  }
0xe7: {  	[tilespmem:s24], [sflag:$0x2] =	stream.indirect.gather [spmem:s2], $0x10, s31, s21, $0xb8;
	[tilespmem:$0x1E140] =	vst v63  }
0xe8: {  	_ =	swait.ge [sflag:s25], $0x3E80  }
0xe9: {  	[sflag:s25] =	ssyncset.done $0x0  }
0xea: {  	s1 =	simm.s32 $0x7FD0;
	[sflag:s25] =	ssyncadd.s32 $0xFFFFC180  }
0xeb: {  	[tilespmem:s22], [sflag:$0x1] =	stream.indirect.gather [spmem:s2], $0x10, s1, s21, $0xb8;
	[tilespmem:$0x1E140] =	vst v63  }
0xec: {  	_ =	swait.ge [sflag:s28], $0x3E80  }
0xed: {  	[sflag:s28] =	ssyncset.done $0x0  }
0xee: {  	s31 =	simm.s32 $0x83B8;
	[sflag:s28] =	ssyncadd.s32 $0xFFFFC180  }
0xef: {  	[tilespmem:s24], [sflag:$0x2] =	stream.indirect.gather [spmem:s2], $0x10, s31, s21, $0xb8;
	[tilespmem:$0x1E140] =	vst v63  }
0xf0: {  	_ =	swait.ge [sflag:s25], $0x3E80  }
0xf1: {  	[sflag:s25] =	ssyncset.done $0x0  }
0xf2: {  	s1 =	simm.s32 $0x87A0;
	[sflag:s25] =	ssyncadd.s32 $0xFFFFC180  }
0xf3: {  	[tilespmem:s22], [sflag:$0x1] =	stream.indirect.gather [spmem:s2], $0x10, s1, s21, $0xb8;
	[tilespmem:$0x1E140] =	vst v63  }
0xf4: {  	_ =	swait.ge [sflag:s28], $0x3E80  }
0xf5: {  	[sflag:s28] =	ssyncset.done $0x0  }
0xf6: {  	s31 =	simm.s32 $0x8B88;
	[sflag:s28] =	ssyncadd.s32 $0xFFFFC180  }
0xf7: {  	[tilespmem:s24], [sflag:$0x2] =	stream.indirect.gather [spmem:s2], $0x10, s31, s21, $0xb8;
	[tilespmem:$0x1E140] =	vst v63  }
0xf8: {  	_ =	swait.ge [sflag:s25], $0x3E80  }
0xf9: {  	[sflag:s25] =	ssyncset.done $0x0  }
0xfa: {  	s1 =	simm.s32 $0x8F70;
	[sflag:s25] =	ssyncadd.s32 $0xFFFFC180  }
0xfb: {  	[tilespmem:s22], [sflag:$0x1] =	stream.indirect.gather [spmem:s2], $0x10, s1, s21, $0xb8;
	[tilespmem:$0x1E140] =	vst v63  }
0xfc: {  	_ =	swait.ge [sflag:s28], $0x3E80  }
0xfd: {  	[sflag:s28] =	ssyncset.done $0x0  }
0xfe: {  	s31 =	simm.s32 $0x9358;
	[sflag:s28] =	ssyncadd.s32 $0xFFFFC180  }
0xff: {  	[tilespmem:s24], [sflag:$0x2] =	stream.indirect.gather [spmem:s2], $0x10, s31, s21, $0xb8;
	[tilespmem:$0x1E140] =	vst v63  }
0x100: {  	_ =	swait.ge [sflag:s25], $0x3E80  }
0x101: {  	[sflag:s25] =	ssyncset.done $0x0  }
0x102: {  	[sflag:s25] =	ssyncadd.s32 $0xFFFFC180  }
0x103: {  	[tilespmem:s22], [sflag:$0x1] =	stream.indirect.gather [spmem:s2], $0x10, s20, s21, $0xb8;
	[tilespmem:$0x1E140] =	vst v63  }
0x104: {  	_ =	swait.ge [sflag:s28], $0x3E80  }
0x105: {  	[sflag:s28] =	ssyncset.done $0x0  }
0x106: {  	[sflag:s28] =	ssyncadd.s32 $0xFFFFC180  }
0x107: {  	[tilespmem:s24], [sflag:$0x2] =	stream.indirect.gather [spmem:s2], $0x10, s3, s21, $0xb8;
	[tilespmem:$0x1E140] =	vst v63  }
0x108: {  	_ =	swait.ge [sflag:s25], $0x3E80  }
0x109: {  	[sflag:s25] =	ssyncset.done $0x0  }
0x10a: {  	[sflag:s25] =	ssyncadd.s32 $0xFFFFC180  }
0x10b: {  	[tilespmem:s22], [sflag:$0x1] =	stream.indirect.gather [spmem:s2], $0x10, s9, s21, $0xb8;
	[tilespmem:$0x1E140] =	vst v63  }
0x10c: {  	_ =	swait.ge [sflag:s28], $0x3E80  }
0x10d: {  	[sflag:s28] =	ssyncset.done $0x0  }
0x10e: {  	[sflag:s28] =	ssyncadd.s32 $0xFFFFC180  }
0x10f: {  	[tilespmem:s24], [sflag:$0x2] =	stream.indirect.gather [spmem:s2], $0x10, s10, s21, $0xb8;
	[tilespmem:$0x1E140] =	vst v63  }
0x110: {  	_ =	swait.ge [sflag:s25], $0x3E80  }
0x111: {  	[sflag:s25] =	ssyncset.done $0x0  }
0x112: {  	[sflag:s25] =	ssyncadd.s32 $0xFFFFC180  }
0x113: {  	[tilespmem:s22], [sflag:$0x1] =	stream.indirect.gather [spmem:s2], $0x10, s11, s21, $0xb8;
	[tilespmem:$0x1E140] =	vst v63  }
0x114: {  	_ =	swait.ge [sflag:s28], $0x3E80  }
0x115: {  	[sflag:s28] =	ssyncset.done $0x0  }
0x116: {  	[sflag:s28] =	ssyncadd.s32 $0xFFFFC180  }
0x117: {  	[tilespmem:s24], [sflag:$0x2] =	stream.indirect.gather [spmem:s2], $0x10, s12, s21, $0xb8;
	[tilespmem:$0x1E140] =	vst v63  }
0x118: {  	_ =	swait.ge [sflag:s25], $0x3E80  }
0x119: {  	[sflag:s25] =	ssyncset.done $0x0  }
0x11a: {  	[sflag:s25] =	ssyncadd.s32 $0xFFFFC180  }
0x11b: {  	[tilespmem:s22], [sflag:$0x1] =	stream.indirect.gather [spmem:s2], $0x10, s13, s21, $0xb8;
	[tilespmem:$0x1E140] =	vst v63  }
0x11c: {  	_ =	swait.ge [sflag:s28], $0x3E80  }
0x11d: {  	[sflag:s28] =	ssyncset.done $0x0  }
0x11e: {  	[sflag:s28] =	ssyncadd.s32 $0xFFFFC180  }
0x11f: {  	[tilespmem:s24], [sflag:$0x2] =	stream.indirect.gather [spmem:s2], $0x10, s14, s21, $0xb8;
	[tilespmem:$0x1E140] =	vst v63  }
0x120: {  	_ =	swait.ge [sflag:s25], $0x3E80  }
0x121: {  	[sflag:s25] =	ssyncset.done $0x0  }
0x122: {  	[sflag:s25] =	ssyncadd.s32 $0xFFFFC180  }
0x123: {  	[tilespmem:s22], [sflag:$0x1] =	stream.indirect.gather [spmem:s2], $0x10, s6, s21, $0xb8;
	[tilespmem:$0x1E140] =	vst v63  }
0x124: {  	_ =	swait.ge [sflag:s28], $0x3E80  }
0x125: {  	[sflag:s28] =	ssyncset.done $0x0  }
0x126: {  	[sflag:s28] =	ssyncadd.s32 $0xFFFFC180  }
0x127: {  	[tilespmem:s24], [sflag:$0x2] =	stream.indirect.gather [spmem:s2], $0x10, s15, s21, $0xb8;
	[tilespmem:$0x1E140] =	vst v63  }
0x128: {  	_ =	swait.ge [sflag:s25], $0x3E80  }
0x129: {  	[sflag:s25] =	ssyncset.done $0x0  }
0x12a: {  	[sflag:s25] =	ssyncadd.s32 $0xFFFFC180  }
0x12b: {  	[tilespmem:s22], [sflag:$0x1] =	stream.indirect.gather [spmem:s2], $0x10, s23, s21, $0xb8;
	[tilespmem:$0x1E140] =	vst v63  }
0x12c: {  	_ =	swait.ge [sflag:s28], $0x3E80  }
0x12d: {  	[sflag:s28] =	ssyncset.done $0x0  }
0x12e: {  	[sflag:s28] =	ssyncadd.s32 $0xFFFFC180  }
0x12f: {  	[tilespmem:s24], [sflag:$0x2] =	stream.indirect.gather [spmem:s2], $0x10, s26, s21, $0xb8;
	[tilespmem:$0x1E140] =	vst v63  }
0x130: {  	_ =	swait.ge [sflag:s25], $0x3E80  }
0x131: {  	[sflag:s25] =	ssyncset.done $0x0  }
0x132: {  	[sflag:s25] =	ssyncadd.s32 $0xFFFFC180  }
0x133: {  	_ =	swait.ge [sflag:s28], $0x3E80  }
0x134: {  	[sflag:s28] =	ssyncset.done $0x0  }
0x135: {  	[sflag:s28] =	ssyncadd.s32 $0xFFFFC180  }
0x136: {  	[bflag:$0x0] =	sbarrier.arrive $0xFFFF  }
0x137: {  	s1 =	rddreg [dreg:$0xb]  }
0x138: {  	[hbm:s1], [sflag:s8] =	dma.local [spmem:s18], $0x500  }
0x139: {  	_ =	swait.ge [sflag:s17], $0x500  }
0x13a: {  	s30 =	sadd.s32 $0x1, s30;
	s31 =	rddreg [dreg:$0xc]  }
0x13b: {  	p1 =	sne.s32 s30, s31  }
.Ltmp3:
0x13c: {  	_ = 	snop;
	(pc) =	sbr.rel @p1 .LBB2_1-.Ltmp3, $3  }
0x13d: {  	_ =	sdelay $0x1  }
0x13e: {  	[sflag:s17] =	ssyncset.done $0x0  }
0x13f: {  	[sflag:s17] =	ssyncadd.s32 $0xFFFFFB00  }
0x140: {  	_ =	sfence.sel $0x180000  }
0x141: {  	[bflag:$0x0] =	sbarrier.arrive $0xFFFF  }
0x142: {  	_ =	strace $0x90000050  }
0x143: {  	s0 =	stileid.u32;
	[bflag:$0x2] =	sbarrier.arrive $0xFFFF  }
0x144: {  	p0 =	sne.s32 s0, $0x0;
	s0 =	rddreg [dreg:$0x4]  }
0x145: {  	s0 =	sadd.s32 @!p0 $0x100000, s0  }
0x146: {  	[sflag:s0] =	ssyncadd.tile.s32 @!p0 $0x1;
	_ =	shalt  }
.Lfunc_end2:
_tile_overlayer_lowered:
.L_overlay_start_2:
0x147: {  	(tag) =	ssettag $0x2  }
0x148: {  	s0 =	rddreg [dreg:$0x0];
	s2 =	stileid.u32  }
0x149: {  	s1 =	rddreg [dreg:$0x1];
	p0 =	sne.s32 s2, $0x0  }
0x14a: {  	s3 =	rddreg [dreg:$0x2];
	[bflag:$0x3] =	sbarrier.arrive $0xFFFF;
	s2 =	simm.s32 @!p0 $0x1C03  }
0x14b: {  	[timem:s3], [sflag:s2] =	dma.local @!p0 [hbm:s0], s1  }
0x14c: {  	s0 =	simm.s32 @!p0 $0x3  }
0x14d: {  	_ =	swait.ge @!p0 [sflag:s0], s1  }
0x14e: {  	s1 =	ssub.s32 @!p0 $0x0, s1;
	[sflag:s0] =	ssyncset.done @!p0 $0x0  }
0x14f: {  	[sflag:s0] =	ssyncadd.s32 @!p0 s1  }
0x150: {  	[bflag:$0x3] =	sbarrier.arrive $0xFFFF  }
0x151: {  	_ =	shalt  }

</sc_bundles>
